<compile_context>
chip_gen: v7x
topology: tpu7x:2x2x1
jax: 0.10.2.dev20260603
libtpu: 0.0.44.dev20260713+nightly
codegen_flags: <defaults>
</compile_context>

<pallas_src>
import functools

import jax
import jax.numpy as jnp
from jax import lax
from jax.experimental import pallas as pl
from jax.experimental.pallas import tpu as pltpu
from jax.experimental.pallas import tpu_sc as plsc



def _node_body(x_ref, wnt_ref, bn_ref, a_ref, ne_ref, tn_ref):
    h = jnp.dot(x_ref[...], wnt_ref[...], preferred_element_type=jnp.float32)
    h = jnp.maximum(h + bn_ref[...], 0.0)
    ne_ref[...] = h
    tn_ref[...] = jnp.dot(h, a_ref[...], preferred_element_type=jnp.float32)


def _edge_body(e_ref, wet_ref, be_ref, bmat_ref, bc_ref, te_ref):
    h = jnp.dot(e_ref[...], wet_ref[...], preferred_element_type=jnp.float32)
    h = jnp.maximum(h + be_ref[...], 0.0)
    t = jnp.dot(h, bmat_ref[...], preferred_element_type=jnp.float32) + bc_ref[...]
    te_ref[...] = t.reshape(te_ref.shape)


def _final_body(ne_ref, p0_ref, p1_ref, w_ref, b_ref, z_ref):
    h = ne_ref[...] + p0_ref[...] + p1_ref[...]
    z = jnp.sum(h * w_ref[...], axis=1, keepdims=True) + b_ref[...]
    z_ref[...] = jax.nn.sigmoid(z)



_NC = 2
_NS = 16
_NW = _NC * _NS
_CB = 128
_GRP = 8


def _chunk_split(total_chunks):
    base_c = total_chunks // _NW
    extra = total_chunks - base_c * _NW
    max_c = base_c + (1 if extra else 0)
    groups = base_c // _GRP
    tail = base_c - groups * _GRP
    return base_c, extra, max_c, groups, tail


def _make_mesh():
    return plsc.VectorSubcoreMesh(core_axis_name="c", subcore_axis_name="s",
                                  num_cores=_NC, num_subcores=_NS)


def _make_tn_scatter_kernel(n_pad, total_chunks):
    base_c, extra, max_c, groups, tail = _chunk_split(total_chunks)
    rows_per_s = n_pad // _NS

    @functools.partial(
        pl.kernel,
        out_type=jax.ShapeDtypeStruct((_NC, n_pad, 32), jnp.float32),
        mesh=_make_mesh(),
        scratch_types=[
            pltpu.VMEM((max_c, _CB), jnp.int32),
            pltpu.VMEM((max_c, _CB), jnp.int32),
            pltpu.VMEM((_GRP, _CB, 32), jnp.float32),
            pltpu.VMEM_SHARED((n_pad, 32), jnp.float32),
            pltpu.SemaphoreType.DMA,
            pltpu.SemaphoreType.DMA,
        ],
        compiler_params=pltpu.CompilerParams(use_tc_tiling_on_sc=False,
                                             disable_bounds_checks=True),
    )
    def scatter_k(src_hbm, dst_hbm, tn_hbm, zeros_hbm, out_hbm,
                  sidx, didx, rowsv, acc, gsem, ssem):
        c = lax.axis_index("c")
        s = lax.axis_index("s")
        wid = s * _NC + c
        start = wid * base_c + jnp.minimum(wid, extra)
        pltpu.sync_copy(zeros_hbm.at[pl.ds(s * rows_per_s, rows_per_s)],
                        acc.at[pl.ds(s * rows_per_s, rows_per_s)])

        @pl.when(wid < extra)
        def _stage_big():
            pltpu.sync_copy(src_hbm.at[pl.ds(start, max_c)], sidx)
            pltpu.sync_copy(dst_hbm.at[pl.ds(start, max_c)], didx)

        @pl.when(wid >= extra)
        def _stage_small():
            pltpu.sync_copy(src_hbm.at[pl.ds(start, base_c)],
                            sidx.at[pl.ds(0, base_c)])
            pltpu.sync_copy(dst_hbm.at[pl.ds(start, base_c)],
                            didx.at[pl.ds(0, base_c)])

        plsc.subcore_barrier()

        def run_group(j0, cnt):
            loads = [pltpu.async_copy(tn_hbm.at[sidx.at[j0 + r]],
                                      rowsv.at[r], gsem)
                     for r in range(cnt)]
            stores = []
            for r in range(cnt):
                loads[r].wait()
                stores.append(pltpu.async_copy(
                    rowsv.at[r], acc.at[didx.at[j0 + r]], ssem, add=True))
            for d in stores:
                d.wait()

        def body(g, carry):
            run_group(g * _GRP, _GRP)
            return carry

        lax.fori_loop(0, groups, body, 0)
        if tail:
            run_group(groups * _GRP, tail)
        if extra:
            @pl.when(wid < extra)
            def _extra_chunk():
                run_group(base_c, 1)

        plsc.subcore_barrier()
        pltpu.sync_copy(acc.at[pl.ds(s * rows_per_s, rows_per_s)],
                        out_hbm.at[c, pl.ds(s * rows_per_s, rows_per_s)])

    return scatter_k


def _make_te_scatter_kernel(n_pad, total_chunks):
    base_c, extra, max_c, groups, tail = _chunk_split(total_chunks)
    rows_per_s = n_pad // _NS

    @functools.partial(
        pl.kernel,
        out_type=jax.ShapeDtypeStruct((_NC, n_pad, 32), jnp.float32),
        mesh=_make_mesh(),
        scratch_types=[
            pltpu.VMEM((max_c, _CB), jnp.int32),
            pltpu.VMEM((_GRP, _CB, 32), jnp.float32),
            pltpu.VMEM_SHARED((n_pad, 32), jnp.float32),
            pltpu.SemaphoreType.DMA,
            pltpu.SemaphoreType.DMA,
        ],
        compiler_params=pltpu.CompilerParams(use_tc_tiling_on_sc=False,
                                             disable_bounds_checks=True),
    )
    def scatter_k(dst_hbm, te_hbm, init_hbm, out_hbm,
                  didx, rowsv, acc, gsem, ssem):
        c = lax.axis_index("c")
        s = lax.axis_index("s")
        wid = s * _NC + c
        start = wid * base_c + jnp.minimum(wid, extra)
        pltpu.sync_copy(init_hbm.at[c, pl.ds(s * rows_per_s, rows_per_s)],
                        acc.at[pl.ds(s * rows_per_s, rows_per_s)])

        @pl.when(wid < extra)
        def _stage_big():
            pltpu.sync_copy(dst_hbm.at[pl.ds(start, max_c)], didx)

        @pl.when(wid >= extra)
        def _stage_small():
            pltpu.sync_copy(dst_hbm.at[pl.ds(start, base_c)],
                            didx.at[pl.ds(0, base_c)])

        plsc.subcore_barrier()

        def run_group(j0, cnt):
            loads = [pltpu.async_copy(
                te_hbm.at[pl.ds((start + j0 + r) * _CB, _CB)],
                rowsv.at[r], gsem) for r in range(cnt)]
            stores = []
            for r in range(cnt):
                loads[r].wait()
                stores.append(pltpu.async_copy(
                    rowsv.at[r], acc.at[didx.at[j0 + r]], ssem, add=True))
            for d in stores:
                d.wait()

        def body(g, carry):
            run_group(g * _GRP, _GRP)
            return carry

        lax.fori_loop(0, groups, body, 0)
        if tail:
            run_group(groups * _GRP, tail)
        if extra:
            @pl.when(wid < extra)
            def _extra_chunk():
                run_group(base_c, 1)

        plsc.subcore_barrier()
        pltpu.sync_copy(acc.at[pl.ds(s * rows_per_s, rows_per_s)],
                        out_hbm.at[c, pl.ds(s * rows_per_s, rows_per_s)])

    return scatter_k


def _make_gather_kernel(n_nodes, p_pad):
    per_w = p_pad // _NW
    groups = per_w // 16
    mesh = plsc.VectorSubcoreMesh(core_axis_name="c", subcore_axis_name="s",
                                  num_cores=_NC, num_subcores=_NS)

    @functools.partial(
        pl.kernel,
        out_type=jax.ShapeDtypeStruct((p_pad,), jnp.float32),
        mesh=mesh,
        scratch_types=[
            pltpu.VMEM((n_nodes,), jnp.float32),
            pltpu.VMEM((per_w,), jnp.int32),
            pltpu.VMEM((per_w,), jnp.float32),
        ],
        compiler_params=pltpu.CompilerParams(needs_layout_passes=False,
                                             disable_bounds_checks=True),
    )
    def gather_k(z_hbm, pm_hbm, out_hbm, zv, idxv, outv):
        c = lax.axis_index("c")
        s = lax.axis_index("s")
        wid = s * _NC + c
        pltpu.sync_copy(z_hbm, zv)
        pltpu.sync_copy(pm_hbm.at[pl.ds(wid * per_w, per_w)], idxv)
        for g in range(groups):
            idx = idxv[pl.ds(g * 16, 16)]
            outv[pl.ds(g * 16, 16)] = plsc.load_gather(zv, [idx])
        pltpu.sync_copy(outv, out_hbm.at[pl.ds(wid * per_w, per_w)])

    return gather_k



def kernel(node_features, edge_index, edge_attr, post_mask,
           W_node, b_node, W_edge, b_edge, W_conv, b_conv, W_out, b_out):
    n, d_node = node_features.shape
    e = edge_attr.shape[0]
    d_edge = edge_attr.shape[1]
    h = W_node.shape[0]
    p = post_mask.shape[0]

    total_chunks = e // _CB
    n_pad = -(-(n + 1) // (8 * _NS)) * (8 * _NS)
    p_pad = -(-p // (16 * _NW)) * (16 * _NW)

    wnt = W_node.T
    wet = W_edge.T
    a_mat = W_conv[:, :h].T
    b_mat = W_conv[:, h:].T
    bn2 = b_node.reshape(1, h)
    w2 = W_out.reshape(1, h)
    bo2 = b_out.reshape(1, 1)

    src = edge_index[0]
    dst = edge_index[1]
    ep8 = edge_attr.reshape(e // 8, 8 * d_edge)
    bd1 = jnp.kron(jnp.eye(8, dtype=jnp.float32), wet)
    bd2 = jnp.kron(jnp.eye(8, dtype=jnp.float32), b_mat)
    be8 = jnp.tile(b_edge, 8).reshape(1, 8 * h)
    bc8 = jnp.tile(b_conv, 8).reshape(1, 8 * h)
    pm = jnp.pad(post_mask, (0, p_pad - p))
    zeros_acc = jnp.zeros((n_pad, 32), jnp.float32)

    nb = 2048
    ng = -(-n // nb)
    node_emb, tn = pl.pallas_call(
        _node_body,
        grid=(ng,),
        in_specs=[
            pl.BlockSpec((nb, d_node), lambda i: (i, 0)),
            pl.BlockSpec((d_node, h), lambda i: (0, 0)),
            pl.BlockSpec((1, h), lambda i: (0, 0)),
            pl.BlockSpec((h, h), lambda i: (0, 0)),
        ],
        out_specs=[pl.BlockSpec((nb, h), lambda i: (i, 0)),
                   pl.BlockSpec((nb, h), lambda i: (i, 0))],
        out_shape=[jax.ShapeDtypeStruct((n, h), jnp.float32),
                   jax.ShapeDtypeStruct((n, h), jnp.float32)],
    )(node_features, wnt, bn2, a_mat)

    src2 = src.reshape(total_chunks, _CB)
    dst2 = dst.reshape(total_chunks, _CB)
    partials_n = _make_tn_scatter_kernel(n_pad, total_chunks)(
        src2, dst2, tn, zeros_acc)

    eb = 8000
    eg = (e // 8) // eb
    te = pl.pallas_call(
        _edge_body,
        grid=(eg,),
        in_specs=[
            pl.BlockSpec((eb, 8 * d_edge), lambda i: (i, 0)),
            pl.BlockSpec((8 * d_edge, 8 * h), lambda i: (0, 0)),
            pl.BlockSpec((1, 8 * h), lambda i: (0, 0)),
            pl.BlockSpec((8 * h, 8 * h), lambda i: (0, 0)),
            pl.BlockSpec((1, 8 * h), lambda i: (0, 0)),
        ],
        out_specs=pl.BlockSpec((2 * eb, 4 * h), lambda i: (i, 0)),
        out_shape=jax.ShapeDtypeStruct((e // 4, 4 * h), jnp.float32),
    )(ep8, bd1, be8, bd2, bc8)

    partials = _make_te_scatter_kernel(n_pad, total_chunks)(
        dst2, te.reshape(e, h), partials_n)

    fb = 1024
    fg = -(-n_pad // fb)
    z = pl.pallas_call(
        _final_body,
        grid=(fg,),
        in_specs=[
            pl.BlockSpec((fb, h), lambda i: (i, 0)),
            pl.BlockSpec((fb, h), lambda i: (i, 0)),
            pl.BlockSpec((fb, h), lambda i: (i, 0)),
            pl.BlockSpec((1, h), lambda i: (0, 0)),
            pl.BlockSpec((1, 1), lambda i: (0, 0)),
        ],
        out_specs=pl.BlockSpec((fb, 1), lambda i: (i, 0)),
        out_shape=jax.ShapeDtypeStruct((n, 1), jnp.float32),
    )(node_emb, partials[0], partials[1], w2, bo2)

    out = _make_gather_kernel(n, p_pad)(z.reshape(n), pm)
    return out[:p]

# --- scband reference (transcript-rebuilt; emitter-appended) ---
"""Pipeline reference for scband-simplified-tgn-17540646437558 (READ-ONLY COPY).

The authoritative reference and input builder live on the scoring server;
editing this copy changes nothing except your own understanding.
"""

import jax, jax.numpy as jnp
import numpy as np

N = 10000
E = 320000
D_NODE = 128
D_EDGE = 16
H = 32
OUT = 1
P = 5000


def setup_inputs(seed: int = 0) -> dict:
    key = jax.random.key(seed)
    ks = jax.random.split(key, 12)
    node_features = jax.random.normal(ks[0], (N, D_NODE), dtype=jnp.float32)
    edge_index = jax.random.randint(ks[1], (2, E), 0, N, dtype=jnp.int32)
    edge_attr = jax.random.normal(ks[2], (E, D_EDGE), dtype=jnp.float32)
    post_mask = jax.random.randint(ks[3], (P,), 0, N, dtype=jnp.int32)
    s = 0.05
    W_node = jax.random.normal(ks[4], (H, D_NODE), dtype=jnp.float32) * s
    b_node = jnp.zeros((H,), dtype=jnp.float32)
    W_edge = jax.random.normal(ks[5], (H, D_EDGE), dtype=jnp.float32) * s
    b_edge = jnp.zeros((H,), dtype=jnp.float32)
    W_conv = jax.random.normal(ks[6], (H, 2 * H), dtype=jnp.float32) * s
    b_conv = jnp.zeros((H,), dtype=jnp.float32)
    W_out = jax.random.normal(ks[7], (OUT, H), dtype=jnp.float32) * s
    b_out = jnp.zeros((OUT,), dtype=jnp.float32)
    return {
        "node_features": node_features,
        "edge_index": edge_index,
        "edge_attr": edge_attr,
        "post_mask": post_mask,
        "W_node": W_node, "b_node": b_node,
        "W_edge": W_edge, "b_edge": b_edge,
        "W_conv": W_conv, "b_conv": b_conv,
        "W_out": W_out, "b_out": b_out,
    }


def reference(node_features, edge_index, edge_attr, post_mask,
              W_node, b_node, W_edge, b_edge, W_conv, b_conv, W_out, b_out):
    # node/edge encoders + relu
    node_emb = jax.nn.relu(node_features @ W_node.T + b_node)
    edge_emb = jax.nn.relu(edge_attr @ W_edge.T + b_edge)
    src = edge_index[0]
    dst = edge_index[1]
    # vectorized form of the per-edge loop: for each edge, conv(cat([h[src], e])),
    # scatter-added into messages[dst] (bias b_conv added once per incoming edge,
    # matching the original loop semantics)
    msg_in = jnp.concatenate([jnp.take(node_emb, src, axis=0), edge_emb], axis=1)
    msg = msg_in @ W_conv.T + b_conv
    messages = jnp.zeros_like(node_emb).at[dst].add(msg)
    node_emb = node_emb + messages
    post = jnp.take(node_emb, post_mask, axis=0)
    logits = (post @ W_out.T + b_out).squeeze(-1)
    return jax.nn.sigmoid(logits)

if __name__ == "__main__":
    import jax
    _d = setup_inputs()
    print(jax.jit(kernel)(*tuple(_d.values())))

</pallas_src>

<mosaic_0001>
#map = affine_map<(d0, d1) -> (0)>
module attributes {stable_mosaic.version = 14 : i64} {
  func.func @gather_k(%arg0: i32, %arg1: i32, %arg2: memref<10000xf32, #tpu.memory_space<hbm>>, %arg3: memref<5120xi32, #tpu.memory_space<hbm>>, %arg4: memref<5120xf32, #tpu.memory_space<hbm>>, %arg5: memref<10000xf32, #tpu.memory_space<vmem>>, %arg6: memref<160xi32, #tpu.memory_space<vmem>>, %arg7: memref<160xf32, #tpu.memory_space<vmem>>) attributes {dimension_semantics = [#tpu.dimension_semantics<core_parallel>, #tpu.dimension_semantics<subcore_parallel>], iteration_bounds = array<i64: 2, 16>, scalar_prefetch = 0 : i64, scratch_operands = 3 : i64, tpu.core_type = #tpu.core_type<sc_vector_subcore>, window_params = [{transform_indices = #map}, {transform_indices = #map}, {transform_indices = #map}]} {
    %mul3A = arith.constant 2 : i32
    %mul3A_0 = arith.muli %arg1, %mul3A : i32
    %add3A = arith.addi %mul3A_0, %arg0 : i32
    "tpu.region"() ({
      %run_scoped3A = tpu.sem_alloc : memref<!tpu.dma_semaphore, #tpu.memory_space<semaphore_mem>>
      tpu.enqueue_dma source(%arg2 : memref<10000xf32, #tpu.memory_space<hbm>>) target(%arg5 : memref<10000xf32, #tpu.memory_space<vmem>>) target_semaphore(%run_scoped3A : memref<!tpu.dma_semaphore, #tpu.memory_space<semaphore_mem>>)
      tpu.wait_dma2 semaphore(%run_scoped3A : memref<!tpu.dma_semaphore, #tpu.memory_space<semaphore_mem>>) src(%arg2 : memref<10000xf32, #tpu.memory_space<hbm>>) dst(%arg5 : memref<10000xf32, #tpu.memory_space<vmem>>)
      tpu.yield
    }) : () -> ()
    %mul3A_1 = arith.constant 160 : i32
    %mul3A_2 = arith.muli %add3A, %mul3A_1 : i32
    "tpu.region"() ({
      %run_scoped3A = tpu.sem_alloc : memref<!tpu.dma_semaphore, #tpu.memory_space<semaphore_mem>>
      %dma_start3A = tpu.memref_slice %arg3[%mul3A_2] : memref<5120xi32, #tpu.memory_space<hbm>> -> memref<160xi32, #tpu.memory_space<hbm>>
      %dma_start3A_52 = tpu.memref_slice %arg3[%mul3A_2] : memref<5120xi32, #tpu.memory_space<hbm>> -> memref<160xi32, #tpu.memory_space<hbm>>
      tpu.enqueue_dma source(%dma_start3A_52 : memref<160xi32, #tpu.memory_space<hbm>>) target(%arg6 : memref<160xi32, #tpu.memory_space<vmem>>) target_semaphore(%run_scoped3A : memref<!tpu.dma_semaphore, #tpu.memory_space<semaphore_mem>>)
      %dma_wait3A = tpu.memref_slice %arg3[%mul3A_2] : memref<5120xi32, #tpu.memory_space<hbm>> -> memref<160xi32, #tpu.memory_space<hbm>>
      %dma_wait3A_53 = tpu.memref_slice %arg3[%mul3A_2] : memref<5120xi32, #tpu.memory_space<hbm>> -> memref<160xi32, #tpu.memory_space<hbm>>
      tpu.wait_dma2 semaphore(%run_scoped3A : memref<!tpu.dma_semaphore, #tpu.memory_space<semaphore_mem>>) src(%dma_wait3A_53 : memref<160xi32, #tpu.memory_space<hbm>>) dst(%arg6 : memref<160xi32, #tpu.memory_space<vmem>>)
      tpu.yield
    }) : () -> ()
    %get3A = arith.constant 0 : index
    %get3A_3 = tpu.vector_load %arg6[%get3A] {strides = array<i32>} : memref<160xi32, #tpu.memory_space<vmem>>, vector<16xi32>,
    %gather3A = tpu.vector_load_idx %arg5[%get3A_3] : memref<10000xf32, #tpu.memory_space<vmem>>[vector<16xi32>], vector<16xf32>,
    %swap3A = arith.constant 0 : index
    %swap3A_4 = tpu.vector_load %arg7[%swap3A] {strides = array<i32>} : memref<160xf32, #tpu.memory_space<vmem>>, vector<16xf32>,
    tpu.vector_store %arg7[%swap3A], %gather3A {strides = array<i32>} : memref<160xf32, #tpu.memory_space<vmem>>, vector<16xf32>,
    %get3A_5 = arith.constant 16 : index
    %get3A_6 = tpu.vector_load %arg6[%get3A_5] {strides = array<i32>} : memref<160xi32, #tpu.memory_space<vmem>>, vector<16xi32>,
    %gather3A_7 = tpu.vector_load_idx %arg5[%get3A_6] : memref<10000xf32, #tpu.memory_space<vmem>>[vector<16xi32>], vector<16xf32>,
    %swap3A_8 = arith.constant 16 : index
    %swap3A_9 = tpu.vector_load %arg7[%swap3A_8] {strides = array<i32>} : memref<160xf32, #tpu.memory_space<vmem>>, vector<16xf32>,
    tpu.vector_store %arg7[%swap3A_8], %gather3A_7 {strides = array<i32>} : memref<160xf32, #tpu.memory_space<vmem>>, vector<16xf32>,
    %get3A_10 = arith.constant 32 : index
    %get3A_11 = tpu.vector_load %arg6[%get3A_10] {strides = array<i32>} : memref<160xi32, #tpu.memory_space<vmem>>, vector<16xi32>,
    %gather3A_12 = tpu.vector_load_idx %arg5[%get3A_11] : memref<10000xf32, #tpu.memory_space<vmem>>[vector<16xi32>], vector<16xf32>,
    %swap3A_13 = arith.constant 32 : index
    %swap3A_14 = tpu.vector_load %arg7[%swap3A_13] {strides = array<i32>} : memref<160xf32, #tpu.memory_space<vmem>>, vector<16xf32>,
    tpu.vector_store %arg7[%swap3A_13], %gather3A_12 {strides = array<i32>} : memref<160xf32, #tpu.memory_space<vmem>>, vector<16xf32>,
    %get3A_15 = arith.constant 48 : index
    %get3A_16 = tpu.vector_load %arg6[%get3A_15] {strides = array<i32>} : memref<160xi32, #tpu.memory_space<vmem>>, vector<16xi32>,
    %gather3A_17 = tpu.vector_load_idx %arg5[%get3A_16] : memref<10000xf32, #tpu.memory_space<vmem>>[vector<16xi32>], vector<16xf32>,
    %swap3A_18 = arith.constant 48 : index
    %swap3A_19 = tpu.vector_load %arg7[%swap3A_18] {strides = array<i32>} : memref<160xf32, #tpu.memory_space<vmem>>, vector<16xf32>,
    tpu.vector_store %arg7[%swap3A_18], %gather3A_17 {strides = array<i32>} : memref<160xf32, #tpu.memory_space<vmem>>, vector<16xf32>,
    %get3A_20 = arith.constant 64 : index
    %get3A_21 = tpu.vector_load %arg6[%get3A_20] {strides = array<i32>} : memref<160xi32, #tpu.memory_space<vmem>>, vector<16xi32>,
    %gather3A_22 = tpu.vector_load_idx %arg5[%get3A_21] : memref<10000xf32, #tpu.memory_space<vmem>>[vector<16xi32>], vector<16xf32>,
    %swap3A_23 = arith.constant 64 : index
    %swap3A_24 = tpu.vector_load %arg7[%swap3A_23] {strides = array<i32>} : memref<160xf32, #tpu.memory_space<vmem>>, vector<16xf32>,
    tpu.vector_store %arg7[%swap3A_23], %gather3A_22 {strides = array<i32>} : memref<160xf32, #tpu.memory_space<vmem>>, vector<16xf32>,
    %get3A_25 = arith.constant 80 : index
    %get3A_26 = tpu.vector_load %arg6[%get3A_25] {strides = array<i32>} : memref<160xi32, #tpu.memory_space<vmem>>, vector<16xi32>,
    %gather3A_27 = tpu.vector_load_idx %arg5[%get3A_26] : memref<10000xf32, #tpu.memory_space<vmem>>[vector<16xi32>], vector<16xf32>,
    %swap3A_28 = arith.constant 80 : index
    %swap3A_29 = tpu.vector_load %arg7[%swap3A_28] {strides = array<i32>} : memref<160xf32, #tpu.memory_space<vmem>>, vector<16xf32>,
    tpu.vector_store %arg7[%swap3A_28], %gather3A_27 {strides = array<i32>} : memref<160xf32, #tpu.memory_space<vmem>>, vector<16xf32>,
    %get3A_30 = arith.constant 96 : index
    %get3A_31 = tpu.vector_load %arg6[%get3A_30] {strides = array<i32>} : memref<160xi32, #tpu.memory_space<vmem>>, vector<16xi32>,
    %gather3A_32 = tpu.vector_load_idx %arg5[%get3A_31] : memref<10000xf32, #tpu.memory_space<vmem>>[vector<16xi32>], vector<16xf32>,
    %swap3A_33 = arith.constant 96 : index
    %swap3A_34 = tpu.vector_load %arg7[%swap3A_33] {strides = array<i32>} : memref<160xf32, #tpu.memory_space<vmem>>, vector<16xf32>,
    tpu.vector_store %arg7[%swap3A_33], %gather3A_32 {strides = array<i32>} : memref<160xf32, #tpu.memory_space<vmem>>, vector<16xf32>,
    %get3A_35 = arith.constant 112 : index
    %get3A_36 = tpu.vector_load %arg6[%get3A_35] {strides = array<i32>} : memref<160xi32, #tpu.memory_space<vmem>>, vector<16xi32>,
    %gather3A_37 = tpu.vector_load_idx %arg5[%get3A_36] : memref<10000xf32, #tpu.memory_space<vmem>>[vector<16xi32>], vector<16xf32>,
    %swap3A_38 = arith.constant 112 : index
    %swap3A_39 = tpu.vector_load %arg7[%swap3A_38] {strides = array<i32>} : memref<160xf32, #tpu.memory_space<vmem>>, vector<16xf32>,
    tpu.vector_store %arg7[%swap3A_38], %gather3A_37 {strides = array<i32>} : memref<160xf32, #tpu.memory_space<vmem>>, vector<16xf32>,
    %get3A_40 = arith.constant 128 : index
    %get3A_41 = tpu.vector_load %arg6[%get3A_40] {strides = array<i32>} : memref<160xi32, #tpu.memory_space<vmem>>, vector<16xi32>,
    %gather3A_42 = tpu.vector_load_idx %arg5[%get3A_41] : memref<10000xf32, #tpu.memory_space<vmem>>[vector<16xi32>], vector<16xf32>,
    %swap3A_43 = arith.constant 128 : index
    %swap3A_44 = tpu.vector_load %arg7[%swap3A_43] {strides = array<i32>} : memref<160xf32, #tpu.memory_space<vmem>>, vector<16xf32>,
    tpu.vector_store %arg7[%swap3A_43], %gather3A_42 {strides = array<i32>} : memref<160xf32, #tpu.memory_space<vmem>>, vector<16xf32>,
    %get3A_45 = arith.constant 144 : index
    %get3A_46 = tpu.vector_load %arg6[%get3A_45] {strides = array<i32>} : memref<160xi32, #tpu.memory_space<vmem>>, vector<16xi32>,
    %gather3A_47 = tpu.vector_load_idx %arg5[%get3A_46] : memref<10000xf32, #tpu.memory_space<vmem>>[vector<16xi32>], vector<16xf32>,
    %swap3A_48 = arith.constant 144 : index
    %swap3A_49 = tpu.vector_load %arg7[%swap3A_48] {strides = array<i32>} : memref<160xf32, #tpu.memory_space<vmem>>, vector<16xf32>,
    tpu.vector_store %arg7[%swap3A_48], %gather3A_47 {strides = array<i32>} : memref<160xf32, #tpu.memory_space<vmem>>, vector<16xf32>,
    %mul3A_50 = arith.constant 160 : i32
    %mul3A_51 = arith.muli %add3A, %mul3A_50 : i32
    "tpu.region"() ({
      %run_scoped3A = tpu.sem_alloc : memref<!tpu.dma_semaphore, #tpu.memory_space<semaphore_mem>>
      %dma_start3A = tpu.memref_slice %arg4[%mul3A_51] : memref<5120xf32, #tpu.memory_space<hbm>> -> memref<160xf32, #tpu.memory_space<hbm>>
      %dma_start3A_52 = tpu.memref_slice %arg4[%mul3A_51] : memref<5120xf32, #tpu.memory_space<hbm>> -> memref<160xf32, #tpu.memory_space<hbm>>
      tpu.enqueue_dma source(%arg7 : memref<160xf32, #tpu.memory_space<vmem>>) target(%dma_start3A_52 : memref<160xf32, #tpu.memory_space<hbm>>) target_semaphore(%run_scoped3A : memref<!tpu.dma_semaphore, #tpu.memory_space<semaphore_mem>>)
      %dma_wait3A = tpu.memref_slice %arg4[%mul3A_51] : memref<5120xf32, #tpu.memory_space<hbm>> -> memref<160xf32, #tpu.memory_space<hbm>>
      %dma_wait3A_53 = tpu.memref_slice %arg4[%mul3A_51] : memref<5120xf32, #tpu.memory_space<hbm>> -> memref<160xf32, #tpu.memory_space<hbm>>
      tpu.wait_dma2 semaphore(%run_scoped3A : memref<!tpu.dma_semaphore, #tpu.memory_space<semaphore_mem>>) src(%arg7 : memref<160xf32, #tpu.memory_space<vmem>>) dst(%dma_wait3A_53 : memref<160xf32, #tpu.memory_space<hbm>>)
      tpu.yield
    }) : () -> ()
    return
  }
}

#map = affine_map<(d0, d1) -> (0, 0)>
#map1 = affine_map<(d0, d1) -> (0, 0, 0)>
module attributes {stable_mosaic.version = 14 : i64} {
  func.func @scatter_k(%arg0: i32, %arg1: i32, %arg2: memref<2500x128xi32, #tpu.memory_space<hbm>>, %arg3: memref<2500x128xi32, #tpu.memory_space<hbm>>, %arg4: memref<10000x32xf32, #tpu.memory_space<hbm>>, %arg5: memref<10112x32xf32, #tpu.memory_space<hbm>>, %arg6: memref<2x10112x32xf32, #tpu.memory_space<hbm>>, %arg7: memref<79x128xi32, #tpu.memory_space<vmem>>, %arg8: memref<79x128xi32, #tpu.memory_space<vmem>>, %arg9: memref<8x128x32xf32, #tpu.memory_space<vmem>>, %arg10: memref<10112x32xf32, #tpu.memory_space<vmem_shared>>, %arg11: memref<!tpu.dma_semaphore, #tpu.memory_space<semaphore_mem>>, %arg12: memref<!tpu.dma_semaphore, #tpu.memory_space<semaphore_mem>>) attributes {dimension_semantics = [#tpu.dimension_semantics<core_parallel>, #tpu.dimension_semantics<subcore_parallel>], iteration_bounds = array<i64: 2, 16>, scalar_prefetch = 0 : i64, scratch_operands = 6 : i64, tpu.core_type = #tpu.core_type<sc_vector_subcore>, window_params = [{transform_indices = #map}, {transform_indices = #map}, {transform_indices = #map}, {transform_indices = #map}, {transform_indices = #map1}]} {
    %mul3A = arith.constant 2 : i32
    %mul3A_0 = arith.muli %arg1, %mul3A : i32
    %add3A = arith.addi %mul3A_0, %arg0 : i32
    %mul3A_1 = arith.constant 78 : i32
    %mul3A_2 = arith.muli %add3A, %mul3A_1 : i32
    %min3A = arith.constant 4 : i32
    %min3A_3 = arith.minsi %add3A, %min3A : i32
    %add3A_4 = arith.addi %mul3A_2, %min3A_3 : i32
    %mul3A_5 = arith.constant 632 : i32
    %mul3A_6 = arith.muli %arg1, %mul3A_5 : i32
    %mul3A_7 = arith.constant 632 : i32
    %mul3A_8 = arith.muli %arg1, %mul3A_7 : i32
    "tpu.region"() ({
      %run_scoped3A = tpu.sem_alloc : memref<!tpu.dma_semaphore, #tpu.memory_space<semaphore_mem>>
      %dma_start3A_316 = arith.constant 0 : i32
      %dma_start3A_317 = tpu.memref_slice %arg10[%mul3A_8, %dma_start3A_316] : memref<10112x32xf32, #tpu.memory_space<vmem_shared>> -> memref<632x32xf32, #tpu.memory_space<vmem_shared>>
      %dma_start3A_318 = arith.constant 0 : i32
      %dma_start3A_319 = tpu.memref_slice %arg5[%mul3A_6, %dma_start3A_318] : memref<10112x32xf32, #tpu.memory_space<hbm>> -> memref<632x32xf32, #tpu.memory_space<hbm>>
      tpu.enqueue_dma source(%dma_start3A_319 : memref<632x32xf32, #tpu.memory_space<hbm>>) target(%dma_start3A_317 : memref<632x32xf32, #tpu.memory_space<vmem_shared>>) target_semaphore(%run_scoped3A : memref<!tpu.dma_semaphore, #tpu.memory_space<semaphore_mem>>)
      %dma_wait3A_320 = arith.constant 0 : i32
      %dma_wait3A_321 = tpu.memref_slice %arg10[%mul3A_8, %dma_wait3A_320] : memref<10112x32xf32, #tpu.memory_space<vmem_shared>> -> memref<632x32xf32, #tpu.memory_space<vmem_shared>>
      %dma_wait3A_322 = arith.constant 0 : i32
      %dma_wait3A_323 = tpu.memref_slice %arg5[%mul3A_6, %dma_wait3A_322] : memref<10112x32xf32, #tpu.memory_space<hbm>> -> memref<632x32xf32, #tpu.memory_space<hbm>>
      tpu.wait_dma2 semaphore(%run_scoped3A : memref<!tpu.dma_semaphore, #tpu.memory_space<semaphore_mem>>) src(%dma_wait3A_323 : memref<632x32xf32, #tpu.memory_space<hbm>>) dst(%dma_wait3A_321 : memref<632x32xf32, #tpu.memory_space<vmem_shared>>)
      tpu.yield
    }) : () -> ()
    %lt3A = arith.constant 4 : i32
    %lt3A_9 = arith.cmpi slt, %add3A, %lt3A : i32
    %convert_element_type3A = arith.extui %lt3A_9 : i1 to i32
    %cond3A = arith.constant 0 : i32
    %cond3A_10 = arith.cmpi ne, %convert_element_type3A, %cond3A : i32
    scf.if %cond3A_10 {
      "tpu.region"() ({
        %run_scoped3A = tpu.sem_alloc : memref<!tpu.dma_semaphore, #tpu.memory_space<semaphore_mem>>
        %dma_start3A_316 = arith.constant 0 : i32
        %dma_start3A_317 = tpu.memref_slice %arg2[%add3A_4, %dma_start3A_316] : memref<2500x128xi32, #tpu.memory_space<hbm>> -> memref<79x128xi32, #tpu.memory_space<hbm>>
        %dma_start3A_318 = arith.constant 0 : i32
        %dma_start3A_319 = tpu.memref_slice %arg2[%add3A_4, %dma_start3A_318] : memref<2500x128xi32, #tpu.memory_space<hbm>> -> memref<79x128xi32, #tpu.memory_space<hbm>>
        tpu.enqueue_dma source(%dma_start3A_319 : memref<79x128xi32, #tpu.memory_space<hbm>>) target(%arg7 : memref<79x128xi32, #tpu.memory_space<vmem>>) target_semaphore(%run_scoped3A : memref<!tpu.dma_semaphore, #tpu.memory_space<semaphore_mem>>)
        %dma_wait3A_320 = arith.constant 0 : i32
        %dma_wait3A_321 = tpu.memref_slice %arg2[%add3A_4, %dma_wait3A_320] : memref<2500x128xi32, #tpu.memory_space<hbm>> -> memref<79x128xi32, #tpu.memory_space<hbm>>
        %dma_wait3A_322 = arith.constant 0 : i32
        %dma_wait3A_323 = tpu.memref_slice %arg2[%add3A_4, %dma_wait3A_322] : memref<2500x128xi32, #tpu.memory_space<hbm>> -> memref<79x128xi32, #tpu.memory_space<hbm>>
        tpu.wait_dma2 semaphore(%run_scoped3A : memref<!tpu.dma_semaphore, #tpu.memory_space<semaphore_mem>>) src(%dma_wait3A_323 : memref<79x128xi32, #tpu.memory_space<hbm>>) dst(%arg7 : memref<79x128xi32, #tpu.memory_space<vmem>>)
        tpu.yield
      }) : () -> ()
      "tpu.region"() ({
        %run_scoped3A = tpu.sem_alloc : memref<!tpu.dma_semaphore, #tpu.memory_space<semaphore_mem>>
        %dma_start3A_316 = arith.constant 0 : i32
        %dma_start3A_317 = tpu.memref_slice %arg3[%add3A_4, %dma_start3A_316] : memref<2500x128xi32, #tpu.memory_space<hbm>> -> memref<79x128xi32, #tpu.memory_space<hbm>>
        %dma_start3A_318 = arith.constant 0 : i32
        %dma_start3A_319 = tpu.memref_slice %arg3[%add3A_4, %dma_start3A_318] : memref<2500x128xi32, #tpu.memory_space<hbm>> -> memref<79x128xi32, #tpu.memory_space<hbm>>
        tpu.enqueue_dma source(%dma_start3A_319 : memref<79x128xi32, #tpu.memory_space<hbm>>) target(%arg8 : memref<79x128xi32, #tpu.memory_space<vmem>>) target_semaphore(%run_scoped3A : memref<!tpu.dma_semaphore, #tpu.memory_space<semaphore_mem>>)
        %dma_wait3A_320 = arith.constant 0 : i32
        %dma_wait3A_321 = tpu.memref_slice %arg3[%add3A_4, %dma_wait3A_320] : memref<2500x128xi32, #tpu.memory_space<hbm>> -> memref<79x128xi32, #tpu.memory_space<hbm>>
        %dma_wait3A_322 = arith.constant 0 : i32
        %dma_wait3A_323 = tpu.memref_slice %arg3[%add3A_4, %dma_wait3A_322] : memref<2500x128xi32, #tpu.memory_space<hbm>> -> memref<79x128xi32, #tpu.memory_space<hbm>>
        tpu.wait_dma2 semaphore(%run_scoped3A : memref<!tpu.dma_semaphore, #tpu.memory_space<semaphore_mem>>) src(%dma_wait3A_323 : memref<79x128xi32, #tpu.memory_space<hbm>>) dst(%arg8 : memref<79x128xi32, #tpu.memory_space<vmem>>)
        tpu.yield
      }) : () -> ()
    } else {
    }
    %ge3A = arith.constant 4 : i32
    %ge3A_11 = arith.cmpi sge, %add3A, %ge3A : i32
    %convert_element_type3A_12 = arith.extui %ge3A_11 : i1 to i32
    %cond3A_13 = arith.constant 0 : i32
    %cond3A_14 = arith.cmpi ne, %convert_element_type3A_12, %cond3A_13 : i32
    scf.if %cond3A_14 {
      "tpu.region"() ({
        %run_scoped3A = tpu.sem_alloc : memref<!tpu.dma_semaphore, #tpu.memory_space<semaphore_mem>>
        %dma_start3A_316 = arith.constant 0 : i32
        %dma_start3A_317 = arith.constant 0 : i32
        %dma_start3A_318 = tpu.memref_slice %arg7[%dma_start3A_316, %dma_start3A_317] : memref<79x128xi32, #tpu.memory_space<vmem>> -> memref<78x128xi32, #tpu.memory_space<vmem>>
        %dma_start3A_319 = arith.constant 0 : i32
        %dma_start3A_320 = tpu.memref_slice %arg2[%add3A_4, %dma_start3A_319] : memref<2500x128xi32, #tpu.memory_space<hbm>> -> memref<78x128xi32, #tpu.memory_space<hbm>>
        %dma_start3A_321 = arith.constant 0 : i32
        %dma_start3A_322 = arith.constant 0 : i32
        %dma_start3A_323 = tpu.memref_slice %arg7[%dma_start3A_321, %dma_start3A_322] : memref<79x128xi32, #tpu.memory_space<vmem>> -> memref<78x128xi32, #tpu.memory_space<vmem>>
        %dma_start3A_324 = arith.constant 0 : i32
        %dma_start3A_325 = tpu.memref_slice %arg2[%add3A_4, %dma_start3A_324] : memref<2500x128xi32, #tpu.memory_space<hbm>> -> memref<78x128xi32, #tpu.memory_space<hbm>>
        tpu.enqueue_dma source(%dma_start3A_325 : memref<78x128xi32, #tpu.memory_space<hbm>>) target(%dma_start3A_323 : memref<78x128xi32, #tpu.memory_space<vmem>>) target_semaphore(%run_scoped3A : memref<!tpu.dma_semaphore, #tpu.memory_space<semaphore_mem>>)
        %dma_wait3A_326 = arith.constant 0 : i32
        %dma_wait3A_327 = arith.constant 0 : i32
        %dma_wait3A_328 = tpu.memref_slice %arg7[%dma_wait3A_326, %dma_wait3A_327] : memref<79x128xi32, #tpu.memory_space<vmem>> -> memref<78x128xi32, #tpu.memory_space<vmem>>
        %dma_wait3A_329 = arith.constant 0 : i32
        %dma_wait3A_330 = tpu.memref_slice %arg2[%add3A_4, %dma_wait3A_329] : memref<2500x128xi32, #tpu.memory_space<hbm>> -> memref<78x128xi32, #tpu.memory_space<hbm>>
        %dma_wait3A_331 = arith.constant 0 : i32
        %dma_wait3A_332 = arith.constant 0 : i32
        %dma_wait3A_333 = tpu.memref_slice %arg7[%dma_wait3A_331, %dma_wait3A_332] : memref<79x128xi32, #tpu.memory_space<vmem>> -> memref<78x128xi32, #tpu.memory_space<vmem>>
        %dma_wait3A_334 = arith.constant 0 : i32
        %dma_wait3A_335 = tpu.memref_slice %arg2[%add3A_4, %dma_wait3A_334] : memref<2500x128xi32, #tpu.memory_space<hbm>> -> memref<78x128xi32, #tpu.memory_space<hbm>>
        tpu.wait_dma2 semaphore(%run_scoped3A : memref<!tpu.dma_semaphore, #tpu.memory_space<semaphore_mem>>) src(%dma_wait3A_335 : memref<78x128xi32, #tpu.memory_space<hbm>>) dst(%dma_wait3A_333 : memref<78x128xi32, #tpu.memory_space<vmem>>)
        tpu.yield
      }) : () -> ()
      "tpu.region"() ({
        %run_scoped3A = tpu.sem_alloc : memref<!tpu.dma_semaphore, #tpu.memory_space<semaphore_mem>>
        %dma_start3A_316 = arith.constant 0 : i32
        %dma_start3A_317 = arith.constant 0 : i32
        %dma_start3A_318 = tpu.memref_slice %arg8[%dma_start3A_316, %dma_start3A_317] : memref<79x128xi32, #tpu.memory_space<vmem>> -> memref<78x128xi32, #tpu.memory_space<vmem>>
        %dma_start3A_319 = arith.constant 0 : i32
        %dma_start3A_320 = tpu.memref_slice %arg3[%add3A_4, %dma_start3A_319] : memref<2500x128xi32, #tpu.memory_space<hbm>> -> memref<78x128xi32, #tpu.memory_space<hbm>>
        %dma_start3A_321 = arith.constant 0 : i32
        %dma_start3A_322 = arith.constant 0 : i32
        %dma_start3A_323 = tpu.memref_slice %arg8[%dma_start3A_321, %dma_start3A_322] : memref<79x128xi32, #tpu.memory_space<vmem>> -> memref<78x128xi32, #tpu.memory_space<vmem>>
        %dma_start3A_324 = arith.constant 0 : i32
        %dma_start3A_325 = tpu.memref_slice %arg3[%add3A_4, %dma_start3A_324] : memref<2500x128xi32, #tpu.memory_space<hbm>> -> memref<78x128xi32, #tpu.memory_space<hbm>>
        tpu.enqueue_dma source(%dma_start3A_325 : memref<78x128xi32, #tpu.memory_space<hbm>>) target(%dma_start3A_323 : memref<78x128xi32, #tpu.memory_space<vmem>>) target_semaphore(%run_scoped3A : memref<!tpu.dma_semaphore, #tpu.memory_space<semaphore_mem>>)
        %dma_wait3A_326 = arith.constant 0 : i32
        %dma_wait3A_327 = arith.constant 0 : i32
        %dma_wait3A_328 = tpu.memref_slice %arg8[%dma_wait3A_326, %dma_wait3A_327] : memref<79x128xi32, #tpu.memory_space<vmem>> -> memref<78x128xi32, #tpu.memory_space<vmem>>
        %dma_wait3A_329 = arith.constant 0 : i32
        %dma_wait3A_330 = tpu.memref_slice %arg3[%add3A_4, %dma_wait3A_329] : memref<2500x128xi32, #tpu.memory_space<hbm>> -> memref<78x128xi32, #tpu.memory_space<hbm>>
        %dma_wait3A_331 = arith.constant 0 : i32
        %dma_wait3A_332 = arith.constant 0 : i32
        %dma_wait3A_333 = tpu.memref_slice %arg8[%dma_wait3A_331, %dma_wait3A_332] : memref<79x128xi32, #tpu.memory_space<vmem>> -> memref<78x128xi32, #tpu.memory_space<vmem>>
        %dma_wait3A_334 = arith.constant 0 : i32
        %dma_wait3A_335 = tpu.memref_slice %arg3[%add3A_4, %dma_wait3A_334] : memref<2500x128xi32, #tpu.memory_space<hbm>> -> memref<78x128xi32, #tpu.memory_space<hbm>>
        tpu.wait_dma2 semaphore(%run_scoped3A : memref<!tpu.dma_semaphore, #tpu.memory_space<semaphore_mem>>) src(%dma_wait3A_335 : memref<78x128xi32, #tpu.memory_space<hbm>>) dst(%dma_wait3A_333 : memref<78x128xi32, #tpu.memory_space<vmem>>)
        tpu.yield
      }) : () -> ()
    } else {
    }
    %barrier3A = arith.constant 0 : index
    tpu.barrier barrier_id(%barrier3A)
    %scan3A = arith.constant 0 : i32
    %scan3A_15 = arith.constant 0 : i32
    %scan3A_16 = arith.constant 9 : i32
    %scan3A_17 = arith.addi %scan3A_15, %scan3A_16 : i32
    %scan3A_18 = arith.constant 1 : i32
    scf.for %scan3A_316 = %scan3A_15 to %scan3A_17 step %scan3A_18  : i32 {
      %mul3A_317 = arith.constant 8 : i32
      %mul3A_318 = arith.muli %scan3A_316, %mul3A_317 : i32
      %add3A_319 = arith.constant 0 : i32
      %add3A_320 = arith.addi %mul3A_318, %add3A_319 : i32
      %dma_start3A_321 = arith.constant 0 : i32
      %dma_start3A_322 = arith.constant 0 : i32
      %dma_start3A_323 = arith.constant 0 : i32
      %dma_start3A_324 = tpu.memref_slice %arg9[%dma_start3A_321, %dma_start3A_322, %dma_start3A_323] : memref<8x128x32xf32, #tpu.memory_space<vmem>> -> memref<1x128x32xf32, #tpu.memory_space<vmem>>
      %dma_start3A_325 = tpu.memref_squeeze %dma_start3A_324 : memref<1x128x32xf32, #tpu.memory_space<vmem>> -> memref<128x32xf32, #tpu.memory_space<vmem>>
      %dma_start3A_326 = arith.constant 0 : i32
      %dma_start3A_327 = tpu.memref_slice %arg7[%add3A_320, %dma_start3A_326] : memref<79x128xi32, #tpu.memory_space<vmem>> -> memref<1x128xi32, #tpu.memory_space<vmem>>
      %dma_start3A_328 = tpu.memref_squeeze %dma_start3A_327 : memref<1x128xi32, #tpu.memory_space<vmem>> -> memref<128xi32, #tpu.memory_space<vmem>>
      %dma_start3A_329 = arith.constant 0 : i32
      %dma_start3A_330 = arith.constant 0 : i32
      %dma_start3A_331 = tpu.memref_slice %arg4[%dma_start3A_329, %dma_start3A_330] : memref<10000x32xf32, #tpu.memory_space<hbm>> -> memref<10000x32xf32, #tpu.memory_space<hbm>>
      tpu.enqueue_indirect_dma source(%dma_start3A_331 : memref<10000x32xf32, #tpu.memory_space<hbm>>) target(%dma_start3A_325 : memref<128x32xf32, #tpu.memory_space<vmem>>) offsets(%dma_start3A_328 : memref<128xi32, #tpu.memory_space<vmem>>) semaphore(%arg11 : memref<!tpu.dma_semaphore, #tpu.memory_space<semaphore_mem>>)
      %add3A_332 = arith.constant 1 : i32
      %add3A_333 = arith.addi %mul3A_318, %add3A_332 : i32
      %dma_start3A_334 = arith.constant 1 : i32
      %dma_start3A_335 = arith.constant 0 : i32
      %dma_start3A_336 = arith.constant 0 : i32
      %dma_start3A_337 = tpu.memref_slice %arg9[%dma_start3A_334, %dma_start3A_335, %dma_start3A_336] : memref<8x128x32xf32, #tpu.memory_space<vmem>> -> memref<1x128x32xf32, #tpu.memory_space<vmem>>
      %dma_start3A_338 = tpu.memref_squeeze %dma_start3A_337 : memref<1x128x32xf32, #tpu.memory_space<vmem>> -> memref<128x32xf32, #tpu.memory_space<vmem>>
      %dma_start3A_339 = arith.constant 0 : i32
      %dma_start3A_340 = tpu.memref_slice %arg7[%add3A_333, %dma_start3A_339] : memref<79x128xi32, #tpu.memory_space<vmem>> -> memref<1x128xi32, #tpu.memory_space<vmem>>
      %dma_start3A_341 = tpu.memref_squeeze %dma_start3A_340 : memref<1x128xi32, #tpu.memory_space<vmem>> -> memref<128xi32, #tpu.memory_space<vmem>>
      %dma_start3A_342 = arith.constant 0 : i32
      %dma_start3A_343 = arith.constant 0 : i32
      %dma_start3A_344 = tpu.memref_slice %arg4[%dma_start3A_342, %dma_start3A_343] : memref<10000x32xf32, #tpu.memory_space<hbm>> -> memref<10000x32xf32, #tpu.memory_space<hbm>>
      tpu.enqueue_indirect_dma source(%dma_start3A_344 : memref<10000x32xf32, #tpu.memory_space<hbm>>) target(%dma_start3A_338 : memref<128x32xf32, #tpu.memory_space<vmem>>) offsets(%dma_start3A_341 : memref<128xi32, #tpu.memory_space<vmem>>) semaphore(%arg11 : memref<!tpu.dma_semaphore, #tpu.memory_space<semaphore_mem>>)
      %add3A_345 = arith.constant 2 : i32
      %add3A_346 = arith.addi %mul3A_318, %add3A_345 : i32
      %dma_start3A_347 = arith.constant 2 : i32
      %dma_start3A_348 = arith.constant 0 : i32
      %dma_start3A_349 = arith.constant 0 : i32
      %dma_start3A_350 = tpu.memref_slice %arg9[%dma_start3A_347, %dma_start3A_348, %dma_start3A_349] : memref<8x128x32xf32, #tpu.memory_space<vmem>> -> memref<1x128x32xf32, #tpu.memory_space<vmem>>
      %dma_start3A_351 = tpu.memref_squeeze %dma_start3A_350 : memref<1x128x32xf32, #tpu.memory_space<vmem>> -> memref<128x32xf32, #tpu.memory_space<vmem>>
      %dma_start3A_352 = arith.constant 0 : i32
      %dma_start3A_353 = tpu.memref_slice %arg7[%add3A_346, %dma_start3A_352] : memref<79x128xi32, #tpu.memory_space<vmem>> -> memref<1x128xi32, #tpu.memory_space<vmem>>
      %dma_start3A_354 = tpu.memref_squeeze %dma_start3A_353 : memref<1x128xi32, #tpu.memory_space<vmem>> -> memref<128xi32, #tpu.memory_space<vmem>>
      %dma_start3A_355 = arith.constant 0 : i32
      %dma_start3A_356 = arith.constant 0 : i32
      %dma_start3A_357 = tpu.memref_slice %arg4[%dma_start3A_355, %dma_start3A_356] : memref<10000x32xf32, #tpu.memory_space<hbm>> -> memref<10000x32xf32, #tpu.memory_space<hbm>>
      tpu.enqueue_indirect_dma source(%dma_start3A_357 : memref<10000x32xf32, #tpu.memory_space<hbm>>) target(%dma_start3A_351 : memref<128x32xf32, #tpu.memory_space<vmem>>) offsets(%dma_start3A_354 : memref<128xi32, #tpu.memory_space<vmem>>) semaphore(%arg11 : memref<!tpu.dma_semaphore, #tpu.memory_space<semaphore_mem>>)
      %add3A_358 = arith.constant 3 : i32
      %add3A_359 = arith.addi %mul3A_318, %add3A_358 : i32
      %dma_start3A_360 = arith.constant 3 : i32
      %dma_start3A_361 = arith.constant 0 : i32
      %dma_start3A_362 = arith.constant 0 : i32
      %dma_start3A_363 = tpu.memref_slice %arg9[%dma_start3A_360, %dma_start3A_361, %dma_start3A_362] : memref<8x128x32xf32, #tpu.memory_space<vmem>> -> memref<1x128x32xf32, #tpu.memory_space<vmem>>
      %dma_start3A_364 = tpu.memref_squeeze %dma_start3A_363 : memref<1x128x32xf32, #tpu.memory_space<vmem>> -> memref<128x32xf32, #tpu.memory_space<vmem>>
      %dma_start3A_365 = arith.constant 0 : i32
      %dma_start3A_366 = tpu.memref_slice %arg7[%add3A_359, %dma_start3A_365] : memref<79x128xi32, #tpu.memory_space<vmem>> -> memref<1x128xi32, #tpu.memory_space<vmem>>
      %dma_start3A_367 = tpu.memref_squeeze %dma_start3A_366 : memref<1x128xi32, #tpu.memory_space<vmem>> -> memref<128xi32, #tpu.memory_space<vmem>>
      %dma_start3A_368 = arith.constant 0 : i32
      %dma_start3A_369 = arith.constant 0 : i32
      %dma_start3A_370 = tpu.memref_slice %arg4[%dma_start3A_368, %dma_start3A_369] : memref<10000x32xf32, #tpu.memory_space<hbm>> -> memref<10000x32xf32, #tpu.memory_space<hbm>>
      tpu.enqueue_indirect_dma source(%dma_start3A_370 : memref<10000x32xf32, #tpu.memory_space<hbm>>) target(%dma_start3A_364 : memref<128x32xf32, #tpu.memory_space<vmem>>) offsets(%dma_start3A_367 : memref<128xi32, #tpu.memory_space<vmem>>) semaphore(%arg11 : memref<!tpu.dma_semaphore, #tpu.memory_space<semaphore_mem>>)
      %add3A_371 = arith.constant 4 : i32
      %add3A_372 = arith.addi %mul3A_318, %add3A_371 : i32
      %dma_start3A_373 = arith.constant 4 : i32
      %dma_start3A_374 = arith.constant 0 : i32
      %dma_start3A_375 = arith.constant 0 : i32
      %dma_start3A_376 = tpu.memref_slice %arg9[%dma_start3A_373, %dma_start3A_374, %dma_start3A_375] : memref<8x128x32xf32, #tpu.memory_space<vmem>> -> memref<1x128x32xf32, #tpu.memory_space<vmem>>
      %dma_start3A_377 = tpu.memref_squeeze %dma_start3A_376 : memref<1x128x32xf32, #tpu.memory_space<vmem>> -> memref<128x32xf32, #tpu.memory_space<vmem>>
      %dma_start3A_378 = arith.constant 0 : i32
      %dma_start3A_379 = tpu.memref_slice %arg7[%add3A_372, %dma_start3A_378] : memref<79x128xi32, #tpu.memory_space<vmem>> -> memref<1x128xi32, #tpu.memory_space<vmem>>
      %dma_start3A_380 = tpu.memref_squeeze %dma_start3A_379 : memref<1x128xi32, #tpu.memory_space<vmem>> -> memref<128xi32, #tpu.memory_space<vmem>>
      %dma_start3A_381 = arith.constant 0 : i32
      %dma_start3A_382 = arith.constant 0 : i32
      %dma_start3A_383 = tpu.memref_slice %arg4[%dma_start3A_381, %dma_start3A_382] : memref<10000x32xf32, #tpu.memory_space<hbm>> -> memref<10000x32xf32, #tpu.memory_space<hbm>>
      tpu.enqueue_indirect_dma source(%dma_start3A_383 : memref<10000x32xf32, #tpu.memory_space<hbm>>) target(%dma_start3A_377 : memref<128x32xf32, #tpu.memory_space<vmem>>) offsets(%dma_start3A_380 : memref<128xi32, #tpu.memory_space<vmem>>) semaphore(%arg11 : memref<!tpu.dma_semaphore, #tpu.memory_space<semaphore_mem>>)
      %add3A_384 = arith.constant 5 : i32
      %add3A_385 = arith.addi %mul3A_318, %add3A_384 : i32
      %dma_start3A_386 = arith.constant 5 : i32
      %dma_start3A_387 = arith.constant 0 : i32
      %dma_start3A_388 = arith.constant 0 : i32
      %dma_start3A_389 = tpu.memref_slice %arg9[%dma_start3A_386, %dma_start3A_387, %dma_start3A_388] : memref<8x128x32xf32, #tpu.memory_space<vmem>> -> memref<1x128x32xf32, #tpu.memory_space<vmem>>
      %dma_start3A_390 = tpu.memref_squeeze %dma_start3A_389 : memref<1x128x32xf32, #tpu.memory_space<vmem>> -> memref<128x32xf32, #tpu.memory_space<vmem>>
      %dma_start3A_391 = arith.constant 0 : i32
      %dma_start3A_392 = tpu.memref_slice %arg7[%add3A_385, %dma_start3A_391] : memref<79x128xi32, #tpu.memory_space<vmem>> -> memref<1x128xi32, #tpu.memory_space<vmem>>
      %dma_start3A_393 = tpu.memref_squeeze %dma_start3A_392 : memref<1x128xi32, #tpu.memory_space<vmem>> -> memref<128xi32, #tpu.memory_space<vmem>>
      %dma_start3A_394 = arith.constant 0 : i32
      %dma_start3A_395 = arith.constant 0 : i32
      %dma_start3A_396 = tpu.memref_slice %arg4[%dma_start3A_394, %dma_start3A_395] : memref<10000x32xf32, #tpu.memory_space<hbm>> -> memref<10000x32xf32, #tpu.memory_space<hbm>>
      tpu.enqueue_indirect_dma source(%dma_start3A_396 : memref<10000x32xf32, #tpu.memory_space<hbm>>) target(%dma_start3A_390 : memref<128x32xf32, #tpu.memory_space<vmem>>) offsets(%dma_start3A_393 : memref<128xi32, #tpu.memory_space<vmem>>) semaphore(%arg11 : memref<!tpu.dma_semaphore, #tpu.memory_space<semaphore_mem>>)
      %add3A_397 = arith.constant 6 : i32
      %add3A_398 = arith.addi %mul3A_318, %add3A_397 : i32
      %dma_start3A_399 = arith.constant 6 : i32
      %dma_start3A_400 = arith.constant 0 : i32
      %dma_start3A_401 = arith.constant 0 : i32
      %dma_start3A_402 = tpu.memref_slice %arg9[%dma_start3A_399, %dma_start3A_400, %dma_start3A_401] : memref<8x128x32xf32, #tpu.memory_space<vmem>> -> memref<1x128x32xf32, #tpu.memory_space<vmem>>
      %dma_start3A_403 = tpu.memref_squeeze %dma_start3A_402 : memref<1x128x32xf32, #tpu.memory_space<vmem>> -> memref<128x32xf32, #tpu.memory_space<vmem>>
      %dma_start3A_404 = arith.constant 0 : i32
      %dma_start3A_405 = tpu.memref_slice %arg7[%add3A_398, %dma_start3A_404] : memref<79x128xi32, #tpu.memory_space<vmem>> -> memref<1x128xi32, #tpu.memory_space<vmem>>
      %dma_start3A_406 = tpu.memref_squeeze %dma_start3A_405 : memref<1x128xi32, #tpu.memory_space<vmem>> -> memref<128xi32, #tpu.memory_space<vmem>>
      %dma_start3A_407 = arith.constant 0 : i32
      %dma_start3A_408 = arith.constant 0 : i32
      %dma_start3A_409 = tpu.memref_slice %arg4[%dma_start3A_407, %dma_start3A_408] : memref<10000x32xf32, #tpu.memory_space<hbm>> -> memref<10000x32xf32, #tpu.memory_space<hbm>>
      tpu.enqueue_indirect_dma source(%dma_start3A_409 : memref<10000x32xf32, #tpu.memory_space<hbm>>) target(%dma_start3A_403 : memref<128x32xf32, #tpu.memory_space<vmem>>) offsets(%dma_start3A_406 : memref<128xi32, #tpu.memory_space<vmem>>) semaphore(%arg11 : memref<!tpu.dma_semaphore, #tpu.memory_space<semaphore_mem>>)
      %add3A_410 = arith.constant 7 : i32
      %add3A_411 = arith.addi %mul3A_318, %add3A_410 : i32
      %dma_start3A_412 = arith.constant 7 : i32
      %dma_start3A_413 = arith.constant 0 : i32
      %dma_start3A_414 = arith.constant 0 : i32
      %dma_start3A_415 = tpu.memref_slice %arg9[%dma_start3A_412, %dma_start3A_413, %dma_start3A_414] : memref<8x128x32xf32, #tpu.memory_space<vmem>> -> memref<1x128x32xf32, #tpu.memory_space<vmem>>
      %dma_start3A_416 = tpu.memref_squeeze %dma_start3A_415 : memref<1x128x32xf32, #tpu.memory_space<vmem>> -> memref<128x32xf32, #tpu.memory_space<vmem>>
      %dma_start3A_417 = arith.constant 0 : i32
      %dma_start3A_418 = tpu.memref_slice %arg7[%add3A_411, %dma_start3A_417] : memref<79x128xi32, #tpu.memory_space<vmem>> -> memref<1x128xi32, #tpu.memory_space<vmem>>
      %dma_start3A_419 = tpu.memref_squeeze %dma_start3A_418 : memref<1x128xi32, #tpu.memory_space<vmem>> -> memref<128xi32, #tpu.memory_space<vmem>>
      %dma_start3A_420 = arith.constant 0 : i32
      %dma_start3A_421 = arith.constant 0 : i32
      %dma_start3A_422 = tpu.memref_slice %arg4[%dma_start3A_420, %dma_start3A_421] : memref<10000x32xf32, #tpu.memory_space<hbm>> -> memref<10000x32xf32, #tpu.memory_space<hbm>>
      tpu.enqueue_indirect_dma source(%dma_start3A_422 : memref<10000x32xf32, #tpu.memory_space<hbm>>) target(%dma_start3A_416 : memref<128x32xf32, #tpu.memory_space<vmem>>) offsets(%dma_start3A_419 : memref<128xi32, #tpu.memory_space<vmem>>) semaphore(%arg11 : memref<!tpu.dma_semaphore, #tpu.memory_space<semaphore_mem>>)
      %dma_wait3A_423 = arith.constant 0 : i32
      %dma_wait3A_424 = arith.constant 0 : i32
      %dma_wait3A_425 = arith.constant 0 : i32
      %dma_wait3A_426 = tpu.memref_slice %arg9[%dma_wait3A_423, %dma_wait3A_424, %dma_wait3A_425] : memref<8x128x32xf32, #tpu.memory_space<vmem>> -> memref<1x128x32xf32, #tpu.memory_space<vmem>>
      %dma_wait3A_427 = tpu.memref_squeeze %dma_wait3A_426 : memref<1x128x32xf32, #tpu.memory_space<vmem>> -> memref<128x32xf32, #tpu.memory_space<vmem>>
      %dma_wait3A_428 = arith.constant 0 : i32
      %dma_wait3A_429 = tpu.memref_slice %arg7[%add3A_320, %dma_wait3A_428] : memref<79x128xi32, #tpu.memory_space<vmem>> -> memref<1x128xi32, #tpu.memory_space<vmem>>
      %dma_wait3A_430 = tpu.memref_squeeze %dma_wait3A_429 : memref<1x128xi32, #tpu.memory_space<vmem>> -> memref<128xi32, #tpu.memory_space<vmem>>
      %dma_wait3A_431 = arith.constant 0 : i32
      %dma_wait3A_432 = arith.constant 0 : i32
      %dma_wait3A_433 = tpu.memref_slice %arg4[%dma_wait3A_431, %dma_wait3A_432] : memref<10000x32xf32, #tpu.memory_space<hbm>> -> memref<10000x32xf32, #tpu.memory_space<hbm>>
      tpu.wait_indirect_dma semaphore(%arg11 : memref<!tpu.dma_semaphore, #tpu.memory_space<semaphore_mem>>) src(%dma_wait3A_433 : memref<10000x32xf32, #tpu.memory_space<hbm>>) dst(%dma_wait3A_427 : memref<128x32xf32, #tpu.memory_space<vmem>>)
      %add3A_434 = arith.constant 0 : i32
      %add3A_435 = arith.addi %mul3A_318, %add3A_434 : i32
      %dma_start3A_436 = arith.constant 0 : i32
      %dma_start3A_437 = arith.constant 0 : i32
      %dma_start3A_438 = arith.constant 0 : i32
      %dma_start3A_439 = tpu.memref_slice %arg9[%dma_start3A_436, %dma_start3A_437, %dma_start3A_438] : memref<8x128x32xf32, #tpu.memory_space<vmem>> -> memref<1x128x32xf32, #tpu.memory_space<vmem>>
      %dma_start3A_440 = tpu.memref_squeeze %dma_start3A_439 : memref<1x128x32xf32, #tpu.memory_space<vmem>> -> memref<128x32xf32, #tpu.memory_space<vmem>>
      %dma_start3A_441 = arith.constant 0 : i32
      %dma_start3A_442 = tpu.memref_slice %arg8[%add3A_435, %dma_start3A_441] : memref<79x128xi32, #tpu.memory_space<vmem>> -> memref<1x128xi32, #tpu.memory_space<vmem>>
      %dma_start3A_443 = tpu.memref_squeeze %dma_start3A_442 : memref<1x128xi32, #tpu.memory_space<vmem>> -> memref<128xi32, #tpu.memory_space<vmem>>
      %dma_start3A_444 = arith.constant 0 : i32
      %dma_start3A_445 = arith.constant 0 : i32
      %dma_start3A_446 = tpu.memref_slice %arg10[%dma_start3A_444, %dma_start3A_445] : memref<10112x32xf32, #tpu.memory_space<vmem_shared>> -> memref<10112x32xf32, #tpu.memory_space<vmem_shared>>
      tpu.enqueue_indirect_dma source(%dma_start3A_440 : memref<128x32xf32, #tpu.memory_space<vmem>>) target(%dma_start3A_446 : memref<10112x32xf32, #tpu.memory_space<vmem_shared>>) offsets(%dma_start3A_443 : memref<128xi32, #tpu.memory_space<vmem>>) semaphore(%arg12 : memref<!tpu.dma_semaphore, #tpu.memory_space<semaphore_mem>>) {add = true}
      %dma_wait3A_447 = arith.constant 1 : i32
      %dma_wait3A_448 = arith.constant 0 : i32
      %dma_wait3A_449 = arith.constant 0 : i32
      %dma_wait3A_450 = tpu.memref_slice %arg9[%dma_wait3A_447, %dma_wait3A_448, %dma_wait3A_449] : memref<8x128x32xf32, #tpu.memory_space<vmem>> -> memref<1x128x32xf32, #tpu.memory_space<vmem>>
      %dma_wait3A_451 = tpu.memref_squeeze %dma_wait3A_450 : memref<1x128x32xf32, #tpu.memory_space<vmem>> -> memref<128x32xf32, #tpu.memory_space<vmem>>
      %dma_wait3A_452 = arith.constant 0 : i32
      %dma_wait3A_453 = tpu.memref_slice %arg7[%add3A_333, %dma_wait3A_452] : memref<79x128xi32, #tpu.memory_space<vmem>> -> memref<1x128xi32, #tpu.memory_space<vmem>>
      %dma_wait3A_454 = tpu.memref_squeeze %dma_wait3A_453 : memref<1x128xi32, #tpu.memory_space<vmem>> -> memref<128xi32, #tpu.memory_space<vmem>>
      %dma_wait3A_455 = arith.constant 0 : i32
      %dma_wait3A_456 = arith.constant 0 : i32
      %dma_wait3A_457 = tpu.memref_slice %arg4[%dma_wait3A_455, %dma_wait3A_456] : memref<10000x32xf32, #tpu.memory_space<hbm>> -> memref<10000x32xf32, #tpu.memory_space<hbm>>
      tpu.wait_indirect_dma semaphore(%arg11 : memref<!tpu.dma_semaphore, #tpu.memory_space<semaphore_mem>>) src(%dma_wait3A_457 : memref<10000x32xf32, #tpu.memory_space<hbm>>) dst(%dma_wait3A_451 : memref<128x32xf32, #tpu.memory_space<vmem>>)
      %add3A_458 = arith.constant 1 : i32
      %add3A_459 = arith.addi %mul3A_318, %add3A_458 : i32
      %dma_start3A_460 = arith.constant 1 : i32
      %dma_start3A_461 = arith.constant 0 : i32
      %dma_start3A_462 = arith.constant 0 : i32
      %dma_start3A_463 = tpu.memref_slice %arg9[%dma_start3A_460, %dma_start3A_461, %dma_start3A_462] : memref<8x128x32xf32, #tpu.memory_space<vmem>> -> memref<1x128x32xf32, #tpu.memory_space<vmem>>
      %dma_start3A_464 = tpu.memref_squeeze %dma_start3A_463 : memref<1x128x32xf32, #tpu.memory_space<vmem>> -> memref<128x32xf32, #tpu.memory_space<vmem>>
      %dma_start3A_465 = arith.constant 0 : i32
      %dma_start3A_466 = tpu.memref_slice %arg8[%add3A_459, %dma_start3A_465] : memref<79x128xi32, #tpu.memory_space<vmem>> -> memref<1x128xi32, #tpu.memory_space<vmem>>
      %dma_start3A_467 = tpu.memref_squeeze %dma_start3A_466 : memref<1x128xi32, #tpu.memory_space<vmem>> -> memref<128xi32, #tpu.memory_space<vmem>>
      %dma_start3A_468 = arith.constant 0 : i32
      %dma_start3A_469 = arith.constant 0 : i32
      %dma_start3A_470 = tpu.memref_slice %arg10[%dma_start3A_468, %dma_start3A_469] : memref<10112x32xf32, #tpu.memory_space<vmem_shared>> -> memref<10112x32xf32, #tpu.memory_space<vmem_shared>>
      tpu.enqueue_indirect_dma source(%dma_start3A_464 : memref<128x32xf32, #tpu.memory_space<vmem>>) target(%dma_start3A_470 : memref<10112x32xf32, #tpu.memory_space<vmem_shared>>) offsets(%dma_start3A_467 : memref<128xi32, #tpu.memory_space<vmem>>) semaphore(%arg12 : memref<!tpu.dma_semaphore, #tpu.memory_space<semaphore_mem>>) {add = true}
      %dma_wait3A_471 = arith.constant 2 : i32
      %dma_wait3A_472 = arith.constant 0 : i32
      %dma_wait3A_473 = arith.constant 0 : i32
      %dma_wait3A_474 = tpu.memref_slice %arg9[%dma_wait3A_471, %dma_wait3A_472, %dma_wait3A_473] : memref<8x128x32xf32, #tpu.memory_space<vmem>> -> memref<1x128x32xf32, #tpu.memory_space<vmem>>
      %dma_wait3A_475 = tpu.memref_squeeze %dma_wait3A_474 : memref<1x128x32xf32, #tpu.memory_space<vmem>> -> memref<128x32xf32, #tpu.memory_space<vmem>>
      %dma_wait3A_476 = arith.constant 0 : i32
      %dma_wait3A_477 = tpu.memref_slice %arg7[%add3A_346, %dma_wait3A_476] : memref<79x128xi32, #tpu.memory_space<vmem>> -> memref<1x128xi32, #tpu.memory_space<vmem>>
      %dma_wait3A_478 = tpu.memref_squeeze %dma_wait3A_477 : memref<1x128xi32, #tpu.memory_space<vmem>> -> memref<128xi32, #tpu.memory_space<vmem>>
      %dma_wait3A_479 = arith.constant 0 : i32
      %dma_wait3A_480 = arith.constant 0 : i32
      %dma_wait3A_481 = tpu.memref_slice %arg4[%dma_wait3A_479, %dma_wait3A_480] : memref<10000x32xf32, #tpu.memory_space<hbm>> -> memref<10000x32xf32, #tpu.memory_space<hbm>>
      tpu.wait_indirect_dma semaphore(%arg11 : memref<!tpu.dma_semaphore, #tpu.memory_space<semaphore_mem>>) src(%dma_wait3A_481 : memref<10000x32xf32, #tpu.memory_space<hbm>>) dst(%dma_wait3A_475 : memref<128x32xf32, #tpu.memory_space<vmem>>)
      %add3A_482 = arith.constant 2 : i32
      %add3A_483 = arith.addi %mul3A_318, %add3A_482 : i32
      %dma_start3A_484 = arith.constant 2 : i32
      %dma_start3A_485 = arith.constant 0 : i32
      %dma_start3A_486 = arith.constant 0 : i32
      %dma_start3A_487 = tpu.memref_slice %arg9[%dma_start3A_484, %dma_start3A_485, %dma_start3A_486] : memref<8x128x32xf32, #tpu.memory_space<vmem>> -> memref<1x128x32xf32, #tpu.memory_space<vmem>>
      %dma_start3A_488 = tpu.memref_squeeze %dma_start3A_487 : memref<1x128x32xf32, #tpu.memory_space<vmem>> -> memref<128x32xf32, #tpu.memory_space<vmem>>
      %dma_start3A_489 = arith.constant 0 : i32
      %dma_start3A_490 = tpu.memref_slice %arg8[%add3A_483, %dma_start3A_489] : memref<79x128xi32, #tpu.memory_space<vmem>> -> memref<1x128xi32, #tpu.memory_space<vmem>>
      %dma_start3A_491 = tpu.memref_squeeze %dma_start3A_490 : memref<1x128xi32, #tpu.memory_space<vmem>> -> memref<128xi32, #tpu.memory_space<vmem>>
      %dma_start3A_492 = arith.constant 0 : i32
      %dma_start3A_493 = arith.constant 0 : i32
      %dma_start3A_494 = tpu.memref_slice %arg10[%dma_start3A_492, %dma_start3A_493] : memref<10112x32xf32, #tpu.memory_space<vmem_shared>> -> memref<10112x32xf32, #tpu.memory_space<vmem_shared>>
      tpu.enqueue_indirect_dma source(%dma_start3A_488 : memref<128x32xf32, #tpu.memory_space<vmem>>) target(%dma_start3A_494 : memref<10112x32xf32, #tpu.memory_space<vmem_shared>>) offsets(%dma_start3A_491 : memref<128xi32, #tpu.memory_space<vmem>>) semaphore(%arg12 : memref<!tpu.dma_semaphore, #tpu.memory_space<semaphore_mem>>) {add = true}
      %dma_wait3A_495 = arith.constant 3 : i32
      %dma_wait3A_496 = arith.constant 0 : i32
      %dma_wait3A_497 = arith.constant 0 : i32
      %dma_wait3A_498 = tpu.memref_slice %arg9[%dma_wait3A_495, %dma_wait3A_496, %dma_wait3A_497] : memref<8x128x32xf32, #tpu.memory_space<vmem>> -> memref<1x128x32xf32, #tpu.memory_space<vmem>>
      %dma_wait3A_499 = tpu.memref_squeeze %dma_wait3A_498 : memref<1x128x32xf32, #tpu.memory_space<vmem>> -> memref<128x32xf32, #tpu.memory_space<vmem>>
      %dma_wait3A_500 = arith.constant 0 : i32
      %dma_wait3A_501 = tpu.memref_slice %arg7[%add3A_359, %dma_wait3A_500] : memref<79x128xi32, #tpu.memory_space<vmem>> -> memref<1x128xi32, #tpu.memory_space<vmem>>
      %dma_wait3A_502 = tpu.memref_squeeze %dma_wait3A_501 : memref<1x128xi32, #tpu.memory_space<vmem>> -> memref<128xi32, #tpu.memory_space<vmem>>
      %dma_wait3A_503 = arith.constant 0 : i32
      %dma_wait3A_504 = arith.constant 0 : i32
      %dma_wait3A_505 = tpu.memref_slice %arg4[%dma_wait3A_503, %dma_wait3A_504] : memref<10000x32xf32, #tpu.memory_space<hbm>> -> memref<10000x32xf32, #tpu.memory_space<hbm>>
      tpu.wait_indirect_dma semaphore(%arg11 : memref<!tpu.dma_semaphore, #tpu.memory_space<semaphore_mem>>) src(%dma_wait3A_505 : memref<10000x32xf32, #tpu.memory_space<hbm>>) dst(%dma_wait3A_499 : memref<128x32xf32, #tpu.memory_space<vmem>>)
      %add3A_506 = arith.constant 3 : i32
      %add3A_507 = arith.addi %mul3A_318, %add3A_506 : i32
      %dma_start3A_508 = arith.constant 3 : i32
      %dma_start3A_509 = arith.constant 0 : i32
      %dma_start3A_510 = arith.constant 0 : i32
      %dma_start3A_511 = tpu.memref_slice %arg9[%dma_start3A_508, %dma_start3A_509, %dma_start3A_510] : memref<8x128x32xf32, #tpu.memory_space<vmem>> -> memref<1x128x32xf32, #tpu.memory_space<vmem>>
      %dma_start3A_512 = tpu.memref_squeeze %dma_start3A_511 : memref<1x128x32xf32, #tpu.memory_space<vmem>> -> memref<128x32xf32, #tpu.memory_space<vmem>>
      %dma_start3A_513 = arith.constant 0 : i32
      %dma_start3A_514 = tpu.memref_slice %arg8[%add3A_507, %dma_start3A_513] : memref<79x128xi32, #tpu.memory_space<vmem>> -> memref<1x128xi32, #tpu.memory_space<vmem>>
      %dma_start3A_515 = tpu.memref_squeeze %dma_start3A_514 : memref<1x128xi32, #tpu.memory_space<vmem>> -> memref<128xi32, #tpu.memory_space<vmem>>
      %dma_start3A_516 = arith.constant 0 : i32
      %dma_start3A_517 = arith.constant 0 : i32
      %dma_start3A_518 = tpu.memref_slice %arg10[%dma_start3A_516, %dma_start3A_517] : memref<10112x32xf32, #tpu.memory_space<vmem_shared>> -> memref<10112x32xf32, #tpu.memory_space<vmem_shared>>
      tpu.enqueue_indirect_dma source(%dma_start3A_512 : memref<128x32xf32, #tpu.memory_space<vmem>>) target(%dma_start3A_518 : memref<10112x32xf32, #tpu.memory_space<vmem_shared>>) offsets(%dma_start3A_515 : memref<128xi32, #tpu.memory_space<vmem>>) semaphore(%arg12 : memref<!tpu.dma_semaphore, #tpu.memory_space<semaphore_mem>>) {add = true}
      %dma_wait3A_519 = arith.constant 4 : i32
      %dma_wait3A_520 = arith.constant 0 : i32
      %dma_wait3A_521 = arith.constant 0 : i32
      %dma_wait3A_522 = tpu.memref_slice %arg9[%dma_wait3A_519, %dma_wait3A_520, %dma_wait3A_521] : memref<8x128x32xf32, #tpu.memory_space<vmem>> -> memref<1x128x32xf32, #tpu.memory_space<vmem>>
      %dma_wait3A_523 = tpu.memref_squeeze %dma_wait3A_522 : memref<1x128x32xf32, #tpu.memory_space<vmem>> -> memref<128x32xf32, #tpu.memory_space<vmem>>
      %dma_wait3A_524 = arith.constant 0 : i32
      %dma_wait3A_525 = tpu.memref_slice %arg7[%add3A_372, %dma_wait3A_524] : memref<79x128xi32, #tpu.memory_space<vmem>> -> memref<1x128xi32, #tpu.memory_space<vmem>>
      %dma_wait3A_526 = tpu.memref_squeeze %dma_wait3A_525 : memref<1x128xi32, #tpu.memory_space<vmem>> -> memref<128xi32, #tpu.memory_space<vmem>>
      %dma_wait3A_527 = arith.constant 0 : i32
      %dma_wait3A_528 = arith.constant 0 : i32
      %dma_wait3A_529 = tpu.memref_slice %arg4[%dma_wait3A_527, %dma_wait3A_528] : memref<10000x32xf32, #tpu.memory_space<hbm>> -> memref<10000x32xf32, #tpu.memory_space<hbm>>
      tpu.wait_indirect_dma semaphore(%arg11 : memref<!tpu.dma_semaphore, #tpu.memory_space<semaphore_mem>>) src(%dma_wait3A_529 : memref<10000x32xf32, #tpu.memory_space<hbm>>) dst(%dma_wait3A_523 : memref<128x32xf32, #tpu.memory_space<vmem>>)
      %add3A_530 = arith.constant 4 : i32
      %add3A_531 = arith.addi %mul3A_318, %add3A_530 : i32
      %dma_start3A_532 = arith.constant 4 : i32
      %dma_start3A_533 = arith.constant 0 : i32
      %dma_start3A_534 = arith.constant 0 : i32
      %dma_start3A_535 = tpu.memref_slice %arg9[%dma_start3A_532, %dma_start3A_533, %dma_start3A_534] : memref<8x128x32xf32, #tpu.memory_space<vmem>> -> memref<1x128x32xf32, #tpu.memory_space<vmem>>
      %dma_start3A_536 = tpu.memref_squeeze %dma_start3A_535 : memref<1x128x32xf32, #tpu.memory_space<vmem>> -> memref<128x32xf32, #tpu.memory_space<vmem>>
      %dma_start3A_537 = arith.constant 0 : i32
      %dma_start3A_538 = tpu.memref_slice %arg8[%add3A_531, %dma_start3A_537] : memref<79x128xi32, #tpu.memory_space<vmem>> -> memref<1x128xi32, #tpu.memory_space<vmem>>
      %dma_start3A_539 = tpu.memref_squeeze %dma_start3A_538 : memref<1x128xi32, #tpu.memory_space<vmem>> -> memref<128xi32, #tpu.memory_space<vmem>>
      %dma_start3A_540 = arith.constant 0 : i32
      %dma_start3A_541 = arith.constant 0 : i32
      %dma_start3A_542 = tpu.memref_slice %arg10[%dma_start3A_540, %dma_start3A_541] : memref<10112x32xf32, #tpu.memory_space<vmem_shared>> -> memref<10112x32xf32, #tpu.memory_space<vmem_shared>>
      tpu.enqueue_indirect_dma source(%dma_start3A_536 : memref<128x32xf32, #tpu.memory_space<vmem>>) target(%dma_start3A_542 : memref<10112x32xf32, #tpu.memory_space<vmem_shared>>) offsets(%dma_start3A_539 : memref<128xi32, #tpu.memory_space<vmem>>) semaphore(%arg12 : memref<!tpu.dma_semaphore, #tpu.memory_space<semaphore_mem>>) {add = true}
      %dma_wait3A_543 = arith.constant 5 : i32
      %dma_wait3A_544 = arith.constant 0 : i32
      %dma_wait3A_545 = arith.constant 0 : i32
      %dma_wait3A_546 = tpu.memref_slice %arg9[%dma_wait3A_543, %dma_wait3A_544, %dma_wait3A_545] : memref<8x128x32xf32, #tpu.memory_space<vmem>> -> memref<1x128x32xf32, #tpu.memory_space<vmem>>
      %dma_wait3A_547 = tpu.memref_squeeze %dma_wait3A_546 : memref<1x128x32xf32, #tpu.memory_space<vmem>> -> memref<128x32xf32, #tpu.memory_space<vmem>>
      %dma_wait3A_548 = arith.constant 0 : i32
      %dma_wait3A_549 = tpu.memref_slice %arg7[%add3A_385, %dma_wait3A_548] : memref<79x128xi32, #tpu.memory_space<vmem>> -> memref<1x128xi32, #tpu.memory_space<vmem>>
      %dma_wait3A_550 = tpu.memref_squeeze %dma_wait3A_549 : memref<1x128xi32, #tpu.memory_space<vmem>> -> memref<128xi32, #tpu.memory_space<vmem>>
      %dma_wait3A_551 = arith.constant 0 : i32
      %dma_wait3A_552 = arith.constant 0 : i32
      %dma_wait3A_553 = tpu.memref_slice %arg4[%dma_wait3A_551, %dma_wait3A_552] : memref<10000x32xf32, #tpu.memory_space<hbm>> -> memref<10000x32xf32, #tpu.memory_space<hbm>>
      tpu.wait_indirect_dma semaphore(%arg11 : memref<!tpu.dma_semaphore, #tpu.memory_space<semaphore_mem>>) src(%dma_wait3A_553 : memref<10000x32xf32, #tpu.memory_space<hbm>>) dst(%dma_wait3A_547 : memref<128x32xf32, #tpu.memory_space<vmem>>)
      %add3A_554 = arith.constant 5 : i32
      %add3A_555 = arith.addi %mul3A_318, %add3A_554 : i32
      %dma_start3A_556 = arith.constant 5 : i32
      %dma_start3A_557 = arith.constant 0 : i32
      %dma_start3A_558 = arith.constant 0 : i32
      %dma_start3A_559 = tpu.memref_slice %arg9[%dma_start3A_556, %dma_start3A_557, %dma_start3A_558] : memref<8x128x32xf32, #tpu.memory_space<vmem>> -> memref<1x128x32xf32, #tpu.memory_space<vmem>>
      %dma_start3A_560 = tpu.memref_squeeze %dma_start3A_559 : memref<1x128x32xf32, #tpu.memory_space<vmem>> -> memref<128x32xf32, #tpu.memory_space<vmem>>
      %dma_start3A_561 = arith.constant 0 : i32
      %dma_start3A_562 = tpu.memref_slice %arg8[%add3A_555, %dma_start3A_561] : memref<79x128xi32, #tpu.memory_space<vmem>> -> memref<1x128xi32, #tpu.memory_space<vmem>>
      %dma_start3A_563 = tpu.memref_squeeze %dma_start3A_562 : memref<1x128xi32, #tpu.memory_space<vmem>> -> memref<128xi32, #tpu.memory_space<vmem>>
      %dma_start3A_564 = arith.constant 0 : i32
      %dma_start3A_565 = arith.constant 0 : i32
      %dma_start3A_566 = tpu.memref_slice %arg10[%dma_start3A_564, %dma_start3A_565] : memref<10112x32xf32, #tpu.memory_space<vmem_shared>> -> memref<10112x32xf32, #tpu.memory_space<vmem_shared>>
      tpu.enqueue_indirect_dma source(%dma_start3A_560 : memref<128x32xf32, #tpu.memory_space<vmem>>) target(%dma_start3A_566 : memref<10112x32xf32, #tpu.memory_space<vmem_shared>>) offsets(%dma_start3A_563 : memref<128xi32, #tpu.memory_space<vmem>>) semaphore(%arg12 : memref<!tpu.dma_semaphore, #tpu.memory_space<semaphore_mem>>) {add = true}
      %dma_wait3A_567 = arith.constant 6 : i32
      %dma_wait3A_568 = arith.constant 0 : i32
      %dma_wait3A_569 = arith.constant 0 : i32
      %dma_wait3A_570 = tpu.memref_slice %arg9[%dma_wait3A_567, %dma_wait3A_568, %dma_wait3A_569] : memref<8x128x32xf32, #tpu.memory_space<vmem>> -> memref<1x128x32xf32, #tpu.memory_space<vmem>>
      %dma_wait3A_571 = tpu.memref_squeeze %dma_wait3A_570 : memref<1x128x32xf32, #tpu.memory_space<vmem>> -> memref<128x32xf32, #tpu.memory_space<vmem>>
      %dma_wait3A_572 = arith.constant 0 : i32
      %dma_wait3A_573 = tpu.memref_slice %arg7[%add3A_398, %dma_wait3A_572] : memref<79x128xi32, #tpu.memory_space<vmem>> -> memref<1x128xi32, #tpu.memory_space<vmem>>
      %dma_wait3A_574 = tpu.memref_squeeze %dma_wait3A_573 : memref<1x128xi32, #tpu.memory_space<vmem>> -> memref<128xi32, #tpu.memory_space<vmem>>
      %dma_wait3A_575 = arith.constant 0 : i32
      %dma_wait3A_576 = arith.constant 0 : i32
      %dma_wait3A_577 = tpu.memref_slice %arg4[%dma_wait3A_575, %dma_wait3A_576] : memref<10000x32xf32, #tpu.memory_space<hbm>> -> memref<10000x32xf32, #tpu.memory_space<hbm>>
      tpu.wait_indirect_dma semaphore(%arg11 : memref<!tpu.dma_semaphore, #tpu.memory_space<semaphore_mem>>) src(%dma_wait3A_577 : memref<10000x32xf32, #tpu.memory_space<hbm>>) dst(%dma_wait3A_571 : memref<128x32xf32, #tpu.memory_space<vmem>>)
      %add3A_578 = arith.constant 6 : i32
      %add3A_579 = arith.addi %mul3A_318, %add3A_578 : i32
      %dma_start3A_580 = arith.constant 6 : i32
      %dma_start3A_581 = arith.constant 0 : i32
      %dma_start3A_582 = arith.constant 0 : i32
      %dma_start3A_583 = tpu.memref_slice %arg9[%dma_start3A_580, %dma_start3A_581, %dma_start3A_582] : memref<8x128x32xf32, #tpu.memory_space<vmem>> -> memref<1x128x32xf32, #tpu.memory_space<vmem>>
      %dma_start3A_584 = tpu.memref_squeeze %dma_start3A_583 : memref<1x128x32xf32, #tpu.memory_space<vmem>> -> memref<128x32xf32, #tpu.memory_space<vmem>>
      %dma_start3A_585 = arith.constant 0 : i32
      %dma_start3A_586 = tpu.memref_slice %arg8[%add3A_579, %dma_start3A_585] : memref<79x128xi32, #tpu.memory_space<vmem>> -> memref<1x128xi32, #tpu.memory_space<vmem>>
      %dma_start3A_587 = tpu.memref_squeeze %dma_start3A_586 : memref<1x128xi32, #tpu.memory_space<vmem>> -> memref<128xi32, #tpu.memory_space<vmem>>
      %dma_start3A_588 = arith.constant 0 : i32
      %dma_start3A_589 = arith.constant 0 : i32
      %dma_start3A_590 = tpu.memref_slice %arg10[%dma_start3A_588, %dma_start3A_589] : memref<10112x32xf32, #tpu.memory_space<vmem_shared>> -> memref<10112x32xf32, #tpu.memory_space<vmem_shared>>
      tpu.enqueue_indirect_dma source(%dma_start3A_584 : memref<128x32xf32, #tpu.memory_space<vmem>>) target(%dma_start3A_590 : memref<10112x32xf32, #tpu.memory_space<vmem_shared>>) offsets(%dma_start3A_587 : memref<128xi32, #tpu.memory_space<vmem>>) semaphore(%arg12 : memref<!tpu.dma_semaphore, #tpu.memory_space<semaphore_mem>>) {add = true}
      %dma_wait3A_591 = arith.constant 7 : i32
      %dma_wait3A_592 = arith.constant 0 : i32
      %dma_wait3A_593 = arith.constant 0 : i32
      %dma_wait3A_594 = tpu.memref_slice %arg9[%dma_wait3A_591, %dma_wait3A_592, %dma_wait3A_593] : memref<8x128x32xf32, #tpu.memory_space<vmem>> -> memref<1x128x32xf32, #tpu.memory_space<vmem>>
      %dma_wait3A_595 = tpu.memref_squeeze %dma_wait3A_594 : memref<1x128x32xf32, #tpu.memory_space<vmem>> -> memref<128x32xf32, #tpu.memory_space<vmem>>
      %dma_wait3A_596 = arith.constant 0 : i32
      %dma_wait3A_597 = tpu.memref_slice %arg7[%add3A_411, %dma_wait3A_596] : memref<79x128xi32, #tpu.memory_space<vmem>> -> memref<1x128xi32, #tpu.memory_space<vmem>>
      %dma_wait3A_598 = tpu.memref_squeeze %dma_wait3A_597 : memref<1x128xi32, #tpu.memory_space<vmem>> -> memref<128xi32, #tpu.memory_space<vmem>>
      %dma_wait3A_599 = arith.constant 0 : i32
      %dma_wait3A_600 = arith.constant 0 : i32
      %dma_wait3A_601 = tpu.memref_slice %arg4[%dma_wait3A_599, %dma_wait3A_600] : memref<10000x32xf32, #tpu.memory_space<hbm>> -> memref<10000x32xf32, #tpu.memory_space<hbm>>
      tpu.wait_indirect_dma semaphore(%arg11 : memref<!tpu.dma_semaphore, #tpu.memory_space<semaphore_mem>>) src(%dma_wait3A_601 : memref<10000x32xf32, #tpu.memory_space<hbm>>) dst(%dma_wait3A_595 : memref<128x32xf32, #tpu.memory_space<vmem>>)
      %add3A_602 = arith.constant 7 : i32
      %add3A_603 = arith.addi %mul3A_318, %add3A_602 : i32
      %dma_start3A_604 = arith.constant 7 : i32
      %dma_start3A_605 = arith.constant 0 : i32
      %dma_start3A_606 = arith.constant 0 : i32
      %dma_start3A_607 = tpu.memref_slice %arg9[%dma_start3A_604, %dma_start3A_605, %dma_start3A_606] : memref<8x128x32xf32, #tpu.memory_space<vmem>> -> memref<1x128x32xf32, #tpu.memory_space<vmem>>
      %dma_start3A_608 = tpu.memref_squeeze %dma_start3A_607 : memref<1x128x32xf32, #tpu.memory_space<vmem>> -> memref<128x32xf32, #tpu.memory_space<vmem>>
      %dma_start3A_609 = arith.constant 0 : i32
      %dma_start3A_610 = tpu.memref_slice %arg8[%add3A_603, %dma_start3A_609] : memref<79x128xi32, #tpu.memory_space<vmem>> -> memref<1x128xi32, #tpu.memory_space<vmem>>
      %dma_start3A_611 = tpu.memref_squeeze %dma_start3A_610 : memref<1x128xi32, #tpu.memory_space<vmem>> -> memref<128xi32, #tpu.memory_space<vmem>>
      %dma_start3A_612 = arith.constant 0 : i32
      %dma_start3A_613 = arith.constant 0 : i32
      %dma_start3A_614 = tpu.memref_slice %arg10[%dma_start3A_612, %dma_start3A_613] : memref<10112x32xf32, #tpu.memory_space<vmem_shared>> -> memref<10112x32xf32, #tpu.memory_space<vmem_shared>>
      tpu.enqueue_indirect_dma source(%dma_start3A_608 : memref<128x32xf32, #tpu.memory_space<vmem>>) target(%dma_start3A_614 : memref<10112x32xf32, #tpu.memory_space<vmem_shared>>) offsets(%dma_start3A_611 : memref<128xi32, #tpu.memory_space<vmem>>) semaphore(%arg12 : memref<!tpu.dma_semaphore, #tpu.memory_space<semaphore_mem>>) {add = true}
      %dma_wait3A_615 = arith.constant 0 : i32
      %dma_wait3A_616 = arith.constant 0 : i32
      %dma_wait3A_617 = arith.constant 0 : i32
      %dma_wait3A_618 = tpu.memref_slice %arg9[%dma_wait3A_615, %dma_wait3A_616, %dma_wait3A_617] : memref<8x128x32xf32, #tpu.memory_space<vmem>> -> memref<1x128x32xf32, #tpu.memory_space<vmem>>
      %dma_wait3A_619 = tpu.memref_squeeze %dma_wait3A_618 : memref<1x128x32xf32, #tpu.memory_space<vmem>> -> memref<128x32xf32, #tpu.memory_space<vmem>>
      %dma_wait3A_620 = arith.constant 0 : i32
      %dma_wait3A_621 = tpu.memref_slice %arg8[%add3A_435, %dma_wait3A_620] : memref<79x128xi32, #tpu.memory_space<vmem>> -> memref<1x128xi32, #tpu.memory_space<vmem>>
      %dma_wait3A_622 = tpu.memref_squeeze %dma_wait3A_621 : memref<1x128xi32, #tpu.memory_space<vmem>> -> memref<128xi32, #tpu.memory_space<vmem>>
      %dma_wait3A_623 = arith.constant 0 : i32
      %dma_wait3A_624 = arith.constant 0 : i32
      %dma_wait3A_625 = tpu.memref_slice %arg10[%dma_wait3A_623, %dma_wait3A_624] : memref<10112x32xf32, #tpu.memory_space<vmem_shared>> -> memref<10112x32xf32, #tpu.memory_space<vmem_shared>>
      tpu.wait_indirect_dma semaphore(%arg12 : memref<!tpu.dma_semaphore, #tpu.memory_space<semaphore_mem>>) src(%dma_wait3A_619 : memref<128x32xf32, #tpu.memory_space<vmem>>) dst(%dma_wait3A_625 : memref<10112x32xf32, #tpu.memory_space<vmem_shared>>)
      %dma_wait3A_626 = arith.constant 1 : i32
      %dma_wait3A_627 = arith.constant 0 : i32
      %dma_wait3A_628 = arith.constant 0 : i32
      %dma_wait3A_629 = tpu.memref_slice %arg9[%dma_wait3A_626, %dma_wait3A_627, %dma_wait3A_628] : memref<8x128x32xf32, #tpu.memory_space<vmem>> -> memref<1x128x32xf32, #tpu.memory_space<vmem>>
      %dma_wait3A_630 = tpu.memref_squeeze %dma_wait3A_629 : memref<1x128x32xf32, #tpu.memory_space<vmem>> -> memref<128x32xf32, #tpu.memory_space<vmem>>
      %dma_wait3A_631 = arith.constant 0 : i32
      %dma_wait3A_632 = tpu.memref_slice %arg8[%add3A_459, %dma_wait3A_631] : memref<79x128xi32, #tpu.memory_space<vmem>> -> memref<1x128xi32, #tpu.memory_space<vmem>>
      %dma_wait3A_633 = tpu.memref_squeeze %dma_wait3A_632 : memref<1x128xi32, #tpu.memory_space<vmem>> -> memref<128xi32, #tpu.memory_space<vmem>>
      %dma_wait3A_634 = arith.constant 0 : i32
      %dma_wait3A_635 = arith.constant 0 : i32
      %dma_wait3A_636 = tpu.memref_slice %arg10[%dma_wait3A_634, %dma_wait3A_635] : memref<10112x32xf32, #tpu.memory_space<vmem_shared>> -> memref<10112x32xf32, #tpu.memory_space<vmem_shared>>
      tpu.wait_indirect_dma semaphore(%arg12 : memref<!tpu.dma_semaphore, #tpu.memory_space<semaphore_mem>>) src(%dma_wait3A_630 : memref<128x32xf32, #tpu.memory_space<vmem>>) dst(%dma_wait3A_636 : memref<10112x32xf32, #tpu.memory_space<vmem_shared>>)
      %dma_wait3A_637 = arith.constant 2 : i32
      %dma_wait3A_638 = arith.constant 0 : i32
      %dma_wait3A_639 = arith.constant 0 : i32
      %dma_wait3A_640 = tpu.memref_slice %arg9[%dma_wait3A_637, %dma_wait3A_638, %dma_wait3A_639] : memref<8x128x32xf32, #tpu.memory_space<vmem>> -> memref<1x128x32xf32, #tpu.memory_space<vmem>>
      %dma_wait3A_641 = tpu.memref_squeeze %dma_wait3A_640 : memref<1x128x32xf32, #tpu.memory_space<vmem>> -> memref<128x32xf32, #tpu.memory_space<vmem>>
      %dma_wait3A_642 = arith.constant 0 : i32
      %dma_wait3A_643 = tpu.memref_slice %arg8[%add3A_483, %dma_wait3A_642] : memref<79x128xi32, #tpu.memory_space<vmem>> -> memref<1x128xi32, #tpu.memory_space<vmem>>
      %dma_wait3A_644 = tpu.memref_squeeze %dma_wait3A_643 : memref<1x128xi32, #tpu.memory_space<vmem>> -> memref<128xi32, #tpu.memory_space<vmem>>
      %dma_wait3A_645 = arith.constant 0 : i32
      %dma_wait3A_646 = arith.constant 0 : i32
      %dma_wait3A_647 = tpu.memref_slice %arg10[%dma_wait3A_645, %dma_wait3A_646] : memref<10112x32xf32, #tpu.memory_space<vmem_shared>> -> memref<10112x32xf32, #tpu.memory_space<vmem_shared>>
      tpu.wait_indirect_dma semaphore(%arg12 : memref<!tpu.dma_semaphore, #tpu.memory_space<semaphore_mem>>) src(%dma_wait3A_641 : memref<128x32xf32, #tpu.memory_space<vmem>>) dst(%dma_wait3A_647 : memref<10112x32xf32, #tpu.memory_space<vmem_shared>>)
      %dma_wait3A_648 = arith.constant 3 : i32
      %dma_wait3A_649 = arith.constant 0 : i32
      %dma_wait3A_650 = arith.constant 0 : i32
      %dma_wait3A_651 = tpu.memref_slice %arg9[%dma_wait3A_648, %dma_wait3A_649, %dma_wait3A_650] : memref<8x128x32xf32, #tpu.memory_space<vmem>> -> memref<1x128x32xf32, #tpu.memory_space<vmem>>
      %dma_wait3A_652 = tpu.memref_squeeze %dma_wait3A_651 : memref<1x128x32xf32, #tpu.memory_space<vmem>> -> memref<128x32xf32, #tpu.memory_space<vmem>>
      %dma_wait3A_653 = arith.constant 0 : i32
      %dma_wait3A_654 = tpu.memref_slice %arg8[%add3A_507, %dma_wait3A_653] : memref<79x128xi32, #tpu.memory_space<vmem>> -> memref<1x128xi32, #tpu.memory_space<vmem>>
      %dma_wait3A_655 = tpu.memref_squeeze %dma_wait3A_654 : memref<1x128xi32, #tpu.memory_space<vmem>> -> memref<128xi32, #tpu.memory_space<vmem>>
      %dma_wait3A_656 = arith.constant 0 : i32
      %dma_wait3A_657 = arith.constant 0 : i32
      %dma_wait3A_658 = tpu.memref_slice %arg10[%dma_wait3A_656, %dma_wait3A_657] : memref<10112x32xf32, #tpu.memory_space<vmem_shared>> -> memref<10112x32xf32, #tpu.memory_space<vmem_shared>>
      tpu.wait_indirect_dma semaphore(%arg12 : memref<!tpu.dma_semaphore, #tpu.memory_space<semaphore_mem>>) src(%dma_wait3A_652 : memref<128x32xf32, #tpu.memory_space<vmem>>) dst(%dma_wait3A_658 : memref<10112x32xf32, #tpu.memory_space<vmem_shared>>)
      %dma_wait3A_659 = arith.constant 4 : i32
      %dma_wait3A_660 = arith.constant 0 : i32
      %dma_wait3A_661 = arith.constant 0 : i32
      %dma_wait3A_662 = tpu.memref_slice %arg9[%dma_wait3A_659, %dma_wait3A_660, %dma_wait3A_661] : memref<8x128x32xf32, #tpu.memory_space<vmem>> -> memref<1x128x32xf32, #tpu.memory_space<vmem>>
      %dma_wait3A_663 = tpu.memref_squeeze %dma_wait3A_662 : memref<1x128x32xf32, #tpu.memory_space<vmem>> -> memref<128x32xf32, #tpu.memory_space<vmem>>
      %dma_wait3A_664 = arith.constant 0 : i32
      %dma_wait3A_665 = tpu.memref_slice %arg8[%add3A_531, %dma_wait3A_664] : memref<79x128xi32, #tpu.memory_space<vmem>> -> memref<1x128xi32, #tpu.memory_space<vmem>>
      %dma_wait3A_666 = tpu.memref_squeeze %dma_wait3A_665 : memref<1x128xi32, #tpu.memory_space<vmem>> -> memref<128xi32, #tpu.memory_space<vmem>>
      %dma_wait3A_667 = arith.constant 0 : i32
      %dma_wait3A_668 = arith.constant 0 : i32
      %dma_wait3A_669 = tpu.memref_slice %arg10[%dma_wait3A_667, %dma_wait3A_668] : memref<10112x32xf32, #tpu.memory_space<vmem_shared>> -> memref<10112x32xf32, #tpu.memory_space<vmem_shared>>
      tpu.wait_indirect_dma semaphore(%arg12 : memref<!tpu.dma_semaphore, #tpu.memory_space<semaphore_mem>>) src(%dma_wait3A_663 : memref<128x32xf32, #tpu.memory_space<vmem>>) dst(%dma_wait3A_669 : memref<10112x32xf32, #tpu.memory_space<vmem_shared>>)
      %dma_wait3A_670 = arith.constant 5 : i32
      %dma_wait3A_671 = arith.constant 0 : i32
      %dma_wait3A_672 = arith.constant 0 : i32
      %dma_wait3A_673 = tpu.memref_slice %arg9[%dma_wait3A_670, %dma_wait3A_671, %dma_wait3A_672] : memref<8x128x32xf32, #tpu.memory_space<vmem>> -> memref<1x128x32xf32, #tpu.memory_space<vmem>>
      %dma_wait3A_674 = tpu.memref_squeeze %dma_wait3A_673 : memref<1x128x32xf32, #tpu.memory_space<vmem>> -> memref<128x32xf32, #tpu.memory_space<vmem>>
      %dma_wait3A_675 = arith.constant 0 : i32
      %dma_wait3A_676 = tpu.memref_slice %arg8[%add3A_555, %dma_wait3A_675] : memref<79x128xi32, #tpu.memory_space<vmem>> -> memref<1x128xi32, #tpu.memory_space<vmem>>
      %dma_wait3A_677 = tpu.memref_squeeze %dma_wait3A_676 : memref<1x128xi32, #tpu.memory_space<vmem>> -> memref<128xi32, #tpu.memory_space<vmem>>
      %dma_wait3A_678 = arith.constant 0 : i32
      %dma_wait3A_679 = arith.constant 0 : i32
      %dma_wait3A_680 = tpu.memref_slice %arg10[%dma_wait3A_678, %dma_wait3A_679] : memref<10112x32xf32, #tpu.memory_space<vmem_shared>> -> memref<10112x32xf32, #tpu.memory_space<vmem_shared>>
      tpu.wait_indirect_dma semaphore(%arg12 : memref<!tpu.dma_semaphore, #tpu.memory_space<semaphore_mem>>) src(%dma_wait3A_674 : memref<128x32xf32, #tpu.memory_space<vmem>>) dst(%dma_wait3A_680 : memref<10112x32xf32, #tpu.memory_space<vmem_shared>>)
      %dma_wait3A_681 = arith.constant 6 : i32
      %dma_wait3A_682 = arith.constant 0 : i32
      %dma_wait3A_683 = arith.constant 0 : i32
      %dma_wait3A_684 = tpu.memref_slice %arg9[%dma_wait3A_681, %dma_wait3A_682, %dma_wait3A_683] : memref<8x128x32xf32, #tpu.memory_space<vmem>> -> memref<1x128x32xf32, #tpu.memory_space<vmem>>
      %dma_wait3A_685 = tpu.memref_squeeze %dma_wait3A_684 : memref<1x128x32xf32, #tpu.memory_space<vmem>> -> memref<128x32xf32, #tpu.memory_space<vmem>>
      %dma_wait3A_686 = arith.constant 0 : i32
      %dma_wait3A_687 = tpu.memref_slice %arg8[%add3A_579, %dma_wait3A_686] : memref<79x128xi32, #tpu.memory_space<vmem>> -> memref<1x128xi32, #tpu.memory_space<vmem>>
      %dma_wait3A_688 = tpu.memref_squeeze %dma_wait3A_687 : memref<1x128xi32, #tpu.memory_space<vmem>> -> memref<128xi32, #tpu.memory_space<vmem>>
      %dma_wait3A_689 = arith.constant 0 : i32
      %dma_wait3A_690 = arith.constant 0 : i32
      %dma_wait3A_691 = tpu.memref_slice %arg10[%dma_wait3A_689, %dma_wait3A_690] : memref<10112x32xf32, #tpu.memory_space<vmem_shared>> -> memref<10112x32xf32, #tpu.memory_space<vmem_shared>>
      tpu.wait_indirect_dma semaphore(%arg12 : memref<!tpu.dma_semaphore, #tpu.memory_space<semaphore_mem>>) src(%dma_wait3A_685 : memref<128x32xf32, #tpu.memory_space<vmem>>) dst(%dma_wait3A_691 : memref<10112x32xf32, #tpu.memory_space<vmem_shared>>)
      %dma_wait3A_692 = arith.constant 7 : i32
      %dma_wait3A_693 = arith.constant 0 : i32
      %dma_wait3A_694 = arith.constant 0 : i32
      %dma_wait3A_695 = tpu.memref_slice %arg9[%dma_wait3A_692, %dma_wait3A_693, %dma_wait3A_694] : memref<8x128x32xf32, #tpu.memory_space<vmem>> -> memref<1x128x32xf32, #tpu.memory_space<vmem>>
      %dma_wait3A_696 = tpu.memref_squeeze %dma_wait3A_695 : memref<1x128x32xf32, #tpu.memory_space<vmem>> -> memref<128x32xf32, #tpu.memory_space<vmem>>
      %dma_wait3A_697 = arith.constant 0 : i32
      %dma_wait3A_698 = tpu.memref_slice %arg8[%add3A_603, %dma_wait3A_697] : memref<79x128xi32, #tpu.memory_space<vmem>> -> memref<1x128xi32, #tpu.memory_space<vmem>>
      %dma_wait3A_699 = tpu.memref_squeeze %dma_wait3A_698 : memref<1x128xi32, #tpu.memory_space<vmem>> -> memref<128xi32, #tpu.memory_space<vmem>>
      %dma_wait3A_700 = arith.constant 0 : i32
      %dma_wait3A_701 = arith.constant 0 : i32
      %dma_wait3A_702 = tpu.memref_slice %arg10[%dma_wait3A_700, %dma_wait3A_701] : memref<10112x32xf32, #tpu.memory_space<vmem_shared>> -> memref<10112x32xf32, #tpu.memory_space<vmem_shared>>
      tpu.wait_indirect_dma semaphore(%arg12 : memref<!tpu.dma_semaphore, #tpu.memory_space<semaphore_mem>>) src(%dma_wait3A_696 : memref<128x32xf32, #tpu.memory_space<vmem>>) dst(%dma_wait3A_702 : memref<10112x32xf32, #tpu.memory_space<vmem_shared>>)
    }
    %scan3A_19 = arith.constant 9 : i32
    %dma_start3A = arith.constant 72 : i32
    %dma_start3A_20 = arith.constant 0 : i32
    %dma_start3A_21 = arith.constant 0 : i32
    %dma_start3A_22 = arith.constant 0 : i32
    %dma_start3A_23 = tpu.memref_slice %arg9[%dma_start3A_20, %dma_start3A_21, %dma_start3A_22] : memref<8x128x32xf32, #tpu.memory_space<vmem>> -> memref<1x128x32xf32, #tpu.memory_space<vmem>>
    %dma_start3A_24 = tpu.memref_squeeze %dma_start3A_23 : memref<1x128x32xf32, #tpu.memory_space<vmem>> -> memref<128x32xf32, #tpu.memory_space<vmem>>
    %dma_start3A_25 = arith.constant 0 : i32
    %dma_start3A_26 = tpu.memref_slice %arg7[%dma_start3A, %dma_start3A_25] : memref<79x128xi32, #tpu.memory_space<vmem>> -> memref<1x128xi32, #tpu.memory_space<vmem>>
    %dma_start3A_27 = tpu.memref_squeeze %dma_start3A_26 : memref<1x128xi32, #tpu.memory_space<vmem>> -> memref<128xi32, #tpu.memory_space<vmem>>
    %dma_start3A_28 = arith.constant 0 : i32
    %dma_start3A_29 = arith.constant 0 : i32
    %dma_start3A_30 = tpu.memref_slice %arg4[%dma_start3A_28, %dma_start3A_29] : memref<10000x32xf32, #tpu.memory_space<hbm>> -> memref<10000x32xf32, #tpu.memory_space<hbm>>
    tpu.enqueue_indirect_dma source(%dma_start3A_30 : memref<10000x32xf32, #tpu.memory_space<hbm>>) target(%dma_start3A_24 : memref<128x32xf32, #tpu.memory_space<vmem>>) offsets(%dma_start3A_27 : memref<128xi32, #tpu.memory_space<vmem>>) semaphore(%arg11 : memref<!tpu.dma_semaphore, #tpu.memory_space<semaphore_mem>>)
    %dma_start3A_31 = arith.constant 73 : i32
    %dma_start3A_32 = arith.constant 1 : i32
    %dma_start3A_33 = arith.constant 0 : i32
    %dma_start3A_34 = arith.constant 0 : i32
    %dma_start3A_35 = tpu.memref_slice %arg9[%dma_start3A_32, %dma_start3A_33, %dma_start3A_34] : memref<8x128x32xf32, #tpu.memory_space<vmem>> -> memref<1x128x32xf32, #tpu.memory_space<vmem>>
    %dma_start3A_36 = tpu.memref_squeeze %dma_start3A_35 : memref<1x128x32xf32, #tpu.memory_space<vmem>> -> memref<128x32xf32, #tpu.memory_space<vmem>>
    %dma_start3A_37 = arith.constant 0 : i32
    %dma_start3A_38 = tpu.memref_slice %arg7[%dma_start3A_31, %dma_start3A_37] : memref<79x128xi32, #tpu.memory_space<vmem>> -> memref<1x128xi32, #tpu.memory_space<vmem>>
    %dma_start3A_39 = tpu.memref_squeeze %dma_start3A_38 : memref<1x128xi32, #tpu.memory_space<vmem>> -> memref<128xi32, #tpu.memory_space<vmem>>
    %dma_start3A_40 = arith.constant 0 : i32
    %dma_start3A_41 = arith.constant 0 : i32
    %dma_start3A_42 = tpu.memref_slice %arg4[%dma_start3A_40, %dma_start3A_41] : memref<10000x32xf32, #tpu.memory_space<hbm>> -> memref<10000x32xf32, #tpu.memory_space<hbm>>
    tpu.enqueue_indirect_dma source(%dma_start3A_42 : memref<10000x32xf32, #tpu.memory_space<hbm>>) target(%dma_start3A_36 : memref<128x32xf32, #tpu.memory_space<vmem>>) offsets(%dma_start3A_39 : memref<128xi32, #tpu.memory_space<vmem>>) semaphore(%arg11 : memref<!tpu.dma_semaphore, #tpu.memory_space<semaphore_mem>>)
    %dma_start3A_43 = arith.constant 74 : i32
    %dma_start3A_44 = arith.constant 2 : i32
    %dma_start3A_45 = arith.constant 0 : i32
    %dma_start3A_46 = arith.constant 0 : i32
    %dma_start3A_47 = tpu.memref_slice %arg9[%dma_start3A_44, %dma_start3A_45, %dma_start3A_46] : memref<8x128x32xf32, #tpu.memory_space<vmem>> -> memref<1x128x32xf32, #tpu.memory_space<vmem>>
    %dma_start3A_48 = tpu.memref_squeeze %dma_start3A_47 : memref<1x128x32xf32, #tpu.memory_space<vmem>> -> memref<128x32xf32, #tpu.memory_space<vmem>>
    %dma_start3A_49 = arith.constant 0 : i32
    %dma_start3A_50 = tpu.memref_slice %arg7[%dma_start3A_43, %dma_start3A_49] : memref<79x128xi32, #tpu.memory_space<vmem>> -> memref<1x128xi32, #tpu.memory_space<vmem>>
    %dma_start3A_51 = tpu.memref_squeeze %dma_start3A_50 : memref<1x128xi32, #tpu.memory_space<vmem>> -> memref<128xi32, #tpu.memory_space<vmem>>
    %dma_start3A_52 = arith.constant 0 : i32
    %dma_start3A_53 = arith.constant 0 : i32
    %dma_start3A_54 = tpu.memref_slice %arg4[%dma_start3A_52, %dma_start3A_53] : memref<10000x32xf32, #tpu.memory_space<hbm>> -> memref<10000x32xf32, #tpu.memory_space<hbm>>
    tpu.enqueue_indirect_dma source(%dma_start3A_54 : memref<10000x32xf32, #tpu.memory_space<hbm>>) target(%dma_start3A_48 : memref<128x32xf32, #tpu.memory_space<vmem>>) offsets(%dma_start3A_51 : memref<128xi32, #tpu.memory_space<vmem>>) semaphore(%arg11 : memref<!tpu.dma_semaphore, #tpu.memory_space<semaphore_mem>>)
    %dma_start3A_55 = arith.constant 75 : i32
    %dma_start3A_56 = arith.constant 3 : i32
    %dma_start3A_57 = arith.constant 0 : i32
    %dma_start3A_58 = arith.constant 0 : i32
    %dma_start3A_59 = tpu.memref_slice %arg9[%dma_start3A_56, %dma_start3A_57, %dma_start3A_58] : memref<8x128x32xf32, #tpu.memory_space<vmem>> -> memref<1x128x32xf32, #tpu.memory_space<vmem>>
    %dma_start3A_60 = tpu.memref_squeeze %dma_start3A_59 : memref<1x128x32xf32, #tpu.memory_space<vmem>> -> memref<128x32xf32, #tpu.memory_space<vmem>>
    %dma_start3A_61 = arith.constant 0 : i32
    %dma_start3A_62 = tpu.memref_slice %arg7[%dma_start3A_55, %dma_start3A_61] : memref<79x128xi32, #tpu.memory_space<vmem>> -> memref<1x128xi32, #tpu.memory_space<vmem>>
    %dma_start3A_63 = tpu.memref_squeeze %dma_start3A_62 : memref<1x128xi32, #tpu.memory_space<vmem>> -> memref<128xi32, #tpu.memory_space<vmem>>
    %dma_start3A_64 = arith.constant 0 : i32
    %dma_start3A_65 = arith.constant 0 : i32
    %dma_start3A_66 = tpu.memref_slice %arg4[%dma_start3A_64, %dma_start3A_65] : memref<10000x32xf32, #tpu.memory_space<hbm>> -> memref<10000x32xf32, #tpu.memory_space<hbm>>
    tpu.enqueue_indirect_dma source(%dma_start3A_66 : memref<10000x32xf32, #tpu.memory_space<hbm>>) target(%dma_start3A_60 : memref<128x32xf32, #tpu.memory_space<vmem>>) offsets(%dma_start3A_63 : memref<128xi32, #tpu.memory_space<vmem>>) semaphore(%arg11 : memref<!tpu.dma_semaphore, #tpu.memory_space<semaphore_mem>>)
    %dma_start3A_67 = arith.constant 76 : i32
    %dma_start3A_68 = arith.constant 4 : i32
    %dma_start3A_69 = arith.constant 0 : i32
    %dma_start3A_70 = arith.constant 0 : i32
    %dma_start3A_71 = tpu.memref_slice %arg9[%dma_start3A_68, %dma_start3A_69, %dma_start3A_70] : memref<8x128x32xf32, #tpu.memory_space<vmem>> -> memref<1x128x32xf32, #tpu.memory_space<vmem>>
    %dma_start3A_72 = tpu.memref_squeeze %dma_start3A_71 : memref<1x128x32xf32, #tpu.memory_space<vmem>> -> memref<128x32xf32, #tpu.memory_space<vmem>>
    %dma_start3A_73 = arith.constant 0 : i32
    %dma_start3A_74 = tpu.memref_slice %arg7[%dma_start3A_67, %dma_start3A_73] : memref<79x128xi32, #tpu.memory_space<vmem>> -> memref<1x128xi32, #tpu.memory_space<vmem>>
    %dma_start3A_75 = tpu.memref_squeeze %dma_start3A_74 : memref<1x128xi32, #tpu.memory_space<vmem>> -> memref<128xi32, #tpu.memory_space<vmem>>
    %dma_start3A_76 = arith.constant 0 : i32
    %dma_start3A_77 = arith.constant 0 : i32
    %dma_start3A_78 = tpu.memref_slice %arg4[%dma_start3A_76, %dma_start3A_77] : memref<10000x32xf32, #tpu.memory_space<hbm>> -> memref<10000x32xf32, #tpu.memory_space<hbm>>
    tpu.enqueue_indirect_dma source(%dma_start3A_78 : memref<10000x32xf32, #tpu.memory_space<hbm>>) target(%dma_start3A_72 : memref<128x32xf32, #tpu.memory_space<vmem>>) offsets(%dma_start3A_75 : memref<128xi32, #tpu.memory_space<vmem>>) semaphore(%arg11 : memref<!tpu.dma_semaphore, #tpu.memory_space<semaphore_mem>>)
    %dma_start3A_79 = arith.constant 77 : i32
    %dma_start3A_80 = arith.constant 5 : i32
    %dma_start3A_81 = arith.constant 0 : i32
    %dma_start3A_82 = arith.constant 0 : i32
    %dma_start3A_83 = tpu.memref_slice %arg9[%dma_start3A_80, %dma_start3A_81, %dma_start3A_82] : memref<8x128x32xf32, #tpu.memory_space<vmem>> -> memref<1x128x32xf32, #tpu.memory_space<vmem>>
    %dma_start3A_84 = tpu.memref_squeeze %dma_start3A_83 : memref<1x128x32xf32, #tpu.memory_space<vmem>> -> memref<128x32xf32, #tpu.memory_space<vmem>>
    %dma_start3A_85 = arith.constant 0 : i32
    %dma_start3A_86 = tpu.memref_slice %arg7[%dma_start3A_79, %dma_start3A_85] : memref<79x128xi32, #tpu.memory_space<vmem>> -> memref<1x128xi32, #tpu.memory_space<vmem>>
    %dma_start3A_87 = tpu.memref_squeeze %dma_start3A_86 : memref<1x128xi32, #tpu.memory_space<vmem>> -> memref<128xi32, #tpu.memory_space<vmem>>
    %dma_start3A_88 = arith.constant 0 : i32
    %dma_start3A_89 = arith.constant 0 : i32
    %dma_start3A_90 = tpu.memref_slice %arg4[%dma_start3A_88, %dma_start3A_89] : memref<10000x32xf32, #tpu.memory_space<hbm>> -> memref<10000x32xf32, #tpu.memory_space<hbm>>
    tpu.enqueue_indirect_dma source(%dma_start3A_90 : memref<10000x32xf32, #tpu.memory_space<hbm>>) target(%dma_start3A_84 : memref<128x32xf32, #tpu.memory_space<vmem>>) offsets(%dma_start3A_87 : memref<128xi32, #tpu.memory_space<vmem>>) semaphore(%arg11 : memref<!tpu.dma_semaphore, #tpu.memory_space<semaphore_mem>>)
    %dma_wait3A = arith.constant 72 : i32
    %dma_wait3A_91 = arith.constant 0 : i32
    %dma_wait3A_92 = arith.constant 0 : i32
    %dma_wait3A_93 = arith.constant 0 : i32
    %dma_wait3A_94 = tpu.memref_slice %arg9[%dma_wait3A_91, %dma_wait3A_92, %dma_wait3A_93] : memref<8x128x32xf32, #tpu.memory_space<vmem>> -> memref<1x128x32xf32, #tpu.memory_space<vmem>>
    %dma_wait3A_95 = tpu.memref_squeeze %dma_wait3A_94 : memref<1x128x32xf32, #tpu.memory_space<vmem>> -> memref<128x32xf32, #tpu.memory_space<vmem>>
    %dma_wait3A_96 = arith.constant 0 : i32
    %dma_wait3A_97 = tpu.memref_slice %arg7[%dma_wait3A, %dma_wait3A_96] : memref<79x128xi32, #tpu.memory_space<vmem>> -> memref<1x128xi32, #tpu.memory_space<vmem>>
    %dma_wait3A_98 = tpu.memref_squeeze %dma_wait3A_97 : memref<1x128xi32, #tpu.memory_space<vmem>> -> memref<128xi32, #tpu.memory_space<vmem>>
    %dma_wait3A_99 = arith.constant 0 : i32
    %dma_wait3A_100 = arith.constant 0 : i32
    %dma_wait3A_101 = tpu.memref_slice %arg4[%dma_wait3A_99, %dma_wait3A_100] : memref<10000x32xf32, #tpu.memory_space<hbm>> -> memref<10000x32xf32, #tpu.memory_space<hbm>>
    tpu.wait_indirect_dma semaphore(%arg11 : memref<!tpu.dma_semaphore, #tpu.memory_space<semaphore_mem>>) src(%dma_wait3A_101 : memref<10000x32xf32, #tpu.memory_space<hbm>>) dst(%dma_wait3A_95 : memref<128x32xf32, #tpu.memory_space<vmem>>)
    %dma_start3A_102 = arith.constant 0 : i32
    %dma_start3A_103 = arith.constant 72 : i32
    %dma_start3A_104 = arith.constant 0 : i32
    %dma_start3A_105 = arith.constant 0 : i32
    %dma_start3A_106 = tpu.memref_slice %arg9[%dma_start3A_102, %dma_start3A_104, %dma_start3A_105] : memref<8x128x32xf32, #tpu.memory_space<vmem>> -> memref<1x128x32xf32, #tpu.memory_space<vmem>>
    %dma_start3A_107 = tpu.memref_squeeze %dma_start3A_106 : memref<1x128x32xf32, #tpu.memory_space<vmem>> -> memref<128x32xf32, #tpu.memory_space<vmem>>
    %dma_start3A_108 = arith.constant 0 : i32
    %dma_start3A_109 = tpu.memref_slice %arg8[%dma_start3A_103, %dma_start3A_108] : memref<79x128xi32, #tpu.memory_space<vmem>> -> memref<1x128xi32, #tpu.memory_space<vmem>>
    %dma_start3A_110 = tpu.memref_squeeze %dma_start3A_109 : memref<1x128xi32, #tpu.memory_space<vmem>> -> memref<128xi32, #tpu.memory_space<vmem>>
    %dma_start3A_111 = arith.constant 0 : i32
    %dma_start3A_112 = arith.constant 0 : i32
    %dma_start3A_113 = tpu.memref_slice %arg10[%dma_start3A_111, %dma_start3A_112] : memref<10112x32xf32, #tpu.memory_space<vmem_shared>> -> memref<10112x32xf32, #tpu.memory_space<vmem_shared>>
    tpu.enqueue_indirect_dma source(%dma_start3A_107 : memref<128x32xf32, #tpu.memory_space<vmem>>) target(%dma_start3A_113 : memref<10112x32xf32, #tpu.memory_space<vmem_shared>>) offsets(%dma_start3A_110 : memref<128xi32, #tpu.memory_space<vmem>>) semaphore(%arg12 : memref<!tpu.dma_semaphore, #tpu.memory_space<semaphore_mem>>) {add = true}
    %dma_wait3A_114 = arith.constant 73 : i32
    %dma_wait3A_115 = arith.constant 1 : i32
    %dma_wait3A_116 = arith.constant 0 : i32
    %dma_wait3A_117 = arith.constant 0 : i32
    %dma_wait3A_118 = tpu.memref_slice %arg9[%dma_wait3A_115, %dma_wait3A_116, %dma_wait3A_117] : memref<8x128x32xf32, #tpu.memory_space<vmem>> -> memref<1x128x32xf32, #tpu.memory_space<vmem>>
    %dma_wait3A_119 = tpu.memref_squeeze %dma_wait3A_118 : memref<1x128x32xf32, #tpu.memory_space<vmem>> -> memref<128x32xf32, #tpu.memory_space<vmem>>
    %dma_wait3A_120 = arith.constant 0 : i32
    %dma_wait3A_121 = tpu.memref_slice %arg7[%dma_wait3A_114, %dma_wait3A_120] : memref<79x128xi32, #tpu.memory_space<vmem>> -> memref<1x128xi32, #tpu.memory_space<vmem>>
    %dma_wait3A_122 = tpu.memref_squeeze %dma_wait3A_121 : memref<1x128xi32, #tpu.memory_space<vmem>> -> memref<128xi32, #tpu.memory_space<vmem>>
    %dma_wait3A_123 = arith.constant 0 : i32
    %dma_wait3A_124 = arith.constant 0 : i32
    %dma_wait3A_125 = tpu.memref_slice %arg4[%dma_wait3A_123, %dma_wait3A_124] : memref<10000x32xf32, #tpu.memory_space<hbm>> -> memref<10000x32xf32, #tpu.memory_space<hbm>>
    tpu.wait_indirect_dma semaphore(%arg11 : memref<!tpu.dma_semaphore, #tpu.memory_space<semaphore_mem>>) src(%dma_wait3A_125 : memref<10000x32xf32, #tpu.memory_space<hbm>>) dst(%dma_wait3A_119 : memref<128x32xf32, #tpu.memory_space<vmem>>)
    %dma_start3A_126 = arith.constant 1 : i32
    %dma_start3A_127 = arith.constant 73 : i32
    %dma_start3A_128 = arith.constant 0 : i32
    %dma_start3A_129 = arith.constant 0 : i32
    %dma_start3A_130 = tpu.memref_slice %arg9[%dma_start3A_126, %dma_start3A_128, %dma_start3A_129] : memref<8x128x32xf32, #tpu.memory_space<vmem>> -> memref<1x128x32xf32, #tpu.memory_space<vmem>>
    %dma_start3A_131 = tpu.memref_squeeze %dma_start3A_130 : memref<1x128x32xf32, #tpu.memory_space<vmem>> -> memref<128x32xf32, #tpu.memory_space<vmem>>
    %dma_start3A_132 = arith.constant 0 : i32
    %dma_start3A_133 = tpu.memref_slice %arg8[%dma_start3A_127, %dma_start3A_132] : memref<79x128xi32, #tpu.memory_space<vmem>> -> memref<1x128xi32, #tpu.memory_space<vmem>>
    %dma_start3A_134 = tpu.memref_squeeze %dma_start3A_133 : memref<1x128xi32, #tpu.memory_space<vmem>> -> memref<128xi32, #tpu.memory_space<vmem>>
    %dma_start3A_135 = arith.constant 0 : i32
    %dma_start3A_136 = arith.constant 0 : i32
    %dma_start3A_137 = tpu.memref_slice %arg10[%dma_start3A_135, %dma_start3A_136] : memref<10112x32xf32, #tpu.memory_space<vmem_shared>> -> memref<10112x32xf32, #tpu.memory_space<vmem_shared>>
    tpu.enqueue_indirect_dma source(%dma_start3A_131 : memref<128x32xf32, #tpu.memory_space<vmem>>) target(%dma_start3A_137 : memref<10112x32xf32, #tpu.memory_space<vmem_shared>>) offsets(%dma_start3A_134 : memref<128xi32, #tpu.memory_space<vmem>>) semaphore(%arg12 : memref<!tpu.dma_semaphore, #tpu.memory_space<semaphore_mem>>) {add = true}
    %dma_wait3A_138 = arith.constant 74 : i32
    %dma_wait3A_139 = arith.constant 2 : i32
    %dma_wait3A_140 = arith.constant 0 : i32
    %dma_wait3A_141 = arith.constant 0 : i32
    %dma_wait3A_142 = tpu.memref_slice %arg9[%dma_wait3A_139, %dma_wait3A_140, %dma_wait3A_141] : memref<8x128x32xf32, #tpu.memory_space<vmem>> -> memref<1x128x32xf32, #tpu.memory_space<vmem>>
    %dma_wait3A_143 = tpu.memref_squeeze %dma_wait3A_142 : memref<1x128x32xf32, #tpu.memory_space<vmem>> -> memref<128x32xf32, #tpu.memory_space<vmem>>
    %dma_wait3A_144 = arith.constant 0 : i32
    %dma_wait3A_145 = tpu.memref_slice %arg7[%dma_wait3A_138, %dma_wait3A_144] : memref<79x128xi32, #tpu.memory_space<vmem>> -> memref<1x128xi32, #tpu.memory_space<vmem>>
    %dma_wait3A_146 = tpu.memref_squeeze %dma_wait3A_145 : memref<1x128xi32, #tpu.memory_space<vmem>> -> memref<128xi32, #tpu.memory_space<vmem>>
    %dma_wait3A_147 = arith.constant 0 : i32
    %dma_wait3A_148 = arith.constant 0 : i32
    %dma_wait3A_149 = tpu.memref_slice %arg4[%dma_wait3A_147, %dma_wait3A_148] : memref<10000x32xf32, #tpu.memory_space<hbm>> -> memref<10000x32xf32, #tpu.memory_space<hbm>>
    tpu.wait_indirect_dma semaphore(%arg11 : memref<!tpu.dma_semaphore, #tpu.memory_space<semaphore_mem>>) src(%dma_wait3A_149 : memref<10000x32xf32, #tpu.memory_space<hbm>>) dst(%dma_wait3A_143 : memref<128x32xf32, #tpu.memory_space<vmem>>)
    %dma_start3A_150 = arith.constant 2 : i32
    %dma_start3A_151 = arith.constant 74 : i32
    %dma_start3A_152 = arith.constant 0 : i32
    %dma_start3A_153 = arith.constant 0 : i32
    %dma_start3A_154 = tpu.memref_slice %arg9[%dma_start3A_150, %dma_start3A_152, %dma_start3A_153] : memref<8x128x32xf32, #tpu.memory_space<vmem>> -> memref<1x128x32xf32, #tpu.memory_space<vmem>>
    %dma_start3A_155 = tpu.memref_squeeze %dma_start3A_154 : memref<1x128x32xf32, #tpu.memory_space<vmem>> -> memref<128x32xf32, #tpu.memory_space<vmem>>
    %dma_start3A_156 = arith.constant 0 : i32
    %dma_start3A_157 = tpu.memref_slice %arg8[%dma_start3A_151, %dma_start3A_156] : memref<79x128xi32, #tpu.memory_space<vmem>> -> memref<1x128xi32, #tpu.memory_space<vmem>>
    %dma_start3A_158 = tpu.memref_squeeze %dma_start3A_157 : memref<1x128xi32, #tpu.memory_space<vmem>> -> memref<128xi32, #tpu.memory_space<vmem>>
    %dma_start3A_159 = arith.constant 0 : i32
    %dma_start3A_160 = arith.constant 0 : i32
    %dma_start3A_161 = tpu.memref_slice %arg10[%dma_start3A_159, %dma_start3A_160] : memref<10112x32xf32, #tpu.memory_space<vmem_shared>> -> memref<10112x32xf32, #tpu.memory_space<vmem_shared>>
    tpu.enqueue_indirect_dma source(%dma_start3A_155 : memref<128x32xf32, #tpu.memory_space<vmem>>) target(%dma_start3A_161 : memref<10112x32xf32, #tpu.memory_space<vmem_shared>>) offsets(%dma_start3A_158 : memref<128xi32, #tpu.memory_space<vmem>>) semaphore(%arg12 : memref<!tpu.dma_semaphore, #tpu.memory_space<semaphore_mem>>) {add = true}
    %dma_wait3A_162 = arith.constant 75 : i32
    %dma_wait3A_163 = arith.constant 3 : i32
    %dma_wait3A_164 = arith.constant 0 : i32
    %dma_wait3A_165 = arith.constant 0 : i32
    %dma_wait3A_166 = tpu.memref_slice %arg9[%dma_wait3A_163, %dma_wait3A_164, %dma_wait3A_165] : memref<8x128x32xf32, #tpu.memory_space<vmem>> -> memref<1x128x32xf32, #tpu.memory_space<vmem>>
    %dma_wait3A_167 = tpu.memref_squeeze %dma_wait3A_166 : memref<1x128x32xf32, #tpu.memory_space<vmem>> -> memref<128x32xf32, #tpu.memory_space<vmem>>
    %dma_wait3A_168 = arith.constant 0 : i32
    %dma_wait3A_169 = tpu.memref_slice %arg7[%dma_wait3A_162, %dma_wait3A_168] : memref<79x128xi32, #tpu.memory_space<vmem>> -> memref<1x128xi32, #tpu.memory_space<vmem>>
    %dma_wait3A_170 = tpu.memref_squeeze %dma_wait3A_169 : memref<1x128xi32, #tpu.memory_space<vmem>> -> memref<128xi32, #tpu.memory_space<vmem>>
    %dma_wait3A_171 = arith.constant 0 : i32
    %dma_wait3A_172 = arith.constant 0 : i32
    %dma_wait3A_173 = tpu.memref_slice %arg4[%dma_wait3A_171, %dma_wait3A_172] : memref<10000x32xf32, #tpu.memory_space<hbm>> -> memref<10000x32xf32, #tpu.memory_space<hbm>>
    tpu.wait_indirect_dma semaphore(%arg11 : memref<!tpu.dma_semaphore, #tpu.memory_space<semaphore_mem>>) src(%dma_wait3A_173 : memref<10000x32xf32, #tpu.memory_space<hbm>>) dst(%dma_wait3A_167 : memref<128x32xf32, #tpu.memory_space<vmem>>)
    %dma_start3A_174 = arith.constant 3 : i32
    %dma_start3A_175 = arith.constant 75 : i32
    %dma_start3A_176 = arith.constant 0 : i32
    %dma_start3A_177 = arith.constant 0 : i32
    %dma_start3A_178 = tpu.memref_slice %arg9[%dma_start3A_174, %dma_start3A_176, %dma_start3A_177] : memref<8x128x32xf32, #tpu.memory_space<vmem>> -> memref<1x128x32xf32, #tpu.memory_space<vmem>>
    %dma_start3A_179 = tpu.memref_squeeze %dma_start3A_178 : memref<1x128x32xf32, #tpu.memory_space<vmem>> -> memref<128x32xf32, #tpu.memory_space<vmem>>
    %dma_start3A_180 = arith.constant 0 : i32
    %dma_start3A_181 = tpu.memref_slice %arg8[%dma_start3A_175, %dma_start3A_180] : memref<79x128xi32, #tpu.memory_space<vmem>> -> memref<1x128xi32, #tpu.memory_space<vmem>>
    %dma_start3A_182 = tpu.memref_squeeze %dma_start3A_181 : memref<1x128xi32, #tpu.memory_space<vmem>> -> memref<128xi32, #tpu.memory_space<vmem>>
    %dma_start3A_183 = arith.constant 0 : i32
    %dma_start3A_184 = arith.constant 0 : i32
    %dma_start3A_185 = tpu.memref_slice %arg10[%dma_start3A_183, %dma_start3A_184] : memref<10112x32xf32, #tpu.memory_space<vmem_shared>> -> memref<10112x32xf32, #tpu.memory_space<vmem_shared>>
    tpu.enqueue_indirect_dma source(%dma_start3A_179 : memref<128x32xf32, #tpu.memory_space<vmem>>) target(%dma_start3A_185 : memref<10112x32xf32, #tpu.memory_space<vmem_shared>>) offsets(%dma_start3A_182 : memref<128xi32, #tpu.memory_space<vmem>>) semaphore(%arg12 : memref<!tpu.dma_semaphore, #tpu.memory_space<semaphore_mem>>) {add = true}
    %dma_wait3A_186 = arith.constant 76 : i32
    %dma_wait3A_187 = arith.constant 4 : i32
    %dma_wait3A_188 = arith.constant 0 : i32
    %dma_wait3A_189 = arith.constant 0 : i32
    %dma_wait3A_190 = tpu.memref_slice %arg9[%dma_wait3A_187, %dma_wait3A_188, %dma_wait3A_189] : memref<8x128x32xf32, #tpu.memory_space<vmem>> -> memref<1x128x32xf32, #tpu.memory_space<vmem>>
    %dma_wait3A_191 = tpu.memref_squeeze %dma_wait3A_190 : memref<1x128x32xf32, #tpu.memory_space<vmem>> -> memref<128x32xf32, #tpu.memory_space<vmem>>
    %dma_wait3A_192 = arith.constant 0 : i32
    %dma_wait3A_193 = tpu.memref_slice %arg7[%dma_wait3A_186, %dma_wait3A_192] : memref<79x128xi32, #tpu.memory_space<vmem>> -> memref<1x128xi32, #tpu.memory_space<vmem>>
    %dma_wait3A_194 = tpu.memref_squeeze %dma_wait3A_193 : memref<1x128xi32, #tpu.memory_space<vmem>> -> memref<128xi32, #tpu.memory_space<vmem>>
    %dma_wait3A_195 = arith.constant 0 : i32
    %dma_wait3A_196 = arith.constant 0 : i32
    %dma_wait3A_197 = tpu.memref_slice %arg4[%dma_wait3A_195, %dma_wait3A_196] : memref<10000x32xf32, #tpu.memory_space<hbm>> -> memref<10000x32xf32, #tpu.memory_space<hbm>>
    tpu.wait_indirect_dma semaphore(%arg11 : memref<!tpu.dma_semaphore, #tpu.memory_space<semaphore_mem>>) src(%dma_wait3A_197 : memref<10000x32xf32, #tpu.memory_space<hbm>>) dst(%dma_wait3A_191 : memref<128x32xf32, #tpu.memory_space<vmem>>)
    %dma_start3A_198 = arith.constant 4 : i32
    %dma_start3A_199 = arith.constant 76 : i32
    %dma_start3A_200 = arith.constant 0 : i32
    %dma_start3A_201 = arith.constant 0 : i32
    %dma_start3A_202 = tpu.memref_slice %arg9[%dma_start3A_198, %dma_start3A_200, %dma_start3A_201] : memref<8x128x32xf32, #tpu.memory_space<vmem>> -> memref<1x128x32xf32, #tpu.memory_space<vmem>>
    %dma_start3A_203 = tpu.memref_squeeze %dma_start3A_202 : memref<1x128x32xf32, #tpu.memory_space<vmem>> -> memref<128x32xf32, #tpu.memory_space<vmem>>
    %dma_start3A_204 = arith.constant 0 : i32
    %dma_start3A_205 = tpu.memref_slice %arg8[%dma_start3A_199, %dma_start3A_204] : memref<79x128xi32, #tpu.memory_space<vmem>> -> memref<1x128xi32, #tpu.memory_space<vmem>>
    %dma_start3A_206 = tpu.memref_squeeze %dma_start3A_205 : memref<1x128xi32, #tpu.memory_space<vmem>> -> memref<128xi32, #tpu.memory_space<vmem>>
    %dma_start3A_207 = arith.constant 0 : i32
    %dma_start3A_208 = arith.constant 0 : i32
    %dma_start3A_209 = tpu.memref_slice %arg10[%dma_start3A_207, %dma_start3A_208] : memref<10112x32xf32, #tpu.memory_space<vmem_shared>> -> memref<10112x32xf32, #tpu.memory_space<vmem_shared>>
    tpu.enqueue_indirect_dma source(%dma_start3A_203 : memref<128x32xf32, #tpu.memory_space<vmem>>) target(%dma_start3A_209 : memref<10112x32xf32, #tpu.memory_space<vmem_shared>>) offsets(%dma_start3A_206 : memref<128xi32, #tpu.memory_space<vmem>>) semaphore(%arg12 : memref<!tpu.dma_semaphore, #tpu.memory_space<semaphore_mem>>) {add = true}
    %dma_wait3A_210 = arith.constant 77 : i32
    %dma_wait3A_211 = arith.constant 5 : i32
    %dma_wait3A_212 = arith.constant 0 : i32
    %dma_wait3A_213 = arith.constant 0 : i32
    %dma_wait3A_214 = tpu.memref_slice %arg9[%dma_wait3A_211, %dma_wait3A_212, %dma_wait3A_213] : memref<8x128x32xf32, #tpu.memory_space<vmem>> -> memref<1x128x32xf32, #tpu.memory_space<vmem>>
    %dma_wait3A_215 = tpu.memref_squeeze %dma_wait3A_214 : memref<1x128x32xf32, #tpu.memory_space<vmem>> -> memref<128x32xf32, #tpu.memory_space<vmem>>
    %dma_wait3A_216 = arith.constant 0 : i32
    %dma_wait3A_217 = tpu.memref_slice %arg7[%dma_wait3A_210, %dma_wait3A_216] : memref<79x128xi32, #tpu.memory_space<vmem>> -> memref<1x128xi32, #tpu.memory_space<vmem>>
    %dma_wait3A_218 = tpu.memref_squeeze %dma_wait3A_217 : memref<1x128xi32, #tpu.memory_space<vmem>> -> memref<128xi32, #tpu.memory_space<vmem>>
    %dma_wait3A_219 = arith.constant 0 : i32
    %dma_wait3A_220 = arith.constant 0 : i32
    %dma_wait3A_221 = tpu.memref_slice %arg4[%dma_wait3A_219, %dma_wait3A_220] : memref<10000x32xf32, #tpu.memory_space<hbm>> -> memref<10000x32xf32, #tpu.memory_space<hbm>>
    tpu.wait_indirect_dma semaphore(%arg11 : memref<!tpu.dma_semaphore, #tpu.memory_space<semaphore_mem>>) src(%dma_wait3A_221 : memref<10000x32xf32, #tpu.memory_space<hbm>>) dst(%dma_wait3A_215 : memref<128x32xf32, #tpu.memory_space<vmem>>)
    %dma_start3A_222 = arith.constant 5 : i32
    %dma_start3A_223 = arith.constant 77 : i32
    %dma_start3A_224 = arith.constant 0 : i32
    %dma_start3A_225 = arith.constant 0 : i32
    %dma_start3A_226 = tpu.memref_slice %arg9[%dma_start3A_222, %dma_start3A_224, %dma_start3A_225] : memref<8x128x32xf32, #tpu.memory_space<vmem>> -> memref<1x128x32xf32, #tpu.memory_space<vmem>>
    %dma_start3A_227 = tpu.memref_squeeze %dma_start3A_226 : memref<1x128x32xf32, #tpu.memory_space<vmem>> -> memref<128x32xf32, #tpu.memory_space<vmem>>
    %dma_start3A_228 = arith.constant 0 : i32
    %dma_start3A_229 = tpu.memref_slice %arg8[%dma_start3A_223, %dma_start3A_228] : memref<79x128xi32, #tpu.memory_space<vmem>> -> memref<1x128xi32, #tpu.memory_space<vmem>>
    %dma_start3A_230 = tpu.memref_squeeze %dma_start3A_229 : memref<1x128xi32, #tpu.memory_space<vmem>> -> memref<128xi32, #tpu.memory_space<vmem>>
    %dma_start3A_231 = arith.constant 0 : i32
    %dma_start3A_232 = arith.constant 0 : i32
    %dma_start3A_233 = tpu.memref_slice %arg10[%dma_start3A_231, %dma_start3A_232] : memref<10112x32xf32, #tpu.memory_space<vmem_shared>> -> memref<10112x32xf32, #tpu.memory_space<vmem_shared>>
    tpu.enqueue_indirect_dma source(%dma_start3A_227 : memref<128x32xf32, #tpu.memory_space<vmem>>) target(%dma_start3A_233 : memref<10112x32xf32, #tpu.memory_space<vmem_shared>>) offsets(%dma_start3A_230 : memref<128xi32, #tpu.memory_space<vmem>>) semaphore(%arg12 : memref<!tpu.dma_semaphore, #tpu.memory_space<semaphore_mem>>) {add = true}
    %dma_wait3A_234 = arith.constant 0 : i32
    %dma_wait3A_235 = arith.constant 72 : i32
    %dma_wait3A_236 = arith.constant 0 : i32
    %dma_wait3A_237 = arith.constant 0 : i32
    %dma_wait3A_238 = tpu.memref_slice %arg9[%dma_wait3A_234, %dma_wait3A_236, %dma_wait3A_237] : memref<8x128x32xf32, #tpu.memory_space<vmem>> -> memref<1x128x32xf32, #tpu.memory_space<vmem>>
    %dma_wait3A_239 = tpu.memref_squeeze %dma_wait3A_238 : memref<1x128x32xf32, #tpu.memory_space<vmem>> -> memref<128x32xf32, #tpu.memory_space<vmem>>
    %dma_wait3A_240 = arith.constant 0 : i32
    %dma_wait3A_241 = tpu.memref_slice %arg8[%dma_wait3A_235, %dma_wait3A_240] : memref<79x128xi32, #tpu.memory_space<vmem>> -> memref<1x128xi32, #tpu.memory_space<vmem>>
    %dma_wait3A_242 = tpu.memref_squeeze %dma_wait3A_241 : memref<1x128xi32, #tpu.memory_space<vmem>> -> memref<128xi32, #tpu.memory_space<vmem>>
    %dma_wait3A_243 = arith.constant 0 : i32
    %dma_wait3A_244 = arith.constant 0 : i32
    %dma_wait3A_245 = tpu.memref_slice %arg10[%dma_wait3A_243, %dma_wait3A_244] : memref<10112x32xf32, #tpu.memory_space<vmem_shared>> -> memref<10112x32xf32, #tpu.memory_space<vmem_shared>>
    tpu.wait_indirect_dma semaphore(%arg12 : memref<!tpu.dma_semaphore, #tpu.memory_space<semaphore_mem>>) src(%dma_wait3A_239 : memref<128x32xf32, #tpu.memory_space<vmem>>) dst(%dma_wait3A_245 : memref<10112x32xf32, #tpu.memory_space<vmem_shared>>)
    %dma_wait3A_246 = arith.constant 1 : i32
    %dma_wait3A_247 = arith.constant 73 : i32
    %dma_wait3A_248 = arith.constant 0 : i32
    %dma_wait3A_249 = arith.constant 0 : i32
    %dma_wait3A_250 = tpu.memref_slice %arg9[%dma_wait3A_246, %dma_wait3A_248, %dma_wait3A_249] : memref<8x128x32xf32, #tpu.memory_space<vmem>> -> memref<1x128x32xf32, #tpu.memory_space<vmem>>
    %dma_wait3A_251 = tpu.memref_squeeze %dma_wait3A_250 : memref<1x128x32xf32, #tpu.memory_space<vmem>> -> memref<128x32xf32, #tpu.memory_space<vmem>>
    %dma_wait3A_252 = arith.constant 0 : i32
    %dma_wait3A_253 = tpu.memref_slice %arg8[%dma_wait3A_247, %dma_wait3A_252] : memref<79x128xi32, #tpu.memory_space<vmem>> -> memref<1x128xi32, #tpu.memory_space<vmem>>
    %dma_wait3A_254 = tpu.memref_squeeze %dma_wait3A_253 : memref<1x128xi32, #tpu.memory_space<vmem>> -> memref<128xi32, #tpu.memory_space<vmem>>
    %dma_wait3A_255 = arith.constant 0 : i32
    %dma_wait3A_256 = arith.constant 0 : i32
    %dma_wait3A_257 = tpu.memref_slice %arg10[%dma_wait3A_255, %dma_wait3A_256] : memref<10112x32xf32, #tpu.memory_space<vmem_shared>> -> memref<10112x32xf32, #tpu.memory_space<vmem_shared>>
    tpu.wait_indirect_dma semaphore(%arg12 : memref<!tpu.dma_semaphore, #tpu.memory_space<semaphore_mem>>) src(%dma_wait3A_251 : memref<128x32xf32, #tpu.memory_space<vmem>>) dst(%dma_wait3A_257 : memref<10112x32xf32, #tpu.memory_space<vmem_shared>>)
    %dma_wait3A_258 = arith.constant 2 : i32
    %dma_wait3A_259 = arith.constant 74 : i32
    %dma_wait3A_260 = arith.constant 0 : i32
    %dma_wait3A_261 = arith.constant 0 : i32
    %dma_wait3A_262 = tpu.memref_slice %arg9[%dma_wait3A_258, %dma_wait3A_260, %dma_wait3A_261] : memref<8x128x32xf32, #tpu.memory_space<vmem>> -> memref<1x128x32xf32, #tpu.memory_space<vmem>>
    %dma_wait3A_263 = tpu.memref_squeeze %dma_wait3A_262 : memref<1x128x32xf32, #tpu.memory_space<vmem>> -> memref<128x32xf32, #tpu.memory_space<vmem>>
    %dma_wait3A_264 = arith.constant 0 : i32
    %dma_wait3A_265 = tpu.memref_slice %arg8[%dma_wait3A_259, %dma_wait3A_264] : memref<79x128xi32, #tpu.memory_space<vmem>> -> memref<1x128xi32, #tpu.memory_space<vmem>>
    %dma_wait3A_266 = tpu.memref_squeeze %dma_wait3A_265 : memref<1x128xi32, #tpu.memory_space<vmem>> -> memref<128xi32, #tpu.memory_space<vmem>>
    %dma_wait3A_267 = arith.constant 0 : i32
    %dma_wait3A_268 = arith.constant 0 : i32
    %dma_wait3A_269 = tpu.memref_slice %arg10[%dma_wait3A_267, %dma_wait3A_268] : memref<10112x32xf32, #tpu.memory_space<vmem_shared>> -> memref<10112x32xf32, #tpu.memory_space<vmem_shared>>
    tpu.wait_indirect_dma semaphore(%arg12 : memref<!tpu.dma_semaphore, #tpu.memory_space<semaphore_mem>>) src(%dma_wait3A_263 : memref<128x32xf32, #tpu.memory_space<vmem>>) dst(%dma_wait3A_269 : memref<10112x32xf32, #tpu.memory_space<vmem_shared>>)
    %dma_wait3A_270 = arith.constant 3 : i32
    %dma_wait3A_271 = arith.constant 75 : i32
    %dma_wait3A_272 = arith.constant 0 : i32
    %dma_wait3A_273 = arith.constant 0 : i32
    %dma_wait3A_274 = tpu.memref_slice %arg9[%dma_wait3A_270, %dma_wait3A_272, %dma_wait3A_273] : memref<8x128x32xf32, #tpu.memory_space<vmem>> -> memref<1x128x32xf32, #tpu.memory_space<vmem>>
    %dma_wait3A_275 = tpu.memref_squeeze %dma_wait3A_274 : memref<1x128x32xf32, #tpu.memory_space<vmem>> -> memref<128x32xf32, #tpu.memory_space<vmem>>
    %dma_wait3A_276 = arith.constant 0 : i32
    %dma_wait3A_277 = tpu.memref_slice %arg8[%dma_wait3A_271, %dma_wait3A_276] : memref<79x128xi32, #tpu.memory_space<vmem>> -> memref<1x128xi32, #tpu.memory_space<vmem>>
    %dma_wait3A_278 = tpu.memref_squeeze %dma_wait3A_277 : memref<1x128xi32, #tpu.memory_space<vmem>> -> memref<128xi32, #tpu.memory_space<vmem>>
    %dma_wait3A_279 = arith.constant 0 : i32
    %dma_wait3A_280 = arith.constant 0 : i32
    %dma_wait3A_281 = tpu.memref_slice %arg10[%dma_wait3A_279, %dma_wait3A_280] : memref<10112x32xf32, #tpu.memory_space<vmem_shared>> -> memref<10112x32xf32, #tpu.memory_space<vmem_shared>>
    tpu.wait_indirect_dma semaphore(%arg12 : memref<!tpu.dma_semaphore, #tpu.memory_space<semaphore_mem>>) src(%dma_wait3A_275 : memref<128x32xf32, #tpu.memory_space<vmem>>) dst(%dma_wait3A_281 : memref<10112x32xf32, #tpu.memory_space<vmem_shared>>)
    %dma_wait3A_282 = arith.constant 4 : i32
    %dma_wait3A_283 = arith.constant 76 : i32
    %dma_wait3A_284 = arith.constant 0 : i32
    %dma_wait3A_285 = arith.constant 0 : i32
    %dma_wait3A_286 = tpu.memref_slice %arg9[%dma_wait3A_282, %dma_wait3A_284, %dma_wait3A_285] : memref<8x128x32xf32, #tpu.memory_space<vmem>> -> memref<1x128x32xf32, #tpu.memory_space<vmem>>
    %dma_wait3A_287 = tpu.memref_squeeze %dma_wait3A_286 : memref<1x128x32xf32, #tpu.memory_space<vmem>> -> memref<128x32xf32, #tpu.memory_space<vmem>>
    %dma_wait3A_288 = arith.constant 0 : i32
    %dma_wait3A_289 = tpu.memref_slice %arg8[%dma_wait3A_283, %dma_wait3A_288] : memref<79x128xi32, #tpu.memory_space<vmem>> -> memref<1x128xi32, #tpu.memory_space<vmem>>
    %dma_wait3A_290 = tpu.memref_squeeze %dma_wait3A_289 : memref<1x128xi32, #tpu.memory_space<vmem>> -> memref<128xi32, #tpu.memory_space<vmem>>
    %dma_wait3A_291 = arith.constant 0 : i32
    %dma_wait3A_292 = arith.constant 0 : i32
    %dma_wait3A_293 = tpu.memref_slice %arg10[%dma_wait3A_291, %dma_wait3A_292] : memref<10112x32xf32, #tpu.memory_space<vmem_shared>> -> memref<10112x32xf32, #tpu.memory_space<vmem_shared>>
    tpu.wait_indirect_dma semaphore(%arg12 : memref<!tpu.dma_semaphore, #tpu.memory_space<semaphore_mem>>) src(%dma_wait3A_287 : memref<128x32xf32, #tpu.memory_space<vmem>>) dst(%dma_wait3A_293 : memref<10112x32xf32, #tpu.memory_space<vmem_shared>>)
    %dma_wait3A_294 = arith.constant 5 : i32
    %dma_wait3A_295 = arith.constant 77 : i32
    %dma_wait3A_296 = arith.constant 0 : i32
    %dma_wait3A_297 = arith.constant 0 : i32
    %dma_wait3A_298 = tpu.memref_slice %arg9[%dma_wait3A_294, %dma_wait3A_296, %dma_wait3A_297] : memref<8x128x32xf32, #tpu.memory_space<vmem>> -> memref<1x128x32xf32, #tpu.memory_space<vmem>>
    %dma_wait3A_299 = tpu.memref_squeeze %dma_wait3A_298 : memref<1x128x32xf32, #tpu.memory_space<vmem>> -> memref<128x32xf32, #tpu.memory_space<vmem>>
    %dma_wait3A_300 = arith.constant 0 : i32
    %dma_wait3A_301 = tpu.memref_slice %arg8[%dma_wait3A_295, %dma_wait3A_300] : memref<79x128xi32, #tpu.memory_space<vmem>> -> memref<1x128xi32, #tpu.memory_space<vmem>>
    %dma_wait3A_302 = tpu.memref_squeeze %dma_wait3A_301 : memref<1x128xi32, #tpu.memory_space<vmem>> -> memref<128xi32, #tpu.memory_space<vmem>>
    %dma_wait3A_303 = arith.constant 0 : i32
    %dma_wait3A_304 = arith.constant 0 : i32
    %dma_wait3A_305 = tpu.memref_slice %arg10[%dma_wait3A_303, %dma_wait3A_304] : memref<10112x32xf32, #tpu.memory_space<vmem_shared>> -> memref<10112x32xf32, #tpu.memory_space<vmem_shared>>
    tpu.wait_indirect_dma semaphore(%arg12 : memref<!tpu.dma_semaphore, #tpu.memory_space<semaphore_mem>>) src(%dma_wait3A_299 : memref<128x32xf32, #tpu.memory_space<vmem>>) dst(%dma_wait3A_305 : memref<10112x32xf32, #tpu.memory_space<vmem_shared>>)
    %lt3A_306 = arith.constant 4 : i32
    %lt3A_307 = arith.cmpi slt, %add3A, %lt3A_306 : i32
    %convert_element_type3A_308 = arith.extui %lt3A_307 : i1 to i32
    %cond3A_309 = arith.constant 0 : i32
    %cond3A_310 = arith.cmpi ne, %convert_element_type3A_308, %cond3A_309 : i32
    scf.if %cond3A_310 {
      %dma_start3A_316 = arith.constant 78 : i32
      %dma_start3A_317 = arith.constant 0 : i32
      %dma_start3A_318 = arith.constant 0 : i32
      %dma_start3A_319 = arith.constant 0 : i32
      %dma_start3A_320 = tpu.memref_slice %arg9[%dma_start3A_317, %dma_start3A_318, %dma_start3A_319] : memref<8x128x32xf32, #tpu.memory_space<vmem>> -> memref<1x128x32xf32, #tpu.memory_space<vmem>>
      %dma_start3A_321 = tpu.memref_squeeze %dma_start3A_320 : memref<1x128x32xf32, #tpu.memory_space<vmem>> -> memref<128x32xf32, #tpu.memory_space<vmem>>
      %dma_start3A_322 = arith.constant 0 : i32
      %dma_start3A_323 = tpu.memref_slice %arg7[%dma_start3A_316, %dma_start3A_322] : memref<79x128xi32, #tpu.memory_space<vmem>> -> memref<1x128xi32, #tpu.memory_space<vmem>>
      %dma_start3A_324 = tpu.memref_squeeze %dma_start3A_323 : memref<1x128xi32, #tpu.memory_space<vmem>> -> memref<128xi32, #tpu.memory_space<vmem>>
      %dma_start3A_325 = arith.constant 0 : i32
      %dma_start3A_326 = arith.constant 0 : i32
      %dma_start3A_327 = tpu.memref_slice %arg4[%dma_start3A_325, %dma_start3A_326] : memref<10000x32xf32, #tpu.memory_space<hbm>> -> memref<10000x32xf32, #tpu.memory_space<hbm>>
      tpu.enqueue_indirect_dma source(%dma_start3A_327 : memref<10000x32xf32, #tpu.memory_space<hbm>>) target(%dma_start3A_321 : memref<128x32xf32, #tpu.memory_space<vmem>>) offsets(%dma_start3A_324 : memref<128xi32, #tpu.memory_space<vmem>>) semaphore(%arg11 : memref<!tpu.dma_semaphore, #tpu.memory_space<semaphore_mem>>)
      %dma_wait3A_328 = arith.constant 78 : i32
      %dma_wait3A_329 = arith.constant 0 : i32
      %dma_wait3A_330 = arith.constant 0 : i32
      %dma_wait3A_331 = arith.constant 0 : i32
      %dma_wait3A_332 = tpu.memref_slice %arg9[%dma_wait3A_329, %dma_wait3A_330, %dma_wait3A_331] : memref<8x128x32xf32, #tpu.memory_space<vmem>> -> memref<1x128x32xf32, #tpu.memory_space<vmem>>
      %dma_wait3A_333 = tpu.memref_squeeze %dma_wait3A_332 : memref<1x128x32xf32, #tpu.memory_space<vmem>> -> memref<128x32xf32, #tpu.memory_space<vmem>>
      %dma_wait3A_334 = arith.constant 0 : i32
      %dma_wait3A_335 = tpu.memref_slice %arg7[%dma_wait3A_328, %dma_wait3A_334] : memref<79x128xi32, #tpu.memory_space<vmem>> -> memref<1x128xi32, #tpu.memory_space<vmem>>
      %dma_wait3A_336 = tpu.memref_squeeze %dma_wait3A_335 : memref<1x128xi32, #tpu.memory_space<vmem>> -> memref<128xi32, #tpu.memory_space<vmem>>
      %dma_wait3A_337 = arith.constant 0 : i32
      %dma_wait3A_338 = arith.constant 0 : i32
      %dma_wait3A_339 = tpu.memref_slice %arg4[%dma_wait3A_337, %dma_wait3A_338] : memref<10000x32xf32, #tpu.memory_space<hbm>> -> memref<10000x32xf32, #tpu.memory_space<hbm>>
      tpu.wait_indirect_dma semaphore(%arg11 : memref<!tpu.dma_semaphore, #tpu.memory_space<semaphore_mem>>) src(%dma_wait3A_339 : memref<10000x32xf32, #tpu.memory_space<hbm>>) dst(%dma_wait3A_333 : memref<128x32xf32, #tpu.memory_space<vmem>>)
      %dma_start3A_340 = arith.constant 0 : i32
      %dma_start3A_341 = arith.constant 78 : i32
      %dma_start3A_342 = arith.constant 0 : i32
      %dma_start3A_343 = arith.constant 0 : i32
      %dma_start3A_344 = tpu.memref_slice %arg9[%dma_start3A_340, %dma_start3A_342, %dma_start3A_343] : memref<8x128x32xf32, #tpu.memory_space<vmem>> -> memref<1x128x32xf32, #tpu.memory_space<vmem>>
      %dma_start3A_345 = tpu.memref_squeeze %dma_start3A_344 : memref<1x128x32xf32, #tpu.memory_space<vmem>> -> memref<128x32xf32, #tpu.memory_space<vmem>>
      %dma_start3A_346 = arith.constant 0 : i32
      %dma_start3A_347 = tpu.memref_slice %arg8[%dma_start3A_341, %dma_start3A_346] : memref<79x128xi32, #tpu.memory_space<vmem>> -> memref<1x128xi32, #tpu.memory_space<vmem>>
      %dma_start3A_348 = tpu.memref_squeeze %dma_start3A_347 : memref<1x128xi32, #tpu.memory_space<vmem>> -> memref<128xi32, #tpu.memory_space<vmem>>
      %dma_start3A_349 = arith.constant 0 : i32
      %dma_start3A_350 = arith.constant 0 : i32
      %dma_start3A_351 = tpu.memref_slice %arg10[%dma_start3A_349, %dma_start3A_350] : memref<10112x32xf32, #tpu.memory_space<vmem_shared>> -> memref<10112x32xf32, #tpu.memory_space<vmem_shared>>
      tpu.enqueue_indirect_dma source(%dma_start3A_345 : memref<128x32xf32, #tpu.memory_space<vmem>>) target(%dma_start3A_351 : memref<10112x32xf32, #tpu.memory_space<vmem_shared>>) offsets(%dma_start3A_348 : memref<128xi32, #tpu.memory_space<vmem>>) semaphore(%arg12 : memref<!tpu.dma_semaphore, #tpu.memory_space<semaphore_mem>>) {add = true}
      %dma_wait3A_352 = arith.constant 0 : i32
      %dma_wait3A_353 = arith.constant 78 : i32
      %dma_wait3A_354 = arith.constant 0 : i32
      %dma_wait3A_355 = arith.constant 0 : i32
      %dma_wait3A_356 = tpu.memref_slice %arg9[%dma_wait3A_352, %dma_wait3A_354, %dma_wait3A_355] : memref<8x128x32xf32, #tpu.memory_space<vmem>> -> memref<1x128x32xf32, #tpu.memory_space<vmem>>
      %dma_wait3A_357 = tpu.memref_squeeze %dma_wait3A_356 : memref<1x128x32xf32, #tpu.memory_space<vmem>> -> memref<128x32xf32, #tpu.memory_space<vmem>>
      %dma_wait3A_358 = arith.constant 0 : i32
      %dma_wait3A_359 = tpu.memref_slice %arg8[%dma_wait3A_353, %dma_wait3A_358] : memref<79x128xi32, #tpu.memory_space<vmem>> -> memref<1x128xi32, #tpu.memory_space<vmem>>
      %dma_wait3A_360 = tpu.memref_squeeze %dma_wait3A_359 : memref<1x128xi32, #tpu.memory_space<vmem>> -> memref<128xi32, #tpu.memory_space<vmem>>
      %dma_wait3A_361 = arith.constant 0 : i32
      %dma_wait3A_362 = arith.constant 0 : i32
      %dma_wait3A_363 = tpu.memref_slice %arg10[%dma_wait3A_361, %dma_wait3A_362] : memref<10112x32xf32, #tpu.memory_space<vmem_shared>> -> memref<10112x32xf32, #tpu.memory_space<vmem_shared>>
      tpu.wait_indirect_dma semaphore(%arg12 : memref<!tpu.dma_semaphore, #tpu.memory_space<semaphore_mem>>) src(%dma_wait3A_357 : memref<128x32xf32, #tpu.memory_space<vmem>>) dst(%dma_wait3A_363 : memref<10112x32xf32, #tpu.memory_space<vmem_shared>>)
    } else {
    }
    %barrier3A_311 = arith.constant 0 : index
    tpu.barrier barrier_id(%barrier3A_311)
    %mul3A_312 = arith.constant 632 : i32
    %mul3A_313 = arith.muli %arg1, %mul3A_312 : i32
    %mul3A_314 = arith.constant 632 : i32
    %mul3A_315 = arith.muli %arg1, %mul3A_314 : i32
    "tpu.region"() ({
      %run_scoped3A = tpu.sem_alloc : memref<!tpu.dma_semaphore, #tpu.memory_space<semaphore_mem>>
      %dma_start3A_316 = arith.constant 0 : i32
      %dma_start3A_317 = tpu.memref_slice %arg6[%arg0, %mul3A_315, %dma_start3A_316] : memref<2x10112x32xf32, #tpu.memory_space<hbm>> -> memref<1x632x32xf32, #tpu.memory_space<hbm>>
      %dma_start3A_318 = tpu.memref_squeeze %dma_start3A_317 : memref<1x632x32xf32, #tpu.memory_space<hbm>> -> memref<632x32xf32, #tpu.memory_space<hbm>>
      %dma_start3A_319 = arith.constant 0 : i32
      %dma_start3A_320 = tpu.memref_slice %arg10[%mul3A_313, %dma_start3A_319] : memref<10112x32xf32, #tpu.memory_space<vmem_shared>> -> memref<632x32xf32, #tpu.memory_space<vmem_shared>>
      tpu.enqueue_dma source(%dma_start3A_320 : memref<632x32xf32, #tpu.memory_space<vmem_shared>>) target(%dma_start3A_318 : memref<632x32xf32, #tpu.memory_space<hbm>>) target_semaphore(%run_scoped3A : memref<!tpu.dma_semaphore, #tpu.memory_space<semaphore_mem>>)
      %dma_wait3A_321 = arith.constant 0 : i32
      %dma_wait3A_322 = tpu.memref_slice %arg6[%arg0, %mul3A_315, %dma_wait3A_321] : memref<2x10112x32xf32, #tpu.memory_space<hbm>> -> memref<1x632x32xf32, #tpu.memory_space<hbm>>
      %dma_wait3A_323 = tpu.memref_squeeze %dma_wait3A_322 : memref<1x632x32xf32, #tpu.memory_space<hbm>> -> memref<632x32xf32, #tpu.memory_space<hbm>>
      %dma_wait3A_324 = arith.constant 0 : i32
      %dma_wait3A_325 = tpu.memref_slice %arg10[%mul3A_313, %dma_wait3A_324] : memref<10112x32xf32, #tpu.memory_space<vmem_shared>> -> memref<632x32xf32, #tpu.memory_space<vmem_shared>>
      tpu.wait_dma2 semaphore(%run_scoped3A : memref<!tpu.dma_semaphore, #tpu.memory_space<semaphore_mem>>) src(%dma_wait3A_325 : memref<632x32xf32, #tpu.memory_space<vmem_shared>>) dst(%dma_wait3A_323 : memref<632x32xf32, #tpu.memory_space<hbm>>)
      tpu.yield
    }) : () -> ()
    return
  }
}

#map = affine_map<(d0, d1) -> (0, 0)>
#map1 = affine_map<(d0, d1) -> (0, 0, 0)>
module attributes {stable_mosaic.version = 14 : i64} {
  func.func @scatter_k(%arg0: i32, %arg1: i32, %arg2: memref<2500x128xi32, #tpu.memory_space<hbm>>, %arg3: memref<320000x32xf32, #tpu.memory_space<hbm>>, %arg4: memref<2x10112x32xf32, #tpu.memory_space<hbm>>, %arg5: memref<2x10112x32xf32, #tpu.memory_space<hbm>>, %arg6: memref<79x128xi32, #tpu.memory_space<vmem>>, %arg7: memref<8x128x32xf32, #tpu.memory_space<vmem>>, %arg8: memref<10112x32xf32, #tpu.memory_space<vmem_shared>>, %arg9: memref<!tpu.dma_semaphore, #tpu.memory_space<semaphore_mem>>, %arg10: memref<!tpu.dma_semaphore, #tpu.memory_space<semaphore_mem>>) attributes {dimension_semantics = [#tpu.dimension_semantics<core_parallel>, #tpu.dimension_semantics<subcore_parallel>], iteration_bounds = array<i64: 2, 16>, scalar_prefetch = 0 : i64, scratch_operands = 5 : i64, tpu.core_type = #tpu.core_type<sc_vector_subcore>, window_params = [{transform_indices = #map}, {transform_indices = #map}, {transform_indices = #map1}, {transform_indices = #map1}]} {
    %mul3A = arith.constant 2 : i32
    %mul3A_0 = arith.muli %arg1, %mul3A : i32
    %add3A = arith.addi %mul3A_0, %arg0 : i32
    %mul3A_1 = arith.constant 78 : i32
    %mul3A_2 = arith.muli %add3A, %mul3A_1 : i32
    %min3A = arith.constant 4 : i32
    %min3A_3 = arith.minsi %add3A, %min3A : i32
    %add3A_4 = arith.addi %mul3A_2, %min3A_3 : i32
    %mul3A_5 = arith.constant 632 : i32
    %mul3A_6 = arith.muli %arg1, %mul3A_5 : i32
    %mul3A_7 = arith.constant 632 : i32
    %mul3A_8 = arith.muli %arg1, %mul3A_7 : i32
    "tpu.region"() ({
      %run_scoped3A = tpu.sem_alloc : memref<!tpu.dma_semaphore, #tpu.memory_space<semaphore_mem>>
      %dma_start3A_364 = arith.constant 0 : i32
      %dma_start3A_365 = tpu.memref_slice %arg8[%mul3A_8, %dma_start3A_364] : memref<10112x32xf32, #tpu.memory_space<vmem_shared>> -> memref<632x32xf32, #tpu.memory_space<vmem_shared>>
      %dma_start3A_366 = arith.constant 0 : i32
      %dma_start3A_367 = tpu.memref_slice %arg4[%arg0, %mul3A_6, %dma_start3A_366] : memref<2x10112x32xf32, #tpu.memory_space<hbm>> -> memref<1x632x32xf32, #tpu.memory_space<hbm>>
      %dma_start3A_368 = tpu.memref_squeeze %dma_start3A_367 : memref<1x632x32xf32, #tpu.memory_space<hbm>> -> memref<632x32xf32, #tpu.memory_space<hbm>>
      tpu.enqueue_dma source(%dma_start3A_368 : memref<632x32xf32, #tpu.memory_space<hbm>>) target(%dma_start3A_365 : memref<632x32xf32, #tpu.memory_space<vmem_shared>>) target_semaphore(%run_scoped3A : memref<!tpu.dma_semaphore, #tpu.memory_space<semaphore_mem>>)
      %dma_wait3A_369 = arith.constant 0 : i32
      %dma_wait3A_370 = tpu.memref_slice %arg8[%mul3A_8, %dma_wait3A_369] : memref<10112x32xf32, #tpu.memory_space<vmem_shared>> -> memref<632x32xf32, #tpu.memory_space<vmem_shared>>
      %dma_wait3A_371 = arith.constant 0 : i32
      %dma_wait3A_372 = tpu.memref_slice %arg4[%arg0, %mul3A_6, %dma_wait3A_371] : memref<2x10112x32xf32, #tpu.memory_space<hbm>> -> memref<1x632x32xf32, #tpu.memory_space<hbm>>
      %dma_wait3A_373 = tpu.memref_squeeze %dma_wait3A_372 : memref<1x632x32xf32, #tpu.memory_space<hbm>> -> memref<632x32xf32, #tpu.memory_space<hbm>>
      tpu.wait_dma2 semaphore(%run_scoped3A : memref<!tpu.dma_semaphore, #tpu.memory_space<semaphore_mem>>) src(%dma_wait3A_373 : memref<632x32xf32, #tpu.memory_space<hbm>>) dst(%dma_wait3A_370 : memref<632x32xf32, #tpu.memory_space<vmem_shared>>)
      tpu.yield
    }) : () -> ()
    %lt3A = arith.constant 4 : i32
    %lt3A_9 = arith.cmpi slt, %add3A, %lt3A : i32
    %convert_element_type3A = arith.extui %lt3A_9 : i1 to i32
    %cond3A = arith.constant 0 : i32
    %cond3A_10 = arith.cmpi ne, %convert_element_type3A, %cond3A : i32
    scf.if %cond3A_10 {
      "tpu.region"() ({
        %run_scoped3A = tpu.sem_alloc : memref<!tpu.dma_semaphore, #tpu.memory_space<semaphore_mem>>
        %dma_start3A_364 = arith.constant 0 : i32
        %dma_start3A_365 = tpu.memref_slice %arg2[%add3A_4, %dma_start3A_364] : memref<2500x128xi32, #tpu.memory_space<hbm>> -> memref<79x128xi32, #tpu.memory_space<hbm>>
        %dma_start3A_366 = arith.constant 0 : i32
        %dma_start3A_367 = tpu.memref_slice %arg2[%add3A_4, %dma_start3A_366] : memref<2500x128xi32, #tpu.memory_space<hbm>> -> memref<79x128xi32, #tpu.memory_space<hbm>>
        tpu.enqueue_dma source(%dma_start3A_367 : memref<79x128xi32, #tpu.memory_space<hbm>>) target(%arg6 : memref<79x128xi32, #tpu.memory_space<vmem>>) target_semaphore(%run_scoped3A : memref<!tpu.dma_semaphore, #tpu.memory_space<semaphore_mem>>)
        %dma_wait3A_368 = arith.constant 0 : i32
        %dma_wait3A_369 = tpu.memref_slice %arg2[%add3A_4, %dma_wait3A_368] : memref<2500x128xi32, #tpu.memory_space<hbm>> -> memref<79x128xi32, #tpu.memory_space<hbm>>
        %dma_wait3A_370 = arith.constant 0 : i32
        %dma_wait3A_371 = tpu.memref_slice %arg2[%add3A_4, %dma_wait3A_370] : memref<2500x128xi32, #tpu.memory_space<hbm>> -> memref<79x128xi32, #tpu.memory_space<hbm>>
        tpu.wait_dma2 semaphore(%run_scoped3A : memref<!tpu.dma_semaphore, #tpu.memory_space<semaphore_mem>>) src(%dma_wait3A_371 : memref<79x128xi32, #tpu.memory_space<hbm>>) dst(%arg6 : memref<79x128xi32, #tpu.memory_space<vmem>>)
        tpu.yield
      }) : () -> ()
    } else {
    }
    %ge3A = arith.constant 4 : i32
    %ge3A_11 = arith.cmpi sge, %add3A, %ge3A : i32
    %convert_element_type3A_12 = arith.extui %ge3A_11 : i1 to i32
    %cond3A_13 = arith.constant 0 : i32
    %cond3A_14 = arith.cmpi ne, %convert_element_type3A_12, %cond3A_13 : i32
    scf.if %cond3A_14 {
      "tpu.region"() ({
        %run_scoped3A = tpu.sem_alloc : memref<!tpu.dma_semaphore, #tpu.memory_space<semaphore_mem>>
        %dma_start3A_364 = arith.constant 0 : i32
        %dma_start3A_365 = arith.constant 0 : i32
        %dma_start3A_366 = tpu.memref_slice %arg6[%dma_start3A_364, %dma_start3A_365] : memref<79x128xi32, #tpu.memory_space<vmem>> -> memref<78x128xi32, #tpu.memory_space<vmem>>
        %dma_start3A_367 = arith.constant 0 : i32
        %dma_start3A_368 = tpu.memref_slice %arg2[%add3A_4, %dma_start3A_367] : memref<2500x128xi32, #tpu.memory_space<hbm>> -> memref<78x128xi32, #tpu.memory_space<hbm>>
        %dma_start3A_369 = arith.constant 0 : i32
        %dma_start3A_370 = arith.constant 0 : i32
        %dma_start3A_371 = tpu.memref_slice %arg6[%dma_start3A_369, %dma_start3A_370] : memref<79x128xi32, #tpu.memory_space<vmem>> -> memref<78x128xi32, #tpu.memory_space<vmem>>
        %dma_start3A_372 = arith.constant 0 : i32
        %dma_start3A_373 = tpu.memref_slice %arg2[%add3A_4, %dma_start3A_372] : memref<2500x128xi32, #tpu.memory_space<hbm>> -> memref<78x128xi32, #tpu.memory_space<hbm>>
        tpu.enqueue_dma source(%dma_start3A_373 : memref<78x128xi32, #tpu.memory_space<hbm>>) target(%dma_start3A_371 : memref<78x128xi32, #tpu.memory_space<vmem>>) target_semaphore(%run_scoped3A : memref<!tpu.dma_semaphore, #tpu.memory_space<semaphore_mem>>)
        %dma_wait3A_374 = arith.constant 0 : i32
        %dma_wait3A_375 = arith.constant 0 : i32
        %dma_wait3A_376 = tpu.memref_slice %arg6[%dma_wait3A_374, %dma_wait3A_375] : memref<79x128xi32, #tpu.memory_space<vmem>> -> memref<78x128xi32, #tpu.memory_space<vmem>>
        %dma_wait3A_377 = arith.constant 0 : i32
        %dma_wait3A_378 = tpu.memref_slice %arg2[%add3A_4, %dma_wait3A_377] : memref<2500x128xi32, #tpu.memory_space<hbm>> -> memref<78x128xi32, #tpu.memory_space<hbm>>
        %dma_wait3A_379 = arith.constant 0 : i32
        %dma_wait3A_380 = arith.constant 0 : i32
        %dma_wait3A_381 = tpu.memref_slice %arg6[%dma_wait3A_379, %dma_wait3A_380] : memref<79x128xi32, #tpu.memory_space<vmem>> -> memref<78x128xi32, #tpu.memory_space<vmem>>
        %dma_wait3A_382 = arith.constant 0 : i32
        %dma_wait3A_383 = tpu.memref_slice %arg2[%add3A_4, %dma_wait3A_382] : memref<2500x128xi32, #tpu.memory_space<hbm>> -> memref<78x128xi32, #tpu.memory_space<hbm>>
        tpu.wait_dma2 semaphore(%run_scoped3A : memref<!tpu.dma_semaphore, #tpu.memory_space<semaphore_mem>>) src(%dma_wait3A_383 : memref<78x128xi32, #tpu.memory_space<hbm>>) dst(%dma_wait3A_381 : memref<78x128xi32, #tpu.memory_space<vmem>>)
        tpu.yield
      }) : () -> ()
    } else {
    }
    %barrier3A = arith.constant 0 : index
    tpu.barrier barrier_id(%barrier3A)
    %scan3A = arith.constant 0 : i32
    %scan3A_15 = arith.constant 0 : i32
    %scan3A_16 = arith.constant 9 : i32
    %scan3A_17 = arith.addi %scan3A_15, %scan3A_16 : i32
    %scan3A_18 = arith.constant 1 : i32
    scf.for %scan3A_364 = %scan3A_15 to %scan3A_17 step %scan3A_18  : i32 {
      %mul3A_365 = arith.constant 8 : i32
      %mul3A_366 = arith.muli %scan3A_364, %mul3A_365 : i32
      %add3A_367 = arith.addi %add3A_4, %mul3A_366 : i32
      %add3A_368 = arith.constant 0 : i32
      %add3A_369 = arith.addi %add3A_367, %add3A_368 : i32
      %mul3A_370 = arith.constant 128 : i32
      %mul3A_371 = arith.muli %add3A_369, %mul3A_370 : i32
      %dma_start3A_372 = arith.constant 0 : i32
      %dma_start3A_373 = arith.constant 0 : i32
      %dma_start3A_374 = arith.constant 0 : i32
      %dma_start3A_375 = tpu.memref_slice %arg7[%dma_start3A_372, %dma_start3A_373, %dma_start3A_374] : memref<8x128x32xf32, #tpu.memory_space<vmem>> -> memref<1x128x32xf32, #tpu.memory_space<vmem>>
      %dma_start3A_376 = tpu.memref_squeeze %dma_start3A_375 : memref<1x128x32xf32, #tpu.memory_space<vmem>> -> memref<128x32xf32, #tpu.memory_space<vmem>>
      %dma_start3A_377 = arith.constant 0 : i32
      %dma_start3A_378 = tpu.memref_slice %arg3[%mul3A_371, %dma_start3A_377] : memref<320000x32xf32, #tpu.memory_space<hbm>> -> memref<128x32xf32, #tpu.memory_space<hbm>>
      %dma_start3A_379 = arith.constant 0 : i32
      %dma_start3A_380 = arith.constant 0 : i32
      %dma_start3A_381 = tpu.memref_slice %arg7[%dma_start3A_372, %dma_start3A_379, %dma_start3A_380] : memref<8x128x32xf32, #tpu.memory_space<vmem>> -> memref<1x128x32xf32, #tpu.memory_space<vmem>>
      %dma_start3A_382 = tpu.memref_squeeze %dma_start3A_381 : memref<1x128x32xf32, #tpu.memory_space<vmem>> -> memref<128x32xf32, #tpu.memory_space<vmem>>
      %dma_start3A_383 = arith.constant 0 : i32
      %dma_start3A_384 = tpu.memref_slice %arg3[%mul3A_371, %dma_start3A_383] : memref<320000x32xf32, #tpu.memory_space<hbm>> -> memref<128x32xf32, #tpu.memory_space<hbm>>
      tpu.enqueue_dma source(%dma_start3A_384 : memref<128x32xf32, #tpu.memory_space<hbm>>) target(%dma_start3A_382 : memref<128x32xf32, #tpu.memory_space<vmem>>) target_semaphore(%arg9 : memref<!tpu.dma_semaphore, #tpu.memory_space<semaphore_mem>>)
      %add3A_385 = arith.addi %add3A_4, %mul3A_366 : i32
      %add3A_386 = arith.constant 1 : i32
      %add3A_387 = arith.addi %add3A_385, %add3A_386 : i32
      %mul3A_388 = arith.constant 128 : i32
      %mul3A_389 = arith.muli %add3A_387, %mul3A_388 : i32
      %dma_start3A_390 = arith.constant 1 : i32
      %dma_start3A_391 = arith.constant 0 : i32
      %dma_start3A_392 = arith.constant 0 : i32
      %dma_start3A_393 = tpu.memref_slice %arg7[%dma_start3A_390, %dma_start3A_391, %dma_start3A_392] : memref<8x128x32xf32, #tpu.memory_space<vmem>> -> memref<1x128x32xf32, #tpu.memory_space<vmem>>
      %dma_start3A_394 = tpu.memref_squeeze %dma_start3A_393 : memref<1x128x32xf32, #tpu.memory_space<vmem>> -> memref<128x32xf32, #tpu.memory_space<vmem>>
      %dma_start3A_395 = arith.constant 0 : i32
      %dma_start3A_396 = tpu.memref_slice %arg3[%mul3A_389, %dma_start3A_395] : memref<320000x32xf32, #tpu.memory_space<hbm>> -> memref<128x32xf32, #tpu.memory_space<hbm>>
      %dma_start3A_397 = arith.constant 0 : i32
      %dma_start3A_398 = arith.constant 0 : i32
      %dma_start3A_399 = tpu.memref_slice %arg7[%dma_start3A_390, %dma_start3A_397, %dma_start3A_398] : memref<8x128x32xf32, #tpu.memory_space<vmem>> -> memref<1x128x32xf32, #tpu.memory_space<vmem>>
      %dma_start3A_400 = tpu.memref_squeeze %dma_start3A_399 : memref<1x128x32xf32, #tpu.memory_space<vmem>> -> memref<128x32xf32, #tpu.memory_space<vmem>>
      %dma_start3A_401 = arith.constant 0 : i32
      %dma_start3A_402 = tpu.memref_slice %arg3[%mul3A_389, %dma_start3A_401] : memref<320000x32xf32, #tpu.memory_space<hbm>> -> memref<128x32xf32, #tpu.memory_space<hbm>>
      tpu.enqueue_dma source(%dma_start3A_402 : memref<128x32xf32, #tpu.memory_space<hbm>>) target(%dma_start3A_400 : memref<128x32xf32, #tpu.memory_space<vmem>>) target_semaphore(%arg9 : memref<!tpu.dma_semaphore, #tpu.memory_space<semaphore_mem>>)
      %add3A_403 = arith.addi %add3A_4, %mul3A_366 : i32
      %add3A_404 = arith.constant 2 : i32
      %add3A_405 = arith.addi %add3A_403, %add3A_404 : i32
      %mul3A_406 = arith.constant 128 : i32
      %mul3A_407 = arith.muli %add3A_405, %mul3A_406 : i32
      %dma_start3A_408 = arith.constant 2 : i32
      %dma_start3A_409 = arith.constant 0 : i32
      %dma_start3A_410 = arith.constant 0 : i32
      %dma_start3A_411 = tpu.memref_slice %arg7[%dma_start3A_408, %dma_start3A_409, %dma_start3A_410] : memref<8x128x32xf32, #tpu.memory_space<vmem>> -> memref<1x128x32xf32, #tpu.memory_space<vmem>>
      %dma_start3A_412 = tpu.memref_squeeze %dma_start3A_411 : memref<1x128x32xf32, #tpu.memory_space<vmem>> -> memref<128x32xf32, #tpu.memory_space<vmem>>
      %dma_start3A_413 = arith.constant 0 : i32
      %dma_start3A_414 = tpu.memref_slice %arg3[%mul3A_407, %dma_start3A_413] : memref<320000x32xf32, #tpu.memory_space<hbm>> -> memref<128x32xf32, #tpu.memory_space<hbm>>
      %dma_start3A_415 = arith.constant 0 : i32
      %dma_start3A_416 = arith.constant 0 : i32
      %dma_start3A_417 = tpu.memref_slice %arg7[%dma_start3A_408, %dma_start3A_415, %dma_start3A_416] : memref<8x128x32xf32, #tpu.memory_space<vmem>> -> memref<1x128x32xf32, #tpu.memory_space<vmem>>
      %dma_start3A_418 = tpu.memref_squeeze %dma_start3A_417 : memref<1x128x32xf32, #tpu.memory_space<vmem>> -> memref<128x32xf32, #tpu.memory_space<vmem>>
      %dma_start3A_419 = arith.constant 0 : i32
      %dma_start3A_420 = tpu.memref_slice %arg3[%mul3A_407, %dma_start3A_419] : memref<320000x32xf32, #tpu.memory_space<hbm>> -> memref<128x32xf32, #tpu.memory_space<hbm>>
      tpu.enqueue_dma source(%dma_start3A_420 : memref<128x32xf32, #tpu.memory_space<hbm>>) target(%dma_start3A_418 : memref<128x32xf32, #tpu.memory_space<vmem>>) target_semaphore(%arg9 : memref<!tpu.dma_semaphore, #tpu.memory_space<semaphore_mem>>)
      %add3A_421 = arith.addi %add3A_4, %mul3A_366 : i32
      %add3A_422 = arith.constant 3 : i32
      %add3A_423 = arith.addi %add3A_421, %add3A_422 : i32
      %mul3A_424 = arith.constant 128 : i32
      %mul3A_425 = arith.muli %add3A_423, %mul3A_424 : i32
      %dma_start3A_426 = arith.constant 3 : i32
      %dma_start3A_427 = arith.constant 0 : i32
      %dma_start3A_428 = arith.constant 0 : i32
      %dma_start3A_429 = tpu.memref_slice %arg7[%dma_start3A_426, %dma_start3A_427, %dma_start3A_428] : memref<8x128x32xf32, #tpu.memory_space<vmem>> -> memref<1x128x32xf32, #tpu.memory_space<vmem>>
      %dma_start3A_430 = tpu.memref_squeeze %dma_start3A_429 : memref<1x128x32xf32, #tpu.memory_space<vmem>> -> memref<128x32xf32, #tpu.memory_space<vmem>>
      %dma_start3A_431 = arith.constant 0 : i32
      %dma_start3A_432 = tpu.memref_slice %arg3[%mul3A_425, %dma_start3A_431] : memref<320000x32xf32, #tpu.memory_space<hbm>> -> memref<128x32xf32, #tpu.memory_space<hbm>>
      %dma_start3A_433 = arith.constant 0 : i32
      %dma_start3A_434 = arith.constant 0 : i32
      %dma_start3A_435 = tpu.memref_slice %arg7[%dma_start3A_426, %dma_start3A_433, %dma_start3A_434] : memref<8x128x32xf32, #tpu.memory_space<vmem>> -> memref<1x128x32xf32, #tpu.memory_space<vmem>>
      %dma_start3A_436 = tpu.memref_squeeze %dma_start3A_435 : memref<1x128x32xf32, #tpu.memory_space<vmem>> -> memref<128x32xf32, #tpu.memory_space<vmem>>
      %dma_start3A_437 = arith.constant 0 : i32
      %dma_start3A_438 = tpu.memref_slice %arg3[%mul3A_425, %dma_start3A_437] : memref<320000x32xf32, #tpu.memory_space<hbm>> -> memref<128x32xf32, #tpu.memory_space<hbm>>
      tpu.enqueue_dma source(%dma_start3A_438 : memref<128x32xf32, #tpu.memory_space<hbm>>) target(%dma_start3A_436 : memref<128x32xf32, #tpu.memory_space<vmem>>) target_semaphore(%arg9 : memref<!tpu.dma_semaphore, #tpu.memory_space<semaphore_mem>>)
      %add3A_439 = arith.addi %add3A_4, %mul3A_366 : i32
      %add3A_440 = arith.constant 4 : i32
      %add3A_441 = arith.addi %add3A_439, %add3A_440 : i32
      %mul3A_442 = arith.constant 128 : i32
      %mul3A_443 = arith.muli %add3A_441, %mul3A_442 : i32
      %dma_start3A_444 = arith.constant 4 : i32
      %dma_start3A_445 = arith.constant 0 : i32
      %dma_start3A_446 = arith.constant 0 : i32
      %dma_start3A_447 = tpu.memref_slice %arg7[%dma_start3A_444, %dma_start3A_445, %dma_start3A_446] : memref<8x128x32xf32, #tpu.memory_space<vmem>> -> memref<1x128x32xf32, #tpu.memory_space<vmem>>
      %dma_start3A_448 = tpu.memref_squeeze %dma_start3A_447 : memref<1x128x32xf32, #tpu.memory_space<vmem>> -> memref<128x32xf32, #tpu.memory_space<vmem>>
      %dma_start3A_449 = arith.constant 0 : i32
      %dma_start3A_450 = tpu.memref_slice %arg3[%mul3A_443, %dma_start3A_449] : memref<320000x32xf32, #tpu.memory_space<hbm>> -> memref<128x32xf32, #tpu.memory_space<hbm>>
      %dma_start3A_451 = arith.constant 0 : i32
      %dma_start3A_452 = arith.constant 0 : i32
      %dma_start3A_453 = tpu.memref_slice %arg7[%dma_start3A_444, %dma_start3A_451, %dma_start3A_452] : memref<8x128x32xf32, #tpu.memory_space<vmem>> -> memref<1x128x32xf32, #tpu.memory_space<vmem>>
      %dma_start3A_454 = tpu.memref_squeeze %dma_start3A_453 : memref<1x128x32xf32, #tpu.memory_space<vmem>> -> memref<128x32xf32, #tpu.memory_space<vmem>>
      %dma_start3A_455 = arith.constant 0 : i32
      %dma_start3A_456 = tpu.memref_slice %arg3[%mul3A_443, %dma_start3A_455] : memref<320000x32xf32, #tpu.memory_space<hbm>> -> memref<128x32xf32, #tpu.memory_space<hbm>>
      tpu.enqueue_dma source(%dma_start3A_456 : memref<128x32xf32, #tpu.memory_space<hbm>>) target(%dma_start3A_454 : memref<128x32xf32, #tpu.memory_space<vmem>>) target_semaphore(%arg9 : memref<!tpu.dma_semaphore, #tpu.memory_space<semaphore_mem>>)
      %add3A_457 = arith.addi %add3A_4, %mul3A_366 : i32
      %add3A_458 = arith.constant 5 : i32
      %add3A_459 = arith.addi %add3A_457, %add3A_458 : i32
      %mul3A_460 = arith.constant 128 : i32
      %mul3A_461 = arith.muli %add3A_459, %mul3A_460 : i32
      %dma_start3A_462 = arith.constant 5 : i32
      %dma_start3A_463 = arith.constant 0 : i32
      %dma_start3A_464 = arith.constant 0 : i32
      %dma_start3A_465 = tpu.memref_slice %arg7[%dma_start3A_462, %dma_start3A_463, %dma_start3A_464] : memref<8x128x32xf32, #tpu.memory_space<vmem>> -> memref<1x128x32xf32, #tpu.memory_space<vmem>>
      %dma_start3A_466 = tpu.memref_squeeze %dma_start3A_465 : memref<1x128x32xf32, #tpu.memory_space<vmem>> -> memref<128x32xf32, #tpu.memory_space<vmem>>
      %dma_start3A_467 = arith.constant 0 : i32
      %dma_start3A_468 = tpu.memref_slice %arg3[%mul3A_461, %dma_start3A_467] : memref<320000x32xf32, #tpu.memory_space<hbm>> -> memref<128x32xf32, #tpu.memory_space<hbm>>
      %dma_start3A_469 = arith.constant 0 : i32
      %dma_start3A_470 = arith.constant 0 : i32
      %dma_start3A_471 = tpu.memref_slice %arg7[%dma_start3A_462, %dma_start3A_469, %dma_start3A_470] : memref<8x128x32xf32, #tpu.memory_space<vmem>> -> memref<1x128x32xf32, #tpu.memory_space<vmem>>
      %dma_start3A_472 = tpu.memref_squeeze %dma_start3A_471 : memref<1x128x32xf32, #tpu.memory_space<vmem>> -> memref<128x32xf32, #tpu.memory_space<vmem>>
      %dma_start3A_473 = arith.constant 0 : i32
      %dma_start3A_474 = tpu.memref_slice %arg3[%mul3A_461, %dma_start3A_473] : memref<320000x32xf32, #tpu.memory_space<hbm>> -> memref<128x32xf32, #tpu.memory_space<hbm>>
      tpu.enqueue_dma source(%dma_start3A_474 : memref<128x32xf32, #tpu.memory_space<hbm>>) target(%dma_start3A_472 : memref<128x32xf32, #tpu.memory_space<vmem>>) target_semaphore(%arg9 : memref<!tpu.dma_semaphore, #tpu.memory_space<semaphore_mem>>)
      %add3A_475 = arith.addi %add3A_4, %mul3A_366 : i32
      %add3A_476 = arith.constant 6 : i32
      %add3A_477 = arith.addi %add3A_475, %add3A_476 : i32
      %mul3A_478 = arith.constant 128 : i32
      %mul3A_479 = arith.muli %add3A_477, %mul3A_478 : i32
      %dma_start3A_480 = arith.constant 6 : i32
      %dma_start3A_481 = arith.constant 0 : i32
      %dma_start3A_482 = arith.constant 0 : i32
      %dma_start3A_483 = tpu.memref_slice %arg7[%dma_start3A_480, %dma_start3A_481, %dma_start3A_482] : memref<8x128x32xf32, #tpu.memory_space<vmem>> -> memref<1x128x32xf32, #tpu.memory_space<vmem>>
      %dma_start3A_484 = tpu.memref_squeeze %dma_start3A_483 : memref<1x128x32xf32, #tpu.memory_space<vmem>> -> memref<128x32xf32, #tpu.memory_space<vmem>>
      %dma_start3A_485 = arith.constant 0 : i32
      %dma_start3A_486 = tpu.memref_slice %arg3[%mul3A_479, %dma_start3A_485] : memref<320000x32xf32, #tpu.memory_space<hbm>> -> memref<128x32xf32, #tpu.memory_space<hbm>>
      %dma_start3A_487 = arith.constant 0 : i32
      %dma_start3A_488 = arith.constant 0 : i32
      %dma_start3A_489 = tpu.memref_slice %arg7[%dma_start3A_480, %dma_start3A_487, %dma_start3A_488] : memref<8x128x32xf32, #tpu.memory_space<vmem>> -> memref<1x128x32xf32, #tpu.memory_space<vmem>>
      %dma_start3A_490 = tpu.memref_squeeze %dma_start3A_489 : memref<1x128x32xf32, #tpu.memory_space<vmem>> -> memref<128x32xf32, #tpu.memory_space<vmem>>
      %dma_start3A_491 = arith.constant 0 : i32
      %dma_start3A_492 = tpu.memref_slice %arg3[%mul3A_479, %dma_start3A_491] : memref<320000x32xf32, #tpu.memory_space<hbm>> -> memref<128x32xf32, #tpu.memory_space<hbm>>
      tpu.enqueue_dma source(%dma_start3A_492 : memref<128x32xf32, #tpu.memory_space<hbm>>) target(%dma_start3A_490 : memref<128x32xf32, #tpu.memory_space<vmem>>) target_semaphore(%arg9 : memref<!tpu.dma_semaphore, #tpu.memory_space<semaphore_mem>>)
      %add3A_493 = arith.addi %add3A_4, %mul3A_366 : i32
      %add3A_494 = arith.constant 7 : i32
      %add3A_495 = arith.addi %add3A_493, %add3A_494 : i32
      %mul3A_496 = arith.constant 128 : i32
      %mul3A_497 = arith.muli %add3A_495, %mul3A_496 : i32
      %dma_start3A_498 = arith.constant 7 : i32
      %dma_start3A_499 = arith.constant 0 : i32
      %dma_start3A_500 = arith.constant 0 : i32
      %dma_start3A_501 = tpu.memref_slice %arg7[%dma_start3A_498, %dma_start3A_499, %dma_start3A_500] : memref<8x128x32xf32, #tpu.memory_space<vmem>> -> memref<1x128x32xf32, #tpu.memory_space<vmem>>
      %dma_start3A_502 = tpu.memref_squeeze %dma_start3A_501 : memref<1x128x32xf32, #tpu.memory_space<vmem>> -> memref<128x32xf32, #tpu.memory_space<vmem>>
      %dma_start3A_503 = arith.constant 0 : i32
      %dma_start3A_504 = tpu.memref_slice %arg3[%mul3A_497, %dma_start3A_503] : memref<320000x32xf32, #tpu.memory_space<hbm>> -> memref<128x32xf32, #tpu.memory_space<hbm>>
      %dma_start3A_505 = arith.constant 0 : i32
      %dma_start3A_506 = arith.constant 0 : i32
      %dma_start3A_507 = tpu.memref_slice %arg7[%dma_start3A_498, %dma_start3A_505, %dma_start3A_506] : memref<8x128x32xf32, #tpu.memory_space<vmem>> -> memref<1x128x32xf32, #tpu.memory_space<vmem>>
      %dma_start3A_508 = tpu.memref_squeeze %dma_start3A_507 : memref<1x128x32xf32, #tpu.memory_space<vmem>> -> memref<128x32xf32, #tpu.memory_space<vmem>>
      %dma_start3A_509 = arith.constant 0 : i32
      %dma_start3A_510 = tpu.memref_slice %arg3[%mul3A_497, %dma_start3A_509] : memref<320000x32xf32, #tpu.memory_space<hbm>> -> memref<128x32xf32, #tpu.memory_space<hbm>>
      tpu.enqueue_dma source(%dma_start3A_510 : memref<128x32xf32, #tpu.memory_space<hbm>>) target(%dma_start3A_508 : memref<128x32xf32, #tpu.memory_space<vmem>>) target_semaphore(%arg9 : memref<!tpu.dma_semaphore, #tpu.memory_space<semaphore_mem>>)
      %dma_wait3A_511 = arith.constant 0 : i32
      %dma_wait3A_512 = arith.constant 0 : i32
      %dma_wait3A_513 = arith.constant 0 : i32
      %dma_wait3A_514 = tpu.memref_slice %arg7[%dma_wait3A_511, %dma_wait3A_512, %dma_wait3A_513] : memref<8x128x32xf32, #tpu.memory_space<vmem>> -> memref<1x128x32xf32, #tpu.memory_space<vmem>>
      %dma_wait3A_515 = tpu.memref_squeeze %dma_wait3A_514 : memref<1x128x32xf32, #tpu.memory_space<vmem>> -> memref<128x32xf32, #tpu.memory_space<vmem>>
      %dma_wait3A_516 = arith.constant 0 : i32
      %dma_wait3A_517 = tpu.memref_slice %arg3[%mul3A_371, %dma_wait3A_516] : memref<320000x32xf32, #tpu.memory_space<hbm>> -> memref<128x32xf32, #tpu.memory_space<hbm>>
      %dma_wait3A_518 = arith.constant 0 : i32
      %dma_wait3A_519 = arith.constant 0 : i32
      %dma_wait3A_520 = tpu.memref_slice %arg7[%dma_wait3A_511, %dma_wait3A_518, %dma_wait3A_519] : memref<8x128x32xf32, #tpu.memory_space<vmem>> -> memref<1x128x32xf32, #tpu.memory_space<vmem>>
      %dma_wait3A_521 = tpu.memref_squeeze %dma_wait3A_520 : memref<1x128x32xf32, #tpu.memory_space<vmem>> -> memref<128x32xf32, #tpu.memory_space<vmem>>
      %dma_wait3A_522 = arith.constant 0 : i32
      %dma_wait3A_523 = tpu.memref_slice %arg3[%mul3A_371, %dma_wait3A_522] : memref<320000x32xf32, #tpu.memory_space<hbm>> -> memref<128x32xf32, #tpu.memory_space<hbm>>
      tpu.wait_dma2 semaphore(%arg9 : memref<!tpu.dma_semaphore, #tpu.memory_space<semaphore_mem>>) src(%dma_wait3A_523 : memref<128x32xf32, #tpu.memory_space<hbm>>) dst(%dma_wait3A_521 : memref<128x32xf32, #tpu.memory_space<vmem>>)
      %add3A_524 = arith.constant 0 : i32
      %add3A_525 = arith.addi %mul3A_366, %add3A_524 : i32
      %dma_start3A_526 = arith.constant 0 : i32
      %dma_start3A_527 = arith.constant 0 : i32
      %dma_start3A_528 = arith.constant 0 : i32
      %dma_start3A_529 = tpu.memref_slice %arg7[%dma_start3A_526, %dma_start3A_527, %dma_start3A_528] : memref<8x128x32xf32, #tpu.memory_space<vmem>> -> memref<1x128x32xf32, #tpu.memory_space<vmem>>
      %dma_start3A_530 = tpu.memref_squeeze %dma_start3A_529 : memref<1x128x32xf32, #tpu.memory_space<vmem>> -> memref<128x32xf32, #tpu.memory_space<vmem>>
      %dma_start3A_531 = arith.constant 0 : i32
      %dma_start3A_532 = tpu.memref_slice %arg6[%add3A_525, %dma_start3A_531] : memref<79x128xi32, #tpu.memory_space<vmem>> -> memref<1x128xi32, #tpu.memory_space<vmem>>
      %dma_start3A_533 = tpu.memref_squeeze %dma_start3A_532 : memref<1x128xi32, #tpu.memory_space<vmem>> -> memref<128xi32, #tpu.memory_space<vmem>>
      %dma_start3A_534 = arith.constant 0 : i32
      %dma_start3A_535 = arith.constant 0 : i32
      %dma_start3A_536 = tpu.memref_slice %arg8[%dma_start3A_534, %dma_start3A_535] : memref<10112x32xf32, #tpu.memory_space<vmem_shared>> -> memref<10112x32xf32, #tpu.memory_space<vmem_shared>>
      tpu.enqueue_indirect_dma source(%dma_start3A_530 : memref<128x32xf32, #tpu.memory_space<vmem>>) target(%dma_start3A_536 : memref<10112x32xf32, #tpu.memory_space<vmem_shared>>) offsets(%dma_start3A_533 : memref<128xi32, #tpu.memory_space<vmem>>) semaphore(%arg10 : memref<!tpu.dma_semaphore, #tpu.memory_space<semaphore_mem>>) {add = true}
      %dma_wait3A_537 = arith.constant 1 : i32
      %dma_wait3A_538 = arith.constant 0 : i32
      %dma_wait3A_539 = arith.constant 0 : i32
      %dma_wait3A_540 = tpu.memref_slice %arg7[%dma_wait3A_537, %dma_wait3A_538, %dma_wait3A_539] : memref<8x128x32xf32, #tpu.memory_space<vmem>> -> memref<1x128x32xf32, #tpu.memory_space<vmem>>
      %dma_wait3A_541 = tpu.memref_squeeze %dma_wait3A_540 : memref<1x128x32xf32, #tpu.memory_space<vmem>> -> memref<128x32xf32, #tpu.memory_space<vmem>>
      %dma_wait3A_542 = arith.constant 0 : i32
      %dma_wait3A_543 = tpu.memref_slice %arg3[%mul3A_389, %dma_wait3A_542] : memref<320000x32xf32, #tpu.memory_space<hbm>> -> memref<128x32xf32, #tpu.memory_space<hbm>>
      %dma_wait3A_544 = arith.constant 0 : i32
      %dma_wait3A_545 = arith.constant 0 : i32
      %dma_wait3A_546 = tpu.memref_slice %arg7[%dma_wait3A_537, %dma_wait3A_544, %dma_wait3A_545] : memref<8x128x32xf32, #tpu.memory_space<vmem>> -> memref<1x128x32xf32, #tpu.memory_space<vmem>>
      %dma_wait3A_547 = tpu.memref_squeeze %dma_wait3A_546 : memref<1x128x32xf32, #tpu.memory_space<vmem>> -> memref<128x32xf32, #tpu.memory_space<vmem>>
      %dma_wait3A_548 = arith.constant 0 : i32
      %dma_wait3A_549 = tpu.memref_slice %arg3[%mul3A_389, %dma_wait3A_548] : memref<320000x32xf32, #tpu.memory_space<hbm>> -> memref<128x32xf32, #tpu.memory_space<hbm>>
      tpu.wait_dma2 semaphore(%arg9 : memref<!tpu.dma_semaphore, #tpu.memory_space<semaphore_mem>>) src(%dma_wait3A_549 : memref<128x32xf32, #tpu.memory_space<hbm>>) dst(%dma_wait3A_547 : memref<128x32xf32, #tpu.memory_space<vmem>>)
      %add3A_550 = arith.constant 1 : i32
      %add3A_551 = arith.addi %mul3A_366, %add3A_550 : i32
      %dma_start3A_552 = arith.constant 1 : i32
      %dma_start3A_553 = arith.constant 0 : i32
      %dma_start3A_554 = arith.constant 0 : i32
      %dma_start3A_555 = tpu.memref_slice %arg7[%dma_start3A_552, %dma_start3A_553, %dma_start3A_554] : memref<8x128x32xf32, #tpu.memory_space<vmem>> -> memref<1x128x32xf32, #tpu.memory_space<vmem>>
      %dma_start3A_556 = tpu.memref_squeeze %dma_start3A_555 : memref<1x128x32xf32, #tpu.memory_space<vmem>> -> memref<128x32xf32, #tpu.memory_space<vmem>>
      %dma_start3A_557 = arith.constant 0 : i32
      %dma_start3A_558 = tpu.memref_slice %arg6[%add3A_551, %dma_start3A_557] : memref<79x128xi32, #tpu.memory_space<vmem>> -> memref<1x128xi32, #tpu.memory_space<vmem>>
      %dma_start3A_559 = tpu.memref_squeeze %dma_start3A_558 : memref<1x128xi32, #tpu.memory_space<vmem>> -> memref<128xi32, #tpu.memory_space<vmem>>
      %dma_start3A_560 = arith.constant 0 : i32
      %dma_start3A_561 = arith.constant 0 : i32
      %dma_start3A_562 = tpu.memref_slice %arg8[%dma_start3A_560, %dma_start3A_561] : memref<10112x32xf32, #tpu.memory_space<vmem_shared>> -> memref<10112x32xf32, #tpu.memory_space<vmem_shared>>
      tpu.enqueue_indirect_dma source(%dma_start3A_556 : memref<128x32xf32, #tpu.memory_space<vmem>>) target(%dma_start3A_562 : memref<10112x32xf32, #tpu.memory_space<vmem_shared>>) offsets(%dma_start3A_559 : memref<128xi32, #tpu.memory_space<vmem>>) semaphore(%arg10 : memref<!tpu.dma_semaphore, #tpu.memory_space<semaphore_mem>>) {add = true}
      %dma_wait3A_563 = arith.constant 2 : i32
      %dma_wait3A_564 = arith.constant 0 : i32
      %dma_wait3A_565 = arith.constant 0 : i32
      %dma_wait3A_566 = tpu.memref_slice %arg7[%dma_wait3A_563, %dma_wait3A_564, %dma_wait3A_565] : memref<8x128x32xf32, #tpu.memory_space<vmem>> -> memref<1x128x32xf32, #tpu.memory_space<vmem>>
      %dma_wait3A_567 = tpu.memref_squeeze %dma_wait3A_566 : memref<1x128x32xf32, #tpu.memory_space<vmem>> -> memref<128x32xf32, #tpu.memory_space<vmem>>
      %dma_wait3A_568 = arith.constant 0 : i32
      %dma_wait3A_569 = tpu.memref_slice %arg3[%mul3A_407, %dma_wait3A_568] : memref<320000x32xf32, #tpu.memory_space<hbm>> -> memref<128x32xf32, #tpu.memory_space<hbm>>
      %dma_wait3A_570 = arith.constant 0 : i32
      %dma_wait3A_571 = arith.constant 0 : i32
      %dma_wait3A_572 = tpu.memref_slice %arg7[%dma_wait3A_563, %dma_wait3A_570, %dma_wait3A_571] : memref<8x128x32xf32, #tpu.memory_space<vmem>> -> memref<1x128x32xf32, #tpu.memory_space<vmem>>
      %dma_wait3A_573 = tpu.memref_squeeze %dma_wait3A_572 : memref<1x128x32xf32, #tpu.memory_space<vmem>> -> memref<128x32xf32, #tpu.memory_space<vmem>>
      %dma_wait3A_574 = arith.constant 0 : i32
      %dma_wait3A_575 = tpu.memref_slice %arg3[%mul3A_407, %dma_wait3A_574] : memref<320000x32xf32, #tpu.memory_space<hbm>> -> memref<128x32xf32, #tpu.memory_space<hbm>>
      tpu.wait_dma2 semaphore(%arg9 : memref<!tpu.dma_semaphore, #tpu.memory_space<semaphore_mem>>) src(%dma_wait3A_575 : memref<128x32xf32, #tpu.memory_space<hbm>>) dst(%dma_wait3A_573 : memref<128x32xf32, #tpu.memory_space<vmem>>)
      %add3A_576 = arith.constant 2 : i32
      %add3A_577 = arith.addi %mul3A_366, %add3A_576 : i32
      %dma_start3A_578 = arith.constant 2 : i32
      %dma_start3A_579 = arith.constant 0 : i32
      %dma_start3A_580 = arith.constant 0 : i32
      %dma_start3A_581 = tpu.memref_slice %arg7[%dma_start3A_578, %dma_start3A_579, %dma_start3A_580] : memref<8x128x32xf32, #tpu.memory_space<vmem>> -> memref<1x128x32xf32, #tpu.memory_space<vmem>>
      %dma_start3A_582 = tpu.memref_squeeze %dma_start3A_581 : memref<1x128x32xf32, #tpu.memory_space<vmem>> -> memref<128x32xf32, #tpu.memory_space<vmem>>
      %dma_start3A_583 = arith.constant 0 : i32
      %dma_start3A_584 = tpu.memref_slice %arg6[%add3A_577, %dma_start3A_583] : memref<79x128xi32, #tpu.memory_space<vmem>> -> memref<1x128xi32, #tpu.memory_space<vmem>>
      %dma_start3A_585 = tpu.memref_squeeze %dma_start3A_584 : memref<1x128xi32, #tpu.memory_space<vmem>> -> memref<128xi32, #tpu.memory_space<vmem>>
      %dma_start3A_586 = arith.constant 0 : i32
      %dma_start3A_587 = arith.constant 0 : i32
      %dma_start3A_588 = tpu.memref_slice %arg8[%dma_start3A_586, %dma_start3A_587] : memref<10112x32xf32, #tpu.memory_space<vmem_shared>> -> memref<10112x32xf32, #tpu.memory_space<vmem_shared>>
      tpu.enqueue_indirect_dma source(%dma_start3A_582 : memref<128x32xf32, #tpu.memory_space<vmem>>) target(%dma_start3A_588 : memref<10112x32xf32, #tpu.memory_space<vmem_shared>>) offsets(%dma_start3A_585 : memref<128xi32, #tpu.memory_space<vmem>>) semaphore(%arg10 : memref<!tpu.dma_semaphore, #tpu.memory_space<semaphore_mem>>) {add = true}
      %dma_wait3A_589 = arith.constant 3 : i32
      %dma_wait3A_590 = arith.constant 0 : i32
      %dma_wait3A_591 = arith.constant 0 : i32
      %dma_wait3A_592 = tpu.memref_slice %arg7[%dma_wait3A_589, %dma_wait3A_590, %dma_wait3A_591] : memref<8x128x32xf32, #tpu.memory_space<vmem>> -> memref<1x128x32xf32, #tpu.memory_space<vmem>>
      %dma_wait3A_593 = tpu.memref_squeeze %dma_wait3A_592 : memref<1x128x32xf32, #tpu.memory_space<vmem>> -> memref<128x32xf32, #tpu.memory_space<vmem>>
      %dma_wait3A_594 = arith.constant 0 : i32
      %dma_wait3A_595 = tpu.memref_slice %arg3[%mul3A_425, %dma_wait3A_594] : memref<320000x32xf32, #tpu.memory_space<hbm>> -> memref<128x32xf32, #tpu.memory_space<hbm>>
      %dma_wait3A_596 = arith.constant 0 : i32
      %dma_wait3A_597 = arith.constant 0 : i32
      %dma_wait3A_598 = tpu.memref_slice %arg7[%dma_wait3A_589, %dma_wait3A_596, %dma_wait3A_597] : memref<8x128x32xf32, #tpu.memory_space<vmem>> -> memref<1x128x32xf32, #tpu.memory_space<vmem>>
      %dma_wait3A_599 = tpu.memref_squeeze %dma_wait3A_598 : memref<1x128x32xf32, #tpu.memory_space<vmem>> -> memref<128x32xf32, #tpu.memory_space<vmem>>
      %dma_wait3A_600 = arith.constant 0 : i32
      %dma_wait3A_601 = tpu.memref_slice %arg3[%mul3A_425, %dma_wait3A_600] : memref<320000x32xf32, #tpu.memory_space<hbm>> -> memref<128x32xf32, #tpu.memory_space<hbm>>
      tpu.wait_dma2 semaphore(%arg9 : memref<!tpu.dma_semaphore, #tpu.memory_space<semaphore_mem>>) src(%dma_wait3A_601 : memref<128x32xf32, #tpu.memory_space<hbm>>) dst(%dma_wait3A_599 : memref<128x32xf32, #tpu.memory_space<vmem>>)
      %add3A_602 = arith.constant 3 : i32
      %add3A_603 = arith.addi %mul3A_366, %add3A_602 : i32
      %dma_start3A_604 = arith.constant 3 : i32
      %dma_start3A_605 = arith.constant 0 : i32
      %dma_start3A_606 = arith.constant 0 : i32
      %dma_start3A_607 = tpu.memref_slice %arg7[%dma_start3A_604, %dma_start3A_605, %dma_start3A_606] : memref<8x128x32xf32, #tpu.memory_space<vmem>> -> memref<1x128x32xf32, #tpu.memory_space<vmem>>
      %dma_start3A_608 = tpu.memref_squeeze %dma_start3A_607 : memref<1x128x32xf32, #tpu.memory_space<vmem>> -> memref<128x32xf32, #tpu.memory_space<vmem>>
      %dma_start3A_609 = arith.constant 0 : i32
      %dma_start3A_610 = tpu.memref_slice %arg6[%add3A_603, %dma_start3A_609] : memref<79x128xi32, #tpu.memory_space<vmem>> -> memref<1x128xi32, #tpu.memory_space<vmem>>
      %dma_start3A_611 = tpu.memref_squeeze %dma_start3A_610 : memref<1x128xi32, #tpu.memory_space<vmem>> -> memref<128xi32, #tpu.memory_space<vmem>>
      %dma_start3A_612 = arith.constant 0 : i32
      %dma_start3A_613 = arith.constant 0 : i32
      %dma_start3A_614 = tpu.memref_slice %arg8[%dma_start3A_612, %dma_start3A_613] : memref<10112x32xf32, #tpu.memory_space<vmem_shared>> -> memref<10112x32xf32, #tpu.memory_space<vmem_shared>>
      tpu.enqueue_indirect_dma source(%dma_start3A_608 : memref<128x32xf32, #tpu.memory_space<vmem>>) target(%dma_start3A_614 : memref<10112x32xf32, #tpu.memory_space<vmem_shared>>) offsets(%dma_start3A_611 : memref<128xi32, #tpu.memory_space<vmem>>) semaphore(%arg10 : memref<!tpu.dma_semaphore, #tpu.memory_space<semaphore_mem>>) {add = true}
      %dma_wait3A_615 = arith.constant 4 : i32
      %dma_wait3A_616 = arith.constant 0 : i32
      %dma_wait3A_617 = arith.constant 0 : i32
      %dma_wait3A_618 = tpu.memref_slice %arg7[%dma_wait3A_615, %dma_wait3A_616, %dma_wait3A_617] : memref<8x128x32xf32, #tpu.memory_space<vmem>> -> memref<1x128x32xf32, #tpu.memory_space<vmem>>
      %dma_wait3A_619 = tpu.memref_squeeze %dma_wait3A_618 : memref<1x128x32xf32, #tpu.memory_space<vmem>> -> memref<128x32xf32, #tpu.memory_space<vmem>>
      %dma_wait3A_620 = arith.constant 0 : i32
      %dma_wait3A_621 = tpu.memref_slice %arg3[%mul3A_443, %dma_wait3A_620] : memref<320000x32xf32, #tpu.memory_space<hbm>> -> memref<128x32xf32, #tpu.memory_space<hbm>>
      %dma_wait3A_622 = arith.constant 0 : i32
      %dma_wait3A_623 = arith.constant 0 : i32
      %dma_wait3A_624 = tpu.memref_slice %arg7[%dma_wait3A_615, %dma_wait3A_622, %dma_wait3A_623] : memref<8x128x32xf32, #tpu.memory_space<vmem>> -> memref<1x128x32xf32, #tpu.memory_space<vmem>>
      %dma_wait3A_625 = tpu.memref_squeeze %dma_wait3A_624 : memref<1x128x32xf32, #tpu.memory_space<vmem>> -> memref<128x32xf32, #tpu.memory_space<vmem>>
      %dma_wait3A_626 = arith.constant 0 : i32
      %dma_wait3A_627 = tpu.memref_slice %arg3[%mul3A_443, %dma_wait3A_626] : memref<320000x32xf32, #tpu.memory_space<hbm>> -> memref<128x32xf32, #tpu.memory_space<hbm>>
      tpu.wait_dma2 semaphore(%arg9 : memref<!tpu.dma_semaphore, #tpu.memory_space<semaphore_mem>>) src(%dma_wait3A_627 : memref<128x32xf32, #tpu.memory_space<hbm>>) dst(%dma_wait3A_625 : memref<128x32xf32, #tpu.memory_space<vmem>>)
      %add3A_628 = arith.constant 4 : i32
      %add3A_629 = arith.addi %mul3A_366, %add3A_628 : i32
      %dma_start3A_630 = arith.constant 4 : i32
      %dma_start3A_631 = arith.constant 0 : i32
      %dma_start3A_632 = arith.constant 0 : i32
      %dma_start3A_633 = tpu.memref_slice %arg7[%dma_start3A_630, %dma_start3A_631, %dma_start3A_632] : memref<8x128x32xf32, #tpu.memory_space<vmem>> -> memref<1x128x32xf32, #tpu.memory_space<vmem>>
      %dma_start3A_634 = tpu.memref_squeeze %dma_start3A_633 : memref<1x128x32xf32, #tpu.memory_space<vmem>> -> memref<128x32xf32, #tpu.memory_space<vmem>>
      %dma_start3A_635 = arith.constant 0 : i32
      %dma_start3A_636 = tpu.memref_slice %arg6[%add3A_629, %dma_start3A_635] : memref<79x128xi32, #tpu.memory_space<vmem>> -> memref<1x128xi32, #tpu.memory_space<vmem>>
      %dma_start3A_637 = tpu.memref_squeeze %dma_start3A_636 : memref<1x128xi32, #tpu.memory_space<vmem>> -> memref<128xi32, #tpu.memory_space<vmem>>
      %dma_start3A_638 = arith.constant 0 : i32
      %dma_start3A_639 = arith.constant 0 : i32
      %dma_start3A_640 = tpu.memref_slice %arg8[%dma_start3A_638, %dma_start3A_639] : memref<10112x32xf32, #tpu.memory_space<vmem_shared>> -> memref<10112x32xf32, #tpu.memory_space<vmem_shared>>
      tpu.enqueue_indirect_dma source(%dma_start3A_634 : memref<128x32xf32, #tpu.memory_space<vmem>>) target(%dma_start3A_640 : memref<10112x32xf32, #tpu.memory_space<vmem_shared>>) offsets(%dma_start3A_637 : memref<128xi32, #tpu.memory_space<vmem>>) semaphore(%arg10 : memref<!tpu.dma_semaphore, #tpu.memory_space<semaphore_mem>>) {add = true}
      %dma_wait3A_641 = arith.constant 5 : i32
      %dma_wait3A_642 = arith.constant 0 : i32
      %dma_wait3A_643 = arith.constant 0 : i32
      %dma_wait3A_644 = tpu.memref_slice %arg7[%dma_wait3A_641, %dma_wait3A_642, %dma_wait3A_643] : memref<8x128x32xf32, #tpu.memory_space<vmem>> -> memref<1x128x32xf32, #tpu.memory_space<vmem>>
      %dma_wait3A_645 = tpu.memref_squeeze %dma_wait3A_644 : memref<1x128x32xf32, #tpu.memory_space<vmem>> -> memref<128x32xf32, #tpu.memory_space<vmem>>
      %dma_wait3A_646 = arith.constant 0 : i32
      %dma_wait3A_647 = tpu.memref_slice %arg3[%mul3A_461, %dma_wait3A_646] : memref<320000x32xf32, #tpu.memory_space<hbm>> -> memref<128x32xf32, #tpu.memory_space<hbm>>
      %dma_wait3A_648 = arith.constant 0 : i32
      %dma_wait3A_649 = arith.constant 0 : i32
      %dma_wait3A_650 = tpu.memref_slice %arg7[%dma_wait3A_641, %dma_wait3A_648, %dma_wait3A_649] : memref<8x128x32xf32, #tpu.memory_space<vmem>> -> memref<1x128x32xf32, #tpu.memory_space<vmem>>
      %dma_wait3A_651 = tpu.memref_squeeze %dma_wait3A_650 : memref<1x128x32xf32, #tpu.memory_space<vmem>> -> memref<128x32xf32, #tpu.memory_space<vmem>>
      %dma_wait3A_652 = arith.constant 0 : i32
      %dma_wait3A_653 = tpu.memref_slice %arg3[%mul3A_461, %dma_wait3A_652] : memref<320000x32xf32, #tpu.memory_space<hbm>> -> memref<128x32xf32, #tpu.memory_space<hbm>>
      tpu.wait_dma2 semaphore(%arg9 : memref<!tpu.dma_semaphore, #tpu.memory_space<semaphore_mem>>) src(%dma_wait3A_653 : memref<128x32xf32, #tpu.memory_space<hbm>>) dst(%dma_wait3A_651 : memref<128x32xf32, #tpu.memory_space<vmem>>)
      %add3A_654 = arith.constant 5 : i32
      %add3A_655 = arith.addi %mul3A_366, %add3A_654 : i32
      %dma_start3A_656 = arith.constant 5 : i32
      %dma_start3A_657 = arith.constant 0 : i32
      %dma_start3A_658 = arith.constant 0 : i32
      %dma_start3A_659 = tpu.memref_slice %arg7[%dma_start3A_656, %dma_start3A_657, %dma_start3A_658] : memref<8x128x32xf32, #tpu.memory_space<vmem>> -> memref<1x128x32xf32, #tpu.memory_space<vmem>>
      %dma_start3A_660 = tpu.memref_squeeze %dma_start3A_659 : memref<1x128x32xf32, #tpu.memory_space<vmem>> -> memref<128x32xf32, #tpu.memory_space<vmem>>
      %dma_start3A_661 = arith.constant 0 : i32
      %dma_start3A_662 = tpu.memref_slice %arg6[%add3A_655, %dma_start3A_661] : memref<79x128xi32, #tpu.memory_space<vmem>> -> memref<1x128xi32, #tpu.memory_space<vmem>>
      %dma_start3A_663 = tpu.memref_squeeze %dma_start3A_662 : memref<1x128xi32, #tpu.memory_space<vmem>> -> memref<128xi32, #tpu.memory_space<vmem>>
      %dma_start3A_664 = arith.constant 0 : i32
      %dma_start3A_665 = arith.constant 0 : i32
      %dma_start3A_666 = tpu.memref_slice %arg8[%dma_start3A_664, %dma_start3A_665] : memref<10112x32xf32, #tpu.memory_space<vmem_shared>> -> memref<10112x32xf32, #tpu.memory_space<vmem_shared>>
      tpu.enqueue_indirect_dma source(%dma_start3A_660 : memref<128x32xf32, #tpu.memory_space<vmem>>) target(%dma_start3A_666 : memref<10112x32xf32, #tpu.memory_space<vmem_shared>>) offsets(%dma_start3A_663 : memref<128xi32, #tpu.memory_space<vmem>>) semaphore(%arg10 : memref<!tpu.dma_semaphore, #tpu.memory_space<semaphore_mem>>) {add = true}
      %dma_wait3A_667 = arith.constant 6 : i32
      %dma_wait3A_668 = arith.constant 0 : i32
      %dma_wait3A_669 = arith.constant 0 : i32
      %dma_wait3A_670 = tpu.memref_slice %arg7[%dma_wait3A_667, %dma_wait3A_668, %dma_wait3A_669] : memref<8x128x32xf32, #tpu.memory_space<vmem>> -> memref<1x128x32xf32, #tpu.memory_space<vmem>>
      %dma_wait3A_671 = tpu.memref_squeeze %dma_wait3A_670 : memref<1x128x32xf32, #tpu.memory_space<vmem>> -> memref<128x32xf32, #tpu.memory_space<vmem>>
      %dma_wait3A_672 = arith.constant 0 : i32
      %dma_wait3A_673 = tpu.memref_slice %arg3[%mul3A_479, %dma_wait3A_672] : memref<320000x32xf32, #tpu.memory_space<hbm>> -> memref<128x32xf32, #tpu.memory_space<hbm>>
      %dma_wait3A_674 = arith.constant 0 : i32
      %dma_wait3A_675 = arith.constant 0 : i32
      %dma_wait3A_676 = tpu.memref_slice %arg7[%dma_wait3A_667, %dma_wait3A_674, %dma_wait3A_675] : memref<8x128x32xf32, #tpu.memory_space<vmem>> -> memref<1x128x32xf32, #tpu.memory_space<vmem>>
      %dma_wait3A_677 = tpu.memref_squeeze %dma_wait3A_676 : memref<1x128x32xf32, #tpu.memory_space<vmem>> -> memref<128x32xf32, #tpu.memory_space<vmem>>
      %dma_wait3A_678 = arith.constant 0 : i32
      %dma_wait3A_679 = tpu.memref_slice %arg3[%mul3A_479, %dma_wait3A_678] : memref<320000x32xf32, #tpu.memory_space<hbm>> -> memref<128x32xf32, #tpu.memory_space<hbm>>
      tpu.wait_dma2 semaphore(%arg9 : memref<!tpu.dma_semaphore, #tpu.memory_space<semaphore_mem>>) src(%dma_wait3A_679 : memref<128x32xf32, #tpu.memory_space<hbm>>) dst(%dma_wait3A_677 : memref<128x32xf32, #tpu.memory_space<vmem>>)
      %add3A_680 = arith.constant 6 : i32
      %add3A_681 = arith.addi %mul3A_366, %add3A_680 : i32
      %dma_start3A_682 = arith.constant 6 : i32
      %dma_start3A_683 = arith.constant 0 : i32
      %dma_start3A_684 = arith.constant 0 : i32
      %dma_start3A_685 = tpu.memref_slice %arg7[%dma_start3A_682, %dma_start3A_683, %dma_start3A_684] : memref<8x128x32xf32, #tpu.memory_space<vmem>> -> memref<1x128x32xf32, #tpu.memory_space<vmem>>
      %dma_start3A_686 = tpu.memref_squeeze %dma_start3A_685 : memref<1x128x32xf32, #tpu.memory_space<vmem>> -> memref<128x32xf32, #tpu.memory_space<vmem>>
      %dma_start3A_687 = arith.constant 0 : i32
      %dma_start3A_688 = tpu.memref_slice %arg6[%add3A_681, %dma_start3A_687] : memref<79x128xi32, #tpu.memory_space<vmem>> -> memref<1x128xi32, #tpu.memory_space<vmem>>
      %dma_start3A_689 = tpu.memref_squeeze %dma_start3A_688 : memref<1x128xi32, #tpu.memory_space<vmem>> -> memref<128xi32, #tpu.memory_space<vmem>>
      %dma_start3A_690 = arith.constant 0 : i32
      %dma_start3A_691 = arith.constant 0 : i32
      %dma_start3A_692 = tpu.memref_slice %arg8[%dma_start3A_690, %dma_start3A_691] : memref<10112x32xf32, #tpu.memory_space<vmem_shared>> -> memref<10112x32xf32, #tpu.memory_space<vmem_shared>>
      tpu.enqueue_indirect_dma source(%dma_start3A_686 : memref<128x32xf32, #tpu.memory_space<vmem>>) target(%dma_start3A_692 : memref<10112x32xf32, #tpu.memory_space<vmem_shared>>) offsets(%dma_start3A_689 : memref<128xi32, #tpu.memory_space<vmem>>) semaphore(%arg10 : memref<!tpu.dma_semaphore, #tpu.memory_space<semaphore_mem>>) {add = true}
      %dma_wait3A_693 = arith.constant 7 : i32
      %dma_wait3A_694 = arith.constant 0 : i32
      %dma_wait3A_695 = arith.constant 0 : i32
      %dma_wait3A_696 = tpu.memref_slice %arg7[%dma_wait3A_693, %dma_wait3A_694, %dma_wait3A_695] : memref<8x128x32xf32, #tpu.memory_space<vmem>> -> memref<1x128x32xf32, #tpu.memory_space<vmem>>
      %dma_wait3A_697 = tpu.memref_squeeze %dma_wait3A_696 : memref<1x128x32xf32, #tpu.memory_space<vmem>> -> memref<128x32xf32, #tpu.memory_space<vmem>>
      %dma_wait3A_698 = arith.constant 0 : i32
      %dma_wait3A_699 = tpu.memref_slice %arg3[%mul3A_497, %dma_wait3A_698] : memref<320000x32xf32, #tpu.memory_space<hbm>> -> memref<128x32xf32, #tpu.memory_space<hbm>>
      %dma_wait3A_700 = arith.constant 0 : i32
      %dma_wait3A_701 = arith.constant 0 : i32
      %dma_wait3A_702 = tpu.memref_slice %arg7[%dma_wait3A_693, %dma_wait3A_700, %dma_wait3A_701] : memref<8x128x32xf32, #tpu.memory_space<vmem>> -> memref<1x128x32xf32, #tpu.memory_space<vmem>>
      %dma_wait3A_703 = tpu.memref_squeeze %dma_wait3A_702 : memref<1x128x32xf32, #tpu.memory_space<vmem>> -> memref<128x32xf32, #tpu.memory_space<vmem>>
      %dma_wait3A_704 = arith.constant 0 : i32
      %dma_wait3A_705 = tpu.memref_slice %arg3[%mul3A_497, %dma_wait3A_704] : memref<320000x32xf32, #tpu.memory_space<hbm>> -> memref<128x32xf32, #tpu.memory_space<hbm>>
      tpu.wait_dma2 semaphore(%arg9 : memref<!tpu.dma_semaphore, #tpu.memory_space<semaphore_mem>>) src(%dma_wait3A_705 : memref<128x32xf32, #tpu.memory_space<hbm>>) dst(%dma_wait3A_703 : memref<128x32xf32, #tpu.memory_space<vmem>>)
      %add3A_706 = arith.constant 7 : i32
      %add3A_707 = arith.addi %mul3A_366, %add3A_706 : i32
      %dma_start3A_708 = arith.constant 7 : i32
      %dma_start3A_709 = arith.constant 0 : i32
      %dma_start3A_710 = arith.constant 0 : i32
      %dma_start3A_711 = tpu.memref_slice %arg7[%dma_start3A_708, %dma_start3A_709, %dma_start3A_710] : memref<8x128x32xf32, #tpu.memory_space<vmem>> -> memref<1x128x32xf32, #tpu.memory_space<vmem>>
      %dma_start3A_712 = tpu.memref_squeeze %dma_start3A_711 : memref<1x128x32xf32, #tpu.memory_space<vmem>> -> memref<128x32xf32, #tpu.memory_space<vmem>>
      %dma_start3A_713 = arith.constant 0 : i32
      %dma_start3A_714 = tpu.memref_slice %arg6[%add3A_707, %dma_start3A_713] : memref<79x128xi32, #tpu.memory_space<vmem>> -> memref<1x128xi32, #tpu.memory_space<vmem>>
      %dma_start3A_715 = tpu.memref_squeeze %dma_start3A_714 : memref<1x128xi32, #tpu.memory_space<vmem>> -> memref<128xi32, #tpu.memory_space<vmem>>
      %dma_start3A_716 = arith.constant 0 : i32
      %dma_start3A_717 = arith.constant 0 : i32
      %dma_start3A_718 = tpu.memref_slice %arg8[%dma_start3A_716, %dma_start3A_717] : memref<10112x32xf32, #tpu.memory_space<vmem_shared>> -> memref<10112x32xf32, #tpu.memory_space<vmem_shared>>
      tpu.enqueue_indirect_dma source(%dma_start3A_712 : memref<128x32xf32, #tpu.memory_space<vmem>>) target(%dma_start3A_718 : memref<10112x32xf32, #tpu.memory_space<vmem_shared>>) offsets(%dma_start3A_715 : memref<128xi32, #tpu.memory_space<vmem>>) semaphore(%arg10 : memref<!tpu.dma_semaphore, #tpu.memory_space<semaphore_mem>>) {add = true}
      %dma_wait3A_719 = arith.constant 0 : i32
      %dma_wait3A_720 = arith.constant 0 : i32
      %dma_wait3A_721 = arith.constant 0 : i32
      %dma_wait3A_722 = tpu.memref_slice %arg7[%dma_wait3A_719, %dma_wait3A_720, %dma_wait3A_721] : memref<8x128x32xf32, #tpu.memory_space<vmem>> -> memref<1x128x32xf32, #tpu.memory_space<vmem>>
      %dma_wait3A_723 = tpu.memref_squeeze %dma_wait3A_722 : memref<1x128x32xf32, #tpu.memory_space<vmem>> -> memref<128x32xf32, #tpu.memory_space<vmem>>
      %dma_wait3A_724 = arith.constant 0 : i32
      %dma_wait3A_725 = tpu.memref_slice %arg6[%add3A_525, %dma_wait3A_724] : memref<79x128xi32, #tpu.memory_space<vmem>> -> memref<1x128xi32, #tpu.memory_space<vmem>>
      %dma_wait3A_726 = tpu.memref_squeeze %dma_wait3A_725 : memref<1x128xi32, #tpu.memory_space<vmem>> -> memref<128xi32, #tpu.memory_space<vmem>>
      %dma_wait3A_727 = arith.constant 0 : i32
      %dma_wait3A_728 = arith.constant 0 : i32
      %dma_wait3A_729 = tpu.memref_slice %arg8[%dma_wait3A_727, %dma_wait3A_728] : memref<10112x32xf32, #tpu.memory_space<vmem_shared>> -> memref<10112x32xf32, #tpu.memory_space<vmem_shared>>
      tpu.wait_indirect_dma semaphore(%arg10 : memref<!tpu.dma_semaphore, #tpu.memory_space<semaphore_mem>>) src(%dma_wait3A_723 : memref<128x32xf32, #tpu.memory_space<vmem>>) dst(%dma_wait3A_729 : memref<10112x32xf32, #tpu.memory_space<vmem_shared>>)
      %dma_wait3A_730 = arith.constant 1 : i32
      %dma_wait3A_731 = arith.constant 0 : i32
      %dma_wait3A_732 = arith.constant 0 : i32
      %dma_wait3A_733 = tpu.memref_slice %arg7[%dma_wait3A_730, %dma_wait3A_731, %dma_wait3A_732] : memref<8x128x32xf32, #tpu.memory_space<vmem>> -> memref<1x128x32xf32, #tpu.memory_space<vmem>>
      %dma_wait3A_734 = tpu.memref_squeeze %dma_wait3A_733 : memref<1x128x32xf32, #tpu.memory_space<vmem>> -> memref<128x32xf32, #tpu.memory_space<vmem>>
      %dma_wait3A_735 = arith.constant 0 : i32
      %dma_wait3A_736 = tpu.memref_slice %arg6[%add3A_551, %dma_wait3A_735] : memref<79x128xi32, #tpu.memory_space<vmem>> -> memref<1x128xi32, #tpu.memory_space<vmem>>
      %dma_wait3A_737 = tpu.memref_squeeze %dma_wait3A_736 : memref<1x128xi32, #tpu.memory_space<vmem>> -> memref<128xi32, #tpu.memory_space<vmem>>
      %dma_wait3A_738 = arith.constant 0 : i32
      %dma_wait3A_739 = arith.constant 0 : i32
      %dma_wait3A_740 = tpu.memref_slice %arg8[%dma_wait3A_738, %dma_wait3A_739] : memref<10112x32xf32, #tpu.memory_space<vmem_shared>> -> memref<10112x32xf32, #tpu.memory_space<vmem_shared>>
      tpu.wait_indirect_dma semaphore(%arg10 : memref<!tpu.dma_semaphore, #tpu.memory_space<semaphore_mem>>) src(%dma_wait3A_734 : memref<128x32xf32, #tpu.memory_space<vmem>>) dst(%dma_wait3A_740 : memref<10112x32xf32, #tpu.memory_space<vmem_shared>>)
      %dma_wait3A_741 = arith.constant 2 : i32
      %dma_wait3A_742 = arith.constant 0 : i32
      %dma_wait3A_743 = arith.constant 0 : i32
      %dma_wait3A_744 = tpu.memref_slice %arg7[%dma_wait3A_741, %dma_wait3A_742, %dma_wait3A_743] : memref<8x128x32xf32, #tpu.memory_space<vmem>> -> memref<1x128x32xf32, #tpu.memory_space<vmem>>
      %dma_wait3A_745 = tpu.memref_squeeze %dma_wait3A_744 : memref<1x128x32xf32, #tpu.memory_space<vmem>> -> memref<128x32xf32, #tpu.memory_space<vmem>>
      %dma_wait3A_746 = arith.constant 0 : i32
      %dma_wait3A_747 = tpu.memref_slice %arg6[%add3A_577, %dma_wait3A_746] : memref<79x128xi32, #tpu.memory_space<vmem>> -> memref<1x128xi32, #tpu.memory_space<vmem>>
      %dma_wait3A_748 = tpu.memref_squeeze %dma_wait3A_747 : memref<1x128xi32, #tpu.memory_space<vmem>> -> memref<128xi32, #tpu.memory_space<vmem>>
      %dma_wait3A_749 = arith.constant 0 : i32
      %dma_wait3A_750 = arith.constant 0 : i32
      %dma_wait3A_751 = tpu.memref_slice %arg8[%dma_wait3A_749, %dma_wait3A_750] : memref<10112x32xf32, #tpu.memory_space<vmem_shared>> -> memref<10112x32xf32, #tpu.memory_space<vmem_shared>>
      tpu.wait_indirect_dma semaphore(%arg10 : memref<!tpu.dma_semaphore, #tpu.memory_space<semaphore_mem>>) src(%dma_wait3A_745 : memref<128x32xf32, #tpu.memory_space<vmem>>) dst(%dma_wait3A_751 : memref<10112x32xf32, #tpu.memory_space<vmem_shared>>)
      %dma_wait3A_752 = arith.constant 3 : i32
      %dma_wait3A_753 = arith.constant 0 : i32
      %dma_wait3A_754 = arith.constant 0 : i32
      %dma_wait3A_755 = tpu.memref_slice %arg7[%dma_wait3A_752, %dma_wait3A_753, %dma_wait3A_754] : memref<8x128x32xf32, #tpu.memory_space<vmem>> -> memref<1x128x32xf32, #tpu.memory_space<vmem>>
      %dma_wait3A_756 = tpu.memref_squeeze %dma_wait3A_755 : memref<1x128x32xf32, #tpu.memory_space<vmem>> -> memref<128x32xf32, #tpu.memory_space<vmem>>
      %dma_wait3A_757 = arith.constant 0 : i32
      %dma_wait3A_758 = tpu.memref_slice %arg6[%add3A_603, %dma_wait3A_757] : memref<79x128xi32, #tpu.memory_space<vmem>> -> memref<1x128xi32, #tpu.memory_space<vmem>>
      %dma_wait3A_759 = tpu.memref_squeeze %dma_wait3A_758 : memref<1x128xi32, #tpu.memory_space<vmem>> -> memref<128xi32, #tpu.memory_space<vmem>>
      %dma_wait3A_760 = arith.constant 0 : i32
      %dma_wait3A_761 = arith.constant 0 : i32
      %dma_wait3A_762 = tpu.memref_slice %arg8[%dma_wait3A_760, %dma_wait3A_761] : memref<10112x32xf32, #tpu.memory_space<vmem_shared>> -> memref<10112x32xf32, #tpu.memory_space<vmem_shared>>
      tpu.wait_indirect_dma semaphore(%arg10 : memref<!tpu.dma_semaphore, #tpu.memory_space<semaphore_mem>>) src(%dma_wait3A_756 : memref<128x32xf32, #tpu.memory_space<vmem>>) dst(%dma_wait3A_762 : memref<10112x32xf32, #tpu.memory_space<vmem_shared>>)
      %dma_wait3A_763 = arith.constant 4 : i32
      %dma_wait3A_764 = arith.constant 0 : i32
      %dma_wait3A_765 = arith.constant 0 : i32
      %dma_wait3A_766 = tpu.memref_slice %arg7[%dma_wait3A_763, %dma_wait3A_764, %dma_wait3A_765] : memref<8x128x32xf32, #tpu.memory_space<vmem>> -> memref<1x128x32xf32, #tpu.memory_space<vmem>>
      %dma_wait3A_767 = tpu.memref_squeeze %dma_wait3A_766 : memref<1x128x32xf32, #tpu.memory_space<vmem>> -> memref<128x32xf32, #tpu.memory_space<vmem>>
      %dma_wait3A_768 = arith.constant 0 : i32
      %dma_wait3A_769 = tpu.memref_slice %arg6[%add3A_629, %dma_wait3A_768] : memref<79x128xi32, #tpu.memory_space<vmem>> -> memref<1x128xi32, #tpu.memory_space<vmem>>
      %dma_wait3A_770 = tpu.memref_squeeze %dma_wait3A_769 : memref<1x128xi32, #tpu.memory_space<vmem>> -> memref<128xi32, #tpu.memory_space<vmem>>
      %dma_wait3A_771 = arith.constant 0 : i32
      %dma_wait3A_772 = arith.constant 0 : i32
      %dma_wait3A_773 = tpu.memref_slice %arg8[%dma_wait3A_771, %dma_wait3A_772] : memref<10112x32xf32, #tpu.memory_space<vmem_shared>> -> memref<10112x32xf32, #tpu.memory_space<vmem_shared>>
      tpu.wait_indirect_dma semaphore(%arg10 : memref<!tpu.dma_semaphore, #tpu.memory_space<semaphore_mem>>) src(%dma_wait3A_767 : memref<128x32xf32, #tpu.memory_space<vmem>>) dst(%dma_wait3A_773 : memref<10112x32xf32, #tpu.memory_space<vmem_shared>>)
      %dma_wait3A_774 = arith.constant 5 : i32
      %dma_wait3A_775 = arith.constant 0 : i32
      %dma_wait3A_776 = arith.constant 0 : i32
      %dma_wait3A_777 = tpu.memref_slice %arg7[%dma_wait3A_774, %dma_wait3A_775, %dma_wait3A_776] : memref<8x128x32xf32, #tpu.memory_space<vmem>> -> memref<1x128x32xf32, #tpu.memory_space<vmem>>
      %dma_wait3A_778 = tpu.memref_squeeze %dma_wait3A_777 : memref<1x128x32xf32, #tpu.memory_space<vmem>> -> memref<128x32xf32, #tpu.memory_space<vmem>>
      %dma_wait3A_779 = arith.constant 0 : i32
      %dma_wait3A_780 = tpu.memref_slice %arg6[%add3A_655, %dma_wait3A_779] : memref<79x128xi32, #tpu.memory_space<vmem>> -> memref<1x128xi32, #tpu.memory_space<vmem>>
      %dma_wait3A_781 = tpu.memref_squeeze %dma_wait3A_780 : memref<1x128xi32, #tpu.memory_space<vmem>> -> memref<128xi32, #tpu.memory_space<vmem>>
      %dma_wait3A_782 = arith.constant 0 : i32
      %dma_wait3A_783 = arith.constant 0 : i32
      %dma_wait3A_784 = tpu.memref_slice %arg8[%dma_wait3A_782, %dma_wait3A_783] : memref<10112x32xf32, #tpu.memory_space<vmem_shared>> -> memref<10112x32xf32, #tpu.memory_space<vmem_shared>>
      tpu.wait_indirect_dma semaphore(%arg10 : memref<!tpu.dma_semaphore, #tpu.memory_space<semaphore_mem>>) src(%dma_wait3A_778 : memref<128x32xf32, #tpu.memory_space<vmem>>) dst(%dma_wait3A_784 : memref<10112x32xf32, #tpu.memory_space<vmem_shared>>)
      %dma_wait3A_785 = arith.constant 6 : i32
      %dma_wait3A_786 = arith.constant 0 : i32
      %dma_wait3A_787 = arith.constant 0 : i32
      %dma_wait3A_788 = tpu.memref_slice %arg7[%dma_wait3A_785, %dma_wait3A_786, %dma_wait3A_787] : memref<8x128x32xf32, #tpu.memory_space<vmem>> -> memref<1x128x32xf32, #tpu.memory_space<vmem>>
      %dma_wait3A_789 = tpu.memref_squeeze %dma_wait3A_788 : memref<1x128x32xf32, #tpu.memory_space<vmem>> -> memref<128x32xf32, #tpu.memory_space<vmem>>
      %dma_wait3A_790 = arith.constant 0 : i32
      %dma_wait3A_791 = tpu.memref_slice %arg6[%add3A_681, %dma_wait3A_790] : memref<79x128xi32, #tpu.memory_space<vmem>> -> memref<1x128xi32, #tpu.memory_space<vmem>>
      %dma_wait3A_792 = tpu.memref_squeeze %dma_wait3A_791 : memref<1x128xi32, #tpu.memory_space<vmem>> -> memref<128xi32, #tpu.memory_space<vmem>>
      %dma_wait3A_793 = arith.constant 0 : i32
      %dma_wait3A_794 = arith.constant 0 : i32
      %dma_wait3A_795 = tpu.memref_slice %arg8[%dma_wait3A_793, %dma_wait3A_794] : memref<10112x32xf32, #tpu.memory_space<vmem_shared>> -> memref<10112x32xf32, #tpu.memory_space<vmem_shared>>
      tpu.wait_indirect_dma semaphore(%arg10 : memref<!tpu.dma_semaphore, #tpu.memory_space<semaphore_mem>>) src(%dma_wait3A_789 : memref<128x32xf32, #tpu.memory_space<vmem>>) dst(%dma_wait3A_795 : memref<10112x32xf32, #tpu.memory_space<vmem_shared>>)
      %dma_wait3A_796 = arith.constant 7 : i32
      %dma_wait3A_797 = arith.constant 0 : i32
      %dma_wait3A_798 = arith.constant 0 : i32
      %dma_wait3A_799 = tpu.memref_slice %arg7[%dma_wait3A_796, %dma_wait3A_797, %dma_wait3A_798] : memref<8x128x32xf32, #tpu.memory_space<vmem>> -> memref<1x128x32xf32, #tpu.memory_space<vmem>>
      %dma_wait3A_800 = tpu.memref_squeeze %dma_wait3A_799 : memref<1x128x32xf32, #tpu.memory_space<vmem>> -> memref<128x32xf32, #tpu.memory_space<vmem>>
      %dma_wait3A_801 = arith.constant 0 : i32
      %dma_wait3A_802 = tpu.memref_slice %arg6[%add3A_707, %dma_wait3A_801] : memref<79x128xi32, #tpu.memory_space<vmem>> -> memref<1x128xi32, #tpu.memory_space<vmem>>
      %dma_wait3A_803 = tpu.memref_squeeze %dma_wait3A_802 : memref<1x128xi32, #tpu.memory_space<vmem>> -> memref<128xi32, #tpu.memory_space<vmem>>
      %dma_wait3A_804 = arith.constant 0 : i32
      %dma_wait3A_805 = arith.constant 0 : i32
      %dma_wait3A_806 = tpu.memref_slice %arg8[%dma_wait3A_804, %dma_wait3A_805] : memref<10112x32xf32, #tpu.memory_space<vmem_shared>> -> memref<10112x32xf32, #tpu.memory_space<vmem_shared>>
      tpu.wait_indirect_dma semaphore(%arg10 : memref<!tpu.dma_semaphore, #tpu.memory_space<semaphore_mem>>) src(%dma_wait3A_800 : memref<128x32xf32, #tpu.memory_space<vmem>>) dst(%dma_wait3A_806 : memref<10112x32xf32, #tpu.memory_space<vmem_shared>>)
    }
    %scan3A_19 = arith.constant 9 : i32
    %add3A_20 = arith.constant 72 : i32
    %add3A_21 = arith.addi %add3A_4, %add3A_20 : i32
    %add3A_22 = arith.constant 0 : i32
    %add3A_23 = arith.addi %add3A_21, %add3A_22 : i32
    %mul3A_24 = arith.constant 128 : i32
    %mul3A_25 = arith.muli %add3A_23, %mul3A_24 : i32
    %dma_start3A = arith.constant 0 : i32
    %dma_start3A_26 = arith.constant 0 : i32
    %dma_start3A_27 = arith.constant 0 : i32
    %dma_start3A_28 = tpu.memref_slice %arg7[%dma_start3A, %dma_start3A_26, %dma_start3A_27] : memref<8x128x32xf32, #tpu.memory_space<vmem>> -> memref<1x128x32xf32, #tpu.memory_space<vmem>>
    %dma_start3A_29 = tpu.memref_squeeze %dma_start3A_28 : memref<1x128x32xf32, #tpu.memory_space<vmem>> -> memref<128x32xf32, #tpu.memory_space<vmem>>
    %dma_start3A_30 = arith.constant 0 : i32
    %dma_start3A_31 = tpu.memref_slice %arg3[%mul3A_25, %dma_start3A_30] : memref<320000x32xf32, #tpu.memory_space<hbm>> -> memref<128x32xf32, #tpu.memory_space<hbm>>
    %dma_start3A_32 = arith.constant 0 : i32
    %dma_start3A_33 = arith.constant 0 : i32
    %dma_start3A_34 = tpu.memref_slice %arg7[%dma_start3A, %dma_start3A_32, %dma_start3A_33] : memref<8x128x32xf32, #tpu.memory_space<vmem>> -> memref<1x128x32xf32, #tpu.memory_space<vmem>>
    %dma_start3A_35 = tpu.memref_squeeze %dma_start3A_34 : memref<1x128x32xf32, #tpu.memory_space<vmem>> -> memref<128x32xf32, #tpu.memory_space<vmem>>
    %dma_start3A_36 = arith.constant 0 : i32
    %dma_start3A_37 = tpu.memref_slice %arg3[%mul3A_25, %dma_start3A_36] : memref<320000x32xf32, #tpu.memory_space<hbm>> -> memref<128x32xf32, #tpu.memory_space<hbm>>
    tpu.enqueue_dma source(%dma_start3A_37 : memref<128x32xf32, #tpu.memory_space<hbm>>) target(%dma_start3A_35 : memref<128x32xf32, #tpu.memory_space<vmem>>) target_semaphore(%arg9 : memref<!tpu.dma_semaphore, #tpu.memory_space<semaphore_mem>>)
    %add3A_38 = arith.constant 72 : i32
    %add3A_39 = arith.addi %add3A_4, %add3A_38 : i32
    %add3A_40 = arith.constant 1 : i32
    %add3A_41 = arith.addi %add3A_39, %add3A_40 : i32
    %mul3A_42 = arith.constant 128 : i32
    %mul3A_43 = arith.muli %add3A_41, %mul3A_42 : i32
    %dma_start3A_44 = arith.constant 1 : i32
    %dma_start3A_45 = arith.constant 0 : i32
    %dma_start3A_46 = arith.constant 0 : i32
    %dma_start3A_47 = tpu.memref_slice %arg7[%dma_start3A_44, %dma_start3A_45, %dma_start3A_46] : memref<8x128x32xf32, #tpu.memory_space<vmem>> -> memref<1x128x32xf32, #tpu.memory_space<vmem>>
    %dma_start3A_48 = tpu.memref_squeeze %dma_start3A_47 : memref<1x128x32xf32, #tpu.memory_space<vmem>> -> memref<128x32xf32, #tpu.memory_space<vmem>>
    %dma_start3A_49 = arith.constant 0 : i32
    %dma_start3A_50 = tpu.memref_slice %arg3[%mul3A_43, %dma_start3A_49] : memref<320000x32xf32, #tpu.memory_space<hbm>> -> memref<128x32xf32, #tpu.memory_space<hbm>>
    %dma_start3A_51 = arith.constant 0 : i32
    %dma_start3A_52 = arith.constant 0 : i32
    %dma_start3A_53 = tpu.memref_slice %arg7[%dma_start3A_44, %dma_start3A_51, %dma_start3A_52] : memref<8x128x32xf32, #tpu.memory_space<vmem>> -> memref<1x128x32xf32, #tpu.memory_space<vmem>>
    %dma_start3A_54 = tpu.memref_squeeze %dma_start3A_53 : memref<1x128x32xf32, #tpu.memory_space<vmem>> -> memref<128x32xf32, #tpu.memory_space<vmem>>
    %dma_start3A_55 = arith.constant 0 : i32
    %dma_start3A_56 = tpu.memref_slice %arg3[%mul3A_43, %dma_start3A_55] : memref<320000x32xf32, #tpu.memory_space<hbm>> -> memref<128x32xf32, #tpu.memory_space<hbm>>
    tpu.enqueue_dma source(%dma_start3A_56 : memref<128x32xf32, #tpu.memory_space<hbm>>) target(%dma_start3A_54 : memref<128x32xf32, #tpu.memory_space<vmem>>) target_semaphore(%arg9 : memref<!tpu.dma_semaphore, #tpu.memory_space<semaphore_mem>>)
    %add3A_57 = arith.constant 72 : i32
    %add3A_58 = arith.addi %add3A_4, %add3A_57 : i32
    %add3A_59 = arith.constant 2 : i32
    %add3A_60 = arith.addi %add3A_58, %add3A_59 : i32
    %mul3A_61 = arith.constant 128 : i32
    %mul3A_62 = arith.muli %add3A_60, %mul3A_61 : i32
    %dma_start3A_63 = arith.constant 2 : i32
    %dma_start3A_64 = arith.constant 0 : i32
    %dma_start3A_65 = arith.constant 0 : i32
    %dma_start3A_66 = tpu.memref_slice %arg7[%dma_start3A_63, %dma_start3A_64, %dma_start3A_65] : memref<8x128x32xf32, #tpu.memory_space<vmem>> -> memref<1x128x32xf32, #tpu.memory_space<vmem>>
    %dma_start3A_67 = tpu.memref_squeeze %dma_start3A_66 : memref<1x128x32xf32, #tpu.memory_space<vmem>> -> memref<128x32xf32, #tpu.memory_space<vmem>>
    %dma_start3A_68 = arith.constant 0 : i32
    %dma_start3A_69 = tpu.memref_slice %arg3[%mul3A_62, %dma_start3A_68] : memref<320000x32xf32, #tpu.memory_space<hbm>> -> memref<128x32xf32, #tpu.memory_space<hbm>>
    %dma_start3A_70 = arith.constant 0 : i32
    %dma_start3A_71 = arith.constant 0 : i32
    %dma_start3A_72 = tpu.memref_slice %arg7[%dma_start3A_63, %dma_start3A_70, %dma_start3A_71] : memref<8x128x32xf32, #tpu.memory_space<vmem>> -> memref<1x128x32xf32, #tpu.memory_space<vmem>>
    %dma_start3A_73 = tpu.memref_squeeze %dma_start3A_72 : memref<1x128x32xf32, #tpu.memory_space<vmem>> -> memref<128x32xf32, #tpu.memory_space<vmem>>
    %dma_start3A_74 = arith.constant 0 : i32
    %dma_start3A_75 = tpu.memref_slice %arg3[%mul3A_62, %dma_start3A_74] : memref<320000x32xf32, #tpu.memory_space<hbm>> -> memref<128x32xf32, #tpu.memory_space<hbm>>
    tpu.enqueue_dma source(%dma_start3A_75 : memref<128x32xf32, #tpu.memory_space<hbm>>) target(%dma_start3A_73 : memref<128x32xf32, #tpu.memory_space<vmem>>) target_semaphore(%arg9 : memref<!tpu.dma_semaphore, #tpu.memory_space<semaphore_mem>>)
    %add3A_76 = arith.constant 72 : i32
    %add3A_77 = arith.addi %add3A_4, %add3A_76 : i32
    %add3A_78 = arith.constant 3 : i32
    %add3A_79 = arith.addi %add3A_77, %add3A_78 : i32
    %mul3A_80 = arith.constant 128 : i32
    %mul3A_81 = arith.muli %add3A_79, %mul3A_80 : i32
    %dma_start3A_82 = arith.constant 3 : i32
    %dma_start3A_83 = arith.constant 0 : i32
    %dma_start3A_84 = arith.constant 0 : i32
    %dma_start3A_85 = tpu.memref_slice %arg7[%dma_start3A_82, %dma_start3A_83, %dma_start3A_84] : memref<8x128x32xf32, #tpu.memory_space<vmem>> -> memref<1x128x32xf32, #tpu.memory_space<vmem>>
    %dma_start3A_86 = tpu.memref_squeeze %dma_start3A_85 : memref<1x128x32xf32, #tpu.memory_space<vmem>> -> memref<128x32xf32, #tpu.memory_space<vmem>>
    %dma_start3A_87 = arith.constant 0 : i32
    %dma_start3A_88 = tpu.memref_slice %arg3[%mul3A_81, %dma_start3A_87] : memref<320000x32xf32, #tpu.memory_space<hbm>> -> memref<128x32xf32, #tpu.memory_space<hbm>>
    %dma_start3A_89 = arith.constant 0 : i32
    %dma_start3A_90 = arith.constant 0 : i32
    %dma_start3A_91 = tpu.memref_slice %arg7[%dma_start3A_82, %dma_start3A_89, %dma_start3A_90] : memref<8x128x32xf32, #tpu.memory_space<vmem>> -> memref<1x128x32xf32, #tpu.memory_space<vmem>>
    %dma_start3A_92 = tpu.memref_squeeze %dma_start3A_91 : memref<1x128x32xf32, #tpu.memory_space<vmem>> -> memref<128x32xf32, #tpu.memory_space<vmem>>
    %dma_start3A_93 = arith.constant 0 : i32
    %dma_start3A_94 = tpu.memref_slice %arg3[%mul3A_81, %dma_start3A_93] : memref<320000x32xf32, #tpu.memory_space<hbm>> -> memref<128x32xf32, #tpu.memory_space<hbm>>
    tpu.enqueue_dma source(%dma_start3A_94 : memref<128x32xf32, #tpu.memory_space<hbm>>) target(%dma_start3A_92 : memref<128x32xf32, #tpu.memory_space<vmem>>) target_semaphore(%arg9 : memref<!tpu.dma_semaphore, #tpu.memory_space<semaphore_mem>>)
    %add3A_95 = arith.constant 72 : i32
    %add3A_96 = arith.addi %add3A_4, %add3A_95 : i32
    %add3A_97 = arith.constant 4 : i32
    %add3A_98 = arith.addi %add3A_96, %add3A_97 : i32
    %mul3A_99 = arith.constant 128 : i32
    %mul3A_100 = arith.muli %add3A_98, %mul3A_99 : i32
    %dma_start3A_101 = arith.constant 4 : i32
    %dma_start3A_102 = arith.constant 0 : i32
    %dma_start3A_103 = arith.constant 0 : i32
    %dma_start3A_104 = tpu.memref_slice %arg7[%dma_start3A_101, %dma_start3A_102, %dma_start3A_103] : memref<8x128x32xf32, #tpu.memory_space<vmem>> -> memref<1x128x32xf32, #tpu.memory_space<vmem>>
    %dma_start3A_105 = tpu.memref_squeeze %dma_start3A_104 : memref<1x128x32xf32, #tpu.memory_space<vmem>> -> memref<128x32xf32, #tpu.memory_space<vmem>>
    %dma_start3A_106 = arith.constant 0 : i32
    %dma_start3A_107 = tpu.memref_slice %arg3[%mul3A_100, %dma_start3A_106] : memref<320000x32xf32, #tpu.memory_space<hbm>> -> memref<128x32xf32, #tpu.memory_space<hbm>>
    %dma_start3A_108 = arith.constant 0 : i32
    %dma_start3A_109 = arith.constant 0 : i32
    %dma_start3A_110 = tpu.memref_slice %arg7[%dma_start3A_101, %dma_start3A_108, %dma_start3A_109] : memref<8x128x32xf32, #tpu.memory_space<vmem>> -> memref<1x128x32xf32, #tpu.memory_space<vmem>>
    %dma_start3A_111 = tpu.memref_squeeze %dma_start3A_110 : memref<1x128x32xf32, #tpu.memory_space<vmem>> -> memref<128x32xf32, #tpu.memory_space<vmem>>
    %dma_start3A_112 = arith.constant 0 : i32
    %dma_start3A_113 = tpu.memref_slice %arg3[%mul3A_100, %dma_start3A_112] : memref<320000x32xf32, #tpu.memory_space<hbm>> -> memref<128x32xf32, #tpu.memory_space<hbm>>
    tpu.enqueue_dma source(%dma_start3A_113 : memref<128x32xf32, #tpu.memory_space<hbm>>) target(%dma_start3A_111 : memref<128x32xf32, #tpu.memory_space<vmem>>) target_semaphore(%arg9 : memref<!tpu.dma_semaphore, #tpu.memory_space<semaphore_mem>>)
    %add3A_114 = arith.constant 72 : i32
    %add3A_115 = arith.addi %add3A_4, %add3A_114 : i32
    %add3A_116 = arith.constant 5 : i32
    %add3A_117 = arith.addi %add3A_115, %add3A_116 : i32
    %mul3A_118 = arith.constant 128 : i32
    %mul3A_119 = arith.muli %add3A_117, %mul3A_118 : i32
    %dma_start3A_120 = arith.constant 5 : i32
    %dma_start3A_121 = arith.constant 0 : i32
    %dma_start3A_122 = arith.constant 0 : i32
    %dma_start3A_123 = tpu.memref_slice %arg7[%dma_start3A_120, %dma_start3A_121, %dma_start3A_122] : memref<8x128x32xf32, #tpu.memory_space<vmem>> -> memref<1x128x32xf32, #tpu.memory_space<vmem>>
    %dma_start3A_124 = tpu.memref_squeeze %dma_start3A_123 : memref<1x128x32xf32, #tpu.memory_space<vmem>> -> memref<128x32xf32, #tpu.memory_space<vmem>>
    %dma_start3A_125 = arith.constant 0 : i32
    %dma_start3A_126 = tpu.memref_slice %arg3[%mul3A_119, %dma_start3A_125] : memref<320000x32xf32, #tpu.memory_space<hbm>> -> memref<128x32xf32, #tpu.memory_space<hbm>>
    %dma_start3A_127 = arith.constant 0 : i32
    %dma_start3A_128 = arith.constant 0 : i32
    %dma_start3A_129 = tpu.memref_slice %arg7[%dma_start3A_120, %dma_start3A_127, %dma_start3A_128] : memref<8x128x32xf32, #tpu.memory_space<vmem>> -> memref<1x128x32xf32, #tpu.memory_space<vmem>>
    %dma_start3A_130 = tpu.memref_squeeze %dma_start3A_129 : memref<1x128x32xf32, #tpu.memory_space<vmem>> -> memref<128x32xf32, #tpu.memory_space<vmem>>
    %dma_start3A_131 = arith.constant 0 : i32
    %dma_start3A_132 = tpu.memref_slice %arg3[%mul3A_119, %dma_start3A_131] : memref<320000x32xf32, #tpu.memory_space<hbm>> -> memref<128x32xf32, #tpu.memory_space<hbm>>
    tpu.enqueue_dma source(%dma_start3A_132 : memref<128x32xf32, #tpu.memory_space<hbm>>) target(%dma_start3A_130 : memref<128x32xf32, #tpu.memory_space<vmem>>) target_semaphore(%arg9 : memref<!tpu.dma_semaphore, #tpu.memory_space<semaphore_mem>>)
    %dma_wait3A = arith.constant 0 : i32
    %dma_wait3A_133 = arith.constant 0 : i32
    %dma_wait3A_134 = arith.constant 0 : i32
    %dma_wait3A_135 = tpu.memref_slice %arg7[%dma_wait3A, %dma_wait3A_133, %dma_wait3A_134] : memref<8x128x32xf32, #tpu.memory_space<vmem>> -> memref<1x128x32xf32, #tpu.memory_space<vmem>>
    %dma_wait3A_136 = tpu.memref_squeeze %dma_wait3A_135 : memref<1x128x32xf32, #tpu.memory_space<vmem>> -> memref<128x32xf32, #tpu.memory_space<vmem>>
    %dma_wait3A_137 = arith.constant 0 : i32
    %dma_wait3A_138 = tpu.memref_slice %arg3[%mul3A_25, %dma_wait3A_137] : memref<320000x32xf32, #tpu.memory_space<hbm>> -> memref<128x32xf32, #tpu.memory_space<hbm>>
    %dma_wait3A_139 = arith.constant 0 : i32
    %dma_wait3A_140 = arith.constant 0 : i32
    %dma_wait3A_141 = tpu.memref_slice %arg7[%dma_wait3A, %dma_wait3A_139, %dma_wait3A_140] : memref<8x128x32xf32, #tpu.memory_space<vmem>> -> memref<1x128x32xf32, #tpu.memory_space<vmem>>
    %dma_wait3A_142 = tpu.memref_squeeze %dma_wait3A_141 : memref<1x128x32xf32, #tpu.memory_space<vmem>> -> memref<128x32xf32, #tpu.memory_space<vmem>>
    %dma_wait3A_143 = arith.constant 0 : i32
    %dma_wait3A_144 = tpu.memref_slice %arg3[%mul3A_25, %dma_wait3A_143] : memref<320000x32xf32, #tpu.memory_space<hbm>> -> memref<128x32xf32, #tpu.memory_space<hbm>>
    tpu.wait_dma2 semaphore(%arg9 : memref<!tpu.dma_semaphore, #tpu.memory_space<semaphore_mem>>) src(%dma_wait3A_144 : memref<128x32xf32, #tpu.memory_space<hbm>>) dst(%dma_wait3A_142 : memref<128x32xf32, #tpu.memory_space<vmem>>)
    %dma_start3A_145 = arith.constant 0 : i32
    %dma_start3A_146 = arith.constant 72 : i32
    %dma_start3A_147 = arith.constant 0 : i32
    %dma_start3A_148 = arith.constant 0 : i32
    %dma_start3A_149 = tpu.memref_slice %arg7[%dma_start3A_145, %dma_start3A_147, %dma_start3A_148] : memref<8x128x32xf32, #tpu.memory_space<vmem>> -> memref<1x128x32xf32, #tpu.memory_space<vmem>>
    %dma_start3A_150 = tpu.memref_squeeze %dma_start3A_149 : memref<1x128x32xf32, #tpu.memory_space<vmem>> -> memref<128x32xf32, #tpu.memory_space<vmem>>
    %dma_start3A_151 = arith.constant 0 : i32
    %dma_start3A_152 = tpu.memref_slice %arg6[%dma_start3A_146, %dma_start3A_151] : memref<79x128xi32, #tpu.memory_space<vmem>> -> memref<1x128xi32, #tpu.memory_space<vmem>>
    %dma_start3A_153 = tpu.memref_squeeze %dma_start3A_152 : memref<1x128xi32, #tpu.memory_space<vmem>> -> memref<128xi32, #tpu.memory_space<vmem>>
    %dma_start3A_154 = arith.constant 0 : i32
    %dma_start3A_155 = arith.constant 0 : i32
    %dma_start3A_156 = tpu.memref_slice %arg8[%dma_start3A_154, %dma_start3A_155] : memref<10112x32xf32, #tpu.memory_space<vmem_shared>> -> memref<10112x32xf32, #tpu.memory_space<vmem_shared>>
    tpu.enqueue_indirect_dma source(%dma_start3A_150 : memref<128x32xf32, #tpu.memory_space<vmem>>) target(%dma_start3A_156 : memref<10112x32xf32, #tpu.memory_space<vmem_shared>>) offsets(%dma_start3A_153 : memref<128xi32, #tpu.memory_space<vmem>>) semaphore(%arg10 : memref<!tpu.dma_semaphore, #tpu.memory_space<semaphore_mem>>) {add = true}
    %dma_wait3A_157 = arith.constant 1 : i32
    %dma_wait3A_158 = arith.constant 0 : i32
    %dma_wait3A_159 = arith.constant 0 : i32
    %dma_wait3A_160 = tpu.memref_slice %arg7[%dma_wait3A_157, %dma_wait3A_158, %dma_wait3A_159] : memref<8x128x32xf32, #tpu.memory_space<vmem>> -> memref<1x128x32xf32, #tpu.memory_space<vmem>>
    %dma_wait3A_161 = tpu.memref_squeeze %dma_wait3A_160 : memref<1x128x32xf32, #tpu.memory_space<vmem>> -> memref<128x32xf32, #tpu.memory_space<vmem>>
    %dma_wait3A_162 = arith.constant 0 : i32
    %dma_wait3A_163 = tpu.memref_slice %arg3[%mul3A_43, %dma_wait3A_162] : memref<320000x32xf32, #tpu.memory_space<hbm>> -> memref<128x32xf32, #tpu.memory_space<hbm>>
    %dma_wait3A_164 = arith.constant 0 : i32
    %dma_wait3A_165 = arith.constant 0 : i32
    %dma_wait3A_166 = tpu.memref_slice %arg7[%dma_wait3A_157, %dma_wait3A_164, %dma_wait3A_165] : memref<8x128x32xf32, #tpu.memory_space<vmem>> -> memref<1x128x32xf32, #tpu.memory_space<vmem>>
    %dma_wait3A_167 = tpu.memref_squeeze %dma_wait3A_166 : memref<1x128x32xf32, #tpu.memory_space<vmem>> -> memref<128x32xf32, #tpu.memory_space<vmem>>
    %dma_wait3A_168 = arith.constant 0 : i32
    %dma_wait3A_169 = tpu.memref_slice %arg3[%mul3A_43, %dma_wait3A_168] : memref<320000x32xf32, #tpu.memory_space<hbm>> -> memref<128x32xf32, #tpu.memory_space<hbm>>
    tpu.wait_dma2 semaphore(%arg9 : memref<!tpu.dma_semaphore, #tpu.memory_space<semaphore_mem>>) src(%dma_wait3A_169 : memref<128x32xf32, #tpu.memory_space<hbm>>) dst(%dma_wait3A_167 : memref<128x32xf32, #tpu.memory_space<vmem>>)
    %dma_start3A_170 = arith.constant 1 : i32
    %dma_start3A_171 = arith.constant 73 : i32
    %dma_start3A_172 = arith.constant 0 : i32
    %dma_start3A_173 = arith.constant 0 : i32
    %dma_start3A_174 = tpu.memref_slice %arg7[%dma_start3A_170, %dma_start3A_172, %dma_start3A_173] : memref<8x128x32xf32, #tpu.memory_space<vmem>> -> memref<1x128x32xf32, #tpu.memory_space<vmem>>
    %dma_start3A_175 = tpu.memref_squeeze %dma_start3A_174 : memref<1x128x32xf32, #tpu.memory_space<vmem>> -> memref<128x32xf32, #tpu.memory_space<vmem>>
    %dma_start3A_176 = arith.constant 0 : i32
    %dma_start3A_177 = tpu.memref_slice %arg6[%dma_start3A_171, %dma_start3A_176] : memref<79x128xi32, #tpu.memory_space<vmem>> -> memref<1x128xi32, #tpu.memory_space<vmem>>
    %dma_start3A_178 = tpu.memref_squeeze %dma_start3A_177 : memref<1x128xi32, #tpu.memory_space<vmem>> -> memref<128xi32, #tpu.memory_space<vmem>>
    %dma_start3A_179 = arith.constant 0 : i32
    %dma_start3A_180 = arith.constant 0 : i32
    %dma_start3A_181 = tpu.memref_slice %arg8[%dma_start3A_179, %dma_start3A_180] : memref<10112x32xf32, #tpu.memory_space<vmem_shared>> -> memref<10112x32xf32, #tpu.memory_space<vmem_shared>>
    tpu.enqueue_indirect_dma source(%dma_start3A_175 : memref<128x32xf32, #tpu.memory_space<vmem>>) target(%dma_start3A_181 : memref<10112x32xf32, #tpu.memory_space<vmem_shared>>) offsets(%dma_start3A_178 : memref<128xi32, #tpu.memory_space<vmem>>) semaphore(%arg10 : memref<!tpu.dma_semaphore, #tpu.memory_space<semaphore_mem>>) {add = true}
    %dma_wait3A_182 = arith.constant 2 : i32
    %dma_wait3A_183 = arith.constant 0 : i32
    %dma_wait3A_184 = arith.constant 0 : i32
    %dma_wait3A_185 = tpu.memref_slice %arg7[%dma_wait3A_182, %dma_wait3A_183, %dma_wait3A_184] : memref<8x128x32xf32, #tpu.memory_space<vmem>> -> memref<1x128x32xf32, #tpu.memory_space<vmem>>
    %dma_wait3A_186 = tpu.memref_squeeze %dma_wait3A_185 : memref<1x128x32xf32, #tpu.memory_space<vmem>> -> memref<128x32xf32, #tpu.memory_space<vmem>>
    %dma_wait3A_187 = arith.constant 0 : i32
    %dma_wait3A_188 = tpu.memref_slice %arg3[%mul3A_62, %dma_wait3A_187] : memref<320000x32xf32, #tpu.memory_space<hbm>> -> memref<128x32xf32, #tpu.memory_space<hbm>>
    %dma_wait3A_189 = arith.constant 0 : i32
    %dma_wait3A_190 = arith.constant 0 : i32
    %dma_wait3A_191 = tpu.memref_slice %arg7[%dma_wait3A_182, %dma_wait3A_189, %dma_wait3A_190] : memref<8x128x32xf32, #tpu.memory_space<vmem>> -> memref<1x128x32xf32, #tpu.memory_space<vmem>>
    %dma_wait3A_192 = tpu.memref_squeeze %dma_wait3A_191 : memref<1x128x32xf32, #tpu.memory_space<vmem>> -> memref<128x32xf32, #tpu.memory_space<vmem>>
    %dma_wait3A_193 = arith.constant 0 : i32
    %dma_wait3A_194 = tpu.memref_slice %arg3[%mul3A_62, %dma_wait3A_193] : memref<320000x32xf32, #tpu.memory_space<hbm>> -> memref<128x32xf32, #tpu.memory_space<hbm>>
    tpu.wait_dma2 semaphore(%arg9 : memref<!tpu.dma_semaphore, #tpu.memory_space<semaphore_mem>>) src(%dma_wait3A_194 : memref<128x32xf32, #tpu.memory_space<hbm>>) dst(%dma_wait3A_192 : memref<128x32xf32, #tpu.memory_space<vmem>>)
    %dma_start3A_195 = arith.constant 2 : i32
    %dma_start3A_196 = arith.constant 74 : i32
    %dma_start3A_197 = arith.constant 0 : i32
    %dma_start3A_198 = arith.constant 0 : i32
    %dma_start3A_199 = tpu.memref_slice %arg7[%dma_start3A_195, %dma_start3A_197, %dma_start3A_198] : memref<8x128x32xf32, #tpu.memory_space<vmem>> -> memref<1x128x32xf32, #tpu.memory_space<vmem>>
    %dma_start3A_200 = tpu.memref_squeeze %dma_start3A_199 : memref<1x128x32xf32, #tpu.memory_space<vmem>> -> memref<128x32xf32, #tpu.memory_space<vmem>>
    %dma_start3A_201 = arith.constant 0 : i32
    %dma_start3A_202 = tpu.memref_slice %arg6[%dma_start3A_196, %dma_start3A_201] : memref<79x128xi32, #tpu.memory_space<vmem>> -> memref<1x128xi32, #tpu.memory_space<vmem>>
    %dma_start3A_203 = tpu.memref_squeeze %dma_start3A_202 : memref<1x128xi32, #tpu.memory_space<vmem>> -> memref<128xi32, #tpu.memory_space<vmem>>
    %dma_start3A_204 = arith.constant 0 : i32
    %dma_start3A_205 = arith.constant 0 : i32
    %dma_start3A_206 = tpu.memref_slice %arg8[%dma_start3A_204, %dma_start3A_205] : memref<10112x32xf32, #tpu.memory_space<vmem_shared>> -> memref<10112x32xf32, #tpu.memory_space<vmem_shared>>
    tpu.enqueue_indirect_dma source(%dma_start3A_200 : memref<128x32xf32, #tpu.memory_space<vmem>>) target(%dma_start3A_206 : memref<10112x32xf32, #tpu.memory_space<vmem_shared>>) offsets(%dma_start3A_203 : memref<128xi32, #tpu.memory_space<vmem>>) semaphore(%arg10 : memref<!tpu.dma_semaphore, #tpu.memory_space<semaphore_mem>>) {add = true}
    %dma_wait3A_207 = arith.constant 3 : i32
    %dma_wait3A_208 = arith.constant 0 : i32
    %dma_wait3A_209 = arith.constant 0 : i32
    %dma_wait3A_210 = tpu.memref_slice %arg7[%dma_wait3A_207, %dma_wait3A_208, %dma_wait3A_209] : memref<8x128x32xf32, #tpu.memory_space<vmem>> -> memref<1x128x32xf32, #tpu.memory_space<vmem>>
    %dma_wait3A_211 = tpu.memref_squeeze %dma_wait3A_210 : memref<1x128x32xf32, #tpu.memory_space<vmem>> -> memref<128x32xf32, #tpu.memory_space<vmem>>
    %dma_wait3A_212 = arith.constant 0 : i32
    %dma_wait3A_213 = tpu.memref_slice %arg3[%mul3A_81, %dma_wait3A_212] : memref<320000x32xf32, #tpu.memory_space<hbm>> -> memref<128x32xf32, #tpu.memory_space<hbm>>
    %dma_wait3A_214 = arith.constant 0 : i32
    %dma_wait3A_215 = arith.constant 0 : i32
    %dma_wait3A_216 = tpu.memref_slice %arg7[%dma_wait3A_207, %dma_wait3A_214, %dma_wait3A_215] : memref<8x128x32xf32, #tpu.memory_space<vmem>> -> memref<1x128x32xf32, #tpu.memory_space<vmem>>
    %dma_wait3A_217 = tpu.memref_squeeze %dma_wait3A_216 : memref<1x128x32xf32, #tpu.memory_space<vmem>> -> memref<128x32xf32, #tpu.memory_space<vmem>>
    %dma_wait3A_218 = arith.constant 0 : i32
    %dma_wait3A_219 = tpu.memref_slice %arg3[%mul3A_81, %dma_wait3A_218] : memref<320000x32xf32, #tpu.memory_space<hbm>> -> memref<128x32xf32, #tpu.memory_space<hbm>>
    tpu.wait_dma2 semaphore(%arg9 : memref<!tpu.dma_semaphore, #tpu.memory_space<semaphore_mem>>) src(%dma_wait3A_219 : memref<128x32xf32, #tpu.memory_space<hbm>>) dst(%dma_wait3A_217 : memref<128x32xf32, #tpu.memory_space<vmem>>)
    %dma_start3A_220 = arith.constant 3 : i32
    %dma_start3A_221 = arith.constant 75 : i32
    %dma_start3A_222 = arith.constant 0 : i32
    %dma_start3A_223 = arith.constant 0 : i32
    %dma_start3A_224 = tpu.memref_slice %arg7[%dma_start3A_220, %dma_start3A_222, %dma_start3A_223] : memref<8x128x32xf32, #tpu.memory_space<vmem>> -> memref<1x128x32xf32, #tpu.memory_space<vmem>>
    %dma_start3A_225 = tpu.memref_squeeze %dma_start3A_224 : memref<1x128x32xf32, #tpu.memory_space<vmem>> -> memref<128x32xf32, #tpu.memory_space<vmem>>
    %dma_start3A_226 = arith.constant 0 : i32
    %dma_start3A_227 = tpu.memref_slice %arg6[%dma_start3A_221, %dma_start3A_226] : memref<79x128xi32, #tpu.memory_space<vmem>> -> memref<1x128xi32, #tpu.memory_space<vmem>>
    %dma_start3A_228 = tpu.memref_squeeze %dma_start3A_227 : memref<1x128xi32, #tpu.memory_space<vmem>> -> memref<128xi32, #tpu.memory_space<vmem>>
    %dma_start3A_229 = arith.constant 0 : i32
    %dma_start3A_230 = arith.constant 0 : i32
    %dma_start3A_231 = tpu.memref_slice %arg8[%dma_start3A_229, %dma_start3A_230] : memref<10112x32xf32, #tpu.memory_space<vmem_shared>> -> memref<10112x32xf32, #tpu.memory_space<vmem_shared>>
    tpu.enqueue_indirect_dma source(%dma_start3A_225 : memref<128x32xf32, #tpu.memory_space<vmem>>) target(%dma_start3A_231 : memref<10112x32xf32, #tpu.memory_space<vmem_shared>>) offsets(%dma_start3A_228 : memref<128xi32, #tpu.memory_space<vmem>>) semaphore(%arg10 : memref<!tpu.dma_semaphore, #tpu.memory_space<semaphore_mem>>) {add = true}
    %dma_wait3A_232 = arith.constant 4 : i32
    %dma_wait3A_233 = arith.constant 0 : i32
    %dma_wait3A_234 = arith.constant 0 : i32
    %dma_wait3A_235 = tpu.memref_slice %arg7[%dma_wait3A_232, %dma_wait3A_233, %dma_wait3A_234] : memref<8x128x32xf32, #tpu.memory_space<vmem>> -> memref<1x128x32xf32, #tpu.memory_space<vmem>>
    %dma_wait3A_236 = tpu.memref_squeeze %dma_wait3A_235 : memref<1x128x32xf32, #tpu.memory_space<vmem>> -> memref<128x32xf32, #tpu.memory_space<vmem>>
    %dma_wait3A_237 = arith.constant 0 : i32
    %dma_wait3A_238 = tpu.memref_slice %arg3[%mul3A_100, %dma_wait3A_237] : memref<320000x32xf32, #tpu.memory_space<hbm>> -> memref<128x32xf32, #tpu.memory_space<hbm>>
    %dma_wait3A_239 = arith.constant 0 : i32
    %dma_wait3A_240 = arith.constant 0 : i32
    %dma_wait3A_241 = tpu.memref_slice %arg7[%dma_wait3A_232, %dma_wait3A_239, %dma_wait3A_240] : memref<8x128x32xf32, #tpu.memory_space<vmem>> -> memref<1x128x32xf32, #tpu.memory_space<vmem>>
    %dma_wait3A_242 = tpu.memref_squeeze %dma_wait3A_241 : memref<1x128x32xf32, #tpu.memory_space<vmem>> -> memref<128x32xf32, #tpu.memory_space<vmem>>
    %dma_wait3A_243 = arith.constant 0 : i32
    %dma_wait3A_244 = tpu.memref_slice %arg3[%mul3A_100, %dma_wait3A_243] : memref<320000x32xf32, #tpu.memory_space<hbm>> -> memref<128x32xf32, #tpu.memory_space<hbm>>
    tpu.wait_dma2 semaphore(%arg9 : memref<!tpu.dma_semaphore, #tpu.memory_space<semaphore_mem>>) src(%dma_wait3A_244 : memref<128x32xf32, #tpu.memory_space<hbm>>) dst(%dma_wait3A_242 : memref<128x32xf32, #tpu.memory_space<vmem>>)
    %dma_start3A_245 = arith.constant 4 : i32
    %dma_start3A_246 = arith.constant 76 : i32
    %dma_start3A_247 = arith.constant 0 : i32
    %dma_start3A_248 = arith.constant 0 : i32
    %dma_start3A_249 = tpu.memref_slice %arg7[%dma_start3A_245, %dma_start3A_247, %dma_start3A_248] : memref<8x128x32xf32, #tpu.memory_space<vmem>> -> memref<1x128x32xf32, #tpu.memory_space<vmem>>
    %dma_start3A_250 = tpu.memref_squeeze %dma_start3A_249 : memref<1x128x32xf32, #tpu.memory_space<vmem>> -> memref<128x32xf32, #tpu.memory_space<vmem>>
    %dma_start3A_251 = arith.constant 0 : i32
    %dma_start3A_252 = tpu.memref_slice %arg6[%dma_start3A_246, %dma_start3A_251] : memref<79x128xi32, #tpu.memory_space<vmem>> -> memref<1x128xi32, #tpu.memory_space<vmem>>
    %dma_start3A_253 = tpu.memref_squeeze %dma_start3A_252 : memref<1x128xi32, #tpu.memory_space<vmem>> -> memref<128xi32, #tpu.memory_space<vmem>>
    %dma_start3A_254 = arith.constant 0 : i32
    %dma_start3A_255 = arith.constant 0 : i32
    %dma_start3A_256 = tpu.memref_slice %arg8[%dma_start3A_254, %dma_start3A_255] : memref<10112x32xf32, #tpu.memory_space<vmem_shared>> -> memref<10112x32xf32, #tpu.memory_space<vmem_shared>>
    tpu.enqueue_indirect_dma source(%dma_start3A_250 : memref<128x32xf32, #tpu.memory_space<vmem>>) target(%dma_start3A_256 : memref<10112x32xf32, #tpu.memory_space<vmem_shared>>) offsets(%dma_start3A_253 : memref<128xi32, #tpu.memory_space<vmem>>) semaphore(%arg10 : memref<!tpu.dma_semaphore, #tpu.memory_space<semaphore_mem>>) {add = true}
    %dma_wait3A_257 = arith.constant 5 : i32
    %dma_wait3A_258 = arith.constant 0 : i32
    %dma_wait3A_259 = arith.constant 0 : i32
    %dma_wait3A_260 = tpu.memref_slice %arg7[%dma_wait3A_257, %dma_wait3A_258, %dma_wait3A_259] : memref<8x128x32xf32, #tpu.memory_space<vmem>> -> memref<1x128x32xf32, #tpu.memory_space<vmem>>
    %dma_wait3A_261 = tpu.memref_squeeze %dma_wait3A_260 : memref<1x128x32xf32, #tpu.memory_space<vmem>> -> memref<128x32xf32, #tpu.memory_space<vmem>>
    %dma_wait3A_262 = arith.constant 0 : i32
    %dma_wait3A_263 = tpu.memref_slice %arg3[%mul3A_119, %dma_wait3A_262] : memref<320000x32xf32, #tpu.memory_space<hbm>> -> memref<128x32xf32, #tpu.memory_space<hbm>>
    %dma_wait3A_264 = arith.constant 0 : i32
    %dma_wait3A_265 = arith.constant 0 : i32
    %dma_wait3A_266 = tpu.memref_slice %arg7[%dma_wait3A_257, %dma_wait3A_264, %dma_wait3A_265] : memref<8x128x32xf32, #tpu.memory_space<vmem>> -> memref<1x128x32xf32, #tpu.memory_space<vmem>>
    %dma_wait3A_267 = tpu.memref_squeeze %dma_wait3A_266 : memref<1x128x32xf32, #tpu.memory_space<vmem>> -> memref<128x32xf32, #tpu.memory_space<vmem>>
    %dma_wait3A_268 = arith.constant 0 : i32
    %dma_wait3A_269 = tpu.memref_slice %arg3[%mul3A_119, %dma_wait3A_268] : memref<320000x32xf32, #tpu.memory_space<hbm>> -> memref<128x32xf32, #tpu.memory_space<hbm>>
    tpu.wait_dma2 semaphore(%arg9 : memref<!tpu.dma_semaphore, #tpu.memory_space<semaphore_mem>>) src(%dma_wait3A_269 : memref<128x32xf32, #tpu.memory_space<hbm>>) dst(%dma_wait3A_267 : memref<128x32xf32, #tpu.memory_space<vmem>>)
    %dma_start3A_270 = arith.constant 5 : i32
    %dma_start3A_271 = arith.constant 77 : i32
    %dma_start3A_272 = arith.constant 0 : i32
    %dma_start3A_273 = arith.constant 0 : i32
    %dma_start3A_274 = tpu.memref_slice %arg7[%dma_start3A_270, %dma_start3A_272, %dma_start3A_273] : memref<8x128x32xf32, #tpu.memory_space<vmem>> -> memref<1x128x32xf32, #tpu.memory_space<vmem>>
    %dma_start3A_275 = tpu.memref_squeeze %dma_start3A_274 : memref<1x128x32xf32, #tpu.memory_space<vmem>> -> memref<128x32xf32, #tpu.memory_space<vmem>>
    %dma_start3A_276 = arith.constant 0 : i32
    %dma_start3A_277 = tpu.memref_slice %arg6[%dma_start3A_271, %dma_start3A_276] : memref<79x128xi32, #tpu.memory_space<vmem>> -> memref<1x128xi32, #tpu.memory_space<vmem>>
    %dma_start3A_278 = tpu.memref_squeeze %dma_start3A_277 : memref<1x128xi32, #tpu.memory_space<vmem>> -> memref<128xi32, #tpu.memory_space<vmem>>
    %dma_start3A_279 = arith.constant 0 : i32
    %dma_start3A_280 = arith.constant 0 : i32
    %dma_start3A_281 = tpu.memref_slice %arg8[%dma_start3A_279, %dma_start3A_280] : memref<10112x32xf32, #tpu.memory_space<vmem_shared>> -> memref<10112x32xf32, #tpu.memory_space<vmem_shared>>
    tpu.enqueue_indirect_dma source(%dma_start3A_275 : memref<128x32xf32, #tpu.memory_space<vmem>>) target(%dma_start3A_281 : memref<10112x32xf32, #tpu.memory_space<vmem_shared>>) offsets(%dma_start3A_278 : memref<128xi32, #tpu.memory_space<vmem>>) semaphore(%arg10 : memref<!tpu.dma_semaphore, #tpu.memory_space<semaphore_mem>>) {add = true}
    %dma_wait3A_282 = arith.constant 0 : i32
    %dma_wait3A_283 = arith.constant 72 : i32
    %dma_wait3A_284 = arith.constant 0 : i32
    %dma_wait3A_285 = arith.constant 0 : i32
    %dma_wait3A_286 = tpu.memref_slice %arg7[%dma_wait3A_282, %dma_wait3A_284, %dma_wait3A_285] : memref<8x128x32xf32, #tpu.memory_space<vmem>> -> memref<1x128x32xf32, #tpu.memory_space<vmem>>
    %dma_wait3A_287 = tpu.memref_squeeze %dma_wait3A_286 : memref<1x128x32xf32, #tpu.memory_space<vmem>> -> memref<128x32xf32, #tpu.memory_space<vmem>>
    %dma_wait3A_288 = arith.constant 0 : i32
    %dma_wait3A_289 = tpu.memref_slice %arg6[%dma_wait3A_283, %dma_wait3A_288] : memref<79x128xi32, #tpu.memory_space<vmem>> -> memref<1x128xi32, #tpu.memory_space<vmem>>
    %dma_wait3A_290 = tpu.memref_squeeze %dma_wait3A_289 : memref<1x128xi32, #tpu.memory_space<vmem>> -> memref<128xi32, #tpu.memory_space<vmem>>
    %dma_wait3A_291 = arith.constant 0 : i32
    %dma_wait3A_292 = arith.constant 0 : i32
    %dma_wait3A_293 = tpu.memref_slice %arg8[%dma_wait3A_291, %dma_wait3A_292] : memref<10112x32xf32, #tpu.memory_space<vmem_shared>> -> memref<10112x32xf32, #tpu.memory_space<vmem_shared>>
    tpu.wait_indirect_dma semaphore(%arg10 : memref<!tpu.dma_semaphore, #tpu.memory_space<semaphore_mem>>) src(%dma_wait3A_287 : memref<128x32xf32, #tpu.memory_space<vmem>>) dst(%dma_wait3A_293 : memref<10112x32xf32, #tpu.memory_space<vmem_shared>>)
    %dma_wait3A_294 = arith.constant 1 : i32
    %dma_wait3A_295 = arith.constant 73 : i32
    %dma_wait3A_296 = arith.constant 0 : i32
    %dma_wait3A_297 = arith.constant 0 : i32
    %dma_wait3A_298 = tpu.memref_slice %arg7[%dma_wait3A_294, %dma_wait3A_296, %dma_wait3A_297] : memref<8x128x32xf32, #tpu.memory_space<vmem>> -> memref<1x128x32xf32, #tpu.memory_space<vmem>>
    %dma_wait3A_299 = tpu.memref_squeeze %dma_wait3A_298 : memref<1x128x32xf32, #tpu.memory_space<vmem>> -> memref<128x32xf32, #tpu.memory_space<vmem>>
    %dma_wait3A_300 = arith.constant 0 : i32
    %dma_wait3A_301 = tpu.memref_slice %arg6[%dma_wait3A_295, %dma_wait3A_300] : memref<79x128xi32, #tpu.memory_space<vmem>> -> memref<1x128xi32, #tpu.memory_space<vmem>>
    %dma_wait3A_302 = tpu.memref_squeeze %dma_wait3A_301 : memref<1x128xi32, #tpu.memory_space<vmem>> -> memref<128xi32, #tpu.memory_space<vmem>>
    %dma_wait3A_303 = arith.constant 0 : i32
    %dma_wait3A_304 = arith.constant 0 : i32
    %dma_wait3A_305 = tpu.memref_slice %arg8[%dma_wait3A_303, %dma_wait3A_304] : memref<10112x32xf32, #tpu.memory_space<vmem_shared>> -> memref<10112x32xf32, #tpu.memory_space<vmem_shared>>
    tpu.wait_indirect_dma semaphore(%arg10 : memref<!tpu.dma_semaphore, #tpu.memory_space<semaphore_mem>>) src(%dma_wait3A_299 : memref<128x32xf32, #tpu.memory_space<vmem>>) dst(%dma_wait3A_305 : memref<10112x32xf32, #tpu.memory_space<vmem_shared>>)
    %dma_wait3A_306 = arith.constant 2 : i32
    %dma_wait3A_307 = arith.constant 74 : i32
    %dma_wait3A_308 = arith.constant 0 : i32
    %dma_wait3A_309 = arith.constant 0 : i32
    %dma_wait3A_310 = tpu.memref_slice %arg7[%dma_wait3A_306, %dma_wait3A_308, %dma_wait3A_309] : memref<8x128x32xf32, #tpu.memory_space<vmem>> -> memref<1x128x32xf32, #tpu.memory_space<vmem>>
    %dma_wait3A_311 = tpu.memref_squeeze %dma_wait3A_310 : memref<1x128x32xf32, #tpu.memory_space<vmem>> -> memref<128x32xf32, #tpu.memory_space<vmem>>
    %dma_wait3A_312 = arith.constant 0 : i32
    %dma_wait3A_313 = tpu.memref_slice %arg6[%dma_wait3A_307, %dma_wait3A_312] : memref<79x128xi32, #tpu.memory_space<vmem>> -> memref<1x128xi32, #tpu.memory_space<vmem>>
    %dma_wait3A_314 = tpu.memref_squeeze %dma_wait3A_313 : memref<1x128xi32, #tpu.memory_space<vmem>> -> memref<128xi32, #tpu.memory_space<vmem>>
    %dma_wait3A_315 = arith.constant 0 : i32
    %dma_wait3A_316 = arith.constant 0 : i32
    %dma_wait3A_317 = tpu.memref_slice %arg8[%dma_wait3A_315, %dma_wait3A_316] : memref<10112x32xf32, #tpu.memory_space<vmem_shared>> -> memref<10112x32xf32, #tpu.memory_space<vmem_shared>>
    tpu.wait_indirect_dma semaphore(%arg10 : memref<!tpu.dma_semaphore, #tpu.memory_space<semaphore_mem>>) src(%dma_wait3A_311 : memref<128x32xf32, #tpu.memory_space<vmem>>) dst(%dma_wait3A_317 : memref<10112x32xf32, #tpu.memory_space<vmem_shared>>)
    %dma_wait3A_318 = arith.constant 3 : i32
    %dma_wait3A_319 = arith.constant 75 : i32
    %dma_wait3A_320 = arith.constant 0 : i32
    %dma_wait3A_321 = arith.constant 0 : i32
    %dma_wait3A_322 = tpu.memref_slice %arg7[%dma_wait3A_318, %dma_wait3A_320, %dma_wait3A_321] : memref<8x128x32xf32, #tpu.memory_space<vmem>> -> memref<1x128x32xf32, #tpu.memory_space<vmem>>
    %dma_wait3A_323 = tpu.memref_squeeze %dma_wait3A_322 : memref<1x128x32xf32, #tpu.memory_space<vmem>> -> memref<128x32xf32, #tpu.memory_space<vmem>>
    %dma_wait3A_324 = arith.constant 0 : i32
    %dma_wait3A_325 = tpu.memref_slice %arg6[%dma_wait3A_319, %dma_wait3A_324] : memref<79x128xi32, #tpu.memory_space<vmem>> -> memref<1x128xi32, #tpu.memory_space<vmem>>
    %dma_wait3A_326 = tpu.memref_squeeze %dma_wait3A_325 : memref<1x128xi32, #tpu.memory_space<vmem>> -> memref<128xi32, #tpu.memory_space<vmem>>
    %dma_wait3A_327 = arith.constant 0 : i32
    %dma_wait3A_328 = arith.constant 0 : i32
    %dma_wait3A_329 = tpu.memref_slice %arg8[%dma_wait3A_327, %dma_wait3A_328] : memref<10112x32xf32, #tpu.memory_space<vmem_shared>> -> memref<10112x32xf32, #tpu.memory_space<vmem_shared>>
    tpu.wait_indirect_dma semaphore(%arg10 : memref<!tpu.dma_semaphore, #tpu.memory_space<semaphore_mem>>) src(%dma_wait3A_323 : memref<128x32xf32, #tpu.memory_space<vmem>>) dst(%dma_wait3A_329 : memref<10112x32xf32, #tpu.memory_space<vmem_shared>>)
    %dma_wait3A_330 = arith.constant 4 : i32
    %dma_wait3A_331 = arith.constant 76 : i32
    %dma_wait3A_332 = arith.constant 0 : i32
    %dma_wait3A_333 = arith.constant 0 : i32
    %dma_wait3A_334 = tpu.memref_slice %arg7[%dma_wait3A_330, %dma_wait3A_332, %dma_wait3A_333] : memref<8x128x32xf32, #tpu.memory_space<vmem>> -> memref<1x128x32xf32, #tpu.memory_space<vmem>>
    %dma_wait3A_335 = tpu.memref_squeeze %dma_wait3A_334 : memref<1x128x32xf32, #tpu.memory_space<vmem>> -> memref<128x32xf32, #tpu.memory_space<vmem>>
    %dma_wait3A_336 = arith.constant 0 : i32
    %dma_wait3A_337 = tpu.memref_slice %arg6[%dma_wait3A_331, %dma_wait3A_336] : memref<79x128xi32, #tpu.memory_space<vmem>> -> memref<1x128xi32, #tpu.memory_space<vmem>>
    %dma_wait3A_338 = tpu.memref_squeeze %dma_wait3A_337 : memref<1x128xi32, #tpu.memory_space<vmem>> -> memref<128xi32, #tpu.memory_space<vmem>>
    %dma_wait3A_339 = arith.constant 0 : i32
    %dma_wait3A_340 = arith.constant 0 : i32
    %dma_wait3A_341 = tpu.memref_slice %arg8[%dma_wait3A_339, %dma_wait3A_340] : memref<10112x32xf32, #tpu.memory_space<vmem_shared>> -> memref<10112x32xf32, #tpu.memory_space<vmem_shared>>
    tpu.wait_indirect_dma semaphore(%arg10 : memref<!tpu.dma_semaphore, #tpu.memory_space<semaphore_mem>>) src(%dma_wait3A_335 : memref<128x32xf32, #tpu.memory_space<vmem>>) dst(%dma_wait3A_341 : memref<10112x32xf32, #tpu.memory_space<vmem_shared>>)
    %dma_wait3A_342 = arith.constant 5 : i32
    %dma_wait3A_343 = arith.constant 77 : i32
    %dma_wait3A_344 = arith.constant 0 : i32
    %dma_wait3A_345 = arith.constant 0 : i32
    %dma_wait3A_346 = tpu.memref_slice %arg7[%dma_wait3A_342, %dma_wait3A_344, %dma_wait3A_345] : memref<8x128x32xf32, #tpu.memory_space<vmem>> -> memref<1x128x32xf32, #tpu.memory_space<vmem>>
    %dma_wait3A_347 = tpu.memref_squeeze %dma_wait3A_346 : memref<1x128x32xf32, #tpu.memory_space<vmem>> -> memref<128x32xf32, #tpu.memory_space<vmem>>
    %dma_wait3A_348 = arith.constant 0 : i32
    %dma_wait3A_349 = tpu.memref_slice %arg6[%dma_wait3A_343, %dma_wait3A_348] : memref<79x128xi32, #tpu.memory_space<vmem>> -> memref<1x128xi32, #tpu.memory_space<vmem>>
    %dma_wait3A_350 = tpu.memref_squeeze %dma_wait3A_349 : memref<1x128xi32, #tpu.memory_space<vmem>> -> memref<128xi32, #tpu.memory_space<vmem>>
    %dma_wait3A_351 = arith.constant 0 : i32
    %dma_wait3A_352 = arith.constant 0 : i32
    %dma_wait3A_353 = tpu.memref_slice %arg8[%dma_wait3A_351, %dma_wait3A_352] : memref<10112x32xf32, #tpu.memory_space<vmem_shared>> -> memref<10112x32xf32, #tpu.memory_space<vmem_shared>>
    tpu.wait_indirect_dma semaphore(%arg10 : memref<!tpu.dma_semaphore, #tpu.memory_space<semaphore_mem>>) src(%dma_wait3A_347 : memref<128x32xf32, #tpu.memory_space<vmem>>) dst(%dma_wait3A_353 : memref<10112x32xf32, #tpu.memory_space<vmem_shared>>)
    %lt3A_354 = arith.constant 4 : i32
    %lt3A_355 = arith.cmpi slt, %add3A, %lt3A_354 : i32
    %convert_element_type3A_356 = arith.extui %lt3A_355 : i1 to i32
    %cond3A_357 = arith.constant 0 : i32
    %cond3A_358 = arith.cmpi ne, %convert_element_type3A_356, %cond3A_357 : i32
    scf.if %cond3A_358 {
      %add3A_364 = arith.constant 78 : i32
      %add3A_365 = arith.addi %add3A_4, %add3A_364 : i32
      %add3A_366 = arith.constant 0 : i32
      %add3A_367 = arith.addi %add3A_365, %add3A_366 : i32
      %mul3A_368 = arith.constant 128 : i32
      %mul3A_369 = arith.muli %add3A_367, %mul3A_368 : i32
      %dma_start3A_370 = arith.constant 0 : i32
      %dma_start3A_371 = arith.constant 0 : i32
      %dma_start3A_372 = arith.constant 0 : i32
      %dma_start3A_373 = tpu.memref_slice %arg7[%dma_start3A_370, %dma_start3A_371, %dma_start3A_372] : memref<8x128x32xf32, #tpu.memory_space<vmem>> -> memref<1x128x32xf32, #tpu.memory_space<vmem>>
      %dma_start3A_374 = tpu.memref_squeeze %dma_start3A_373 : memref<1x128x32xf32, #tpu.memory_space<vmem>> -> memref<128x32xf32, #tpu.memory_space<vmem>>
      %dma_start3A_375 = arith.constant 0 : i32
      %dma_start3A_376 = tpu.memref_slice %arg3[%mul3A_369, %dma_start3A_375] : memref<320000x32xf32, #tpu.memory_space<hbm>> -> memref<128x32xf32, #tpu.memory_space<hbm>>
      %dma_start3A_377 = arith.constant 0 : i32
      %dma_start3A_378 = arith.constant 0 : i32
      %dma_start3A_379 = tpu.memref_slice %arg7[%dma_start3A_370, %dma_start3A_377, %dma_start3A_378] : memref<8x128x32xf32, #tpu.memory_space<vmem>> -> memref<1x128x32xf32, #tpu.memory_space<vmem>>
      %dma_start3A_380 = tpu.memref_squeeze %dma_start3A_379 : memref<1x128x32xf32, #tpu.memory_space<vmem>> -> memref<128x32xf32, #tpu.memory_space<vmem>>
      %dma_start3A_381 = arith.constant 0 : i32
      %dma_start3A_382 = tpu.memref_slice %arg3[%mul3A_369, %dma_start3A_381] : memref<320000x32xf32, #tpu.memory_space<hbm>> -> memref<128x32xf32, #tpu.memory_space<hbm>>
      tpu.enqueue_dma source(%dma_start3A_382 : memref<128x32xf32, #tpu.memory_space<hbm>>) target(%dma_start3A_380 : memref<128x32xf32, #tpu.memory_space<vmem>>) target_semaphore(%arg9 : memref<!tpu.dma_semaphore, #tpu.memory_space<semaphore_mem>>)
      %dma_wait3A_383 = arith.constant 0 : i32
      %dma_wait3A_384 = arith.constant 0 : i32
      %dma_wait3A_385 = arith.constant 0 : i32
      %dma_wait3A_386 = tpu.memref_slice %arg7[%dma_wait3A_383, %dma_wait3A_384, %dma_wait3A_385] : memref<8x128x32xf32, #tpu.memory_space<vmem>> -> memref<1x128x32xf32, #tpu.memory_space<vmem>>
      %dma_wait3A_387 = tpu.memref_squeeze %dma_wait3A_386 : memref<1x128x32xf32, #tpu.memory_space<vmem>> -> memref<128x32xf32, #tpu.memory_space<vmem>>
      %dma_wait3A_388 = arith.constant 0 : i32
      %dma_wait3A_389 = tpu.memref_slice %arg3[%mul3A_369, %dma_wait3A_388] : memref<320000x32xf32, #tpu.memory_space<hbm>> -> memref<128x32xf32, #tpu.memory_space<hbm>>
      %dma_wait3A_390 = arith.constant 0 : i32
      %dma_wait3A_391 = arith.constant 0 : i32
      %dma_wait3A_392 = tpu.memref_slice %arg7[%dma_wait3A_383, %dma_wait3A_390, %dma_wait3A_391] : memref<8x128x32xf32, #tpu.memory_space<vmem>> -> memref<1x128x32xf32, #tpu.memory_space<vmem>>
      %dma_wait3A_393 = tpu.memref_squeeze %dma_wait3A_392 : memref<1x128x32xf32, #tpu.memory_space<vmem>> -> memref<128x32xf32, #tpu.memory_space<vmem>>
      %dma_wait3A_394 = arith.constant 0 : i32
      %dma_wait3A_395 = tpu.memref_slice %arg3[%mul3A_369, %dma_wait3A_394] : memref<320000x32xf32, #tpu.memory_space<hbm>> -> memref<128x32xf32, #tpu.memory_space<hbm>>
      tpu.wait_dma2 semaphore(%arg9 : memref<!tpu.dma_semaphore, #tpu.memory_space<semaphore_mem>>) src(%dma_wait3A_395 : memref<128x32xf32, #tpu.memory_space<hbm>>) dst(%dma_wait3A_393 : memref<128x32xf32, #tpu.memory_space<vmem>>)
      %dma_start3A_396 = arith.constant 0 : i32
      %dma_start3A_397 = arith.constant 78 : i32
      %dma_start3A_398 = arith.constant 0 : i32
      %dma_start3A_399 = arith.constant 0 : i32
      %dma_start3A_400 = tpu.memref_slice %arg7[%dma_start3A_396, %dma_start3A_398, %dma_start3A_399] : memref<8x128x32xf32, #tpu.memory_space<vmem>> -> memref<1x128x32xf32, #tpu.memory_space<vmem>>
      %dma_start3A_401 = tpu.memref_squeeze %dma_start3A_400 : memref<1x128x32xf32, #tpu.memory_space<vmem>> -> memref<128x32xf32, #tpu.memory_space<vmem>>
      %dma_start3A_402 = arith.constant 0 : i32
      %dma_start3A_403 = tpu.memref_slice %arg6[%dma_start3A_397, %dma_start3A_402] : memref<79x128xi32, #tpu.memory_space<vmem>> -> memref<1x128xi32, #tpu.memory_space<vmem>>
      %dma_start3A_404 = tpu.memref_squeeze %dma_start3A_403 : memref<1x128xi32, #tpu.memory_space<vmem>> -> memref<128xi32, #tpu.memory_space<vmem>>
      %dma_start3A_405 = arith.constant 0 : i32
      %dma_start3A_406 = arith.constant 0 : i32
      %dma_start3A_407 = tpu.memref_slice %arg8[%dma_start3A_405, %dma_start3A_406] : memref<10112x32xf32, #tpu.memory_space<vmem_shared>> -> memref<10112x32xf32, #tpu.memory_space<vmem_shared>>
      tpu.enqueue_indirect_dma source(%dma_start3A_401 : memref<128x32xf32, #tpu.memory_space<vmem>>) target(%dma_start3A_407 : memref<10112x32xf32, #tpu.memory_space<vmem_shared>>) offsets(%dma_start3A_404 : memref<128xi32, #tpu.memory_space<vmem>>) semaphore(%arg10 : memref<!tpu.dma_semaphore, #tpu.memory_space<semaphore_mem>>) {add = true}
      %dma_wait3A_408 = arith.constant 0 : i32
      %dma_wait3A_409 = arith.constant 78 : i32
      %dma_wait3A_410 = arith.constant 0 : i32
      %dma_wait3A_411 = arith.constant 0 : i32
      %dma_wait3A_412 = tpu.memref_slice %arg7[%dma_wait3A_408, %dma_wait3A_410, %dma_wait3A_411] : memref<8x128x32xf32, #tpu.memory_space<vmem>> -> memref<1x128x32xf32, #tpu.memory_space<vmem>>
      %dma_wait3A_413 = tpu.memref_squeeze %dma_wait3A_412 : memref<1x128x32xf32, #tpu.memory_space<vmem>> -> memref<128x32xf32, #tpu.memory_space<vmem>>
      %dma_wait3A_414 = arith.constant 0 : i32
      %dma_wait3A_415 = tpu.memref_slice %arg6[%dma_wait3A_409, %dma_wait3A_414] : memref<79x128xi32, #tpu.memory_space<vmem>> -> memref<1x128xi32, #tpu.memory_space<vmem>>
      %dma_wait3A_416 = tpu.memref_squeeze %dma_wait3A_415 : memref<1x128xi32, #tpu.memory_space<vmem>> -> memref<128xi32, #tpu.memory_space<vmem>>
      %dma_wait3A_417 = arith.constant 0 : i32
      %dma_wait3A_418 = arith.constant 0 : i32
      %dma_wait3A_419 = tpu.memref_slice %arg8[%dma_wait3A_417, %dma_wait3A_418] : memref<10112x32xf32, #tpu.memory_space<vmem_shared>> -> memref<10112x32xf32, #tpu.memory_space<vmem_shared>>
      tpu.wait_indirect_dma semaphore(%arg10 : memref<!tpu.dma_semaphore, #tpu.memory_space<semaphore_mem>>) src(%dma_wait3A_413 : memref<128x32xf32, #tpu.memory_space<vmem>>) dst(%dma_wait3A_419 : memref<10112x32xf32, #tpu.memory_space<vmem_shared>>)
    } else {
    }
    %barrier3A_359 = arith.constant 0 : index
    tpu.barrier barrier_id(%barrier3A_359)
    %mul3A_360 = arith.constant 632 : i32
    %mul3A_361 = arith.muli %arg1, %mul3A_360 : i32
    %mul3A_362 = arith.constant 632 : i32
    %mul3A_363 = arith.muli %arg1, %mul3A_362 : i32
    "tpu.region"() ({
      %run_scoped3A = tpu.sem_alloc : memref<!tpu.dma_semaphore, #tpu.memory_space<semaphore_mem>>
      %dma_start3A_364 = arith.constant 0 : i32
      %dma_start3A_365 = tpu.memref_slice %arg5[%arg0, %mul3A_363, %dma_start3A_364] : memref<2x10112x32xf32, #tpu.memory_space<hbm>> -> memref<1x632x32xf32, #tpu.memory_space<hbm>>
      %dma_start3A_366 = tpu.memref_squeeze %dma_start3A_365 : memref<1x632x32xf32, #tpu.memory_space<hbm>> -> memref<632x32xf32, #tpu.memory_space<hbm>>
      %dma_start3A_367 = arith.constant 0 : i32
      %dma_start3A_368 = tpu.memref_slice %arg8[%mul3A_361, %dma_start3A_367] : memref<10112x32xf32, #tpu.memory_space<vmem_shared>> -> memref<632x32xf32, #tpu.memory_space<vmem_shared>>
      tpu.enqueue_dma source(%dma_start3A_368 : memref<632x32xf32, #tpu.memory_space<vmem_shared>>) target(%dma_start3A_366 : memref<632x32xf32, #tpu.memory_space<hbm>>) target_semaphore(%run_scoped3A : memref<!tpu.dma_semaphore, #tpu.memory_space<semaphore_mem>>)
      %dma_wait3A_369 = arith.constant 0 : i32
      %dma_wait3A_370 = tpu.memref_slice %arg5[%arg0, %mul3A_363, %dma_wait3A_369] : memref<2x10112x32xf32, #tpu.memory_space<hbm>> -> memref<1x632x32xf32, #tpu.memory_space<hbm>>
      %dma_wait3A_371 = tpu.memref_squeeze %dma_wait3A_370 : memref<1x632x32xf32, #tpu.memory_space<hbm>> -> memref<632x32xf32, #tpu.memory_space<hbm>>
      %dma_wait3A_372 = arith.constant 0 : i32
      %dma_wait3A_373 = tpu.memref_slice %arg8[%mul3A_361, %dma_wait3A_372] : memref<10112x32xf32, #tpu.memory_space<vmem_shared>> -> memref<632x32xf32, #tpu.memory_space<vmem_shared>>
      tpu.wait_dma2 semaphore(%run_scoped3A : memref<!tpu.dma_semaphore, #tpu.memory_space<semaphore_mem>>) src(%dma_wait3A_373 : memref<632x32xf32, #tpu.memory_space<vmem_shared>>) dst(%dma_wait3A_371 : memref<632x32xf32, #tpu.memory_space<hbm>>)
      tpu.yield
    }) : () -> ()
    return
  }
}

module attributes {stable_mosaic.version = 14 : i64} {
  func.func @_node_body(%arg0: i32, %arg1: memref<2048x128xf32, #tpu.memory_space<vmem>>, %arg2: memref<128x32xf32, #tpu.memory_space<vmem>>, %arg3: memref<1x32xf32, #tpu.memory_space<vmem>>, %arg4: memref<32x32xf32, #tpu.memory_space<vmem>>, %arg5: memref<2048x32xf32, #tpu.memory_space<vmem>>, %arg6: memref<2048x32xf32, #tpu.memory_space<vmem>>) attributes {dimension_semantics = [#tpu.dimension_semantics<arbitrary>], iteration_bounds = array<i64: 5>, scalar_prefetch = 0 : i64, scratch_operands = 0 : i64, tpu.core_type = #tpu.core_type<tc>, window_params = [{transform_indices = @transform_0, window_bounds = array<i64: 2048, 128>}, {pipeline_mode = #tpu.pipeline_mode<synchronous>, transform_indices = @transform_1, window_bounds = array<i64: 128, 32>}, {pipeline_mode = #tpu.pipeline_mode<synchronous>, transform_indices = @transform_2, window_bounds = array<i64: 1, 32>}, {pipeline_mode = #tpu.pipeline_mode<synchronous>, transform_indices = @transform_3, window_bounds = array<i64: 32, 32>}, {transform_indices = @transform_4, window_bounds = array<i64: 2048, 32>}, {transform_indices = @transform_5, window_bounds = array<i64: 2048, 32>}]} {
    %get3A = arith.constant 0 : index
    %get3A_0 = arith.constant 0 : index
    %get3A_1 = vector.load %arg1[%get3A, %get3A_0] : memref<2048x128xf32, #tpu.memory_space<vmem>>, vector<2048x128xf32>
    %get3A_2 = arith.constant 0 : index
    %get3A_3 = arith.constant 0 : index
    %get3A_4 = vector.load %arg2[%get3A_2, %get3A_3] : memref<128x32xf32, #tpu.memory_space<vmem>>, vector<128x32xf32>
    %dot_general3A = arith.constant dense<0.000000e+00> : vector<2048x32xf32>
    %dot_general3A_5 = tpu.matmul %get3A_1, %get3A_4, %dot_general3A {dimension_numbers = #tpu.dot_dimension_numbers<[1], [0], [0], [1], [0, 0, 1, 1], [], []>, transpose_lhs_hint = false} : vector<2048x128xf32>, vector<128x32xf32>, vector<2048x32xf32> -> vector<2048x32xf32>
    %get3A_6 = arith.constant 0 : index
    %get3A_7 = arith.constant 0 : index
    %get3A_8 = vector.load %arg3[%get3A_6, %get3A_7] : memref<1x32xf32, #tpu.memory_space<vmem>>, vector<1x32xf32>
    %add3A = vector.broadcast %get3A_8 : vector<1x32xf32> to vector<2048x32xf32>
    %add3A_9 = arith.addf %dot_general3A_5, %add3A : vector<2048x32xf32>
    %max3A = arith.constant 0.000000e+00 : f32
    %max3A_10 = vector.broadcast %max3A : f32 to vector<2048x32xf32>
    %max3A_11 = arith.maximumf %add3A_9, %max3A_10 : vector<2048x32xf32>
    %swap3A = arith.constant 0 : index
    %swap3A_12 = arith.constant 0 : index
    %swap3A_13 = vector.load %arg5[%swap3A, %swap3A_12] : memref<2048x32xf32, #tpu.memory_space<vmem>>, vector<2048x32xf32>
    tpu.vector_store %arg5[%swap3A, %swap3A_12], %max3A_11 {strides = array<i32>} : memref<2048x32xf32, #tpu.memory_space<vmem>>, vector<2048x32xf32>,
    %get3A_14 = arith.constant 0 : index
    %get3A_15 = arith.constant 0 : index
    %get3A_16 = vector.load %arg4[%get3A_14, %get3A_15] : memref<32x32xf32, #tpu.memory_space<vmem>>, vector<32x32xf32>
    %dot_general3A_17 = arith.constant dense<0.000000e+00> : vector<2048x32xf32>
    %dot_general3A_18 = tpu.matmul %max3A_11, %get3A_16, %dot_general3A_17 {dimension_numbers = #tpu.dot_dimension_numbers<[1], [0], [0], [1], [0, 0, 1, 1], [], []>, transpose_lhs_hint = false} : vector<2048x32xf32>, vector<32x32xf32>, vector<2048x32xf32> -> vector<2048x32xf32>
    %swap3A_19 = arith.constant 0 : index
    %swap3A_20 = arith.constant 0 : index
    %swap3A_21 = vector.load %arg6[%swap3A_19, %swap3A_20] : memref<2048x32xf32, #tpu.memory_space<vmem>>, vector<2048x32xf32>
    tpu.vector_store %arg6[%swap3A_19, %swap3A_20], %dot_general3A_18 {strides = array<i32>} : memref<2048x32xf32, #tpu.memory_space<vmem>>, vector<2048x32xf32>,
    return
  }
  func.func @transform_0(%arg0: i32) -> (i32, i32) {
    %c0_i32 = arith.constant 0 : i32
    %c0_i32_0 = arith.constant 0 : i32
    return %arg0, %c0_i32 : i32, i32
  }
  func.func @transform_1(%arg0: i32) -> (i32, i32) {
    %c0_i32 = arith.constant 0 : i32
    %c0_i32_0 = arith.constant 0 : i32
    %c0_i32_1 = arith.constant 0 : i32
    return %c0_i32, %c0_i32_0 : i32, i32
  }
  func.func @transform_2(%arg0: i32) -> (i32, i32) {
    %c0_i32 = arith.constant 0 : i32
    %c0_i32_0 = arith.constant 0 : i32
    %c0_i32_1 = arith.constant 0 : i32
    return %c0_i32, %c0_i32_0 : i32, i32
  }
  func.func @transform_3(%arg0: i32) -> (i32, i32) {
    %c0_i32 = arith.constant 0 : i32
    %c0_i32_0 = arith.constant 0 : i32
    %c0_i32_1 = arith.constant 0 : i32
    return %c0_i32, %c0_i32_0 : i32, i32
  }
  func.func @transform_4(%arg0: i32) -> (i32, i32) {
    %c0_i32 = arith.constant 0 : i32
    %c0_i32_0 = arith.constant 0 : i32
    return %arg0, %c0_i32 : i32, i32
  }
  func.func @transform_5(%arg0: i32) -> (i32, i32) {
    %c0_i32 = arith.constant 0 : i32
    %c0_i32_0 = arith.constant 0 : i32
    return %arg0, %c0_i32 : i32, i32
  }
}

module attributes {stable_mosaic.version = 14 : i64} {
  func.func @_edge_body(%arg0: i32, %arg1: memref<8000x128xf32, #tpu.memory_space<vmem>>, %arg2: memref<128x256xf32, #tpu.memory_space<vmem>>, %arg3: memref<1x256xf32, #tpu.memory_space<vmem>>, %arg4: memref<256x256xf32, #tpu.memory_space<vmem>>, %arg5: memref<1x256xf32, #tpu.memory_space<vmem>>, %arg6: memref<16000x128xf32, #tpu.memory_space<vmem>>) attributes {dimension_semantics = [#tpu.dimension_semantics<arbitrary>], iteration_bounds = array<i64: 5>, scalar_prefetch = 0 : i64, scratch_operands = 0 : i64, tpu.core_type = #tpu.core_type<tc>, window_params = [{transform_indices = @transform_0, window_bounds = array<i64: 8000, 128>}, {pipeline_mode = #tpu.pipeline_mode<synchronous>, transform_indices = @transform_1, window_bounds = array<i64: 128, 256>}, {pipeline_mode = #tpu.pipeline_mode<synchronous>, transform_indices = @transform_2, window_bounds = array<i64: 1, 256>}, {pipeline_mode = #tpu.pipeline_mode<synchronous>, transform_indices = @transform_3, window_bounds = array<i64: 256, 256>}, {pipeline_mode = #tpu.pipeline_mode<synchronous>, transform_indices = @transform_4, window_bounds = array<i64: 1, 256>}, {transform_indices = @transform_5, window_bounds = array<i64: 16000, 128>}]} {
    %get3A = arith.constant 0 : index
    %get3A_0 = arith.constant 0 : index
    %get3A_1 = vector.load %arg1[%get3A, %get3A_0] : memref<8000x128xf32, #tpu.memory_space<vmem>>, vector<8000x128xf32>
    %get3A_2 = arith.constant 0 : index
    %get3A_3 = arith.constant 0 : index
    %get3A_4 = vector.load %arg2[%get3A_2, %get3A_3] : memref<128x256xf32, #tpu.memory_space<vmem>>, vector<128x256xf32>
    %dot_general3A = arith.constant dense<0.000000e+00> : vector<8000x256xf32>
    %dot_general3A_5 = tpu.matmul %get3A_1, %get3A_4, %dot_general3A {dimension_numbers = #tpu.dot_dimension_numbers<[1], [0], [0], [1], [0, 0, 1, 1], [], []>, transpose_lhs_hint = false} : vector<8000x128xf32>, vector<128x256xf32>, vector<8000x256xf32> -> vector<8000x256xf32>
    %get3A_6 = arith.constant 0 : index
    %get3A_7 = arith.constant 0 : index
    %get3A_8 = vector.load %arg3[%get3A_6, %get3A_7] : memref<1x256xf32, #tpu.memory_space<vmem>>, vector<1x256xf32>
    %add3A = vector.broadcast %get3A_8 : vector<1x256xf32> to vector<8000x256xf32>
    %add3A_9 = arith.addf %dot_general3A_5, %add3A : vector<8000x256xf32>
    %max3A = arith.constant 0.000000e+00 : f32
    %max3A_10 = vector.broadcast %max3A : f32 to vector<8000x256xf32>
    %max3A_11 = arith.maximumf %add3A_9, %max3A_10 : vector<8000x256xf32>
    %get3A_12 = arith.constant 0 : index
    %get3A_13 = arith.constant 0 : index
    %get3A_14 = vector.load %arg4[%get3A_12, %get3A_13] : memref<256x256xf32, #tpu.memory_space<vmem>>, vector<256x256xf32>
    %dot_general3A_15 = arith.constant dense<0.000000e+00> : vector<8000x256xf32>
    %dot_general3A_16 = tpu.matmul %max3A_11, %get3A_14, %dot_general3A_15 {dimension_numbers = #tpu.dot_dimension_numbers<[1], [0], [0], [1], [0, 0, 1, 1], [], []>, transpose_lhs_hint = false} : vector<8000x256xf32>, vector<256x256xf32>, vector<8000x256xf32> -> vector<8000x256xf32>
    %get3A_17 = arith.constant 0 : index
    %get3A_18 = arith.constant 0 : index
    %get3A_19 = vector.load %arg5[%get3A_17, %get3A_18] : memref<1x256xf32, #tpu.memory_space<vmem>>, vector<1x256xf32>
    %add3A_20 = vector.broadcast %get3A_19 : vector<1x256xf32> to vector<8000x256xf32>
    %add3A_21 = arith.addf %dot_general3A_16, %add3A_20 : vector<8000x256xf32>
    %reshape3A = vector.shape_cast %add3A_21 : vector<8000x256xf32> to vector<16000x128xf32>
    %swap3A = arith.constant 0 : index
    %swap3A_22 = arith.constant 0 : index
    %swap3A_23 = vector.load %arg6[%swap3A, %swap3A_22] : memref<16000x128xf32, #tpu.memory_space<vmem>>, vector<16000x128xf32>
    tpu.vector_store %arg6[%swap3A, %swap3A_22], %reshape3A {strides = array<i32>} : memref<16000x128xf32, #tpu.memory_space<vmem>>, vector<16000x128xf32>,
    return
  }
  func.func @transform_0(%arg0: i32) -> (i32, i32) {
    %c0_i32 = arith.constant 0 : i32
    %c0_i32_0 = arith.constant 0 : i32
    return %arg0, %c0_i32 : i32, i32
  }
  func.func @transform_1(%arg0: i32) -> (i32, i32) {
    %c0_i32 = arith.constant 0 : i32
    %c0_i32_0 = arith.constant 0 : i32
    %c0_i32_1 = arith.constant 0 : i32
    return %c0_i32, %c0_i32_0 : i32, i32
  }
  func.func @transform_2(%arg0: i32) -> (i32, i32) {
    %c0_i32 = arith.constant 0 : i32
    %c0_i32_0 = arith.constant 0 : i32
    %c0_i32_1 = arith.constant 0 : i32
    return %c0_i32, %c0_i32_0 : i32, i32
  }
  func.func @transform_3(%arg0: i32) -> (i32, i32) {
    %c0_i32 = arith.constant 0 : i32
    %c0_i32_0 = arith.constant 0 : i32
    %c0_i32_1 = arith.constant 0 : i32
    return %c0_i32, %c0_i32_0 : i32, i32
  }
  func.func @transform_4(%arg0: i32) -> (i32, i32) {
    %c0_i32 = arith.constant 0 : i32
    %c0_i32_0 = arith.constant 0 : i32
    %c0_i32_1 = arith.constant 0 : i32
    return %c0_i32, %c0_i32_0 : i32, i32
  }
  func.func @transform_5(%arg0: i32) -> (i32, i32) {
    %c0_i32 = arith.constant 0 : i32
    %c0_i32_0 = arith.constant 0 : i32
    return %arg0, %c0_i32 : i32, i32
  }
}

module attributes {stable_mosaic.version = 14 : i64} {
  func.func @_final_body(%arg0: i32, %arg1: memref<1024x32xf32, #tpu.memory_space<vmem>>, %arg2: memref<1024x32xf32, #tpu.memory_space<vmem>>, %arg3: memref<1024x32xf32, #tpu.memory_space<vmem>>, %arg4: memref<1x32xf32, #tpu.memory_space<vmem>>, %arg5: memref<1x1xf32, #tpu.memory_space<vmem>>, %arg6: memref<1024x1xf32, #tpu.memory_space<vmem>>) attributes {dimension_semantics = [#tpu.dimension_semantics<arbitrary>], iteration_bounds = array<i64: 10>, scalar_prefetch = 0 : i64, scratch_operands = 0 : i64, tpu.core_type = #tpu.core_type<tc>, window_params = [{transform_indices = @transform_0, window_bounds = array<i64: 1024, 32>}, {transform_indices = @transform_1, window_bounds = array<i64: 1024, 32>}, {transform_indices = @transform_2, window_bounds = array<i64: 1024, 32>}, {pipeline_mode = #tpu.pipeline_mode<synchronous>, transform_indices = @transform_3, window_bounds = array<i64: 1, 32>}, {pipeline_mode = #tpu.pipeline_mode<synchronous>, transform_indices = @transform_4, window_bounds = array<i64: 1, 1>}, {transform_indices = @transform_5, window_bounds = array<i64: 1024, 1>}]} {
    %get3A = arith.constant 0 : index
    %get3A_0 = arith.constant 0 : index
    %get3A_1 = vector.load %arg1[%get3A, %get3A_0] : memref<1024x32xf32, #tpu.memory_space<vmem>>, vector<1024x32xf32>
    %get3A_2 = arith.constant 0 : index
    %get3A_3 = arith.constant 0 : index
    %get3A_4 = vector.load %arg2[%get3A_2, %get3A_3] : memref<1024x32xf32, #tpu.memory_space<vmem>>, vector<1024x32xf32>
    %add3A = arith.addf %get3A_1, %get3A_4 : vector<1024x32xf32>
    %get3A_5 = arith.constant 0 : index
    %get3A_6 = arith.constant 0 : index
    %get3A_7 = vector.load %arg3[%get3A_5, %get3A_6] : memref<1024x32xf32, #tpu.memory_space<vmem>>, vector<1024x32xf32>
    %add3A_8 = arith.addf %add3A, %get3A_7 : vector<1024x32xf32>
    %get3A_9 = arith.constant 0 : index
    %get3A_10 = arith.constant 0 : index
    %get3A_11 = vector.load %arg4[%get3A_9, %get3A_10] : memref<1x32xf32, #tpu.memory_space<vmem>>, vector<1x32xf32>
    %mul3A = vector.broadcast %get3A_11 : vector<1x32xf32> to vector<1024x32xf32>
    %mul3A_12 = arith.mulf %add3A_8, %mul3A : vector<1024x32xf32>
    %reduce_sum3A = arith.constant dense<0.000000e+00> : vector<1024xf32>
    %reduce_sum3A_13 = vector.multi_reduction <add>, %mul3A_12, %reduce_sum3A [1] : vector<1024x32xf32> to vector<1024xf32>
    %broadcast_in_dim3A = vector.shape_cast %reduce_sum3A_13 : vector<1024xf32> to vector<1024x1xf32>
    %get3A_14 = arith.constant 0 : index
    %get3A_15 = arith.constant 0 : index
    %get3A_16 = vector.load %arg5[%get3A_14, %get3A_15] : memref<1x1xf32, #tpu.memory_space<vmem>>, vector<1x1xf32>
    %add3A_17 = vector.broadcast %get3A_16 : vector<1x1xf32> to vector<1024x1xf32>
    %add3A_18 = arith.addf %broadcast_in_dim3A, %add3A_17 : vector<1024x1xf32>
    %logistic3A = arith.negf %add3A_18 : vector<1024x1xf32>
    %logistic3A_19 = math.exp %logistic3A : vector<1024x1xf32>
    %logistic3A_20 = arith.constant 1.000000e+00 : f32
    %logistic3A_21 = vector.broadcast %logistic3A_20 : f32 to vector<1024x1xf32>
    %logistic3A_22 = arith.addf %logistic3A_21, %logistic3A_19 : vector<1024x1xf32>
    %logistic3A_23 = arith.divf %logistic3A_21, %logistic3A_22 : vector<1024x1xf32>
    %swap3A = arith.constant 0 : index
    %swap3A_24 = arith.constant 0 : index
    %swap3A_25 = vector.load %arg6[%swap3A, %swap3A_24] : memref<1024x1xf32, #tpu.memory_space<vmem>>, vector<1024x1xf32>
    tpu.vector_store %arg6[%swap3A, %swap3A_24], %logistic3A_23 {strides = array<i32>} : memref<1024x1xf32, #tpu.memory_space<vmem>>, vector<1024x1xf32>,
    return
  }
  func.func @transform_0(%arg0: i32) -> (i32, i32) {
    %c0_i32 = arith.constant 0 : i32
    %c0_i32_0 = arith.constant 0 : i32
    return %arg0, %c0_i32 : i32, i32
  }
  func.func @transform_1(%arg0: i32) -> (i32, i32) {
    %c0_i32 = arith.constant 0 : i32
    %c0_i32_0 = arith.constant 0 : i32
    return %arg0, %c0_i32 : i32, i32
  }
  func.func @transform_2(%arg0: i32) -> (i32, i32) {
    %c0_i32 = arith.constant 0 : i32
    %c0_i32_0 = arith.constant 0 : i32
    return %arg0, %c0_i32 : i32, i32
  }
  func.func @transform_3(%arg0: i32) -> (i32, i32) {
    %c0_i32 = arith.constant 0 : i32
    %c0_i32_0 = arith.constant 0 : i32
    %c0_i32_1 = arith.constant 0 : i32
    return %c0_i32, %c0_i32_0 : i32, i32
  }
  func.func @transform_4(%arg0: i32) -> (i32, i32) {
    %c0_i32 = arith.constant 0 : i32
    %c0_i32_0 = arith.constant 0 : i32
    %c0_i32_1 = arith.constant 0 : i32
    return %c0_i32, %c0_i32_0 : i32, i32
  }
  func.func @transform_5(%arg0: i32) -> (i32, i32) {
    %c0_i32 = arith.constant 0 : i32
    %c0_i32_0 = arith.constant 0 : i32
    return %arg0, %c0_i32 : i32, i32
  }
}

</mosaic_0001>

<sc_bundles>
// kernel: kernel.11.cloned.1.call-start
scs
__scs_entry_jumppad:
0x0: {  	(pc) =	sbr.rel $0x88, $3  }
0x1: {  	(tag) =	ssettag $0x0;
	lr =	simm.s32 $0x1  }
0x2: {  	[smem:$0x3F95] =	sst lr;
	_ =	strace $0xD0000000  }
0x3: {  	_ = 	snop  }
0x4: {  	_ = 	snop  }
0x5: {  	_ = 	snop  }
0x6: {  	_ = 	snop  }
0x7: {  	_ = 	snop  }
__scs_overlays_trampoline_lowered:
0x8: {  	[smem:$0x3FA4] =	sst s0  }
0x9: {  	[smem:$0x3FA5] =	sst s1  }
0xa: {  	[smem:$0x3FA6] =	sst s2  }
0xb: {  	[smem:$0x3FA7] =	sst s3  }
0xc: {  	[smem:$0x3FA8] =	sst s4  }
0xd: {  	[smem:$0x3FA9] =	sst s5  }
0xe: {  	[smem:$0x3FAA] =	sst s6  }
0xf: {  	[smem:$0x3FAB] =	sst s7  }
0x10: {  	[smem:$0x3FAC] =	sst s8  }
0x11: {  	[smem:$0x3FAD] =	sst s9;
	s0 =	simm.s32 @!p0 $0x0  }
0x12: {  	s1 =	sld [smem:$0x3F93];
	s0 =	simm.s32 @p0 $0x1  }
0x13: {  	[smem:$0x3FAE] =	sst s0;
	s0 =	simm.s32 @!p1 $0x0  }
0x14: {  	s2 =	sld [smem:$0x3F92];
	s0 =	simm.s32 @p1 $0x1  }
0x15: {  	[smem:$0x3FAF] =	sst s0;
	s0 =	simm.s32 @!p2 $0x0  }
0x16: {  	s3 =	sld [smem:$0x3FDB];
	s0 =	simm.s32 @p2 $0x1  }
0x17: {  	s4 =	simm.s32 $0x1BF5;
	[smem:$0x3FB1] =	sst s0  }
0x18: {  	s0 =	sld [smem:$0x3F94];
	_ =	swait.ge [sflag:s4], $0x0  }
0x19: {  	s7 =	sld [smem:$0x3F95]  }
0x1a: {  	s8 =	sadd.s32 $0xFFFFE003, lr  }
0x1b: {  	s9 =	sadd.s32 $0xFFFFFEF7, lr;
	s5 =	simm.s32 $0xFFFFFFFF;
	p2 =	slt.u32 s8, $0xFFFFF086  }
0x1c: {  	p1 =	slt.u32 s9, $0xF7A;
	s5 =	simm.s32 @!p2 $0x0  }
0x1d: {  	s5 =	simm.s32 @p1 $0x1;
	p0 =	seq.s32 s7, s2  }
0x1e: {  	s7 =	smul.u32 @!p0 $0xF7A, s2;
	p2 =	seq.s32 @!p0 s5, $0x0  }
0x1f: {  	s9 =	smul.u32 $0xF7A, s1;
	s8 =	simm.s32 @!p0 $0x1BF5;
	p2 =	por !p2, p0  }
0x20: {  	[sflag:s8] =	ssyncset.s32 @!p0 $0xFFFFF086;
	s6 =	sadd.s32 @!p0 s3, s7;
	s7 =	simm.s32 @!p0 $0x108  }
0x21: {  	s3 =	sadd.s32 s3, s9;
	s6 =	sadd.s32 @!p0 $0x88, s6;
	s7 =	simm.s32 @p2 $0x1082  }
0x22: {  	[simem:s7], [sflag:s8] =	dma.local @!p0 [hbm:s6], $0xF7A  }
0x23: {  	s9 =	sor.u32 $0xD0000000, s2;
	s6 =	simm.s32 $0x108;
	_ =	swait.ge @!p0 [sflag:s8], $0x0  }
0x24: {  	s3 =	sadd.s32 $0x88, s3;
	s6 =	simm.s32 @!p1 $0x1082;
	[sflag:s4] =	ssyncset.s32 $0xFFFFF086  }
0x25: {  	[simem:s6], [sflag:s4] =	dma.local [hbm:s3], $0xF7A  }
0x26: {  	[smem:$0x3F95] =	sst s1;
	(tag) =	ssettag s2;
	_ =	strace s9  }
0x27: {  	s1 =	sld [smem:$0x3FA5]  }
0x28: {  	s2 =	sld [smem:$0x3FA6]  }
0x29: {  	s4 =	sld [smem:$0x3FA8]  }
0x2a: {  	p0 =	seq.s32 s5, $0x0;
	s5 =	sld [smem:$0x3FA9]  }
0x2b: {  	s6 =	sld [smem:$0x3FAA]  }
0x2c: {  	s7 =	sld [smem:$0x3FAB]  }
0x2d: {  	s3 =	simm.s32 $0x108;
	s8 =	sld [smem:$0x3FAC]  }
0x2e: {  	s3 =	simm.s32 @!p0 $0x1082;
	s9 =	sld [smem:$0x3FAD]  }
0x2f: {  	lr =	sadd.s32 s0, s3;
	s0 =	sld [smem:$0x3FA4]  }
0x30: {  	s3 =	sld [smem:$0x3FA7]  }
0x31: {  	[smem:$0x3FB0] =	sst s10  }
0x32: {  	s10 =	sld [smem:$0x3FAE];
	_ =	sdelay $0x3  }
0x33: {  	p0 =	seq.s32 s10, $0x1;
	s10 =	sld [smem:$0x3FB0];
	_ =	sdelay $0x3  }
0x34: {  	[smem:$0x3FB0] =	sst s10  }
0x35: {  	s10 =	sld [smem:$0x3FAF];
	_ =	sdelay $0x3  }
0x36: {  	p1 =	seq.s32 s10, $0x1;
	s10 =	sld [smem:$0x3FB0];
	_ =	sdelay $0x3  }
0x37: {  	[smem:$0x3FB0] =	sst s10  }
0x38: {  	s10 =	sld [smem:$0x3FB1]  }
0x39: {  	_ = 	snop;
	(pc) =	sbr.ind lr, $3  }
0x3a: {  	_ = 	snop  }
0x3b: {  	_ = 	snop  }
0x3c: {  	p2 =	seq.s32 s10, $0x1;
	s10 =	sld [smem:$0x3FB0]  }
0x3d: {  	_ =	shalt  }
0x3e: {  	_ =	shalt  }
0x3f: {  	_ =	shalt  }
0x40: {  	_ =	shalt  }
0x41: {  	_ =	shalt  }
0x42: {  	_ =	shalt  }
0x43: {  	_ =	shalt  }
0x44: {  	_ =	shalt  }
0x45: {  	_ =	shalt  }
0x46: {  	_ =	shalt  }
0x47: {  	_ =	shalt  }
0x48: {  	_ =	shalt  }
0x49: {  	_ =	shalt  }
0x4a: {  	_ =	shalt  }
0x4b: {  	_ =	shalt  }
0x4c: {  	_ =	shalt  }
0x4d: {  	_ =	shalt  }
0x4e: {  	_ =	shalt  }
0x4f: {  	_ =	shalt  }
0x50: {  	_ =	shalt  }
0x51: {  	_ =	shalt  }
0x52: {  	_ =	shalt  }
0x53: {  	_ =	shalt  }
0x54: {  	_ =	shalt  }
0x55: {  	_ =	shalt  }
0x56: {  	_ =	shalt  }
0x57: {  	_ =	shalt  }
0x58: {  	_ =	shalt  }
0x59: {  	_ =	shalt  }
0x5a: {  	_ =	shalt  }
0x5b: {  	_ =	shalt  }
0x5c: {  	_ =	shalt  }
0x5d: {  	_ =	shalt  }
0x5e: {  	_ =	shalt  }
0x5f: {  	_ =	shalt  }
0x60: {  	_ =	shalt  }
0x61: {  	_ =	shalt  }
0x62: {  	_ =	shalt  }
0x63: {  	_ =	shalt  }
0x64: {  	_ =	shalt  }
0x65: {  	_ =	shalt  }
0x66: {  	_ =	shalt  }
0x67: {  	_ =	shalt  }
0x68: {  	_ =	shalt  }
0x69: {  	_ =	shalt  }
0x6a: {  	_ =	shalt  }
0x6b: {  	_ =	shalt  }
0x6c: {  	_ =	shalt  }
0x6d: {  	_ =	shalt  }
0x6e: {  	_ =	shalt  }
0x6f: {  	_ =	shalt  }
0x70: {  	_ =	shalt  }
0x71: {  	_ =	shalt  }
0x72: {  	_ =	shalt  }
0x73: {  	_ =	shalt  }
0x74: {  	_ =	shalt  }
0x75: {  	_ =	shalt  }
0x76: {  	_ =	shalt  }
0x77: {  	_ =	shalt  }
0x78: {  	_ =	shalt  }
0x79: {  	_ =	shalt  }
0x7a: {  	_ =	shalt  }
0x7b: {  	_ =	shalt  }
0x7c: {  	_ =	shalt  }
0x7d: {  	_ =	shalt  }
0x7e: {  	_ =	shalt  }
0x7f: {  	_ =	shalt  }
0x80: {  	_ =	shalt  }
0x81: {  	_ =	shalt  }
0x82: {  	_ =	shalt  }
0x83: {  	_ =	shalt  }
0x84: {  	_ =	shalt  }
0x85: {  	_ =	shalt  }
0x86: {  	_ =	shalt  }
0x87: {  	_ =	shalt  }
.Lfunc_end0:
.L_simem_size_0:
called_computation.1_lowered:
.L_overlay_start_0:
0x88: {  	s2 =	sld [smem:$0x3FD9]  }
0x89: {  	s3 =	sld [smem:$0x3FFE];
	_ =	sdelay $0x1  }
0x8a: {  	s1 =	srdreg.scid  }
0x8b: {  	s0 =	sand.u32 $0x1, s1  }
0x8c: {  	s16 =	sshll.u32 s0, $0xA;
	s2 =	sadd.s32 s3, s2  }
0x8d: {  	s2 =	sadd.s32 s2, s16  }
0x8e: {  	[smem:$0x3FBC] =	sst s2  }
0x8f: {  	_ = 	snop  }
0x90: {  	(tm) =	ssettm $0x1  }
0x91: {  	s17 =	sld [smem:$0x3FFB];
	_ =	sdelay $0x3  }
0x92: {  	_ =	strace s17  }
0x93: {  	s2 =	sld [smem:$0x3FFC];
	_ =	sdelay $0x3  }
0x94: {  	_ =	strace s2  }
0x95: {  	s2 =	sld [smem:$0x3FFD];
	_ =	sdelay $0x3  }
0x96: {  	_ =	strace s2  }
0x97: {  	_ =	strace $0x8FFFFFFF  }
0x98: {  	s18 =	sld [smem:$0x3FDB];
	_ =	sdelay $0x1  }
0x99: {  	s19 =	simm.s32 $_scs_section_size  }
0x9a: {  	s4 =	simm.s32 $_size__tile_overlayer_lowered;
	s5 =	simm.s32 $_tile_overlayer_lowered  }
0x9b: {  	s22 =	simm.s32 $0x1BFF;
	s21 =	sshll.u32 s5, $0x1;
	s2 =	sadd.s32 s19, s18  }
0x9c: {  	s6 =	simm.s32 $0x0;
	s20 =	sshll.u32 s4, $0x1;
	s4 =	sadd.s32 s21, s2  }
0x9d: {  	[timem:s6], [sflag:s22] =	dma.local [hbm:s4], s20  }
0x9e: {  	_ =	swait.ge [sflag:s22], s20  }
0x9f: {  	s3 =	ssub.s32 $0x0, s20;
	[sflag:s22] =	ssyncset.done $0x0  }
0xa0: {  	[sflag:s22] =	ssyncadd.s32 s3;
	_ =	sdelay $0x1  }
0xa1: {  	s23 =	simm.s32 $0x1B8B  }
0xa2: {  	_ =	swait.ge [sflag:s23], $0x1  }
0xa3: {  	[sflag:s23] =	ssyncset.done $0x0  }
0xa4: {  	s25 =	simm.s32 $0x1B8E;
	s24 =	sld [smem:$0x3FFE];
	[sflag:s23] =	ssyncadd.s32 $0xFFFFFFFF  }
0xa5: {  	s26 =	simm.s32 $execute0_lowered;
	[smem:$0x3FD2] =	sst s25  }
0xa6: {  	s4 =	sshll.u32 s26, $0x1;
	_ =	strace $0x80000049;
	[dreg:$0x1] =	wrdreg $0xFFFFFFFF  }
0xa7: {  	s28 =	simm.s32 $_size_execute0_lowered;
	s2 =	sadd.s32 s2, s4;
	[dreg:$0x0] =	wrdreg $0x0  }
0xa8: {  	s4 =	sshll.u32 s28, $0x1;
	[dreg:$0x2] =	wrdreg s2  }
0xa9: {  	[dreg:$0x3] =	wrdreg s4  }
0xaa: {  	[dreg:$0x4] =	wrdreg $0xC0  }
0xab: {  	_ =	task [dreg:s6], $0x5FFFF  }
0xac: {  	[dreg:$0x1] =	wrdreg $0xFFFFFFFF  }
0xad: {  	[dreg:$0x0] =	wrdreg $0x60  }
0xae: {  	[dreg:$0x2] =	wrdreg s24  }
0xaf: {  	[dreg:$0x3] =	wrdreg $0xA7800  }
0xb0: {  	[dreg:$0x4] =	wrdreg $0x9  }
0xb1: {  	_ =	task.clear_ibuf [dreg:s6], $0x5FFFF;
	_ =	strace $0x90000049  }
0xb2: {  	s29 =	simm.s32 $0x9;
	_ =	strace $0x8000004B  }
0xb3: {  	_ =	swait.ge [sflag:s29], $0x1  }
0xb4: {  	[sflag:s29] =	ssyncadd.s32 $0xFFFFFFFF  }
0xb5: {  	_ =	strace $0x9000004B  }
0xb6: {  	_ =	sfence  }
0xb7: {  	s30 =	sld [smem:$0x0];
	_ =	sdelay $0x2  }
0xb8: {  	s31 =	sshll.u32 s1, $0xD;
	s1 =	sshrl.u32 s1, $0x2  }
0xb9: {  	s3 =	sand.u32 $0x4000, s31;
	s1 =	sadd.s32 s1, s30  }
0xba: {  	s0 =	sor.u32 s3, s0;
	s1 =	sshll.u32 s1, $0x11  }
0xbb: {  	s0 =	sor.u32 s1, s0  }
0xbc: {  	s0 =	sadd.s32 $0x8F2B, s0  }
0xbd: {  	[sflag:s0] =	ssyncadd.remote.s32 $0x1  }
0xbe: {  	_ =	sfence.sel $0xFFFF  }
0xbf: {  	[dreg:$0x0] =	wrdreg $0xFFFFFFFF;
	(pc) =	sbr.abs _section_cstart, $3  }
0xc0: {  	[dreg:$0x1] =	wrdreg $0xFFFFFFFF  }
0xc1: {  	_ =	task.clear_ibuf [dreg:s6], $0x2FFFF;
	_ =	strace $0x9FFFFFFF  }
0xc2: {  	(tm) =	ssettm $0x7FFFFFFF  }
0xc3: {  	_ =	shalt  }
tec
execute0_lowered:
.L_overlay_start_1:
0x0: {  	(tag) =	ssettag $0x1  }
0x1: {  	s0 =	srdreg.scid  }
0x2: {  	s19 =	stileid.u32;
	s4 =	rddreg [dreg:$0x0]  }
0x3: {  	s2 =	rddreg [dreg:$0x1];
	s3 =	simm.s32 $0x0;
	s20 =	simm.s32 $0x3780  }
0x4: {  	s28 =	simm.s32 $0x1;
	s29 =	simm.s32 $0x80;
	s30 =	simm.s32 $0x2  }
0x5: {  	s31 =	simm.s32 $0x0;
	s0 =	sand.u32 $0x1, s0;
	s1 =	sshll.u32 s19, $0x1  }
0x6: {  	s6 =	smul.u32 $0x4F00, s19;
	[smem:$0x7FF] =	sst s3;
	s18 =	sadd.s32 $0x65800, s4  }
0x7: {  	s22 =	sshll.u32 s19, $0x6;
	s14 =	smul.u32 $0x9C, s19;
	p0 =	sgt.u32 s19, $0x1  }
0x8: {  	s19 =	simm.s32 $0x2780;
	s1 =	sor.u32 s0, s1;
	s7 =	smul.u32 $0x4F000, s0  }
0x9: {  	_ =	strace $0x8000004A;
	s9 =	ssub.s32 $0x2, s0;
	s0 =	smul.u32 $0x4E, s0  }
0xa: {  	s5 =	smul.u32 $0x4E, s1;
	s1 =	smin.u32 s1, $0x4;
	s21 =	sshrl.u32 s9, $0x1  }
0xb: {  	s7 =	sadd.s32 s6, s7;
	s16 =	ssub.s32 s9, s21;
	s6 =	sadd.s32 s6, s2  }
0xc: {  	s15 =	sadd.s32 s14, s1;
	s17 =	sadd.s32 s0, s14;
	s21 =	simm.s32 $0x4780  }
0xd: {  	s5 =	sadd.s32 s1, s5;
	s7 =	sshrl.u32 s7, $0x3;
	[dreg:$0x4] =	wrdreg s6  }
0xe: {  	s6 =	sor.u32 $0x1C03, s22;
	s0 =	sadd.s32 s0, s15;
	s1 =	sadd.s32 s1, s17  }
0xf: {  	s16 =	smax.u32 s16, $0x1;
	s22 =	simm.s32 $0x5780;
	s8 =	sshll.u32 s5, $0x4  }
0x10: {  	s5 =	sshll.u32 s5, $0x9;
	s0 =	sshll.u32 s0, $0x9;
	s1 =	sshll.u32 s1, $0x9  }
0x11: {  	s8 =	sadd.s32 s8, s4;
	s4 =	sadd.s32 s7, s4;
	s5 =	sadd.s32 s18, s5  }
0x12: {  	s17 =	sadd.s32 s0, s18;
	s26 =	sadd.s32 s1, s18;
	s18 =	simm.s32 $0x3  }
0x13: {  	s23 =	sadd.s32 $0x51C00, s4;
	s7 =	sadd.s32 $0x3E000, s8;
	s24 =	sadd.s32 $0x9000, s5  }
0x14: {  	s25 =	sadd.s32 $0x9200, s5;
	s10 =	sadd.s32 $0x9400, s5;
	[dreg:$0x3] =	wrdreg s26  }
0x15: {  	s11 =	sadd.s32 $0x9600, s5;
	s12 =	sadd.s32 $0x9800, s5;
	[dreg:$0x5] =	wrdreg s23  }
0x16: {  	s13 =	sadd.s32 $0x9A00, s5;
	s14 =	sadd.s32 $0x9C00, s5;
	[dreg:$0x6] =	wrdreg s24  }
0x17: {  	s15 =	sadd.s32 $0x19E000, s4;
	s26 =	simm.s32 $0x9780;
	[dreg:$0x7] =	wrdreg s25  }
0x18: {  	s23 =	simm.s32 $0x6780;
	s24 =	simm.s32 $0x7780;
	s25 =	simm.s32 $0x8780  }
.LBB2_1:
0x19: {  	s0 =	rddreg [dreg:$0x4]  }
0x1a: {  	s5 =	rddreg [dreg:$0x5];
	s1 =	sshrl.u32 s0, $0x3  }
0x1b: {  	[spmem:s1], [sflag:s6] =	dma.local [hbm:s5], $0x9E0  }
0x1c: {  	_ =	swait.ge [sflag:s18], $0x9E0  }
0x1d: {  	[sflag:s18] =	ssyncset.done $0x0  }
0x1e: {  	s0 =	simm.s32 @p0 $0x0;
	[sflag:s18] =	ssyncadd.s32 $0xFFFFF620  }
0x1f: {  	[tilespmem:s0], [sflag:$0x3] =	stream.linear.gather @p0 [hbm4b:s7+s0], $0x2700, $0x38;
	[tilespmem:$0xF680] =	vst v63  }
0x20: {  	s0 =	simm.s32 @p0 $0x3  }
0x21: {  	_ =	swait.ge @p0 [sflag:s0], $0x2700  }
0x22: {  	[sflag:s0] =	ssyncset.done @p0 $0x0  }
0x23: {  	[sflag:s0] =	ssyncadd.s32 @p0 $0xFFFFD900;
	s0 =	simm.s32 @!p0 $0x0  }
0x24: {  	[tilespmem:s0], [sflag:$0x3] =	stream.linear.gather @!p0 [hbm4b:s7+s0], $0x2780, $0x38;
	[tilespmem:$0xF680] =	vst v63  }
0x25: {  	s0 =	simm.s32 @!p0 $0x3  }
0x26: {  	_ =	swait.ge @!p0 [sflag:s0], $0x2780  }
0x27: {  	[sflag:s0] =	ssyncset.done @!p0 $0x0  }
0x28: {  	[sflag:s0] =	ssyncadd.s32 @!p0 $0xFFFFD880  }
0x29: {  	[bflag:$0x0] =	sbarrier.arrive $0xFFFF  }
0x2a: {  	s8 =	rddreg [dreg:$0x3]  }
0x2b: {  	s4 =	sadd.s32 $0x0, s17;
	s0 =	sadd.s32 $0x0, s8  }
0x2c: {  	[tilespmem:s19], [sflag:$0x1] =	stream.linear.gather [hbm4b:s0+s3], $0x1000, $0x38;
	[tilespmem:$0xF680] =	vst v63  }
0x2d: {  	s9 =	sadd.s32 $0x200, s4  }
0x2e: {  	[tilespmem:s20], [sflag:$0x1] =	stream.linear.gather [hbm4b:s9+s3], $0x1000, $0x38;
	[tilespmem:$0xF680] =	vst v63  }
0x2f: {  	s5 =	sadd.s32 $0x400, s4  }
0x30: {  	[tilespmem:s21], [sflag:$0x1] =	stream.linear.gather [hbm4b:s5+s3], $0x1000, $0x38;
	[tilespmem:$0xF680] =	vst v63  }
0x31: {  	s8 =	sadd.s32 $0x600, s4  }
0x32: {  	[tilespmem:s22], [sflag:$0x1] =	stream.linear.gather [hbm4b:s8+s3], $0x1000, $0x38;
	[tilespmem:$0xF680] =	vst v63  }
0x33: {  	s9 =	sadd.s32 $0x800, s4  }
0x34: {  	[tilespmem:s23], [sflag:$0x1] =	stream.linear.gather [hbm4b:s9+s3], $0x1000, $0x38;
	[tilespmem:$0xF680] =	vst v63  }
0x35: {  	s5 =	sadd.s32 $0xA00, s4  }
0x36: {  	[tilespmem:s24], [sflag:$0x1] =	stream.linear.gather [hbm4b:s5+s3], $0x1000, $0x38;
	[tilespmem:$0xF680] =	vst v63  }
0x37: {  	s8 =	sadd.s32 $0xC00, s4  }
0x38: {  	[tilespmem:s25], [sflag:$0x1] =	stream.linear.gather [hbm4b:s8+s3], $0x1000, $0x38;
	[tilespmem:$0xF680] =	vst v63  }
0x39: {  	s9 =	sadd.s32 $0xE00, s4  }
0x3a: {  	[tilespmem:s26], [sflag:$0x1] =	stream.linear.gather [hbm4b:s9+s3], $0x1000, $0x38;
	[tilespmem:$0xF680] =	vst v63  }
0x3b: {  	_ =	swait.ge [sflag:s28], $0x1000  }
0x3c: {  	[sflag:s28] =	ssyncset.done $0x0  }
0x3d: {  	s4 =	simm.s32 $0x0;
	[sflag:s28] =	ssyncadd.s32 $0xFFFFF000  }
0x3e: {  	[spmem:s2] =	stream.indirect.scatter.add.f32 [tilespmem:s19], [sflag:$0x2], $0x20, s4, s29, $0xb8;
	[tilespmem:$0xF680] =	vst v63  }
0x3f: {  	_ =	swait.ge [sflag:s28], $0x1000  }
0x40: {  	[sflag:s28] =	ssyncset.done $0x0  }
0x41: {  	s5 =	simm.s32 $0x80;
	[sflag:s28] =	ssyncadd.s32 $0xFFFFF000  }
0x42: {  	[spmem:s2] =	stream.indirect.scatter.add.f32 [tilespmem:s20], [sflag:$0x2], $0x20, s5, s29, $0xb8;
	[tilespmem:$0xF680] =	vst v63  }
0x43: {  	_ =	swait.ge [sflag:s28], $0x1000  }
0x44: {  	[sflag:s28] =	ssyncset.done $0x0  }
0x45: {  	s8 =	simm.s32 $0x100;
	[sflag:s28] =	ssyncadd.s32 $0xFFFFF000  }
0x46: {  	[spmem:s2] =	stream.indirect.scatter.add.f32 [tilespmem:s21], [sflag:$0x2], $0x20, s8, s29, $0xb8;
	[tilespmem:$0xF680] =	vst v63  }
0x47: {  	_ =	swait.ge [sflag:s28], $0x1000  }
0x48: {  	[sflag:s28] =	ssyncset.done $0x0  }
0x49: {  	s9 =	simm.s32 $0x180;
	[sflag:s28] =	ssyncadd.s32 $0xFFFFF000  }
0x4a: {  	[spmem:s2] =	stream.indirect.scatter.add.f32 [tilespmem:s22], [sflag:$0x2], $0x20, s9, s29, $0xb8;
	[tilespmem:$0xF680] =	vst v63  }
0x4b: {  	_ =	swait.ge [sflag:s28], $0x1000  }
0x4c: {  	[sflag:s28] =	ssyncset.done $0x0  }
0x4d: {  	s4 =	simm.s32 $0x200;
	[sflag:s28] =	ssyncadd.s32 $0xFFFFF000  }
0x4e: {  	[spmem:s2] =	stream.indirect.scatter.add.f32 [tilespmem:s23], [sflag:$0x2], $0x20, s4, s29, $0xb8;
	[tilespmem:$0xF680] =	vst v63  }
0x4f: {  	_ =	swait.ge [sflag:s28], $0x1000  }
0x50: {  	[sflag:s28] =	ssyncset.done $0x0  }
0x51: {  	s5 =	simm.s32 $0x280;
	[sflag:s28] =	ssyncadd.s32 $0xFFFFF000  }
0x52: {  	[spmem:s2] =	stream.indirect.scatter.add.f32 [tilespmem:s24], [sflag:$0x2], $0x20, s5, s29, $0xb8;
	[tilespmem:$0xF680] =	vst v63  }
0x53: {  	_ =	swait.ge [sflag:s28], $0x1000  }
0x54: {  	[sflag:s28] =	ssyncset.done $0x0  }
0x55: {  	s8 =	simm.s32 $0x300;
	[sflag:s28] =	ssyncadd.s32 $0xFFFFF000  }
0x56: {  	[spmem:s2] =	stream.indirect.scatter.add.f32 [tilespmem:s25], [sflag:$0x2], $0x20, s8, s29, $0xb8;
	[tilespmem:$0xF680] =	vst v63  }
0x57: {  	_ =	swait.ge [sflag:s28], $0x1000  }
0x58: {  	[sflag:s28] =	ssyncset.done $0x0  }
0x59: {  	s9 =	simm.s32 $0x380;
	[sflag:s28] =	ssyncadd.s32 $0xFFFFF000  }
0x5a: {  	[spmem:s2] =	stream.indirect.scatter.add.f32 [tilespmem:s26], [sflag:$0x2], $0x20, s9, s29, $0xb8;
	[tilespmem:$0xF680] =	vst v63  }
0x5b: {  	_ =	swait.ge [sflag:s30], $0x1000  }
0x5c: {  	[sflag:s30] =	ssyncset.done $0x0  }
0x5d: {  	[sflag:s30] =	ssyncadd.s32 $0xFFFFF000  }
0x5e: {  	_ =	swait.ge [sflag:s30], $0x1000  }
0x5f: {  	[sflag:s30] =	ssyncset.done $0x0  }
0x60: {  	[sflag:s30] =	ssyncadd.s32 $0xFFFFF000  }
0x61: {  	_ =	swait.ge [sflag:s30], $0x1000  }
0x62: {  	[sflag:s30] =	ssyncset.done $0x0  }
0x63: {  	[sflag:s30] =	ssyncadd.s32 $0xFFFFF000  }
0x64: {  	_ =	swait.ge [sflag:s30], $0x1000  }
0x65: {  	[sflag:s30] =	ssyncset.done $0x0  }
0x66: {  	[sflag:s30] =	ssyncadd.s32 $0xFFFFF000  }
0x67: {  	_ =	swait.ge [sflag:s30], $0x1000  }
0x68: {  	[sflag:s30] =	ssyncset.done $0x0  }
0x69: {  	[sflag:s30] =	ssyncadd.s32 $0xFFFFF000  }
0x6a: {  	_ =	swait.ge [sflag:s30], $0x1000  }
0x6b: {  	[sflag:s30] =	ssyncset.done $0x0  }
0x6c: {  	[sflag:s30] =	ssyncadd.s32 $0xFFFFF000  }
0x6d: {  	_ =	swait.ge [sflag:s30], $0x1000  }
0x6e: {  	[sflag:s30] =	ssyncset.done $0x0  }
0x6f: {  	[sflag:s30] =	ssyncadd.s32 $0xFFFFF000  }
0x70: {  	s0 =	simm.s32 $0x1000;
	_ =	swait.ge [sflag:s30], $0x1000  }
0x71: {  	s4 =	simm.s32 $0x2000;
	s5 =	rddreg [dreg:$0x3];
	[sflag:s30] =	ssyncset.done $0x0  }
.LBB2_2:
0x72: {  	[sflag:s30] =	ssyncadd.s32 $0xFFFFF000;
	s5 =	sadd.s32 s0, s5;
	s9 =	sadd.s32 s0, s17  }
0x73: {  	[tilespmem:s19], [sflag:$0x1] =	stream.linear.gather [hbm4b:s5+s3], $0x1000, $0x38;
	[tilespmem:$0xF680] =	vst v63  }
0x74: {  	s5 =	sadd.s32 $0x200, s9  }
0x75: {  	[tilespmem:s20], [sflag:$0x1] =	stream.linear.gather [hbm4b:s5+s3], $0x1000, $0x38;
	[tilespmem:$0xF680] =	vst v63  }
0x76: {  	s5 =	sadd.s32 $0x400, s9  }
0x77: {  	[tilespmem:s21], [sflag:$0x1] =	stream.linear.gather [hbm4b:s5+s3], $0x1000, $0x38;
	[tilespmem:$0xF680] =	vst v63  }
0x78: {  	s5 =	sadd.s32 $0x600, s9  }
0x79: {  	[tilespmem:s22], [sflag:$0x1] =	stream.linear.gather [hbm4b:s5+s3], $0x1000, $0x38;
	[tilespmem:$0xF680] =	vst v63  }
0x7a: {  	s5 =	sadd.s32 $0x800, s9  }
0x7b: {  	[tilespmem:s23], [sflag:$0x1] =	stream.linear.gather [hbm4b:s5+s3], $0x1000, $0x38;
	[tilespmem:$0xF680] =	vst v63  }
0x7c: {  	s5 =	sadd.s32 $0xA00, s9  }
0x7d: {  	[tilespmem:s24], [sflag:$0x1] =	stream.linear.gather [hbm4b:s5+s3], $0x1000, $0x38;
	[tilespmem:$0xF680] =	vst v63  }
0x7e: {  	s5 =	sadd.s32 $0xC00, s9  }
0x7f: {  	[tilespmem:s25], [sflag:$0x1] =	stream.linear.gather [hbm4b:s5+s3], $0x1000, $0x38;
	[tilespmem:$0xF680] =	vst v63  }
0x80: {  	s9 =	sadd.s32 $0xE00, s9  }
0x81: {  	[tilespmem:s26], [sflag:$0x1] =	stream.linear.gather [hbm4b:s9+s3], $0x1000, $0x38;
	[tilespmem:$0xF680] =	vst v63  }
0x82: {  	_ =	swait.ge [sflag:s28], $0x1000  }
0x83: {  	[sflag:s28] =	ssyncset.done $0x0  }
0x84: {  	s5 =	sshra.s32 s0, $0x2;
	[sflag:s28] =	ssyncadd.s32 $0xFFFFF000  }
0x85: {  	[spmem:s2] =	stream.indirect.scatter.add.f32 [tilespmem:s19], [sflag:$0x2], $0x20, s5, s29, $0xb8;
	[tilespmem:$0xF680] =	vst v63  }
0x86: {  	_ =	swait.ge [sflag:s28], $0x1000  }
0x87: {  	[sflag:s28] =	ssyncset.done $0x0  }
0x88: {  	s9 =	sadd.s32 $0x80, s5;
	[sflag:s28] =	ssyncadd.s32 $0xFFFFF000  }
0x89: {  	[spmem:s2] =	stream.indirect.scatter.add.f32 [tilespmem:s20], [sflag:$0x2], $0x20, s9, s29, $0xb8;
	[tilespmem:$0xF680] =	vst v63  }
0x8a: {  	_ =	swait.ge [sflag:s28], $0x1000  }
0x8b: {  	[sflag:s28] =	ssyncset.done $0x0  }
0x8c: {  	s9 =	sadd.s32 $0x100, s5;
	[sflag:s28] =	ssyncadd.s32 $0xFFFFF000  }
0x8d: {  	[spmem:s2] =	stream.indirect.scatter.add.f32 [tilespmem:s21], [sflag:$0x2], $0x20, s9, s29, $0xb8;
	[tilespmem:$0xF680] =	vst v63  }
0x8e: {  	_ =	swait.ge [sflag:s28], $0x1000  }
0x8f: {  	[sflag:s28] =	ssyncset.done $0x0  }
0x90: {  	s9 =	sadd.s32 $0x180, s5;
	[sflag:s28] =	ssyncadd.s32 $0xFFFFF000  }
0x91: {  	[spmem:s2] =	stream.indirect.scatter.add.f32 [tilespmem:s22], [sflag:$0x2], $0x20, s9, s29, $0xb8;
	[tilespmem:$0xF680] =	vst v63  }
0x92: {  	_ =	swait.ge [sflag:s28], $0x1000  }
0x93: {  	[sflag:s28] =	ssyncset.done $0x0  }
0x94: {  	s9 =	sadd.s32 $0x200, s5;
	[sflag:s28] =	ssyncadd.s32 $0xFFFFF000  }
0x95: {  	[spmem:s2] =	stream.indirect.scatter.add.f32 [tilespmem:s23], [sflag:$0x2], $0x20, s9, s29, $0xb8;
	[tilespmem:$0xF680] =	vst v63  }
0x96: {  	_ =	swait.ge [sflag:s28], $0x1000  }
0x97: {  	[sflag:s28] =	ssyncset.done $0x0  }
0x98: {  	s9 =	sadd.s32 $0x280, s5;
	[sflag:s28] =	ssyncadd.s32 $0xFFFFF000  }
0x99: {  	[spmem:s2] =	stream.indirect.scatter.add.f32 [tilespmem:s24], [sflag:$0x2], $0x20, s9, s29, $0xb8;
	[tilespmem:$0xF680] =	vst v63  }
0x9a: {  	_ =	swait.ge [sflag:s28], $0x1000  }
0x9b: {  	[sflag:s28] =	ssyncset.done $0x0  }
0x9c: {  	s9 =	sadd.s32 $0x300, s5;
	[sflag:s28] =	ssyncadd.s32 $0xFFFFF000  }
0x9d: {  	[spmem:s2] =	stream.indirect.scatter.add.f32 [tilespmem:s25], [sflag:$0x2], $0x20, s9, s29, $0xb8;
	[tilespmem:$0xF680] =	vst v63  }
0x9e: {  	_ =	swait.ge [sflag:s28], $0x1000  }
0x9f: {  	[sflag:s28] =	ssyncset.done $0x0  }
0xa0: {  	s5 =	sadd.s32 $0x380, s5;
	[sflag:s28] =	ssyncadd.s32 $0xFFFFF000  }
0xa1: {  	[spmem:s2] =	stream.indirect.scatter.add.f32 [tilespmem:s26], [sflag:$0x2], $0x20, s5, s29, $0xb8;
	[tilespmem:$0xF680] =	vst v63  }
0xa2: {  	_ =	swait.ge [sflag:s30], $0x1000  }
0xa3: {  	[sflag:s30] =	ssyncset.done $0x0  }
0xa4: {  	[sflag:s30] =	ssyncadd.s32 $0xFFFFF000  }
0xa5: {  	_ =	swait.ge [sflag:s30], $0x1000  }
0xa6: {  	[sflag:s30] =	ssyncset.done $0x0  }
0xa7: {  	[sflag:s30] =	ssyncadd.s32 $0xFFFFF000  }
0xa8: {  	_ =	swait.ge [sflag:s30], $0x1000  }
0xa9: {  	[sflag:s30] =	ssyncset.done $0x0  }
0xaa: {  	[sflag:s30] =	ssyncadd.s32 $0xFFFFF000  }
0xab: {  	_ =	swait.ge [sflag:s30], $0x1000  }
0xac: {  	[sflag:s30] =	ssyncset.done $0x0  }
0xad: {  	[sflag:s30] =	ssyncadd.s32 $0xFFFFF000  }
0xae: {  	_ =	swait.ge [sflag:s30], $0x1000  }
0xaf: {  	[sflag:s30] =	ssyncset.done $0x0  }
0xb0: {  	[sflag:s30] =	ssyncadd.s32 $0xFFFFF000  }
0xb1: {  	_ =	swait.ge [sflag:s30], $0x1000  }
0xb2: {  	[sflag:s30] =	ssyncset.done $0x0  }
0xb3: {  	p1 =	sne.s32 s4, $0x8000;
	[sflag:s30] =	ssyncadd.s32 $0xFFFFF000  }
.Ltmp0:
0xb4: {  	_ =	swait.ge [sflag:s30], $0x1000;
	(pc) =	sbr.rel @p1 .LBB2_2-.Ltmp0, $4  }
0xb5: {  	[sflag:s30] =	ssyncset.done $0x0  }
0xb6: {  	[sflag:s30] =	ssyncadd.s32 $0xFFFFF000  }
0xb7: {  	s8 =	smov.u32 s4;
	s4 =	sadd.s32 $0x1000, s4;
	_ =	swait.ge [sflag:s30], $0x1000  }
0xb8: {  	s0 =	smov.u32 s8;
	s5 =	rddreg [dreg:$0x3];
	[sflag:s30] =	ssyncset.done $0x0  }
0xb9: {  	[sflag:s30] =	ssyncadd.s32 $0xFFFFF000;
	s4 =	sadd.s32 s0, s5;
	s5 =	sadd.s32 s0, s17  }
0xba: {  	[tilespmem:s19], [sflag:$0x1] =	stream.linear.gather [hbm4b:s4+s3], $0x1000, $0x38;
	[tilespmem:$0xF680] =	vst v63  }
0xbb: {  	s9 =	sadd.s32 $0x200, s5  }
0xbc: {  	[tilespmem:s20], [sflag:$0x1] =	stream.linear.gather [hbm4b:s9+s3], $0x1000, $0x38;
	[tilespmem:$0xF680] =	vst v63  }
0xbd: {  	s8 =	sadd.s32 $0x400, s5  }
0xbe: {  	[tilespmem:s21], [sflag:$0x1] =	stream.linear.gather [hbm4b:s8+s3], $0x1000, $0x38;
	[tilespmem:$0xF680] =	vst v63  }
0xbf: {  	s9 =	sadd.s32 $0x600, s5  }
0xc0: {  	[tilespmem:s22], [sflag:$0x1] =	stream.linear.gather [hbm4b:s9+s3], $0x1000, $0x38;
	[tilespmem:$0xF680] =	vst v63  }
0xc1: {  	s8 =	sadd.s32 $0x800, s5  }
0xc2: {  	[tilespmem:s23], [sflag:$0x1] =	stream.linear.gather [hbm4b:s8+s3], $0x1000, $0x38;
	[tilespmem:$0xF680] =	vst v63  }
0xc3: {  	s9 =	sadd.s32 $0xA00, s5  }
0xc4: {  	[tilespmem:s24], [sflag:$0x1] =	stream.linear.gather [hbm4b:s9+s3], $0x1000, $0x38;
	[tilespmem:$0xF680] =	vst v63  }
0xc5: {  	s8 =	sadd.s32 $0xC00, s5  }
0xc6: {  	[tilespmem:s25], [sflag:$0x1] =	stream.linear.gather [hbm4b:s8+s3], $0x1000, $0x38;
	[tilespmem:$0xF680] =	vst v63  }
0xc7: {  	s9 =	sadd.s32 $0xE00, s5  }
0xc8: {  	[tilespmem:s26], [sflag:$0x1] =	stream.linear.gather [hbm4b:s9+s3], $0x1000, $0x38;
	[tilespmem:$0xF680] =	vst v63  }
0xc9: {  	_ =	swait.ge [sflag:s28], $0x1000  }
0xca: {  	[sflag:s28] =	ssyncset.done $0x0  }
0xcb: {  	s0 =	sshra.s32 s0, $0x2;
	[sflag:s28] =	ssyncadd.s32 $0xFFFFF000  }
0xcc: {  	[spmem:s2] =	stream.indirect.scatter.add.f32 [tilespmem:s19], [sflag:$0x2], $0x20, s0, s29, $0xb8;
	[tilespmem:$0xF680] =	vst v63  }
0xcd: {  	_ =	swait.ge [sflag:s28], $0x1000  }
0xce: {  	[sflag:s28] =	ssyncset.done $0x0  }
0xcf: {  	s5 =	sadd.s32 $0x80, s0;
	[sflag:s28] =	ssyncadd.s32 $0xFFFFF000  }
0xd0: {  	[spmem:s2] =	stream.indirect.scatter.add.f32 [tilespmem:s20], [sflag:$0x2], $0x20, s5, s29, $0xb8;
	[tilespmem:$0xF680] =	vst v63  }
0xd1: {  	_ =	swait.ge [sflag:s28], $0x1000  }
0xd2: {  	[sflag:s28] =	ssyncset.done $0x0  }
0xd3: {  	s8 =	sadd.s32 $0x100, s0;
	[sflag:s28] =	ssyncadd.s32 $0xFFFFF000  }
0xd4: {  	[spmem:s2] =	stream.indirect.scatter.add.f32 [tilespmem:s21], [sflag:$0x2], $0x20, s8, s29, $0xb8;
	[tilespmem:$0xF680] =	vst v63  }
0xd5: {  	_ =	swait.ge [sflag:s28], $0x1000  }
0xd6: {  	[sflag:s28] =	ssyncset.done $0x0  }
0xd7: {  	s9 =	sadd.s32 $0x180, s0;
	[sflag:s28] =	ssyncadd.s32 $0xFFFFF000  }
0xd8: {  	[spmem:s2] =	stream.indirect.scatter.add.f32 [tilespmem:s22], [sflag:$0x2], $0x20, s9, s29, $0xb8;
	[tilespmem:$0xF680] =	vst v63  }
0xd9: {  	_ =	swait.ge [sflag:s28], $0x1000  }
0xda: {  	[sflag:s28] =	ssyncset.done $0x0  }
0xdb: {  	s5 =	sadd.s32 $0x200, s0;
	[sflag:s28] =	ssyncadd.s32 $0xFFFFF000  }
0xdc: {  	[spmem:s2] =	stream.indirect.scatter.add.f32 [tilespmem:s23], [sflag:$0x2], $0x20, s5, s29, $0xb8;
	[tilespmem:$0xF680] =	vst v63  }
0xdd: {  	_ =	swait.ge [sflag:s28], $0x1000  }
0xde: {  	[sflag:s28] =	ssyncset.done $0x0  }
0xdf: {  	s8 =	sadd.s32 $0x280, s0;
	[sflag:s28] =	ssyncadd.s32 $0xFFFFF000  }
0xe0: {  	[spmem:s2] =	stream.indirect.scatter.add.f32 [tilespmem:s24], [sflag:$0x2], $0x20, s8, s29, $0xb8;
	[tilespmem:$0xF680] =	vst v63  }
0xe1: {  	_ =	swait.ge [sflag:s28], $0x1000  }
0xe2: {  	[sflag:s28] =	ssyncset.done $0x0  }
0xe3: {  	s9 =	sadd.s32 $0x300, s0;
	[sflag:s28] =	ssyncadd.s32 $0xFFFFF000  }
0xe4: {  	[spmem:s2] =	stream.indirect.scatter.add.f32 [tilespmem:s25], [sflag:$0x2], $0x20, s9, s29, $0xb8;
	[tilespmem:$0xF680] =	vst v63  }
0xe5: {  	_ =	swait.ge [sflag:s28], $0x1000  }
0xe6: {  	[sflag:s28] =	ssyncset.done $0x0  }
0xe7: {  	s0 =	sadd.s32 $0x380, s0;
	[sflag:s28] =	ssyncadd.s32 $0xFFFFF000  }
0xe8: {  	[spmem:s2] =	stream.indirect.scatter.add.f32 [tilespmem:s26], [sflag:$0x2], $0x20, s0, s29, $0xb8;
	[tilespmem:$0xF680] =	vst v63  }
0xe9: {  	_ =	swait.ge [sflag:s30], $0x1000  }
0xea: {  	[sflag:s30] =	ssyncset.done $0x0  }
0xeb: {  	[sflag:s30] =	ssyncadd.s32 $0xFFFFF000  }
0xec: {  	_ =	swait.ge [sflag:s30], $0x1000  }
0xed: {  	[sflag:s30] =	ssyncset.done $0x0  }
0xee: {  	[sflag:s30] =	ssyncadd.s32 $0xFFFFF000  }
0xef: {  	_ =	swait.ge [sflag:s30], $0x1000  }
0xf0: {  	[sflag:s30] =	ssyncset.done $0x0  }
0xf1: {  	[sflag:s30] =	ssyncadd.s32 $0xFFFFF000  }
0xf2: {  	_ =	swait.ge [sflag:s30], $0x1000  }
0xf3: {  	[sflag:s30] =	ssyncset.done $0x0  }
0xf4: {  	[sflag:s30] =	ssyncadd.s32 $0xFFFFF000  }
0xf5: {  	_ =	swait.ge [sflag:s30], $0x1000  }
0xf6: {  	[sflag:s30] =	ssyncset.done $0x0  }
0xf7: {  	[sflag:s30] =	ssyncadd.s32 $0xFFFFF000  }
0xf8: {  	_ =	swait.ge [sflag:s30], $0x1000  }
0xf9: {  	[sflag:s30] =	ssyncset.done $0x0  }
0xfa: {  	[sflag:s30] =	ssyncadd.s32 $0xFFFFF000  }
0xfb: {  	_ =	swait.ge [sflag:s30], $0x1000  }
0xfc: {  	[sflag:s30] =	ssyncset.done $0x0  }
0xfd: {  	[sflag:s30] =	ssyncadd.s32 $0xFFFFF000  }
0xfe: {  	_ =	swait.ge [sflag:s30], $0x1000  }
0xff: {  	[sflag:s30] =	ssyncset.done $0x0  }
0x100: {  	s4 =	rddreg [dreg:$0x6];
	[sflag:s30] =	ssyncadd.s32 $0xFFFFF000  }
0x101: {  	[tilespmem:s19], [sflag:$0x1] =	stream.linear.gather [hbm4b:s4+s3], $0x1000, $0x38;
	[tilespmem:$0xF680] =	vst v63  }
0x102: {  	s5 =	rddreg [dreg:$0x7]  }
0x103: {  	[tilespmem:s20], [sflag:$0x1] =	stream.linear.gather [hbm4b:s5+s3], $0x1000, $0x38;
	[tilespmem:$0xF680] =	vst v63  }
0x104: {  	_ = 	snop  }
0x105: {  	[tilespmem:s21], [sflag:$0x1] =	stream.linear.gather [hbm4b:s10+s3], $0x1000, $0x38;
	[tilespmem:$0xF680] =	vst v63  }
0x106: {  	_ = 	snop  }
0x107: {  	[tilespmem:s22], [sflag:$0x1] =	stream.linear.gather [hbm4b:s11+s3], $0x1000, $0x38;
	[tilespmem:$0xF680] =	vst v63  }
0x108: {  	_ = 	snop  }
0x109: {  	[tilespmem:s23], [sflag:$0x1] =	stream.linear.gather [hbm4b:s12+s3], $0x1000, $0x38;
	[tilespmem:$0xF680] =	vst v63  }
0x10a: {  	_ = 	snop  }
0x10b: {  	[tilespmem:s24], [sflag:$0x1] =	stream.linear.gather [hbm4b:s13+s3], $0x1000, $0x38;
	[tilespmem:$0xF680] =	vst v63  }
0x10c: {  	_ =	swait.ge [sflag:s28], $0x1000  }
0x10d: {  	[sflag:s28] =	ssyncset.done $0x0  }
0x10e: {  	s8 =	simm.s32 $0x2400;
	[sflag:s28] =	ssyncadd.s32 $0xFFFFF000  }
0x10f: {  	[spmem:s2] =	stream.indirect.scatter.add.f32 [tilespmem:s19], [sflag:$0x2], $0x20, s8, s29, $0xb8;
	[tilespmem:$0xF680] =	vst v63  }
0x110: {  	_ =	swait.ge [sflag:s28], $0x1000  }
0x111: {  	[sflag:s28] =	ssyncset.done $0x0  }
0x112: {  	s9 =	simm.s32 $0x2480;
	[sflag:s28] =	ssyncadd.s32 $0xFFFFF000  }
0x113: {  	[spmem:s2] =	stream.indirect.scatter.add.f32 [tilespmem:s20], [sflag:$0x2], $0x20, s9, s29, $0xb8;
	[tilespmem:$0xF680] =	vst v63  }
0x114: {  	_ =	swait.ge [sflag:s28], $0x1000  }
0x115: {  	[sflag:s28] =	ssyncset.done $0x0  }
0x116: {  	s4 =	simm.s32 $0x2500;
	[sflag:s28] =	ssyncadd.s32 $0xFFFFF000  }
0x117: {  	[spmem:s2] =	stream.indirect.scatter.add.f32 [tilespmem:s21], [sflag:$0x2], $0x20, s4, s29, $0xb8;
	[tilespmem:$0xF680] =	vst v63  }
0x118: {  	_ =	swait.ge [sflag:s28], $0x1000  }
0x119: {  	[sflag:s28] =	ssyncset.done $0x0  }
0x11a: {  	s5 =	simm.s32 $0x2580;
	[sflag:s28] =	ssyncadd.s32 $0xFFFFF000  }
0x11b: {  	[spmem:s2] =	stream.indirect.scatter.add.f32 [tilespmem:s22], [sflag:$0x2], $0x20, s5, s29, $0xb8;
	[tilespmem:$0xF680] =	vst v63  }
0x11c: {  	_ =	swait.ge [sflag:s28], $0x1000  }
0x11d: {  	[sflag:s28] =	ssyncset.done $0x0  }
0x11e: {  	s8 =	simm.s32 $0x2600;
	[sflag:s28] =	ssyncadd.s32 $0xFFFFF000  }
0x11f: {  	[spmem:s2] =	stream.indirect.scatter.add.f32 [tilespmem:s23], [sflag:$0x2], $0x20, s8, s29, $0xb8;
	[tilespmem:$0xF680] =	vst v63  }
0x120: {  	_ =	swait.ge [sflag:s28], $0x1000  }
0x121: {  	[sflag:s28] =	ssyncset.done $0x0  }
0x122: {  	s9 =	simm.s32 $0x2680;
	[sflag:s28] =	ssyncadd.s32 $0xFFFFF000  }
0x123: {  	[spmem:s2] =	stream.indirect.scatter.add.f32 [tilespmem:s24], [sflag:$0x2], $0x20, s9, s29, $0xb8;
	[tilespmem:$0xF680] =	vst v63  }
0x124: {  	_ =	swait.ge [sflag:s30], $0x1000  }
0x125: {  	[sflag:s30] =	ssyncset.done $0x0  }
0x126: {  	[sflag:s30] =	ssyncadd.s32 $0xFFFFF000  }
0x127: {  	_ =	swait.ge [sflag:s30], $0x1000  }
0x128: {  	[sflag:s30] =	ssyncset.done $0x0  }
0x129: {  	[sflag:s30] =	ssyncadd.s32 $0xFFFFF000  }
0x12a: {  	_ =	swait.ge [sflag:s30], $0x1000  }
0x12b: {  	[sflag:s30] =	ssyncset.done $0x0  }
0x12c: {  	[sflag:s30] =	ssyncadd.s32 $0xFFFFF000  }
0x12d: {  	_ =	swait.ge [sflag:s30], $0x1000  }
0x12e: {  	[sflag:s30] =	ssyncset.done $0x0  }
0x12f: {  	[sflag:s30] =	ssyncadd.s32 $0xFFFFF000  }
0x130: {  	_ =	swait.ge [sflag:s30], $0x1000  }
0x131: {  	[sflag:s30] =	ssyncset.done $0x0  }
0x132: {  	[sflag:s30] =	ssyncadd.s32 $0xFFFFF000  }
0x133: {  	_ =	swait.ge [sflag:s30], $0x1000  }
0x134: {  	[sflag:s30] =	ssyncset.done $0x0  }
0x135: {  	s0 =	simm.s32 @!p0 $0x0;
	s4 =	simm.s32 @!p0 $0x2780;
	[sflag:s30] =	ssyncadd.s32 $0xFFFFF000  }
0x136: {  	[tilespmem:s4], [sflag:$0x1] =	stream.linear.gather @!p0 [hbm4b:s14+s0], $0x1000, $0x38;
	[tilespmem:$0xF680] =	vst v63  }
0x137: {  	s0 =	simm.s32 @!p0 $0x1  }
0x138: {  	_ =	swait.ge @!p0 [sflag:s0], $0x1000  }
0x139: {  	[sflag:s0] =	ssyncset.done @!p0 $0x0  }
0x13a: {  	s5 =	simm.s32 @!p0 $0x2700;
	[sflag:s0] =	ssyncadd.s32 @!p0 $0xFFFFF000;
	s0 =	simm.s32 @!p0 $0x80  }
0x13b: {  	[spmem:s2] =	stream.indirect.scatter.add.f32 @!p0 [tilespmem:s4], [sflag:$0x2], $0x20, s5, s0, $0xb8;
	[tilespmem:$0xF680] =	vst v63  }
0x13c: {  	s0 =	simm.s32 @!p0 $0x2  }
0x13d: {  	_ =	swait.ge @!p0 [sflag:s0], $0x1000  }
0x13e: {  	s31 =	sadd.s32 $0x1, s31;
	[sflag:s0] =	ssyncset.done @!p0 $0x0  }
0x13f: {  	p1 =	sne.s32 s31, s16;
	[sflag:s0] =	ssyncadd.s32 @!p0 $0xFFFFF000  }
.Ltmp1:
0x140: {  	[bflag:$0x0] =	sbarrier.arrive $0xFFFF;
	(pc) =	sbr.rel @p1 .LBB2_1-.Ltmp1, $4  }
0x141: {  	[hbm:s15], [sflag:s6] =	dma.local [spmem:s1], $0x9E0  }
0x142: {  	_ =	swait.ge [sflag:s18], $0x9E0  }
0x143: {  	[sflag:s18] =	ssyncset.done $0x0  }
0x144: {  	[sflag:s18] =	ssyncadd.s32 $0xFFFFF620  }
0x145: {  	_ =	sfence.sel $0x180000  }
0x146: {  	[bflag:$0x0] =	sbarrier.arrive $0xFFFF  }
0x147: {  	_ =	strace $0x9000004A  }
0x148: {  	s0 =	stileid.u32;
	[bflag:$0x2] =	sbarrier.arrive $0xFFFF  }
0x149: {  	p0 =	sne.s32 s0, $0x0;
	s0 =	rddreg [dreg:$0x2]  }
0x14a: {  	s0 =	sadd.s32 @!p0 $0x100000, s0  }
0x14b: {  	[sflag:s0] =	ssyncadd.tile.s32 @!p0 $0x1;
	_ =	shalt  }
.Lfunc_end2:
_tile_overlayer_lowered:
.L_overlay_start_2:
0x14c: {  	(tag) =	ssettag $0x2  }
0x14d: {  	s0 =	rddreg [dreg:$0x0];
	s2 =	stileid.u32  }
0x14e: {  	s1 =	rddreg [dreg:$0x1];
	p0 =	sne.s32 s2, $0x0  }
0x14f: {  	s3 =	rddreg [dreg:$0x2];
	[bflag:$0x3] =	sbarrier.arrive $0xFFFF;
	s2 =	simm.s32 @!p0 $0x1C03  }
0x150: {  	[timem:s3], [sflag:s2] =	dma.local @!p0 [hbm:s0], s1  }
0x151: {  	s0 =	simm.s32 @!p0 $0x3  }
0x152: {  	_ =	swait.ge @!p0 [sflag:s0], s1  }
0x153: {  	s1 =	ssub.s32 @!p0 $0x0, s1;
	[sflag:s0] =	ssyncset.done @!p0 $0x0  }
0x154: {  	[sflag:s0] =	ssyncadd.s32 @!p0 s1  }
0x155: {  	[bflag:$0x3] =	sbarrier.arrive $0xFFFF  }
0x156: {  	_ =	shalt  }

// kernel: kernel.14.cloned.1.call-start
scs
__scs_entry_jumppad:
0x0: {  	(pc) =	sbr.rel $0x88, $3  }
0x1: {  	(tag) =	ssettag $0x0;
	lr =	simm.s32 $0x1  }
0x2: {  	[smem:$0x3F95] =	sst lr;
	_ =	strace $0xD0000000  }
0x3: {  	_ = 	snop  }
0x4: {  	_ = 	snop  }
0x5: {  	_ = 	snop  }
0x6: {  	_ = 	snop  }
0x7: {  	_ = 	snop  }
__scs_overlays_trampoline_lowered:
0x8: {  	[smem:$0x3FA4] =	sst s0  }
0x9: {  	[smem:$0x3FA5] =	sst s1  }
0xa: {  	[smem:$0x3FA6] =	sst s2  }
0xb: {  	[smem:$0x3FA7] =	sst s3  }
0xc: {  	[smem:$0x3FA8] =	sst s4  }
0xd: {  	[smem:$0x3FA9] =	sst s5  }
0xe: {  	[smem:$0x3FAA] =	sst s6  }
0xf: {  	[smem:$0x3FAB] =	sst s7  }
0x10: {  	[smem:$0x3FAC] =	sst s8  }
0x11: {  	[smem:$0x3FAD] =	sst s9;
	s0 =	simm.s32 @!p0 $0x0  }
0x12: {  	s1 =	sld [smem:$0x3F93];
	s0 =	simm.s32 @p0 $0x1  }
0x13: {  	[smem:$0x3FAE] =	sst s0;
	s0 =	simm.s32 @!p1 $0x0  }
0x14: {  	s2 =	sld [smem:$0x3F92];
	s0 =	simm.s32 @p1 $0x1  }
0x15: {  	[smem:$0x3FAF] =	sst s0;
	s0 =	simm.s32 @!p2 $0x0  }
0x16: {  	s3 =	sld [smem:$0x3FDB];
	s0 =	simm.s32 @p2 $0x1  }
0x17: {  	s4 =	simm.s32 $0x1BF5;
	[smem:$0x3FB1] =	sst s0  }
0x18: {  	s0 =	sld [smem:$0x3F94];
	_ =	swait.ge [sflag:s4], $0x0  }
0x19: {  	s7 =	sld [smem:$0x3F95]  }
0x1a: {  	s8 =	sadd.s32 $0xFFFFE003, lr  }
0x1b: {  	s9 =	sadd.s32 $0xFFFFFEF7, lr;
	s5 =	simm.s32 $0xFFFFFFFF;
	p2 =	slt.u32 s8, $0xFFFFF086  }
0x1c: {  	p1 =	slt.u32 s9, $0xF7A;
	s5 =	simm.s32 @!p2 $0x0  }
0x1d: {  	s5 =	simm.s32 @p1 $0x1;
	p0 =	seq.s32 s7, s2  }
0x1e: {  	s7 =	smul.u32 @!p0 $0xF7A, s2;
	p2 =	seq.s32 @!p0 s5, $0x0  }
0x1f: {  	s9 =	smul.u32 $0xF7A, s1;
	s8 =	simm.s32 @!p0 $0x1BF5;
	p2 =	por !p2, p0  }
0x20: {  	[sflag:s8] =	ssyncset.s32 @!p0 $0xFFFFF086;
	s6 =	sadd.s32 @!p0 s3, s7;
	s7 =	simm.s32 @!p0 $0x108  }
0x21: {  	s3 =	sadd.s32 s3, s9;
	s6 =	sadd.s32 @!p0 $0x88, s6;
	s7 =	simm.s32 @p2 $0x1082  }
0x22: {  	[simem:s7], [sflag:s8] =	dma.local @!p0 [hbm:s6], $0xF7A  }
0x23: {  	s9 =	sor.u32 $0xD0000000, s2;
	s6 =	simm.s32 $0x108;
	_ =	swait.ge @!p0 [sflag:s8], $0x0  }
0x24: {  	s3 =	sadd.s32 $0x88, s3;
	s6 =	simm.s32 @!p1 $0x1082;
	[sflag:s4] =	ssyncset.s32 $0xFFFFF086  }
0x25: {  	[simem:s6], [sflag:s4] =	dma.local [hbm:s3], $0xF7A  }
0x26: {  	[smem:$0x3F95] =	sst s1;
	(tag) =	ssettag s2;
	_ =	strace s9  }
0x27: {  	s1 =	sld [smem:$0x3FA5]  }
0x28: {  	s2 =	sld [smem:$0x3FA6]  }
0x29: {  	s4 =	sld [smem:$0x3FA8]  }
0x2a: {  	p0 =	seq.s32 s5, $0x0;
	s5 =	sld [smem:$0x3FA9]  }
0x2b: {  	s6 =	sld [smem:$0x3FAA]  }
0x2c: {  	s7 =	sld [smem:$0x3FAB]  }
0x2d: {  	s3 =	simm.s32 $0x108;
	s8 =	sld [smem:$0x3FAC]  }
0x2e: {  	s3 =	simm.s32 @!p0 $0x1082;
	s9 =	sld [smem:$0x3FAD]  }
0x2f: {  	lr =	sadd.s32 s0, s3;
	s0 =	sld [smem:$0x3FA4]  }
0x30: {  	s3 =	sld [smem:$0x3FA7]  }
0x31: {  	[smem:$0x3FB0] =	sst s10  }
0x32: {  	s10 =	sld [smem:$0x3FAE];
	_ =	sdelay $0x3  }
0x33: {  	p0 =	seq.s32 s10, $0x1;
	s10 =	sld [smem:$0x3FB0];
	_ =	sdelay $0x3  }
0x34: {  	[smem:$0x3FB0] =	sst s10  }
0x35: {  	s10 =	sld [smem:$0x3FAF];
	_ =	sdelay $0x3  }
0x36: {  	p1 =	seq.s32 s10, $0x1;
	s10 =	sld [smem:$0x3FB0];
	_ =	sdelay $0x3  }
0x37: {  	[smem:$0x3FB0] =	sst s10  }
0x38: {  	s10 =	sld [smem:$0x3FB1]  }
0x39: {  	_ = 	snop;
	(pc) =	sbr.ind lr, $3  }
0x3a: {  	_ = 	snop  }
0x3b: {  	_ = 	snop  }
0x3c: {  	p2 =	seq.s32 s10, $0x1;
	s10 =	sld [smem:$0x3FB0]  }
0x3d: {  	_ =	shalt  }
0x3e: {  	_ =	shalt  }
0x3f: {  	_ =	shalt  }
0x40: {  	_ =	shalt  }
0x41: {  	_ =	shalt  }
0x42: {  	_ =	shalt  }
0x43: {  	_ =	shalt  }
0x44: {  	_ =	shalt  }
0x45: {  	_ =	shalt  }
0x46: {  	_ =	shalt  }
0x47: {  	_ =	shalt  }
0x48: {  	_ =	shalt  }
0x49: {  	_ =	shalt  }
0x4a: {  	_ =	shalt  }
0x4b: {  	_ =	shalt  }
0x4c: {  	_ =	shalt  }
0x4d: {  	_ =	shalt  }
0x4e: {  	_ =	shalt  }
0x4f: {  	_ =	shalt  }
0x50: {  	_ =	shalt  }
0x51: {  	_ =	shalt  }
0x52: {  	_ =	shalt  }
0x53: {  	_ =	shalt  }
0x54: {  	_ =	shalt  }
0x55: {  	_ =	shalt  }
0x56: {  	_ =	shalt  }
0x57: {  	_ =	shalt  }
0x58: {  	_ =	shalt  }
0x59: {  	_ =	shalt  }
0x5a: {  	_ =	shalt  }
0x5b: {  	_ =	shalt  }
0x5c: {  	_ =	shalt  }
0x5d: {  	_ =	shalt  }
0x5e: {  	_ =	shalt  }
0x5f: {  	_ =	shalt  }
0x60: {  	_ =	shalt  }
0x61: {  	_ =	shalt  }
0x62: {  	_ =	shalt  }
0x63: {  	_ =	shalt  }
0x64: {  	_ =	shalt  }
0x65: {  	_ =	shalt  }
0x66: {  	_ =	shalt  }
0x67: {  	_ =	shalt  }
0x68: {  	_ =	shalt  }
0x69: {  	_ =	shalt  }
0x6a: {  	_ =	shalt  }
0x6b: {  	_ =	shalt  }
0x6c: {  	_ =	shalt  }
0x6d: {  	_ =	shalt  }
0x6e: {  	_ =	shalt  }
0x6f: {  	_ =	shalt  }
0x70: {  	_ =	shalt  }
0x71: {  	_ =	shalt  }
0x72: {  	_ =	shalt  }
0x73: {  	_ =	shalt  }
0x74: {  	_ =	shalt  }
0x75: {  	_ =	shalt  }
0x76: {  	_ =	shalt  }
0x77: {  	_ =	shalt  }
0x78: {  	_ =	shalt  }
0x79: {  	_ =	shalt  }
0x7a: {  	_ =	shalt  }
0x7b: {  	_ =	shalt  }
0x7c: {  	_ =	shalt  }
0x7d: {  	_ =	shalt  }
0x7e: {  	_ =	shalt  }
0x7f: {  	_ =	shalt  }
0x80: {  	_ =	shalt  }
0x81: {  	_ =	shalt  }
0x82: {  	_ =	shalt  }
0x83: {  	_ =	shalt  }
0x84: {  	_ =	shalt  }
0x85: {  	_ =	shalt  }
0x86: {  	_ =	shalt  }
0x87: {  	_ =	shalt  }
.Lfunc_end0:
.L_simem_size_0:
called_computation.2_lowered:
.L_overlay_start_0:
0x88: {  	s2 =	sld [smem:$0x3FD9]  }
0x89: {  	s3 =	sld [smem:$0x3FFE];
	_ =	sdelay $0x1  }
0x8a: {  	s1 =	srdreg.scid  }
0x8b: {  	s0 =	sand.u32 $0x1, s1  }
0x8c: {  	s17 =	sshll.u32 s0, $0xA;
	s2 =	sadd.s32 s3, s2  }
0x8d: {  	s2 =	sadd.s32 s2, s17  }
0x8e: {  	[smem:$0x3FBC] =	sst s2  }
0x8f: {  	_ = 	snop  }
0x90: {  	s2 =	sld [smem:$0x3FD0];
	(tm) =	ssettm $0x1  }
0x91: {  	s18 =	sld [smem:$0x3FFB];
	_ =	sdelay $0x3  }
0x92: {  	_ =	strace s18  }
0x93: {  	s3 =	sld [smem:$0x3FFC];
	_ =	sdelay $0x3  }
0x94: {  	_ =	strace s3  }
0x95: {  	s3 =	sld [smem:$0x3FFD];
	_ =	sdelay $0x3  }
0x96: {  	_ =	strace s3  }
0x97: {  	_ =	strace $0x8FFFFFFF  }
0x98: {  	s19 =	sld [smem:$0x3FDB];
	_ =	sdelay $0x1  }
0x99: {  	s4 =	simm.s32 $_scs_section_size  }
0x9a: {  	s5 =	simm.s32 $_size__tile_overlayer_lowered;
	s6 =	simm.s32 $_tile_overlayer_lowered  }
0x9b: {  	s22 =	simm.s32 $0x1BFF;
	s21 =	sshll.u32 s6, $0x1;
	s3 =	sadd.s32 s4, s19  }
0x9c: {  	s7 =	simm.s32 $0x0;
	s20 =	sshll.u32 s5, $0x1;
	s5 =	sadd.s32 s21, s3  }
0x9d: {  	[timem:s7], [sflag:s22] =	dma.local [hbm:s5], s20  }
0x9e: {  	_ =	swait.ge [sflag:s22], s20  }
0x9f: {  	s4 =	ssub.s32 $0x0, s20;
	[sflag:s22] =	ssyncset.done $0x0  }
0xa0: {  	[sflag:s22] =	ssyncadd.s32 s4;
	_ =	sdelay $0x1  }
0xa1: {  	s23 =	simm.s32 $0x1B8B  }
0xa2: {  	_ =	swait.ge [sflag:s23], $0x1  }
0xa3: {  	[sflag:s23] =	ssyncset.done $0x0  }
0xa4: {  	s25 =	simm.s32 $0x1B8E;
	s24 =	sld [smem:$0x3FFE];
	[sflag:s23] =	ssyncadd.s32 $0xFFFFFFFF  }
0xa5: {  	s26 =	simm.s32 $execute0_lowered;
	[smem:$0x3FD2] =	sst s25  }
0xa6: {  	s5 =	sshll.u32 s26, $0x1;
	_ =	strace $0x8000004C;
	[dreg:$0x1] =	wrdreg $0xFFFFFFFF  }
0xa7: {  	s28 =	simm.s32 $_size_execute0_lowered;
	s3 =	sadd.s32 s3, s5;
	[dreg:$0x0] =	wrdreg $0x0  }
0xa8: {  	s5 =	sshll.u32 s28, $0x1;
	[dreg:$0x2] =	wrdreg s3  }
0xa9: {  	[dreg:$0x3] =	wrdreg s5  }
0xaa: {  	[dreg:$0x4] =	wrdreg $0xC0  }
0xab: {  	_ =	task [dreg:s7], $0x5FFFF  }
0xac: {  	[dreg:$0x1] =	wrdreg $0xFFFFFFFF  }
0xad: {  	[dreg:$0x0] =	wrdreg $0x60  }
0xae: {  	[dreg:$0x2] =	wrdreg s24  }
0xaf: {  	[dreg:$0x3] =	wrdreg s2  }
0xb0: {  	[dreg:$0x4] =	wrdreg $0x9  }
0xb1: {  	_ =	task.clear_ibuf [dreg:s7], $0x5FFFF;
	_ =	strace $0x9000004C  }
0xb2: {  	s29 =	simm.s32 $0x9;
	_ =	strace $0x8000004E  }
0xb3: {  	_ =	swait.ge [sflag:s29], $0x1  }
0xb4: {  	[sflag:s29] =	ssyncadd.s32 $0xFFFFFFFF  }
0xb5: {  	_ =	strace $0x9000004E  }
0xb6: {  	_ =	sfence  }
0xb7: {  	s30 =	sld [smem:$0x0];
	_ =	sdelay $0x2  }
0xb8: {  	s31 =	sshll.u32 s1, $0xD;
	s1 =	sshrl.u32 s1, $0x2  }
0xb9: {  	s3 =	sand.u32 $0x4000, s31;
	s1 =	sadd.s32 s1, s30  }
0xba: {  	s0 =	sor.u32 s3, s0;
	s1 =	sshll.u32 s1, $0x11  }
0xbb: {  	s0 =	sor.u32 s1, s0  }
0xbc: {  	s0 =	sadd.s32 $0x8F2B, s0  }
0xbd: {  	[sflag:s0] =	ssyncadd.remote.s32 $0x1  }
0xbe: {  	_ =	sfence.sel $0xFFFF  }
0xbf: {  	[dreg:$0x0] =	wrdreg $0xFFFFFFFF;
	(pc) =	sbr.abs _section_cstart, $3  }
0xc0: {  	[dreg:$0x1] =	wrdreg $0xFFFFFFFF  }
0xc1: {  	_ =	task.clear_ibuf [dreg:s7], $0x2FFFF;
	_ =	strace $0x9FFFFFFF  }
0xc2: {  	(tm) =	ssettm $0x7FFFFFFF  }
0xc3: {  	_ =	shalt  }
tec
execute0_lowered:
.L_overlay_start_1:
0x0: {  	(tag) =	ssettag $0x1  }
0x1: {  	s5 =	rddreg [dreg:$0x0]  }
0x2: {  	s7 =	rddreg [dreg:$0x1]  }
0x3: {  	s0 =	rddreg [dreg:$0x2]  }
0x4: {  	s3 =	srdreg.scid;
	s1 =	stileid.u32  }
0x5: {  	s2 =	simm.s32 $0x0;
	s8 =	sand.u32 $0x1, s3;
	s30 =	sshll.u32 s1, $0x1  }
0x6: {  	[smem:$0x7FF] =	sst s2;
	s3 =	sadd.s32 $0x3200, s5;
	s4 =	sor.u32 s8, s30  }
0x7: {  	_ =	strace $0x8000004D;
	s9 =	smul.u32 $0x14, s4;
	s4 =	simm.s32 $0x1  }
0x8: {  	[tilespmem:s2], [sflag:$0x1] =	stream.linear.gather [hbm4b:s3+s2], $0x2780, $0x38;
	[tilespmem:$0x2980] =	vst v63  }
0x9: {  	_ =	swait.ge [sflag:s4], $0x2780  }
0xa: {  	s5 =	sadd.s32 s9, s5;
	[sflag:s4] =	ssyncset.done $0x0  }
0xb: {  	s6 =	simm.s32 $0x2780;
	s5 =	sadd.s32 $0x47E00, s5;
	[sflag:s4] =	ssyncadd.s32 $0xFFFFD880  }
0xc: {  	[tilespmem:s6], [sflag:$0x1] =	stream.linear.gather [hbm4b:s5+s2], $0xA0, $0x38;
	[tilespmem:$0x2980] =	vst v63  }
0xd: {  	_ =	swait.ge [sflag:s4], $0xA0  }
0xe: {  	[sflag:s4] =	ssyncset.done $0x0  }
0xf: {  	[sflag:s4] =	ssyncadd.s32 $0xFFFFFF60  }
0x10: {  	v0 =	vld [tilespmem:$0x2780];
	_ =	sdelay $0x5  }
0x11: {  	v1 =	vld [tilespmem:$0x2790];
	_ =	sdelay $0x1  }
0x12: {  	v0 =	vld.idx.msk [tilespmem:v0+s2+$0x0], $0xffff;
	_ =	sdelay $0x3  }
0x13: {  	v2 =	vld [tilespmem:$0x27A0]  }
0x14: {  	[tilespmem:$0x2880] =	vst v0  }
0x15: {  	v0 =	vld.idx.msk [tilespmem:v1+s2+$0x0], $0xffff;
	_ =	sdelay $0x3  }
0x16: {  	v57 =	vld [tilespmem:$0x27B0]  }
0x17: {  	[tilespmem:$0x2890] =	vst v0  }
0x18: {  	v0 =	vld.idx.msk [tilespmem:v2+s2+$0x0], $0xffff;
	_ =	sdelay $0x3  }
0x19: {  	v58 =	vld [tilespmem:$0x27C0]  }
0x1a: {  	[tilespmem:$0x28A0] =	vst v0  }
0x1b: {  	v0 =	vld.idx.msk [tilespmem:v57+s2+$0x0], $0xffff;
	_ =	sdelay $0x3  }
0x1c: {  	v59 =	vld [tilespmem:$0x27D0]  }
0x1d: {  	[tilespmem:$0x28B0] =	vst v0  }
0x1e: {  	v0 =	vld.idx.msk [tilespmem:v58+s2+$0x0], $0xffff;
	_ =	sdelay $0x3  }
0x1f: {  	v60 =	vld [tilespmem:$0x27E0]  }
0x20: {  	[tilespmem:$0x28C0] =	vst v0  }
0x21: {  	v0 =	vld.idx.msk [tilespmem:v59+s2+$0x0], $0xffff;
	_ =	sdelay $0x3  }
0x22: {  	v61 =	vld [tilespmem:$0x27F0]  }
0x23: {  	[tilespmem:$0x28D0] =	vst v0  }
0x24: {  	v0 =	vld.idx.msk [tilespmem:v60+s2+$0x0], $0xffff;
	_ =	sdelay $0x3  }
0x25: {  	v62 =	vld [tilespmem:$0x2800]  }
0x26: {  	[tilespmem:$0x28E0] =	vst v0  }
0x27: {  	v0 =	vld.idx.msk [tilespmem:v61+s2+$0x0], $0xffff;
	_ =	sdelay $0x3  }
0x28: {  	v63 =	vld [tilespmem:$0x2810]  }
0x29: {  	[tilespmem:$0x28F0] =	vst v0  }
0x2a: {  	v0 =	vld.idx.msk [tilespmem:v62+s2+$0x0], $0xffff;
	_ =	sdelay $0x4  }
0x2b: {  	s8 =	ssub.s32 $0x2, s8;
	[tilespmem:$0x2900] =	vst v0  }
0x2c: {  	s10 =	sshrl.u32 s8, $0x1;
	v0 =	vld.idx.msk [tilespmem:v63+s2+$0x0], $0xffff  }
0x2d: {  	s8 =	ssub.s32 s8, s10  }
0x2e: {  	s31 =	smax.u32 s8, $0x1  }
0x2f: {  	p0 =	sne.s32 s31, $0x1  }
.Ltmp0:
0x30: {  	_ = 	snop;
	(pc) =	sbr.rel @!p0 .LBB2_2-.Ltmp0, $4  }
0x31: {  	s7 =	sadd.s32 s7, s9;
	s8 =	simm.s32 $0x2880;
	[tilespmem:$0x2910] =	vst v0  }
0x32: {  	[hbm4b:s7+s2] =	stream.linear.scatter [tilespmem:s8], [sflag:$0x1], $0xA0, $0x38;
	[tilespmem:$0x2980] =	vst v63  }
0x33: {  	_ =	swait.ge [sflag:s4], $0xA0  }
0x34: {  	s9 =	sadd.s32 $0xFFFFFFFF, s31;
	[sflag:s4] =	ssyncset.done $0x0  }
.LBB2_1:
0x35: {  	p0 =	sne.s32 s9, $0x1;
	s9 =	sadd.s32 $0xFFFFFFFF, s9;
	[sflag:s4] =	ssyncadd.s32 $0xFFFFFF60  }
0x36: {  	[tilespmem:s2], [sflag:$0x1] =	stream.linear.gather [hbm4b:s3+s2], $0x2780, $0x38;
	[tilespmem:$0x2980] =	vst v63  }
0x37: {  	_ =	swait.ge [sflag:s4], $0x2780  }
0x38: {  	[sflag:s4] =	ssyncset.done $0x0  }
0x39: {  	[sflag:s4] =	ssyncadd.s32 $0xFFFFD880  }
0x3a: {  	[tilespmem:s6], [sflag:$0x1] =	stream.linear.gather [hbm4b:s5+s2], $0xA0, $0x38;
	[tilespmem:$0x2980] =	vst v63  }
0x3b: {  	_ =	swait.ge [sflag:s4], $0xA0  }
0x3c: {  	[sflag:s4] =	ssyncset.done $0x0  }
0x3d: {  	[sflag:s4] =	ssyncadd.s32 $0xFFFFFF60  }
0x3e: {  	v0 =	vld [tilespmem:$0x2780];
	_ =	sdelay $0x6  }
0x3f: {  	v1 =	vld [tilespmem:$0x2790]  }
0x40: {  	v0 =	vld.idx.msk [tilespmem:v0+s2+$0x0], $0xffff;
	_ =	sdelay $0x5  }
0x41: {  	[tilespmem:$0x2880] =	vst v0;
	v0 =	vld [tilespmem:$0x27A0]  }
0x42: {  	v1 =	vld.idx.msk [tilespmem:v1+s2+$0x0], $0xffff;
	_ =	sdelay $0x5  }
0x43: {  	[tilespmem:$0x2890] =	vst v1;
	v1 =	vld [tilespmem:$0x27B0]  }
0x44: {  	v0 =	vld.idx.msk [tilespmem:v0+s2+$0x0], $0xffff;
	_ =	sdelay $0x5  }
0x45: {  	[tilespmem:$0x28A0] =	vst v0;
	v0 =	vld [tilespmem:$0x27C0]  }
0x46: {  	v1 =	vld.idx.msk [tilespmem:v1+s2+$0x0], $0xffff;
	_ =	sdelay $0x5  }
0x47: {  	[tilespmem:$0x28B0] =	vst v1;
	v1 =	vld [tilespmem:$0x27D0]  }
0x48: {  	v0 =	vld.idx.msk [tilespmem:v0+s2+$0x0], $0xffff;
	_ =	sdelay $0x5  }
0x49: {  	[tilespmem:$0x28C0] =	vst v0;
	v0 =	vld [tilespmem:$0x27E0]  }
0x4a: {  	v1 =	vld.idx.msk [tilespmem:v1+s2+$0x0], $0xffff;
	_ =	sdelay $0x5  }
0x4b: {  	[tilespmem:$0x28D0] =	vst v1;
	v1 =	vld [tilespmem:$0x27F0]  }
0x4c: {  	v0 =	vld.idx.msk [tilespmem:v0+s2+$0x0], $0xffff;
	_ =	sdelay $0x5  }
0x4d: {  	[tilespmem:$0x28E0] =	vst v0;
	v0 =	vld [tilespmem:$0x2800]  }
0x4e: {  	v1 =	vld.idx.msk [tilespmem:v1+s2+$0x0], $0xffff;
	_ =	sdelay $0x5  }
0x4f: {  	[tilespmem:$0x28F0] =	vst v1;
	v1 =	vld [tilespmem:$0x2810]  }
0x50: {  	v0 =	vld.idx.msk [tilespmem:v0+s2+$0x0], $0xffff;
	_ =	sdelay $0x5  }
0x51: {  	[tilespmem:$0x2900] =	vst v0  }
0x52: {  	v0 =	vld.idx.msk [tilespmem:v1+s2+$0x0], $0xffff;
	_ =	sdelay $0x4  }
.Ltmp1:
0x53: {  	(pc) =	sbr.rel @p0 .LBB2_1-.Ltmp1, $4  }
0x54: {  	[tilespmem:$0x2910] =	vst v0  }
0x55: {  	[hbm4b:s7+s2] =	stream.linear.scatter [tilespmem:s8], [sflag:$0x1], $0xA0, $0x38;
	[tilespmem:$0x2980] =	vst v63  }
0x56: {  	_ =	swait.ge [sflag:s4], $0xA0  }
0x57: {  	[sflag:s4] =	ssyncset.done $0x0  }
.LBB2_2:
0x58: {  	[sflag:s4] =	ssyncadd.s32 $0xFFFFFF60  }
0x59: {  	_ =	sfence.sel $0x180000  }
0x5a: {  	[bflag:$0x0] =	sbarrier.arrive $0xFFFF  }
0x5b: {  	p0 =	sne.s32 s1, $0x0;
	_ =	strace $0x9000004D  }
0x5c: {  	s0 =	sadd.s32 @!p0 $0x100000, s0;
	[bflag:$0x2] =	sbarrier.arrive $0xFFFF  }
0x5d: {  	[sflag:s0] =	ssyncadd.tile.s32 @!p0 $0x1;
	_ =	shalt  }
.Lfunc_end2:
_tile_overlayer_lowered:
.L_overlay_start_2:
0x5e: {  	(tag) =	ssettag $0x2  }
0x5f: {  	s0 =	rddreg [dreg:$0x0];
	s2 =	stileid.u32  }
0x60: {  	s1 =	rddreg [dreg:$0x1];
	p0 =	sne.s32 s2, $0x0  }
0x61: {  	s3 =	rddreg [dreg:$0x2];
	[bflag:$0x3] =	sbarrier.arrive $0xFFFF;
	s2 =	simm.s32 @!p0 $0x1C01  }
0x62: {  	[timem:s3], [sflag:s2] =	dma.local @!p0 [hbm:s0], s1  }
0x63: {  	s0 =	simm.s32 @!p0 $0x1  }
0x64: {  	_ =	swait.ge @!p0 [sflag:s0], s1  }
0x65: {  	s1 =	ssub.s32 @!p0 $0x0, s1;
	[sflag:s0] =	ssyncset.done @!p0 $0x0  }
0x66: {  	[sflag:s0] =	ssyncadd.s32 @!p0 s1  }
0x67: {  	[bflag:$0x3] =	sbarrier.arrive $0xFFFF  }
0x68: {  	_ =	shalt  }

// kernel: kernel.8.cloned.1.call-start
scs
__scs_entry_jumppad:
0x0: {  	(pc) =	sbr.rel $0x88, $3  }
0x1: {  	(tag) =	ssettag $0x0;
	lr =	simm.s32 $0x1  }
0x2: {  	[smem:$0x3F95] =	sst lr;
	_ =	strace $0xD0000000  }
0x3: {  	_ = 	snop  }
0x4: {  	_ = 	snop  }
0x5: {  	_ = 	snop  }
0x6: {  	_ = 	snop  }
0x7: {  	_ = 	snop  }
__scs_overlays_trampoline_lowered:
0x8: {  	[smem:$0x3FA4] =	sst s0  }
0x9: {  	[smem:$0x3FA5] =	sst s1  }
0xa: {  	[smem:$0x3FA6] =	sst s2  }
0xb: {  	[smem:$0x3FA7] =	sst s3  }
0xc: {  	[smem:$0x3FA8] =	sst s4  }
0xd: {  	[smem:$0x3FA9] =	sst s5  }
0xe: {  	[smem:$0x3FAA] =	sst s6  }
0xf: {  	[smem:$0x3FAB] =	sst s7  }
0x10: {  	[smem:$0x3FAC] =	sst s8  }
0x11: {  	[smem:$0x3FAD] =	sst s9;
	s0 =	simm.s32 @!p0 $0x0  }
0x12: {  	s1 =	sld [smem:$0x3F93];
	s0 =	simm.s32 @p0 $0x1  }
0x13: {  	[smem:$0x3FAE] =	sst s0;
	s0 =	simm.s32 @!p1 $0x0  }
0x14: {  	s2 =	sld [smem:$0x3F92];
	s0 =	simm.s32 @p1 $0x1  }
0x15: {  	[smem:$0x3FAF] =	sst s0;
	s0 =	simm.s32 @!p2 $0x0  }
0x16: {  	s3 =	sld [smem:$0x3FDB];
	s0 =	simm.s32 @p2 $0x1  }
0x17: {  	s4 =	simm.s32 $0x1BF5;
	[smem:$0x3FB1] =	sst s0  }
0x18: {  	s0 =	sld [smem:$0x3F94];
	_ =	swait.ge [sflag:s4], $0x0  }
0x19: {  	s7 =	sld [smem:$0x3F95]  }
0x1a: {  	s8 =	sadd.s32 $0xFFFFE003, lr  }
0x1b: {  	s9 =	sadd.s32 $0xFFFFFEF7, lr;
	s5 =	simm.s32 $0xFFFFFFFF;
	p2 =	slt.u32 s8, $0xFFFFF086  }
0x1c: {  	p1 =	slt.u32 s9, $0xF7A;
	s5 =	simm.s32 @!p2 $0x0  }
0x1d: {  	s5 =	simm.s32 @p1 $0x1;
	p0 =	seq.s32 s7, s2  }
0x1e: {  	s7 =	smul.u32 @!p0 $0xF7A, s2;
	p2 =	seq.s32 @!p0 s5, $0x0  }
0x1f: {  	s9 =	smul.u32 $0xF7A, s1;
	s8 =	simm.s32 @!p0 $0x1BF5;
	p2 =	por !p2, p0  }
0x20: {  	[sflag:s8] =	ssyncset.s32 @!p0 $0xFFFFF086;
	s6 =	sadd.s32 @!p0 s3, s7;
	s7 =	simm.s32 @!p0 $0x108  }
0x21: {  	s3 =	sadd.s32 s3, s9;
	s6 =	sadd.s32 @!p0 $0x88, s6;
	s7 =	simm.s32 @p2 $0x1082  }
0x22: {  	[simem:s7], [sflag:s8] =	dma.local @!p0 [hbm:s6], $0xF7A  }
0x23: {  	s9 =	sor.u32 $0xD0000000, s2;
	s6 =	simm.s32 $0x108;
	_ =	swait.ge @!p0 [sflag:s8], $0x0  }
0x24: {  	s3 =	sadd.s32 $0x88, s3;
	s6 =	simm.s32 @!p1 $0x1082;
	[sflag:s4] =	ssyncset.s32 $0xFFFFF086  }
0x25: {  	[simem:s6], [sflag:s4] =	dma.local [hbm:s3], $0xF7A  }
0x26: {  	[smem:$0x3F95] =	sst s1;
	(tag) =	ssettag s2;
	_ =	strace s9  }
0x27: {  	s1 =	sld [smem:$0x3FA5]  }
0x28: {  	s2 =	sld [smem:$0x3FA6]  }
0x29: {  	s4 =	sld [smem:$0x3FA8]  }
0x2a: {  	p0 =	seq.s32 s5, $0x0;
	s5 =	sld [smem:$0x3FA9]  }
0x2b: {  	s6 =	sld [smem:$0x3FAA]  }
0x2c: {  	s7 =	sld [smem:$0x3FAB]  }
0x2d: {  	s3 =	simm.s32 $0x108;
	s8 =	sld [smem:$0x3FAC]  }
0x2e: {  	s3 =	simm.s32 @!p0 $0x1082;
	s9 =	sld [smem:$0x3FAD]  }
0x2f: {  	lr =	sadd.s32 s0, s3;
	s0 =	sld [smem:$0x3FA4]  }
0x30: {  	s3 =	sld [smem:$0x3FA7]  }
0x31: {  	[smem:$0x3FB0] =	sst s10  }
0x32: {  	s10 =	sld [smem:$0x3FAE];
	_ =	sdelay $0x3  }
0x33: {  	p0 =	seq.s32 s10, $0x1;
	s10 =	sld [smem:$0x3FB0];
	_ =	sdelay $0x3  }
0x34: {  	[smem:$0x3FB0] =	sst s10  }
0x35: {  	s10 =	sld [smem:$0x3FAF];
	_ =	sdelay $0x3  }
0x36: {  	p1 =	seq.s32 s10, $0x1;
	s10 =	sld [smem:$0x3FB0];
	_ =	sdelay $0x3  }
0x37: {  	[smem:$0x3FB0] =	sst s10  }
0x38: {  	s10 =	sld [smem:$0x3FB1]  }
0x39: {  	_ = 	snop;
	(pc) =	sbr.ind lr, $3  }
0x3a: {  	_ = 	snop  }
0x3b: {  	_ = 	snop  }
0x3c: {  	p2 =	seq.s32 s10, $0x1;
	s10 =	sld [smem:$0x3FB0]  }
0x3d: {  	_ =	shalt  }
0x3e: {  	_ =	shalt  }
0x3f: {  	_ =	shalt  }
0x40: {  	_ =	shalt  }
0x41: {  	_ =	shalt  }
0x42: {  	_ =	shalt  }
0x43: {  	_ =	shalt  }
0x44: {  	_ =	shalt  }
0x45: {  	_ =	shalt  }
0x46: {  	_ =	shalt  }
0x47: {  	_ =	shalt  }
0x48: {  	_ =	shalt  }
0x49: {  	_ =	shalt  }
0x4a: {  	_ =	shalt  }
0x4b: {  	_ =	shalt  }
0x4c: {  	_ =	shalt  }
0x4d: {  	_ =	shalt  }
0x4e: {  	_ =	shalt  }
0x4f: {  	_ =	shalt  }
0x50: {  	_ =	shalt  }
0x51: {  	_ =	shalt  }
0x52: {  	_ =	shalt  }
0x53: {  	_ =	shalt  }
0x54: {  	_ =	shalt  }
0x55: {  	_ =	shalt  }
0x56: {  	_ =	shalt  }
0x57: {  	_ =	shalt  }
0x58: {  	_ =	shalt  }
0x59: {  	_ =	shalt  }
0x5a: {  	_ =	shalt  }
0x5b: {  	_ =	shalt  }
0x5c: {  	_ =	shalt  }
0x5d: {  	_ =	shalt  }
0x5e: {  	_ =	shalt  }
0x5f: {  	_ =	shalt  }
0x60: {  	_ =	shalt  }
0x61: {  	_ =	shalt  }
0x62: {  	_ =	shalt  }
0x63: {  	_ =	shalt  }
0x64: {  	_ =	shalt  }
0x65: {  	_ =	shalt  }
0x66: {  	_ =	shalt  }
0x67: {  	_ =	shalt  }
0x68: {  	_ =	shalt  }
0x69: {  	_ =	shalt  }
0x6a: {  	_ =	shalt  }
0x6b: {  	_ =	shalt  }
0x6c: {  	_ =	shalt  }
0x6d: {  	_ =	shalt  }
0x6e: {  	_ =	shalt  }
0x6f: {  	_ =	shalt  }
0x70: {  	_ =	shalt  }
0x71: {  	_ =	shalt  }
0x72: {  	_ =	shalt  }
0x73: {  	_ =	shalt  }
0x74: {  	_ =	shalt  }
0x75: {  	_ =	shalt  }
0x76: {  	_ =	shalt  }
0x77: {  	_ =	shalt  }
0x78: {  	_ =	shalt  }
0x79: {  	_ =	shalt  }
0x7a: {  	_ =	shalt  }
0x7b: {  	_ =	shalt  }
0x7c: {  	_ =	shalt  }
0x7d: {  	_ =	shalt  }
0x7e: {  	_ =	shalt  }
0x7f: {  	_ =	shalt  }
0x80: {  	_ =	shalt  }
0x81: {  	_ =	shalt  }
0x82: {  	_ =	shalt  }
0x83: {  	_ =	shalt  }
0x84: {  	_ =	shalt  }
0x85: {  	_ =	shalt  }
0x86: {  	_ =	shalt  }
0x87: {  	_ =	shalt  }
.Lfunc_end0:
.L_simem_size_0:
called_computation_lowered:
.L_overlay_start_0:
0x88: {  	s2 =	sld [smem:$0x3FD9]  }
0x89: {  	s3 =	sld [smem:$0x3FFE];
	_ =	sdelay $0x1  }
0x8a: {  	s1 =	srdreg.scid  }
0x8b: {  	s0 =	sand.u32 $0x1, s1  }
0x8c: {  	s16 =	sshll.u32 s0, $0xA;
	s2 =	sadd.s32 s3, s2  }
0x8d: {  	s2 =	sadd.s32 s2, s16  }
0x8e: {  	[smem:$0x3FBC] =	sst s2  }
0x8f: {  	_ = 	snop  }
0x90: {  	(tm) =	ssettm $0x1  }
0x91: {  	s17 =	sld [smem:$0x3FFB];
	_ =	sdelay $0x3  }
0x92: {  	_ =	strace s17  }
0x93: {  	s2 =	sld [smem:$0x3FFC];
	_ =	sdelay $0x3  }
0x94: {  	_ =	strace s2  }
0x95: {  	s2 =	sld [smem:$0x3FFD];
	_ =	sdelay $0x3  }
0x96: {  	_ =	strace s2  }
0x97: {  	_ =	strace $0x8FFFFFFF  }
0x98: {  	s18 =	sld [smem:$0x3FDB];
	_ =	sdelay $0x1  }
0x99: {  	s19 =	simm.s32 $_scs_section_size  }
0x9a: {  	s4 =	simm.s32 $_size__tile_overlayer_lowered;
	s5 =	simm.s32 $_tile_overlayer_lowered  }
0x9b: {  	s22 =	simm.s32 $0x1BFF;
	s21 =	sshll.u32 s5, $0x1;
	s2 =	sadd.s32 s19, s18  }
0x9c: {  	s6 =	simm.s32 $0x0;
	s20 =	sshll.u32 s4, $0x1;
	s4 =	sadd.s32 s21, s2  }
0x9d: {  	[timem:s6], [sflag:s22] =	dma.local [hbm:s4], s20  }
0x9e: {  	_ =	swait.ge [sflag:s22], s20  }
0x9f: {  	s3 =	ssub.s32 $0x0, s20;
	[sflag:s22] =	ssyncset.done $0x0  }
0xa0: {  	[sflag:s22] =	ssyncadd.s32 s3;
	_ =	sdelay $0x1  }
0xa1: {  	s23 =	simm.s32 $0x1B8B  }
0xa2: {  	_ =	swait.ge [sflag:s23], $0x1  }
0xa3: {  	[sflag:s23] =	ssyncset.done $0x0  }
0xa4: {  	s25 =	simm.s32 $0x1B8E;
	s24 =	sld [smem:$0x3FFE];
	[sflag:s23] =	ssyncadd.s32 $0xFFFFFFFF  }
0xa5: {  	s26 =	simm.s32 $execute0_lowered;
	[smem:$0x3FD2] =	sst s25  }
0xa6: {  	s4 =	sshll.u32 s26, $0x1;
	_ =	strace $0x80000046;
	[dreg:$0x1] =	wrdreg $0xFFFFFFFF  }
0xa7: {  	s28 =	simm.s32 $_size_execute0_lowered;
	s2 =	sadd.s32 s2, s4;
	[dreg:$0x0] =	wrdreg $0x0  }
0xa8: {  	s4 =	sshll.u32 s28, $0x1;
	[dreg:$0x2] =	wrdreg s2  }
0xa9: {  	[dreg:$0x3] =	wrdreg s4  }
0xaa: {  	[dreg:$0x4] =	wrdreg $0xC0  }
0xab: {  	_ =	task [dreg:s6], $0x5FFFF  }
0xac: {  	[dreg:$0x1] =	wrdreg $0xFFFFFFFF  }
0xad: {  	[dreg:$0x0] =	wrdreg $0x60  }
0xae: {  	[dreg:$0x2] =	wrdreg s24  }
0xaf: {  	[dreg:$0x3] =	wrdreg $0xCF000  }
0xb0: {  	[dreg:$0x4] =	wrdreg $0x9  }
0xb1: {  	_ =	task.clear_ibuf [dreg:s6], $0x5FFFF;
	_ =	strace $0x90000046  }
0xb2: {  	s29 =	simm.s32 $0x9;
	_ =	strace $0x80000048  }
0xb3: {  	_ =	swait.ge [sflag:s29], $0x1  }
0xb4: {  	[sflag:s29] =	ssyncadd.s32 $0xFFFFFFFF  }
0xb5: {  	_ =	strace $0x90000048  }
0xb6: {  	_ =	sfence  }
0xb7: {  	s30 =	sld [smem:$0x0];
	_ =	sdelay $0x2  }
0xb8: {  	s31 =	sshll.u32 s1, $0xD;
	s1 =	sshrl.u32 s1, $0x2  }
0xb9: {  	s3 =	sand.u32 $0x4000, s31;
	s1 =	sadd.s32 s1, s30  }
0xba: {  	s0 =	sor.u32 s3, s0;
	s1 =	sshll.u32 s1, $0x11  }
0xbb: {  	s0 =	sor.u32 s1, s0  }
0xbc: {  	s0 =	sadd.s32 $0x8F2B, s0  }
0xbd: {  	[sflag:s0] =	ssyncadd.remote.s32 $0x1  }
0xbe: {  	_ =	sfence.sel $0xFFFF  }
0xbf: {  	[dreg:$0x0] =	wrdreg $0xFFFFFFFF;
	(pc) =	sbr.abs _section_cstart, $3  }
0xc0: {  	[dreg:$0x1] =	wrdreg $0xFFFFFFFF  }
0xc1: {  	_ =	task.clear_ibuf [dreg:s6], $0x2FFFF;
	_ =	strace $0x9FFFFFFF  }
0xc2: {  	(tm) =	ssettm $0x7FFFFFFF  }
0xc3: {  	_ =	shalt  }
tec
execute0_lowered:
.L_overlay_start_1:
0x0: {  	(tag) =	ssettag $0x1  }
0x1: {  	s0 =	srdreg.scid;
	s5 =	rddreg [dreg:$0x0]  }
0x2: {  	s12 =	stileid.u32;
	s2 =	rddreg [dreg:$0x1];
	s3 =	simm.s32 $0x0  }
0x3: {  	s13 =	simm.s32 $0x80;
	s14 =	simm.s32 $0x4F00;
	s15 =	simm.s32 $0x5F00  }
0x4: {  	s16 =	simm.s32 $0x6F00;
	s17 =	simm.s32 $0x7F00;
	s18 =	simm.s32 $0x8F00  }
0x5: {  	s19 =	simm.s32 $0x9F00;
	s20 =	simm.s32 $0xAF00;
	s21 =	simm.s32 $0xBF00  }
0x6: {  	s22 =	simm.s32 $0x1;
	s23 =	simm.s32 $0x2;
	s24 =	simm.s32 $0x4D00  }
0x7: {  	s25 =	simm.s32 $0x4D80;
	s26 =	simm.s32 $0x4E00;
	s0 =	sand.u32 $0x1, s0  }
0x8: {  	s1 =	sshll.u32 s12, $0x1;
	s6 =	smul.u32 $0x4F00, s12;
	[smem:$0x7FF] =	sst s3  }
0x9: {  	s31 =	sshll.u32 s12, $0x6;
	p0 =	sgt.u32 s12, $0x1;
	s12 =	simm.s32 $0x3  }
0xa: {  	s1 =	sor.u32 s0, s1;
	s7 =	smul.u32 $0x4F000, s0;
	_ =	strace $0x80000047  }
0xb: {  	s0 =	ssub.s32 $0x2, s0;
	s4 =	smul.u32 $0x4E, s1;
	s1 =	smin.u32 s1, $0x4  }
0xc: {  	s8 =	sshrl.u32 s6, $0x3;
	s9 =	sshrl.u32 s0, $0x1;
	s11 =	sadd.s32 s6, s2  }
0xd: {  	s7 =	sadd.s32 s6, s7;
	s8 =	sadd.s32 s8, s5;
	s0 =	ssub.s32 s0, s9  }
0xe: {  	s6 =	sor.u32 $0x1C03, s31;
	s11 =	sshrl.u32 s11, $0x3;
	s1 =	sadd.s32 s1, s4  }
0xf: {  	s4 =	sadd.s32 $0x2A400, s5;
	s7 =	sshrl.u32 s7, $0x3;
	s1 =	sshll.u32 s1, $0x4  }
0x10: {  	s10 =	sadd.s32 s7, s5;
	s1 =	sadd.s32 s1, s5;
	s5 =	sadd.s32 $0x47E00, s8  }
0x11: {  	s9 =	sadd.s32 $0x51C00, s10;
	s10 =	smax.u32 s0, $0x1;
	s0 =	simm.s32 $0x4C80  }
0x12: {  	s7 =	sadd.s32 $0x34200, s1;
	s8 =	sadd.s32 $0x3E000, s1;
	s1 =	simm.s32 $0x4C00  }
.LBB2_1:
0x13: {  	[spmem:s11], [sflag:s6] =	dma.local [hbm:s5], $0x9E0  }
0x14: {  	_ =	swait.ge [sflag:s12], $0x9E0  }
0x15: {  	[sflag:s12] =	ssyncset.done $0x0  }
0x16: {  	s28 =	simm.s32 @p0 $0x0;
	s29 =	simm.s32 @p0 $0x3;
	[sflag:s12] =	ssyncadd.s32 $0xFFFFF620  }
0x17: {  	[tilespmem:s28], [sflag:$0x3] =	stream.linear.gather @p0 [hbm4b:s7+s28], $0x2700, $0x38;
	[tilespmem:$0x11E00] =	vst v63  }
0x18: {  	_ =	swait.ge @p0 [sflag:s29], $0x2700  }
0x19: {  	[sflag:s29] =	ssyncset.done @p0 $0x0  }
0x1a: {  	s30 =	simm.s32 @p0 $0x2780;
	[sflag:s29] =	ssyncadd.s32 @p0 $0xFFFFD900  }
0x1b: {  	[tilespmem:s30], [sflag:$0x3] =	stream.linear.gather @p0 [hbm4b:s8+s28], $0x2700, $0x38;
	[tilespmem:$0x11E00] =	vst v63  }
0x1c: {  	_ =	swait.ge @p0 [sflag:s29], $0x2700  }
0x1d: {  	[sflag:s29] =	ssyncset.done @p0 $0x0  }
0x1e: {  	s28 =	simm.s32 @!p0 $0x0;
	[sflag:s29] =	ssyncadd.s32 @p0 $0xFFFFD900;
	s29 =	simm.s32 @!p0 $0x3  }
0x1f: {  	[tilespmem:s28], [sflag:$0x3] =	stream.linear.gather @!p0 [hbm4b:s7+s28], $0x2780, $0x38;
	[tilespmem:$0x11E00] =	vst v63  }
0x20: {  	_ =	swait.ge @!p0 [sflag:s29], $0x2780  }
0x21: {  	[sflag:s29] =	ssyncset.done @!p0 $0x0  }
0x22: {  	s30 =	simm.s32 @!p0 $0x2780;
	[sflag:s29] =	ssyncadd.s32 @!p0 $0xFFFFD880  }
0x23: {  	[tilespmem:s30], [sflag:$0x3] =	stream.linear.gather @!p0 [hbm4b:s8+s28], $0x2780, $0x38;
	[tilespmem:$0x11E00] =	vst v63  }
0x24: {  	_ =	swait.ge @!p0 [sflag:s29], $0x2780  }
0x25: {  	[sflag:s29] =	ssyncset.done @!p0 $0x0  }
0x26: {  	[sflag:s29] =	ssyncadd.s32 @!p0 $0xFFFFD880  }
0x27: {  	s28 =	simm.s32 $0x0;
	[bflag:$0x0] =	sbarrier.arrive $0xFFFF  }
0x28: {  	[tilespmem:s14], [sflag:$0x1] =	stream.indirect.gather [hbm4b:s4+s13], $0x20, s28, s13, $0xb8;
	[tilespmem:$0x11E00] =	vst v63  }
0x29: {  	s28 =	simm.s32 $0x80  }
0x2a: {  	[tilespmem:s15], [sflag:$0x1] =	stream.indirect.gather [hbm4b:s4+s13], $0x20, s28, s13, $0xb8;
	[tilespmem:$0x11E00] =	vst v63  }
0x2b: {  	s28 =	simm.s32 $0x100  }
0x2c: {  	[tilespmem:s16], [sflag:$0x1] =	stream.indirect.gather [hbm4b:s4+s13], $0x20, s28, s13, $0xb8;
	[tilespmem:$0x11E00] =	vst v63  }
0x2d: {  	s28 =	simm.s32 $0x180  }
0x2e: {  	[tilespmem:s17], [sflag:$0x1] =	stream.indirect.gather [hbm4b:s4+s13], $0x20, s28, s13, $0xb8;
	[tilespmem:$0x11E00] =	vst v63  }
0x2f: {  	s28 =	simm.s32 $0x200  }
0x30: {  	[tilespmem:s18], [sflag:$0x1] =	stream.indirect.gather [hbm4b:s4+s13], $0x20, s28, s13, $0xb8;
	[tilespmem:$0x11E00] =	vst v63  }
0x31: {  	s28 =	simm.s32 $0x280  }
0x32: {  	[tilespmem:s19], [sflag:$0x1] =	stream.indirect.gather [hbm4b:s4+s13], $0x20, s28, s13, $0xb8;
	[tilespmem:$0x11E00] =	vst v63  }
0x33: {  	s28 =	simm.s32 $0x300  }
0x34: {  	[tilespmem:s20], [sflag:$0x1] =	stream.indirect.gather [hbm4b:s4+s13], $0x20, s28, s13, $0xb8;
	[tilespmem:$0x11E00] =	vst v63  }
0x35: {  	s28 =	simm.s32 $0x380  }
0x36: {  	[tilespmem:s21], [sflag:$0x1] =	stream.indirect.gather [hbm4b:s4+s13], $0x20, s28, s13, $0xb8;
	[tilespmem:$0x11E00] =	vst v63  }
0x37: {  	_ =	swait.ge [sflag:s22], $0x1000  }
0x38: {  	[sflag:s22] =	ssyncset.done $0x0  }
0x39: {  	s28 =	simm.s32 $0x2780;
	[sflag:s22] =	ssyncadd.s32 $0xFFFFF000  }
0x3a: {  	[spmem:s2] =	stream.indirect.scatter.add.f32 [tilespmem:s14], [sflag:$0x2], $0x20, s28, s13, $0xb8;
	[tilespmem:$0x11E00] =	vst v63  }
0x3b: {  	_ =	swait.ge [sflag:s22], $0x1000  }
0x3c: {  	[sflag:s22] =	ssyncset.done $0x0  }
0x3d: {  	s28 =	simm.s32 $0x2800;
	[sflag:s22] =	ssyncadd.s32 $0xFFFFF000  }
0x3e: {  	[spmem:s2] =	stream.indirect.scatter.add.f32 [tilespmem:s15], [sflag:$0x2], $0x20, s28, s13, $0xb8;
	[tilespmem:$0x11E00] =	vst v63  }
0x3f: {  	_ =	swait.ge [sflag:s22], $0x1000  }
0x40: {  	[sflag:s22] =	ssyncset.done $0x0  }
0x41: {  	s28 =	simm.s32 $0x2880;
	[sflag:s22] =	ssyncadd.s32 $0xFFFFF000  }
0x42: {  	[spmem:s2] =	stream.indirect.scatter.add.f32 [tilespmem:s16], [sflag:$0x2], $0x20, s28, s13, $0xb8;
	[tilespmem:$0x11E00] =	vst v63  }
0x43: {  	_ =	swait.ge [sflag:s22], $0x1000  }
0x44: {  	[sflag:s22] =	ssyncset.done $0x0  }
0x45: {  	s28 =	simm.s32 $0x2900;
	[sflag:s22] =	ssyncadd.s32 $0xFFFFF000  }
0x46: {  	[spmem:s2] =	stream.indirect.scatter.add.f32 [tilespmem:s17], [sflag:$0x2], $0x20, s28, s13, $0xb8;
	[tilespmem:$0x11E00] =	vst v63  }
0x47: {  	_ =	swait.ge [sflag:s22], $0x1000  }
0x48: {  	[sflag:s22] =	ssyncset.done $0x0  }
0x49: {  	s28 =	simm.s32 $0x2980;
	[sflag:s22] =	ssyncadd.s32 $0xFFFFF000  }
0x4a: {  	[spmem:s2] =	stream.indirect.scatter.add.f32 [tilespmem:s18], [sflag:$0x2], $0x20, s28, s13, $0xb8;
	[tilespmem:$0x11E00] =	vst v63  }
0x4b: {  	_ =	swait.ge [sflag:s22], $0x1000  }
0x4c: {  	[sflag:s22] =	ssyncset.done $0x0  }
0x4d: {  	s28 =	simm.s32 $0x2A00;
	[sflag:s22] =	ssyncadd.s32 $0xFFFFF000  }
0x4e: {  	[spmem:s2] =	stream.indirect.scatter.add.f32 [tilespmem:s19], [sflag:$0x2], $0x20, s28, s13, $0xb8;
	[tilespmem:$0x11E00] =	vst v63  }
0x4f: {  	_ =	swait.ge [sflag:s22], $0x1000  }
0x50: {  	[sflag:s22] =	ssyncset.done $0x0  }
0x51: {  	s28 =	simm.s32 $0x2A80;
	[sflag:s22] =	ssyncadd.s32 $0xFFFFF000  }
0x52: {  	[spmem:s2] =	stream.indirect.scatter.add.f32 [tilespmem:s20], [sflag:$0x2], $0x20, s28, s13, $0xb8;
	[tilespmem:$0x11E00] =	vst v63  }
0x53: {  	_ =	swait.ge [sflag:s22], $0x1000  }
0x54: {  	[sflag:s22] =	ssyncset.done $0x0  }
0x55: {  	s28 =	simm.s32 $0x2B00;
	[sflag:s22] =	ssyncadd.s32 $0xFFFFF000  }
0x56: {  	[spmem:s2] =	stream.indirect.scatter.add.f32 [tilespmem:s21], [sflag:$0x2], $0x20, s28, s13, $0xb8;
	[tilespmem:$0x11E00] =	vst v63  }
0x57: {  	_ =	swait.ge [sflag:s23], $0x1000  }
0x58: {  	[sflag:s23] =	ssyncset.done $0x0  }
0x59: {  	[sflag:s23] =	ssyncadd.s32 $0xFFFFF000  }
0x5a: {  	_ =	swait.ge [sflag:s23], $0x1000  }
0x5b: {  	[sflag:s23] =	ssyncset.done $0x0  }
0x5c: {  	[sflag:s23] =	ssyncadd.s32 $0xFFFFF000  }
0x5d: {  	_ =	swait.ge [sflag:s23], $0x1000  }
0x5e: {  	[sflag:s23] =	ssyncset.done $0x0  }
0x5f: {  	[sflag:s23] =	ssyncadd.s32 $0xFFFFF000  }
0x60: {  	_ =	swait.ge [sflag:s23], $0x1000  }
0x61: {  	[sflag:s23] =	ssyncset.done $0x0  }
0x62: {  	[sflag:s23] =	ssyncadd.s32 $0xFFFFF000  }
0x63: {  	_ =	swait.ge [sflag:s23], $0x1000  }
0x64: {  	[sflag:s23] =	ssyncset.done $0x0  }
0x65: {  	[sflag:s23] =	ssyncadd.s32 $0xFFFFF000  }
0x66: {  	_ =	swait.ge [sflag:s23], $0x1000  }
0x67: {  	[sflag:s23] =	ssyncset.done $0x0  }
0x68: {  	[sflag:s23] =	ssyncadd.s32 $0xFFFFF000  }
0x69: {  	_ =	swait.ge [sflag:s23], $0x1000  }
0x6a: {  	[sflag:s23] =	ssyncset.done $0x0  }
0x6b: {  	[sflag:s23] =	ssyncadd.s32 $0xFFFFF000  }
0x6c: {  	_ =	swait.ge [sflag:s23], $0x1000  }
0x6d: {  	s29 =	simm.s32 $0x2000;
	s28 =	simm.s32 $0x1000;
	[sflag:s23] =	ssyncset.done $0x0  }
.LBB2_2:
0x6e: {  	s30 =	sshra.s32 s28, $0x2  }
0x6f: {  	[sflag:s23] =	ssyncadd.s32 $0xFFFFF000;
	s28 =	smov.u32 s29;
	s31 =	sadd.s32 $0x1000, s29  }
0x70: {  	[tilespmem:s14], [sflag:$0x1] =	stream.indirect.gather [hbm4b:s4+s13], $0x20, s30, s13, $0xb8;
	[tilespmem:$0x11E00] =	vst v63  }
0x71: {  	p1 =	sne.s32 s29, $0x8000;
	s29 =	sadd.s32 $0x80, s30  }
0x72: {  	[tilespmem:s15], [sflag:$0x1] =	stream.indirect.gather [hbm4b:s4+s13], $0x20, s29, s13, $0xb8;
	[tilespmem:$0x11E00] =	vst v63  }
0x73: {  	s29 =	sadd.s32 $0x100, s30  }
0x74: {  	[tilespmem:s16], [sflag:$0x1] =	stream.indirect.gather [hbm4b:s4+s13], $0x20, s29, s13, $0xb8;
	[tilespmem:$0x11E00] =	vst v63  }
0x75: {  	s29 =	sadd.s32 $0x180, s30  }
0x76: {  	[tilespmem:s17], [sflag:$0x1] =	stream.indirect.gather [hbm4b:s4+s13], $0x20, s29, s13, $0xb8;
	[tilespmem:$0x11E00] =	vst v63  }
0x77: {  	s29 =	sadd.s32 $0x200, s30  }
0x78: {  	[tilespmem:s18], [sflag:$0x1] =	stream.indirect.gather [hbm4b:s4+s13], $0x20, s29, s13, $0xb8;
	[tilespmem:$0x11E00] =	vst v63  }
0x79: {  	s29 =	sadd.s32 $0x280, s30  }
0x7a: {  	[tilespmem:s19], [sflag:$0x1] =	stream.indirect.gather [hbm4b:s4+s13], $0x20, s29, s13, $0xb8;
	[tilespmem:$0x11E00] =	vst v63  }
0x7b: {  	s29 =	sadd.s32 $0x300, s30  }
0x7c: {  	[tilespmem:s20], [sflag:$0x1] =	stream.indirect.gather [hbm4b:s4+s13], $0x20, s29, s13, $0xb8;
	[tilespmem:$0x11E00] =	vst v63  }
0x7d: {  	s29 =	sadd.s32 $0x380, s30  }
0x7e: {  	[tilespmem:s21], [sflag:$0x1] =	stream.indirect.gather [hbm4b:s4+s13], $0x20, s29, s13, $0xb8;
	[tilespmem:$0x11E00] =	vst v63  }
0x7f: {  	_ =	swait.ge [sflag:s22], $0x1000  }
0x80: {  	[sflag:s22] =	ssyncset.done $0x0  }
0x81: {  	s29 =	sadd.s32 $0x2780, s30;
	[sflag:s22] =	ssyncadd.s32 $0xFFFFF000  }
0x82: {  	[spmem:s2] =	stream.indirect.scatter.add.f32 [tilespmem:s14], [sflag:$0x2], $0x20, s29, s13, $0xb8;
	[tilespmem:$0x11E00] =	vst v63  }
0x83: {  	_ =	swait.ge [sflag:s22], $0x1000  }
0x84: {  	[sflag:s22] =	ssyncset.done $0x0  }
0x85: {  	s29 =	sadd.s32 $0x2800, s30;
	[sflag:s22] =	ssyncadd.s32 $0xFFFFF000  }
0x86: {  	[spmem:s2] =	stream.indirect.scatter.add.f32 [tilespmem:s15], [sflag:$0x2], $0x20, s29, s13, $0xb8;
	[tilespmem:$0x11E00] =	vst v63  }
0x87: {  	_ =	swait.ge [sflag:s22], $0x1000  }
0x88: {  	[sflag:s22] =	ssyncset.done $0x0  }
0x89: {  	s29 =	sadd.s32 $0x2880, s30;
	[sflag:s22] =	ssyncadd.s32 $0xFFFFF000  }
0x8a: {  	[spmem:s2] =	stream.indirect.scatter.add.f32 [tilespmem:s16], [sflag:$0x2], $0x20, s29, s13, $0xb8;
	[tilespmem:$0x11E00] =	vst v63  }
0x8b: {  	_ =	swait.ge [sflag:s22], $0x1000  }
0x8c: {  	[sflag:s22] =	ssyncset.done $0x0  }
0x8d: {  	s29 =	sadd.s32 $0x2900, s30;
	[sflag:s22] =	ssyncadd.s32 $0xFFFFF000  }
0x8e: {  	[spmem:s2] =	stream.indirect.scatter.add.f32 [tilespmem:s17], [sflag:$0x2], $0x20, s29, s13, $0xb8;
	[tilespmem:$0x11E00] =	vst v63  }
0x8f: {  	_ =	swait.ge [sflag:s22], $0x1000  }
0x90: {  	[sflag:s22] =	ssyncset.done $0x0  }
0x91: {  	s29 =	sadd.s32 $0x2980, s30;
	[sflag:s22] =	ssyncadd.s32 $0xFFFFF000  }
0x92: {  	[spmem:s2] =	stream.indirect.scatter.add.f32 [tilespmem:s18], [sflag:$0x2], $0x20, s29, s13, $0xb8;
	[tilespmem:$0x11E00] =	vst v63  }
0x93: {  	_ =	swait.ge [sflag:s22], $0x1000  }
0x94: {  	[sflag:s22] =	ssyncset.done $0x0  }
0x95: {  	s29 =	sadd.s32 $0x2A00, s30;
	[sflag:s22] =	ssyncadd.s32 $0xFFFFF000  }
0x96: {  	[spmem:s2] =	stream.indirect.scatter.add.f32 [tilespmem:s19], [sflag:$0x2], $0x20, s29, s13, $0xb8;
	[tilespmem:$0x11E00] =	vst v63  }
0x97: {  	_ =	swait.ge [sflag:s22], $0x1000  }
0x98: {  	[sflag:s22] =	ssyncset.done $0x0  }
0x99: {  	s29 =	sadd.s32 $0x2A80, s30;
	[sflag:s22] =	ssyncadd.s32 $0xFFFFF000  }
0x9a: {  	[spmem:s2] =	stream.indirect.scatter.add.f32 [tilespmem:s20], [sflag:$0x2], $0x20, s29, s13, $0xb8;
	[tilespmem:$0x11E00] =	vst v63  }
0x9b: {  	_ =	swait.ge [sflag:s22], $0x1000  }
0x9c: {  	[sflag:s22] =	ssyncset.done $0x0  }
0x9d: {  	s29 =	sadd.s32 $0x2B00, s30;
	[sflag:s22] =	ssyncadd.s32 $0xFFFFF000  }
0x9e: {  	[spmem:s2] =	stream.indirect.scatter.add.f32 [tilespmem:s21], [sflag:$0x2], $0x20, s29, s13, $0xb8;
	[tilespmem:$0x11E00] =	vst v63  }
0x9f: {  	_ =	swait.ge [sflag:s23], $0x1000  }
0xa0: {  	[sflag:s23] =	ssyncset.done $0x0  }
0xa1: {  	[sflag:s23] =	ssyncadd.s32 $0xFFFFF000  }
0xa2: {  	_ =	swait.ge [sflag:s23], $0x1000  }
0xa3: {  	[sflag:s23] =	ssyncset.done $0x0  }
0xa4: {  	[sflag:s23] =	ssyncadd.s32 $0xFFFFF000  }
0xa5: {  	_ =	swait.ge [sflag:s23], $0x1000  }
0xa6: {  	[sflag:s23] =	ssyncset.done $0x0  }
0xa7: {  	[sflag:s23] =	ssyncadd.s32 $0xFFFFF000  }
0xa8: {  	_ =	swait.ge [sflag:s23], $0x1000  }
0xa9: {  	[sflag:s23] =	ssyncset.done $0x0  }
0xaa: {  	[sflag:s23] =	ssyncadd.s32 $0xFFFFF000  }
0xab: {  	_ =	swait.ge [sflag:s23], $0x1000  }
0xac: {  	[sflag:s23] =	ssyncset.done $0x0  }
0xad: {  	[sflag:s23] =	ssyncadd.s32 $0xFFFFF000  }
0xae: {  	_ =	swait.ge [sflag:s23], $0x1000  }
0xaf: {  	[sflag:s23] =	ssyncset.done $0x0  }
0xb0: {  	[sflag:s23] =	ssyncadd.s32 $0xFFFFF000  }
.Ltmp0:
0xb1: {  	_ =	swait.ge [sflag:s23], $0x1000;
	(pc) =	sbr.rel @p1 .LBB2_2-.Ltmp0, $4  }
0xb2: {  	[sflag:s23] =	ssyncset.done $0x0  }
0xb3: {  	[sflag:s23] =	ssyncadd.s32 $0xFFFFF000  }
0xb4: {  	_ =	swait.ge [sflag:s23], $0x1000  }
0xb5: {  	s29 =	smov.u32 s31;
	[sflag:s23] =	ssyncset.done $0x0  }
0xb6: {  	s28 =	sshra.s32 s28, $0x2;
	[sflag:s23] =	ssyncadd.s32 $0xFFFFF000  }
0xb7: {  	[tilespmem:s14], [sflag:$0x1] =	stream.indirect.gather [hbm4b:s4+s13], $0x20, s28, s13, $0xb8;
	[tilespmem:$0x11E00] =	vst v63  }
0xb8: {  	s29 =	sadd.s32 $0x80, s28  }
0xb9: {  	[tilespmem:s15], [sflag:$0x1] =	stream.indirect.gather [hbm4b:s4+s13], $0x20, s29, s13, $0xb8;
	[tilespmem:$0x11E00] =	vst v63  }
0xba: {  	s30 =	sadd.s32 $0x100, s28  }
0xbb: {  	[tilespmem:s16], [sflag:$0x1] =	stream.indirect.gather [hbm4b:s4+s13], $0x20, s30, s13, $0xb8;
	[tilespmem:$0x11E00] =	vst v63  }
0xbc: {  	s31 =	sadd.s32 $0x180, s28  }
0xbd: {  	[tilespmem:s17], [sflag:$0x1] =	stream.indirect.gather [hbm4b:s4+s13], $0x20, s31, s13, $0xb8;
	[tilespmem:$0x11E00] =	vst v63  }
0xbe: {  	s30 =	sadd.s32 $0x200, s28  }
0xbf: {  	[tilespmem:s18], [sflag:$0x1] =	stream.indirect.gather [hbm4b:s4+s13], $0x20, s30, s13, $0xb8;
	[tilespmem:$0x11E00] =	vst v63  }
0xc0: {  	s31 =	sadd.s32 $0x280, s28  }
0xc1: {  	[tilespmem:s19], [sflag:$0x1] =	stream.indirect.gather [hbm4b:s4+s13], $0x20, s31, s13, $0xb8;
	[tilespmem:$0x11E00] =	vst v63  }
0xc2: {  	s30 =	sadd.s32 $0x300, s28  }
0xc3: {  	[tilespmem:s20], [sflag:$0x1] =	stream.indirect.gather [hbm4b:s4+s13], $0x20, s30, s13, $0xb8;
	[tilespmem:$0x11E00] =	vst v63  }
0xc4: {  	s31 =	sadd.s32 $0x380, s28  }
0xc5: {  	[tilespmem:s21], [sflag:$0x1] =	stream.indirect.gather [hbm4b:s4+s13], $0x20, s31, s13, $0xb8;
	[tilespmem:$0x11E00] =	vst v63  }
0xc6: {  	_ =	swait.ge [sflag:s22], $0x1000  }
0xc7: {  	[sflag:s22] =	ssyncset.done $0x0  }
0xc8: {  	s30 =	sadd.s32 $0x2780, s28;
	[sflag:s22] =	ssyncadd.s32 $0xFFFFF000  }
0xc9: {  	[spmem:s2] =	stream.indirect.scatter.add.f32 [tilespmem:s14], [sflag:$0x2], $0x20, s30, s13, $0xb8;
	[tilespmem:$0x11E00] =	vst v63  }
0xca: {  	_ =	swait.ge [sflag:s22], $0x1000  }
0xcb: {  	[sflag:s22] =	ssyncset.done $0x0  }
0xcc: {  	s31 =	sadd.s32 $0x2800, s28;
	[sflag:s22] =	ssyncadd.s32 $0xFFFFF000  }
0xcd: {  	[spmem:s2] =	stream.indirect.scatter.add.f32 [tilespmem:s15], [sflag:$0x2], $0x20, s31, s13, $0xb8;
	[tilespmem:$0x11E00] =	vst v63  }
0xce: {  	_ =	swait.ge [sflag:s22], $0x1000  }
0xcf: {  	[sflag:s22] =	ssyncset.done $0x0  }
0xd0: {  	s30 =	sadd.s32 $0x2880, s28;
	[sflag:s22] =	ssyncadd.s32 $0xFFFFF000  }
0xd1: {  	[spmem:s2] =	stream.indirect.scatter.add.f32 [tilespmem:s16], [sflag:$0x2], $0x20, s30, s13, $0xb8;
	[tilespmem:$0x11E00] =	vst v63  }
0xd2: {  	_ =	swait.ge [sflag:s22], $0x1000  }
0xd3: {  	[sflag:s22] =	ssyncset.done $0x0  }
0xd4: {  	s31 =	sadd.s32 $0x2900, s28;
	[sflag:s22] =	ssyncadd.s32 $0xFFFFF000  }
0xd5: {  	[spmem:s2] =	stream.indirect.scatter.add.f32 [tilespmem:s17], [sflag:$0x2], $0x20, s31, s13, $0xb8;
	[tilespmem:$0x11E00] =	vst v63  }
0xd6: {  	_ =	swait.ge [sflag:s22], $0x1000  }
0xd7: {  	[sflag:s22] =	ssyncset.done $0x0  }
0xd8: {  	s30 =	sadd.s32 $0x2980, s28;
	[sflag:s22] =	ssyncadd.s32 $0xFFFFF000  }
0xd9: {  	[spmem:s2] =	stream.indirect.scatter.add.f32 [tilespmem:s18], [sflag:$0x2], $0x20, s30, s13, $0xb8;
	[tilespmem:$0x11E00] =	vst v63  }
0xda: {  	_ =	swait.ge [sflag:s22], $0x1000  }
0xdb: {  	[sflag:s22] =	ssyncset.done $0x0  }
0xdc: {  	s31 =	sadd.s32 $0x2A00, s28;
	[sflag:s22] =	ssyncadd.s32 $0xFFFFF000  }
0xdd: {  	[spmem:s2] =	stream.indirect.scatter.add.f32 [tilespmem:s19], [sflag:$0x2], $0x20, s31, s13, $0xb8;
	[tilespmem:$0x11E00] =	vst v63  }
0xde: {  	_ =	swait.ge [sflag:s22], $0x1000  }
0xdf: {  	[sflag:s22] =	ssyncset.done $0x0  }
0xe0: {  	s30 =	sadd.s32 $0x2A80, s28;
	[sflag:s22] =	ssyncadd.s32 $0xFFFFF000  }
0xe1: {  	[spmem:s2] =	stream.indirect.scatter.add.f32 [tilespmem:s20], [sflag:$0x2], $0x20, s30, s13, $0xb8;
	[tilespmem:$0x11E00] =	vst v63  }
0xe2: {  	_ =	swait.ge [sflag:s22], $0x1000  }
0xe3: {  	[sflag:s22] =	ssyncset.done $0x0  }
0xe4: {  	s28 =	sadd.s32 $0x2B00, s28;
	[sflag:s22] =	ssyncadd.s32 $0xFFFFF000  }
0xe5: {  	[spmem:s2] =	stream.indirect.scatter.add.f32 [tilespmem:s21], [sflag:$0x2], $0x20, s28, s13, $0xb8;
	[tilespmem:$0x11E00] =	vst v63  }
0xe6: {  	_ =	swait.ge [sflag:s23], $0x1000  }
0xe7: {  	[sflag:s23] =	ssyncset.done $0x0  }
0xe8: {  	[sflag:s23] =	ssyncadd.s32 $0xFFFFF000  }
0xe9: {  	_ =	swait.ge [sflag:s23], $0x1000  }
0xea: {  	[sflag:s23] =	ssyncset.done $0x0  }
0xeb: {  	[sflag:s23] =	ssyncadd.s32 $0xFFFFF000  }
0xec: {  	_ =	swait.ge [sflag:s23], $0x1000  }
0xed: {  	[sflag:s23] =	ssyncset.done $0x0  }
0xee: {  	[sflag:s23] =	ssyncadd.s32 $0xFFFFF000  }
0xef: {  	_ =	swait.ge [sflag:s23], $0x1000  }
0xf0: {  	[sflag:s23] =	ssyncset.done $0x0  }
0xf1: {  	[sflag:s23] =	ssyncadd.s32 $0xFFFFF000  }
0xf2: {  	_ =	swait.ge [sflag:s23], $0x1000  }
0xf3: {  	[sflag:s23] =	ssyncset.done $0x0  }
0xf4: {  	[sflag:s23] =	ssyncadd.s32 $0xFFFFF000  }
0xf5: {  	_ =	swait.ge [sflag:s23], $0x1000  }
0xf6: {  	[sflag:s23] =	ssyncset.done $0x0  }
0xf7: {  	[sflag:s23] =	ssyncadd.s32 $0xFFFFF000  }
0xf8: {  	_ =	swait.ge [sflag:s23], $0x1000  }
0xf9: {  	[sflag:s23] =	ssyncset.done $0x0  }
0xfa: {  	[sflag:s23] =	ssyncadd.s32 $0xFFFFF000  }
0xfb: {  	_ =	swait.ge [sflag:s23], $0x1000  }
0xfc: {  	[sflag:s23] =	ssyncset.done $0x0  }
0xfd: {  	s31 =	simm.s32 $0x2400;
	[sflag:s23] =	ssyncadd.s32 $0xFFFFF000  }
0xfe: {  	[tilespmem:s14], [sflag:$0x1] =	stream.indirect.gather [hbm4b:s4+s13], $0x20, s31, s13, $0xb8;
	[tilespmem:$0x11E00] =	vst v63  }
0xff: {  	s29 =	simm.s32 $0x2480  }
0x100: {  	[tilespmem:s15], [sflag:$0x1] =	stream.indirect.gather [hbm4b:s4+s13], $0x20, s29, s13, $0xb8;
	[tilespmem:$0x11E00] =	vst v63  }
0x101: {  	s30 =	simm.s32 $0x2500  }
0x102: {  	[tilespmem:s16], [sflag:$0x1] =	stream.indirect.gather [hbm4b:s4+s13], $0x20, s30, s13, $0xb8;
	[tilespmem:$0x11E00] =	vst v63  }
0x103: {  	s31 =	simm.s32 $0x2580  }
0x104: {  	[tilespmem:s17], [sflag:$0x1] =	stream.indirect.gather [hbm4b:s4+s13], $0x20, s31, s13, $0xb8;
	[tilespmem:$0x11E00] =	vst v63  }
0x105: {  	s29 =	simm.s32 $0x2600  }
0x106: {  	[tilespmem:s18], [sflag:$0x1] =	stream.indirect.gather [hbm4b:s4+s13], $0x20, s29, s13, $0xb8;
	[tilespmem:$0x11E00] =	vst v63  }
0x107: {  	s30 =	simm.s32 $0x2680  }
0x108: {  	[tilespmem:s19], [sflag:$0x1] =	stream.indirect.gather [hbm4b:s4+s13], $0x20, s30, s13, $0xb8;
	[tilespmem:$0x11E00] =	vst v63  }
0x109: {  	_ =	swait.ge [sflag:s22], $0x1000  }
0x10a: {  	[sflag:s22] =	ssyncset.done $0x0  }
0x10b: {  	s31 =	simm.s32 $0x4B80;
	[sflag:s22] =	ssyncadd.s32 $0xFFFFF000  }
0x10c: {  	[spmem:s2] =	stream.indirect.scatter.add.f32 [tilespmem:s14], [sflag:$0x2], $0x20, s31, s13, $0xb8;
	[tilespmem:$0x11E00] =	vst v63  }
0x10d: {  	_ =	swait.ge [sflag:s22], $0x1000  }
0x10e: {  	[sflag:s22] =	ssyncset.done $0x0  }
0x10f: {  	[sflag:s22] =	ssyncadd.s32 $0xFFFFF000  }
0x110: {  	[spmem:s2] =	stream.indirect.scatter.add.f32 [tilespmem:s15], [sflag:$0x2], $0x20, s1, s13, $0xb8;
	[tilespmem:$0x11E00] =	vst v63  }
0x111: {  	_ =	swait.ge [sflag:s22], $0x1000  }
0x112: {  	[sflag:s22] =	ssyncset.done $0x0  }
0x113: {  	[sflag:s22] =	ssyncadd.s32 $0xFFFFF000  }
0x114: {  	[spmem:s2] =	stream.indirect.scatter.add.f32 [tilespmem:s16], [sflag:$0x2], $0x20, s0, s13, $0xb8;
	[tilespmem:$0x11E00] =	vst v63  }
0x115: {  	_ =	swait.ge [sflag:s22], $0x1000  }
0x116: {  	[sflag:s22] =	ssyncset.done $0x0  }
0x117: {  	[sflag:s22] =	ssyncadd.s32 $0xFFFFF000  }
0x118: {  	[spmem:s2] =	stream.indirect.scatter.add.f32 [tilespmem:s17], [sflag:$0x2], $0x20, s24, s13, $0xb8;
	[tilespmem:$0x11E00] =	vst v63  }
0x119: {  	_ =	swait.ge [sflag:s22], $0x1000  }
0x11a: {  	[sflag:s22] =	ssyncset.done $0x0  }
0x11b: {  	[sflag:s22] =	ssyncadd.s32 $0xFFFFF000  }
0x11c: {  	[spmem:s2] =	stream.indirect.scatter.add.f32 [tilespmem:s18], [sflag:$0x2], $0x20, s25, s13, $0xb8;
	[tilespmem:$0x11E00] =	vst v63  }
0x11d: {  	_ =	swait.ge [sflag:s22], $0x1000  }
0x11e: {  	[sflag:s22] =	ssyncset.done $0x0  }
0x11f: {  	[sflag:s22] =	ssyncadd.s32 $0xFFFFF000  }
0x120: {  	[spmem:s2] =	stream.indirect.scatter.add.f32 [tilespmem:s19], [sflag:$0x2], $0x20, s26, s13, $0xb8;
	[tilespmem:$0x11E00] =	vst v63  }
0x121: {  	_ =	swait.ge [sflag:s23], $0x1000  }
0x122: {  	[sflag:s23] =	ssyncset.done $0x0  }
0x123: {  	[sflag:s23] =	ssyncadd.s32 $0xFFFFF000  }
0x124: {  	_ =	swait.ge [sflag:s23], $0x1000  }
0x125: {  	[sflag:s23] =	ssyncset.done $0x0  }
0x126: {  	[sflag:s23] =	ssyncadd.s32 $0xFFFFF000  }
0x127: {  	_ =	swait.ge [sflag:s23], $0x1000  }
0x128: {  	[sflag:s23] =	ssyncset.done $0x0  }
0x129: {  	[sflag:s23] =	ssyncadd.s32 $0xFFFFF000  }
0x12a: {  	_ =	swait.ge [sflag:s23], $0x1000  }
0x12b: {  	[sflag:s23] =	ssyncset.done $0x0  }
0x12c: {  	[sflag:s23] =	ssyncadd.s32 $0xFFFFF000  }
0x12d: {  	_ =	swait.ge [sflag:s23], $0x1000  }
0x12e: {  	[sflag:s23] =	ssyncset.done $0x0  }
0x12f: {  	[sflag:s23] =	ssyncadd.s32 $0xFFFFF000  }
0x130: {  	_ =	swait.ge [sflag:s23], $0x1000  }
0x131: {  	s28 =	simm.s32 @!p0 $0x80;
	[sflag:s23] =	ssyncset.done $0x0  }
0x132: {  	s29 =	simm.s32 @!p0 $0x2700;
	s30 =	simm.s32 @!p0 $0x4F00;
	[sflag:s23] =	ssyncadd.s32 $0xFFFFF000  }
0x133: {  	[tilespmem:s30], [sflag:$0x1] =	stream.indirect.gather @!p0 [hbm4b:s4+s28], $0x20, s29, s28, $0xb8;
	[tilespmem:$0x11E00] =	vst v63  }
0x134: {  	s29 =	simm.s32 @!p0 $0x1  }
0x135: {  	_ =	swait.ge @!p0 [sflag:s29], $0x1000  }
0x136: {  	[sflag:s29] =	ssyncset.done @!p0 $0x0  }
0x137: {  	[sflag:s29] =	ssyncadd.s32 @!p0 $0xFFFFF000;
	s29 =	simm.s32 @!p0 $0x4E80  }
0x138: {  	[spmem:s2] =	stream.indirect.scatter.add.f32 @!p0 [tilespmem:s30], [sflag:$0x2], $0x20, s29, s28, $0xb8;
	[tilespmem:$0x11E00] =	vst v63  }
0x139: {  	s28 =	simm.s32 @!p0 $0x2  }
0x13a: {  	_ =	swait.ge @!p0 [sflag:s28], $0x1000  }
0x13b: {  	s3 =	sadd.s32 $0x1, s3;
	[sflag:s28] =	ssyncset.done @!p0 $0x0  }
0x13c: {  	p1 =	sne.s32 s3, s10;
	[sflag:s28] =	ssyncadd.s32 @!p0 $0xFFFFF000  }
.Ltmp1:
0x13d: {  	[bflag:$0x0] =	sbarrier.arrive $0xFFFF;
	(pc) =	sbr.rel @p1 .LBB2_1-.Ltmp1, $4  }
0x13e: {  	[hbm:s9], [sflag:s6] =	dma.local [spmem:s11], $0x9E0  }
0x13f: {  	_ =	swait.ge [sflag:s12], $0x9E0  }
0x140: {  	[sflag:s12] =	ssyncset.done $0x0  }
0x141: {  	[sflag:s12] =	ssyncadd.s32 $0xFFFFF620  }
0x142: {  	_ =	sfence.sel $0x180000  }
0x143: {  	[bflag:$0x0] =	sbarrier.arrive $0xFFFF  }
0x144: {  	_ =	strace $0x90000047  }
0x145: {  	s0 =	stileid.u32;
	[bflag:$0x2] =	sbarrier.arrive $0xFFFF  }
0x146: {  	p0 =	sne.s32 s0, $0x0;
	s0 =	rddreg [dreg:$0x2]  }
0x147: {  	s0 =	sadd.s32 @!p0 $0x100000, s0  }
0x148: {  	[sflag:s0] =	ssyncadd.tile.s32 @!p0 $0x1;
	_ =	shalt  }
.Lfunc_end2:
_tile_overlayer_lowered:
.L_overlay_start_2:
0x149: {  	(tag) =	ssettag $0x2  }
0x14a: {  	s0 =	rddreg [dreg:$0x0];
	s2 =	stileid.u32  }
0x14b: {  	s1 =	rddreg [dreg:$0x1];
	p0 =	sne.s32 s2, $0x0  }
0x14c: {  	s3 =	rddreg [dreg:$0x2];
	[bflag:$0x3] =	sbarrier.arrive $0xFFFF;
	s2 =	simm.s32 @!p0 $0x1C03  }
0x14d: {  	[timem:s3], [sflag:s2] =	dma.local @!p0 [hbm:s0], s1  }
0x14e: {  	s0 =	simm.s32 @!p0 $0x3  }
0x14f: {  	_ =	swait.ge @!p0 [sflag:s0], s1  }
0x150: {  	s1 =	ssub.s32 @!p0 $0x0, s1;
	[sflag:s0] =	ssyncset.done @!p0 $0x0  }
0x151: {  	[sflag:s0] =	ssyncadd.s32 @!p0 s1  }
0x152: {  	[bflag:$0x3] =	sbarrier.arrive $0xFFFF  }
0x153: {  	_ =	shalt  }

</sc_bundles>
